<compile_context>
chip_gen: v7x
topology: tpu7x:2x2x1
jax: 0.10.2.dev20260603
libtpu: 0.0.44.dev20260713+nightly
codegen_flags: <defaults>
</compile_context>

<pallas_src>
import functools
import math

import jax
import jax.numpy as jnp
from jax import lax
from jax.experimental import pallas as pl
from jax.experimental.pallas import tpu as pltpu
from jax.experimental.pallas import tpu_sc as plsc

B = 4096
L = 50
D = 128
NC = 2
NS = 16
NW = NC * NS
BPW = B // NW
RG = 4
NIDX = RG * L
NSTEP = BPW // RG
NBUF = 4
NACC = 5
SCALE = 1.0 / math.sqrt(float(L))

_mesh = plsc.VectorSubcoreMesh(core_axis_name="c", subcore_axis_name="s")


@functools.partial(
    pl.kernel,
    mesh=_mesh,
    out_type=jax.ShapeDtypeStruct((B, D), jnp.float32),
    scratch_types=[
        pltpu.VMEM((BPW * L,), jnp.int32),
        pltpu.VMEM((NBUF, NIDX, D), jnp.float32),
        pltpu.VMEM((BPW, D), jnp.float32),
        pltpu.SemaphoreType.DMA,
        pltpu.SemaphoreType.DMA,
        pltpu.SemaphoreType.DMA,
        pltpu.SemaphoreType.DMA,
    ],
)
def _embed(table_hbm, idx_hbm, out_hbm, idx_v, rows_v, out_v, s0, s1, s2, s3):
    c = lax.axis_index("c")
    s = lax.axis_index("s")
    wid = s * NC + c
    base = wid * (BPW * L)
    pltpu.sync_copy(idx_hbm.at[pl.ds(base, BPW * L)], idx_v)
    sems = [s0, s1, s2, s3]

    splits = ((0, 56), (56, 48), (104, 48), (152, 48))

    def gather_group(t, buf, sem):
        i0 = t * NIDX
        return [pltpu.make_async_copy(
                    table_hbm.at[idx_v.at[pl.ds(i0 + off, n)]],
                    rows_v.at[buf].at[pl.ds(off, n)], sem)
                for off, n in splits]

    def fire(t, buf, sem):
        for d in gather_group(t, buf, sem):
            d.start()

    for p in range(NBUF - 1):
        fire(p, p, sems[p])

    def step(i, carry):
        for b in range(NBUF):
            t = i * NBUF + b
            for d in gather_group(t, b, sems[b]):
                d.wait()
            tn = t + NBUF - 1
            nb = (NBUF - 1 + b) % NBUF

            @pl.when(tn < NSTEP)
            def _():
                fire(tn, nb, sems[nb])

            sls = [pl.ds(ch * 16, 16) for ch in range(D // 16)]
            for rp in range(RG // 2):
                r0 = rp * 2
                bases = [r0 * L, (r0 + 1) * L]
                init = tuple(rows_v[b, j0, sl] for j0 in bases for sl in sls)

                def jbody(j, accs, _b=b, _bases=bases):
                    new = []
                    for p in range(2):
                        for ch in range(D // 16):
                            new.append(accs[p * (D // 16) + ch]
                                       + rows_v[_b, _bases[p] + j, sls[ch]])
                    return tuple(new)

                accs = lax.fori_loop(1, L, jbody, init)
                for p in range(2):
                    row = t * RG + r0 + p
                    for ch in range(D // 16):
                        out_v[row, sls[ch]] = accs[p * (D // 16) + ch] * SCALE
        return carry

    lax.fori_loop(0, NSTEP // NBUF, step, 0)
    pltpu.sync_copy(out_v, out_hbm.at[pl.ds(wid * BPW, BPW)])


def kernel(inputs, table):
    idx = inputs.astype(jnp.int32).reshape(-1)
    return _embed(table, idx)

# --- scband reference (transcript-rebuilt; emitter-appended) ---
"""Pipeline reference for scband-hub-text-embedding-21844203668300 (READ-ONLY COPY).

The authoritative reference and input builder live on the scoring server;
editing this copy changes nothing except your own understanding.
"""

import jax, jax.numpy as jnp
import numpy as np

VOCAB = 100000
EMBED_DIM = 128
BATCH = 4096
SEQ = 50

def setup_inputs(seed: int = 0) -> dict:
    key = jax.random.key(seed)
    k_idx, k_tab = jax.random.split(key)
    inputs = jax.random.randint(k_idx, (BATCH, SEQ), 0, VOCAB, dtype=jnp.int64 if jax.config.jax_enable_x64 else jnp.int32)
    table = jax.random.normal(k_tab, (VOCAB, EMBED_DIM), dtype=jnp.float32) * 0.02
    return {"inputs": inputs, "table": table}

def reference(inputs, table):
    # Faithful model of a TF-Hub text embedding (e.g. nnlm-en-dim128):
    # per-token embedding lookup followed by sqrt-N combiner over the sequence.
    emb = jnp.take(table, inputs, axis=0)              # [B, L, D] gather
    n = jnp.asarray(emb.shape[1], dtype=emb.dtype)
    out = jnp.sum(emb, axis=1) / jnp.sqrt(n)           # [B, D]
    return out

if __name__ == "__main__":
    import jax
    _d = setup_inputs()
    print(jax.jit(kernel)(*tuple(_d.values())))

</pallas_src>

<mosaic_0001>
#map = affine_map<(d0, d1) -> (0, 0)>
#map1 = affine_map<(d0, d1) -> (0)>
module attributes {stable_mosaic.version = 14 : i64} {
  func.func @_embed(%arg0: i32, %arg1: i32, %arg2: memref<100000x128xf32, #tpu.memory_space<hbm>>, %arg3: memref<204800xi32, #tpu.memory_space<hbm>>, %arg4: memref<4096x128xf32, #tpu.memory_space<hbm>>, %arg5: memref<6400xi32, #tpu.memory_space<vmem>>, %arg6: memref<4x200x128xf32, #tpu.memory_space<vmem>>, %arg7: memref<128x128xf32, #tpu.memory_space<vmem>>, %arg8: memref<!tpu.dma_semaphore, #tpu.memory_space<semaphore_mem>>, %arg9: memref<!tpu.dma_semaphore, #tpu.memory_space<semaphore_mem>>, %arg10: memref<!tpu.dma_semaphore, #tpu.memory_space<semaphore_mem>>, %arg11: memref<!tpu.dma_semaphore, #tpu.memory_space<semaphore_mem>>) attributes {dimension_semantics = [#tpu.dimension_semantics<core_parallel>, #tpu.dimension_semantics<subcore_parallel>], iteration_bounds = array<i64: 2, 16>, scalar_prefetch = 0 : i64, scratch_operands = 7 : i64, tpu.core_type = #tpu.core_type<sc_vector_subcore>, window_params = [{transform_indices = #map}, {transform_indices = #map1}, {transform_indices = #map}]} {
    %mul3A = arith.constant 2 : i32
    %mul3A_0 = arith.muli %arg1, %mul3A : i32
    %add3A = arith.addi %mul3A_0, %arg0 : i32
    %mul3A_1 = arith.constant 6400 : i32
    %mul3A_2 = arith.muli %add3A, %mul3A_1 : i32
    "tpu.region"() ({
      %run_scoped3A = tpu.sem_alloc : memref<!tpu.dma_semaphore, #tpu.memory_space<semaphore_mem>>
      %dma_start3A_165 = tpu.memref_slice %arg3[%mul3A_2] : memref<204800xi32, #tpu.memory_space<hbm>> -> memref<6400xi32, #tpu.memory_space<hbm>>
      %dma_start3A_166 = tpu.memref_slice %arg3[%mul3A_2] : memref<204800xi32, #tpu.memory_space<hbm>> -> memref<6400xi32, #tpu.memory_space<hbm>>
      tpu.enqueue_dma source(%dma_start3A_166 : memref<6400xi32, #tpu.memory_space<hbm>>) target(%arg5 : memref<6400xi32, #tpu.memory_space<vmem>>) target_semaphore(%run_scoped3A : memref<!tpu.dma_semaphore, #tpu.memory_space<semaphore_mem>>)
      %dma_wait3A = tpu.memref_slice %arg3[%mul3A_2] : memref<204800xi32, #tpu.memory_space<hbm>> -> memref<6400xi32, #tpu.memory_space<hbm>>
      %dma_wait3A_167 = tpu.memref_slice %arg3[%mul3A_2] : memref<204800xi32, #tpu.memory_space<hbm>> -> memref<6400xi32, #tpu.memory_space<hbm>>
      tpu.wait_dma2 semaphore(%run_scoped3A : memref<!tpu.dma_semaphore, #tpu.memory_space<semaphore_mem>>) src(%dma_wait3A_167 : memref<6400xi32, #tpu.memory_space<hbm>>) dst(%arg5 : memref<6400xi32, #tpu.memory_space<vmem>>)
      tpu.yield
    }) : () -> ()
    %dma_start3A = arith.constant 0 : i32
    %dma_start3A_3 = arith.constant 0 : i32
    %dma_start3A_4 = arith.constant 0 : i32
    %dma_start3A_5 = tpu.memref_slice %arg6[%dma_start3A, %dma_start3A_3, %dma_start3A_4] : memref<4x200x128xf32, #tpu.memory_space<vmem>> -> memref<1x200x128xf32, #tpu.memory_space<vmem>>
    %dma_start3A_6 = tpu.memref_squeeze %dma_start3A_5 : memref<1x200x128xf32, #tpu.memory_space<vmem>> -> memref<200x128xf32, #tpu.memory_space<vmem>>
    %dma_start3A_7 = arith.constant 0 : i32
    %dma_start3A_8 = arith.constant 0 : i32
    %dma_start3A_9 = tpu.memref_slice %dma_start3A_6[%dma_start3A_7, %dma_start3A_8] : memref<200x128xf32, #tpu.memory_space<vmem>> -> memref<56x128xf32, #tpu.memory_space<vmem>>
    %dma_start3A_10 = arith.constant 0 : i32
    %dma_start3A_11 = tpu.memref_slice %arg5[%dma_start3A_10] : memref<6400xi32, #tpu.memory_space<vmem>> -> memref<56xi32, #tpu.memory_space<vmem>>
    %dma_start3A_12 = arith.constant 0 : i32
    %dma_start3A_13 = arith.constant 0 : i32
    %dma_start3A_14 = tpu.memref_slice %arg2[%dma_start3A_12, %dma_start3A_13] : memref<100000x128xf32, #tpu.memory_space<hbm>> -> memref<100000x128xf32, #tpu.memory_space<hbm>>
    tpu.enqueue_indirect_dma source(%dma_start3A_14 : memref<100000x128xf32, #tpu.memory_space<hbm>>) target(%dma_start3A_9 : memref<56x128xf32, #tpu.memory_space<vmem>>) offsets(%dma_start3A_11 : memref<56xi32, #tpu.memory_space<vmem>>) semaphore(%arg8 : memref<!tpu.dma_semaphore, #tpu.memory_space<semaphore_mem>>)
    %dma_start3A_15 = arith.constant 0 : i32
    %dma_start3A_16 = arith.constant 0 : i32
    %dma_start3A_17 = arith.constant 0 : i32
    %dma_start3A_18 = tpu.memref_slice %arg6[%dma_start3A_15, %dma_start3A_16, %dma_start3A_17] : memref<4x200x128xf32, #tpu.memory_space<vmem>> -> memref<1x200x128xf32, #tpu.memory_space<vmem>>
    %dma_start3A_19 = tpu.memref_squeeze %dma_start3A_18 : memref<1x200x128xf32, #tpu.memory_space<vmem>> -> memref<200x128xf32, #tpu.memory_space<vmem>>
    %dma_start3A_20 = arith.constant 56 : i32
    %dma_start3A_21 = arith.constant 0 : i32
    %dma_start3A_22 = tpu.memref_slice %dma_start3A_19[%dma_start3A_20, %dma_start3A_21] : memref<200x128xf32, #tpu.memory_space<vmem>> -> memref<48x128xf32, #tpu.memory_space<vmem>>
    %dma_start3A_23 = arith.constant 56 : i32
    %dma_start3A_24 = tpu.memref_slice %arg5[%dma_start3A_23] : memref<6400xi32, #tpu.memory_space<vmem>> -> memref<48xi32, #tpu.memory_space<vmem>>
    %dma_start3A_25 = arith.constant 0 : i32
    %dma_start3A_26 = arith.constant 0 : i32
    %dma_start3A_27 = tpu.memref_slice %arg2[%dma_start3A_25, %dma_start3A_26] : memref<100000x128xf32, #tpu.memory_space<hbm>> -> memref<100000x128xf32, #tpu.memory_space<hbm>>
    tpu.enqueue_indirect_dma source(%dma_start3A_27 : memref<100000x128xf32, #tpu.memory_space<hbm>>) target(%dma_start3A_22 : memref<48x128xf32, #tpu.memory_space<vmem>>) offsets(%dma_start3A_24 : memref<48xi32, #tpu.memory_space<vmem>>) semaphore(%arg8 : memref<!tpu.dma_semaphore, #tpu.memory_space<semaphore_mem>>)
    %dma_start3A_28 = arith.constant 0 : i32
    %dma_start3A_29 = arith.constant 0 : i32
    %dma_start3A_30 = arith.constant 0 : i32
    %dma_start3A_31 = tpu.memref_slice %arg6[%dma_start3A_28, %dma_start3A_29, %dma_start3A_30] : memref<4x200x128xf32, #tpu.memory_space<vmem>> -> memref<1x200x128xf32, #tpu.memory_space<vmem>>
    %dma_start3A_32 = tpu.memref_squeeze %dma_start3A_31 : memref<1x200x128xf32, #tpu.memory_space<vmem>> -> memref<200x128xf32, #tpu.memory_space<vmem>>
    %dma_start3A_33 = arith.constant 104 : i32
    %dma_start3A_34 = arith.constant 0 : i32
    %dma_start3A_35 = tpu.memref_slice %dma_start3A_32[%dma_start3A_33, %dma_start3A_34] : memref<200x128xf32, #tpu.memory_space<vmem>> -> memref<48x128xf32, #tpu.memory_space<vmem>>
    %dma_start3A_36 = arith.constant 104 : i32
    %dma_start3A_37 = tpu.memref_slice %arg5[%dma_start3A_36] : memref<6400xi32, #tpu.memory_space<vmem>> -> memref<48xi32, #tpu.memory_space<vmem>>
    %dma_start3A_38 = arith.constant 0 : i32
    %dma_start3A_39 = arith.constant 0 : i32
    %dma_start3A_40 = tpu.memref_slice %arg2[%dma_start3A_38, %dma_start3A_39] : memref<100000x128xf32, #tpu.memory_space<hbm>> -> memref<100000x128xf32, #tpu.memory_space<hbm>>
    tpu.enqueue_indirect_dma source(%dma_start3A_40 : memref<100000x128xf32, #tpu.memory_space<hbm>>) target(%dma_start3A_35 : memref<48x128xf32, #tpu.memory_space<vmem>>) offsets(%dma_start3A_37 : memref<48xi32, #tpu.memory_space<vmem>>) semaphore(%arg8 : memref<!tpu.dma_semaphore, #tpu.memory_space<semaphore_mem>>)
    %dma_start3A_41 = arith.constant 0 : i32
    %dma_start3A_42 = arith.constant 0 : i32
    %dma_start3A_43 = arith.constant 0 : i32
    %dma_start3A_44 = tpu.memref_slice %arg6[%dma_start3A_41, %dma_start3A_42, %dma_start3A_43] : memref<4x200x128xf32, #tpu.memory_space<vmem>> -> memref<1x200x128xf32, #tpu.memory_space<vmem>>
    %dma_start3A_45 = tpu.memref_squeeze %dma_start3A_44 : memref<1x200x128xf32, #tpu.memory_space<vmem>> -> memref<200x128xf32, #tpu.memory_space<vmem>>
    %dma_start3A_46 = arith.constant 152 : i32
    %dma_start3A_47 = arith.constant 0 : i32
    %dma_start3A_48 = tpu.memref_slice %dma_start3A_45[%dma_start3A_46, %dma_start3A_47] : memref<200x128xf32, #tpu.memory_space<vmem>> -> memref<48x128xf32, #tpu.memory_space<vmem>>
    %dma_start3A_49 = arith.constant 152 : i32
    %dma_start3A_50 = tpu.memref_slice %arg5[%dma_start3A_49] : memref<6400xi32, #tpu.memory_space<vmem>> -> memref<48xi32, #tpu.memory_space<vmem>>
    %dma_start3A_51 = arith.constant 0 : i32
    %dma_start3A_52 = arith.constant 0 : i32
    %dma_start3A_53 = tpu.memref_slice %arg2[%dma_start3A_51, %dma_start3A_52] : memref<100000x128xf32, #tpu.memory_space<hbm>> -> memref<100000x128xf32, #tpu.memory_space<hbm>>
    tpu.enqueue_indirect_dma source(%dma_start3A_53 : memref<100000x128xf32, #tpu.memory_space<hbm>>) target(%dma_start3A_48 : memref<48x128xf32, #tpu.memory_space<vmem>>) offsets(%dma_start3A_50 : memref<48xi32, #tpu.memory_space<vmem>>) semaphore(%arg8 : memref<!tpu.dma_semaphore, #tpu.memory_space<semaphore_mem>>)
    %dma_start3A_54 = arith.constant 1 : i32
    %dma_start3A_55 = arith.constant 0 : i32
    %dma_start3A_56 = arith.constant 0 : i32
    %dma_start3A_57 = tpu.memref_slice %arg6[%dma_start3A_54, %dma_start3A_55, %dma_start3A_56] : memref<4x200x128xf32, #tpu.memory_space<vmem>> -> memref<1x200x128xf32, #tpu.memory_space<vmem>>
    %dma_start3A_58 = tpu.memref_squeeze %dma_start3A_57 : memref<1x200x128xf32, #tpu.memory_space<vmem>> -> memref<200x128xf32, #tpu.memory_space<vmem>>
    %dma_start3A_59 = arith.constant 0 : i32
    %dma_start3A_60 = arith.constant 0 : i32
    %dma_start3A_61 = tpu.memref_slice %dma_start3A_58[%dma_start3A_59, %dma_start3A_60] : memref<200x128xf32, #tpu.memory_space<vmem>> -> memref<56x128xf32, #tpu.memory_space<vmem>>
    %dma_start3A_62 = arith.constant 200 : i32
    %dma_start3A_63 = tpu.memref_slice %arg5[%dma_start3A_62] : memref<6400xi32, #tpu.memory_space<vmem>> -> memref<56xi32, #tpu.memory_space<vmem>>
    %dma_start3A_64 = arith.constant 0 : i32
    %dma_start3A_65 = arith.constant 0 : i32
    %dma_start3A_66 = tpu.memref_slice %arg2[%dma_start3A_64, %dma_start3A_65] : memref<100000x128xf32, #tpu.memory_space<hbm>> -> memref<100000x128xf32, #tpu.memory_space<hbm>>
    tpu.enqueue_indirect_dma source(%dma_start3A_66 : memref<100000x128xf32, #tpu.memory_space<hbm>>) target(%dma_start3A_61 : memref<56x128xf32, #tpu.memory_space<vmem>>) offsets(%dma_start3A_63 : memref<56xi32, #tpu.memory_space<vmem>>) semaphore(%arg9 : memref<!tpu.dma_semaphore, #tpu.memory_space<semaphore_mem>>)
    %dma_start3A_67 = arith.constant 1 : i32
    %dma_start3A_68 = arith.constant 0 : i32
    %dma_start3A_69 = arith.constant 0 : i32
    %dma_start3A_70 = tpu.memref_slice %arg6[%dma_start3A_67, %dma_start3A_68, %dma_start3A_69] : memref<4x200x128xf32, #tpu.memory_space<vmem>> -> memref<1x200x128xf32, #tpu.memory_space<vmem>>
    %dma_start3A_71 = tpu.memref_squeeze %dma_start3A_70 : memref<1x200x128xf32, #tpu.memory_space<vmem>> -> memref<200x128xf32, #tpu.memory_space<vmem>>
    %dma_start3A_72 = arith.constant 56 : i32
    %dma_start3A_73 = arith.constant 0 : i32
    %dma_start3A_74 = tpu.memref_slice %dma_start3A_71[%dma_start3A_72, %dma_start3A_73] : memref<200x128xf32, #tpu.memory_space<vmem>> -> memref<48x128xf32, #tpu.memory_space<vmem>>
    %dma_start3A_75 = arith.constant 256 : i32
    %dma_start3A_76 = tpu.memref_slice %arg5[%dma_start3A_75] : memref<6400xi32, #tpu.memory_space<vmem>> -> memref<48xi32, #tpu.memory_space<vmem>>
    %dma_start3A_77 = arith.constant 0 : i32
    %dma_start3A_78 = arith.constant 0 : i32
    %dma_start3A_79 = tpu.memref_slice %arg2[%dma_start3A_77, %dma_start3A_78] : memref<100000x128xf32, #tpu.memory_space<hbm>> -> memref<100000x128xf32, #tpu.memory_space<hbm>>
    tpu.enqueue_indirect_dma source(%dma_start3A_79 : memref<100000x128xf32, #tpu.memory_space<hbm>>) target(%dma_start3A_74 : memref<48x128xf32, #tpu.memory_space<vmem>>) offsets(%dma_start3A_76 : memref<48xi32, #tpu.memory_space<vmem>>) semaphore(%arg9 : memref<!tpu.dma_semaphore, #tpu.memory_space<semaphore_mem>>)
    %dma_start3A_80 = arith.constant 1 : i32
    %dma_start3A_81 = arith.constant 0 : i32
    %dma_start3A_82 = arith.constant 0 : i32
    %dma_start3A_83 = tpu.memref_slice %arg6[%dma_start3A_80, %dma_start3A_81, %dma_start3A_82] : memref<4x200x128xf32, #tpu.memory_space<vmem>> -> memref<1x200x128xf32, #tpu.memory_space<vmem>>
    %dma_start3A_84 = tpu.memref_squeeze %dma_start3A_83 : memref<1x200x128xf32, #tpu.memory_space<vmem>> -> memref<200x128xf32, #tpu.memory_space<vmem>>
    %dma_start3A_85 = arith.constant 104 : i32
    %dma_start3A_86 = arith.constant 0 : i32
    %dma_start3A_87 = tpu.memref_slice %dma_start3A_84[%dma_start3A_85, %dma_start3A_86] : memref<200x128xf32, #tpu.memory_space<vmem>> -> memref<48x128xf32, #tpu.memory_space<vmem>>
    %dma_start3A_88 = arith.constant 304 : i32
    %dma_start3A_89 = tpu.memref_slice %arg5[%dma_start3A_88] : memref<6400xi32, #tpu.memory_space<vmem>> -> memref<48xi32, #tpu.memory_space<vmem>>
    %dma_start3A_90 = arith.constant 0 : i32
    %dma_start3A_91 = arith.constant 0 : i32
    %dma_start3A_92 = tpu.memref_slice %arg2[%dma_start3A_90, %dma_start3A_91] : memref<100000x128xf32, #tpu.memory_space<hbm>> -> memref<100000x128xf32, #tpu.memory_space<hbm>>
    tpu.enqueue_indirect_dma source(%dma_start3A_92 : memref<100000x128xf32, #tpu.memory_space<hbm>>) target(%dma_start3A_87 : memref<48x128xf32, #tpu.memory_space<vmem>>) offsets(%dma_start3A_89 : memref<48xi32, #tpu.memory_space<vmem>>) semaphore(%arg9 : memref<!tpu.dma_semaphore, #tpu.memory_space<semaphore_mem>>)
    %dma_start3A_93 = arith.constant 1 : i32
    %dma_start3A_94 = arith.constant 0 : i32
    %dma_start3A_95 = arith.constant 0 : i32
    %dma_start3A_96 = tpu.memref_slice %arg6[%dma_start3A_93, %dma_start3A_94, %dma_start3A_95] : memref<4x200x128xf32, #tpu.memory_space<vmem>> -> memref<1x200x128xf32, #tpu.memory_space<vmem>>
    %dma_start3A_97 = tpu.memref_squeeze %dma_start3A_96 : memref<1x200x128xf32, #tpu.memory_space<vmem>> -> memref<200x128xf32, #tpu.memory_space<vmem>>
    %dma_start3A_98 = arith.constant 152 : i32
    %dma_start3A_99 = arith.constant 0 : i32
    %dma_start3A_100 = tpu.memref_slice %dma_start3A_97[%dma_start3A_98, %dma_start3A_99] : memref<200x128xf32, #tpu.memory_space<vmem>> -> memref<48x128xf32, #tpu.memory_space<vmem>>
    %dma_start3A_101 = arith.constant 352 : i32
    %dma_start3A_102 = tpu.memref_slice %arg5[%dma_start3A_101] : memref<6400xi32, #tpu.memory_space<vmem>> -> memref<48xi32, #tpu.memory_space<vmem>>
    %dma_start3A_103 = arith.constant 0 : i32
    %dma_start3A_104 = arith.constant 0 : i32
    %dma_start3A_105 = tpu.memref_slice %arg2[%dma_start3A_103, %dma_start3A_104] : memref<100000x128xf32, #tpu.memory_space<hbm>> -> memref<100000x128xf32, #tpu.memory_space<hbm>>
    tpu.enqueue_indirect_dma source(%dma_start3A_105 : memref<100000x128xf32, #tpu.memory_space<hbm>>) target(%dma_start3A_100 : memref<48x128xf32, #tpu.memory_space<vmem>>) offsets(%dma_start3A_102 : memref<48xi32, #tpu.memory_space<vmem>>) semaphore(%arg9 : memref<!tpu.dma_semaphore, #tpu.memory_space<semaphore_mem>>)
    %dma_start3A_106 = arith.constant 2 : i32
    %dma_start3A_107 = arith.constant 0 : i32
    %dma_start3A_108 = arith.constant 0 : i32
    %dma_start3A_109 = tpu.memref_slice %arg6[%dma_start3A_106, %dma_start3A_107, %dma_start3A_108] : memref<4x200x128xf32, #tpu.memory_space<vmem>> -> memref<1x200x128xf32, #tpu.memory_space<vmem>>
    %dma_start3A_110 = tpu.memref_squeeze %dma_start3A_109 : memref<1x200x128xf32, #tpu.memory_space<vmem>> -> memref<200x128xf32, #tpu.memory_space<vmem>>
    %dma_start3A_111 = arith.constant 0 : i32
    %dma_start3A_112 = arith.constant 0 : i32
    %dma_start3A_113 = tpu.memref_slice %dma_start3A_110[%dma_start3A_111, %dma_start3A_112] : memref<200x128xf32, #tpu.memory_space<vmem>> -> memref<56x128xf32, #tpu.memory_space<vmem>>
    %dma_start3A_114 = arith.constant 400 : i32
    %dma_start3A_115 = tpu.memref_slice %arg5[%dma_start3A_114] : memref<6400xi32, #tpu.memory_space<vmem>> -> memref<56xi32, #tpu.memory_space<vmem>>
    %dma_start3A_116 = arith.constant 0 : i32
    %dma_start3A_117 = arith.constant 0 : i32
    %dma_start3A_118 = tpu.memref_slice %arg2[%dma_start3A_116, %dma_start3A_117] : memref<100000x128xf32, #tpu.memory_space<hbm>> -> memref<100000x128xf32, #tpu.memory_space<hbm>>
    tpu.enqueue_indirect_dma source(%dma_start3A_118 : memref<100000x128xf32, #tpu.memory_space<hbm>>) target(%dma_start3A_113 : memref<56x128xf32, #tpu.memory_space<vmem>>) offsets(%dma_start3A_115 : memref<56xi32, #tpu.memory_space<vmem>>) semaphore(%arg10 : memref<!tpu.dma_semaphore, #tpu.memory_space<semaphore_mem>>)
    %dma_start3A_119 = arith.constant 2 : i32
    %dma_start3A_120 = arith.constant 0 : i32
    %dma_start3A_121 = arith.constant 0 : i32
    %dma_start3A_122 = tpu.memref_slice %arg6[%dma_start3A_119, %dma_start3A_120, %dma_start3A_121] : memref<4x200x128xf32, #tpu.memory_space<vmem>> -> memref<1x200x128xf32, #tpu.memory_space<vmem>>
    %dma_start3A_123 = tpu.memref_squeeze %dma_start3A_122 : memref<1x200x128xf32, #tpu.memory_space<vmem>> -> memref<200x128xf32, #tpu.memory_space<vmem>>
    %dma_start3A_124 = arith.constant 56 : i32
    %dma_start3A_125 = arith.constant 0 : i32
    %dma_start3A_126 = tpu.memref_slice %dma_start3A_123[%dma_start3A_124, %dma_start3A_125] : memref<200x128xf32, #tpu.memory_space<vmem>> -> memref<48x128xf32, #tpu.memory_space<vmem>>
    %dma_start3A_127 = arith.constant 456 : i32
    %dma_start3A_128 = tpu.memref_slice %arg5[%dma_start3A_127] : memref<6400xi32, #tpu.memory_space<vmem>> -> memref<48xi32, #tpu.memory_space<vmem>>
    %dma_start3A_129 = arith.constant 0 : i32
    %dma_start3A_130 = arith.constant 0 : i32
    %dma_start3A_131 = tpu.memref_slice %arg2[%dma_start3A_129, %dma_start3A_130] : memref<100000x128xf32, #tpu.memory_space<hbm>> -> memref<100000x128xf32, #tpu.memory_space<hbm>>
    tpu.enqueue_indirect_dma source(%dma_start3A_131 : memref<100000x128xf32, #tpu.memory_space<hbm>>) target(%dma_start3A_126 : memref<48x128xf32, #tpu.memory_space<vmem>>) offsets(%dma_start3A_128 : memref<48xi32, #tpu.memory_space<vmem>>) semaphore(%arg10 : memref<!tpu.dma_semaphore, #tpu.memory_space<semaphore_mem>>)
    %dma_start3A_132 = arith.constant 2 : i32
    %dma_start3A_133 = arith.constant 0 : i32
    %dma_start3A_134 = arith.constant 0 : i32
    %dma_start3A_135 = tpu.memref_slice %arg6[%dma_start3A_132, %dma_start3A_133, %dma_start3A_134] : memref<4x200x128xf32, #tpu.memory_space<vmem>> -> memref<1x200x128xf32, #tpu.memory_space<vmem>>
    %dma_start3A_136 = tpu.memref_squeeze %dma_start3A_135 : memref<1x200x128xf32, #tpu.memory_space<vmem>> -> memref<200x128xf32, #tpu.memory_space<vmem>>
    %dma_start3A_137 = arith.constant 104 : i32
    %dma_start3A_138 = arith.constant 0 : i32
    %dma_start3A_139 = tpu.memref_slice %dma_start3A_136[%dma_start3A_137, %dma_start3A_138] : memref<200x128xf32, #tpu.memory_space<vmem>> -> memref<48x128xf32, #tpu.memory_space<vmem>>
    %dma_start3A_140 = arith.constant 504 : i32
    %dma_start3A_141 = tpu.memref_slice %arg5[%dma_start3A_140] : memref<6400xi32, #tpu.memory_space<vmem>> -> memref<48xi32, #tpu.memory_space<vmem>>
    %dma_start3A_142 = arith.constant 0 : i32
    %dma_start3A_143 = arith.constant 0 : i32
    %dma_start3A_144 = tpu.memref_slice %arg2[%dma_start3A_142, %dma_start3A_143] : memref<100000x128xf32, #tpu.memory_space<hbm>> -> memref<100000x128xf32, #tpu.memory_space<hbm>>
    tpu.enqueue_indirect_dma source(%dma_start3A_144 : memref<100000x128xf32, #tpu.memory_space<hbm>>) target(%dma_start3A_139 : memref<48x128xf32, #tpu.memory_space<vmem>>) offsets(%dma_start3A_141 : memref<48xi32, #tpu.memory_space<vmem>>) semaphore(%arg10 : memref<!tpu.dma_semaphore, #tpu.memory_space<semaphore_mem>>)
    %dma_start3A_145 = arith.constant 2 : i32
    %dma_start3A_146 = arith.constant 0 : i32
    %dma_start3A_147 = arith.constant 0 : i32
    %dma_start3A_148 = tpu.memref_slice %arg6[%dma_start3A_145, %dma_start3A_146, %dma_start3A_147] : memref<4x200x128xf32, #tpu.memory_space<vmem>> -> memref<1x200x128xf32, #tpu.memory_space<vmem>>
    %dma_start3A_149 = tpu.memref_squeeze %dma_start3A_148 : memref<1x200x128xf32, #tpu.memory_space<vmem>> -> memref<200x128xf32, #tpu.memory_space<vmem>>
    %dma_start3A_150 = arith.constant 152 : i32
    %dma_start3A_151 = arith.constant 0 : i32
    %dma_start3A_152 = tpu.memref_slice %dma_start3A_149[%dma_start3A_150, %dma_start3A_151] : memref<200x128xf32, #tpu.memory_space<vmem>> -> memref<48x128xf32, #tpu.memory_space<vmem>>
    %dma_start3A_153 = arith.constant 552 : i32
    %dma_start3A_154 = tpu.memref_slice %arg5[%dma_start3A_153] : memref<6400xi32, #tpu.memory_space<vmem>> -> memref<48xi32, #tpu.memory_space<vmem>>
    %dma_start3A_155 = arith.constant 0 : i32
    %dma_start3A_156 = arith.constant 0 : i32
    %dma_start3A_157 = tpu.memref_slice %arg2[%dma_start3A_155, %dma_start3A_156] : memref<100000x128xf32, #tpu.memory_space<hbm>> -> memref<100000x128xf32, #tpu.memory_space<hbm>>
    tpu.enqueue_indirect_dma source(%dma_start3A_157 : memref<100000x128xf32, #tpu.memory_space<hbm>>) target(%dma_start3A_152 : memref<48x128xf32, #tpu.memory_space<vmem>>) offsets(%dma_start3A_154 : memref<48xi32, #tpu.memory_space<vmem>>) semaphore(%arg10 : memref<!tpu.dma_semaphore, #tpu.memory_space<semaphore_mem>>)
    %scan3A = arith.constant 0 : i32
    %scan3A_158 = arith.constant 0 : i32
    %scan3A_159 = arith.constant 8 : i32
    %scan3A_160 = arith.addi %scan3A_158, %scan3A_159 : i32
    %scan3A_161 = arith.constant 1 : i32
    scf.for %scan3A_165 = %scan3A_158 to %scan3A_160 step %scan3A_161  : i32 {
      %mul3A_166 = arith.constant 4 : i32
      %mul3A_167 = arith.muli %scan3A_165, %mul3A_166 : i32
      %add3A_168 = arith.constant 0 : i32
      %add3A_169 = arith.addi %mul3A_167, %add3A_168 : i32
      %mul3A_170 = arith.constant 200 : i32
      %mul3A_171 = arith.muli %add3A_169, %mul3A_170 : i32
      %add3A_172 = arith.constant 0 : i32
      %add3A_173 = arith.addi %mul3A_171, %add3A_172 : i32
      %add3A_174 = arith.constant 56 : i32
      %add3A_175 = arith.addi %mul3A_171, %add3A_174 : i32
      %add3A_176 = arith.constant 104 : i32
      %add3A_177 = arith.addi %mul3A_171, %add3A_176 : i32
      %add3A_178 = arith.constant 152 : i32
      %add3A_179 = arith.addi %mul3A_171, %add3A_178 : i32
      %dma_wait3A = arith.constant 0 : i32
      %dma_wait3A_180 = arith.constant 0 : i32
      %dma_wait3A_181 = arith.constant 0 : i32
      %dma_wait3A_182 = tpu.memref_slice %arg6[%dma_wait3A, %dma_wait3A_180, %dma_wait3A_181] : memref<4x200x128xf32, #tpu.memory_space<vmem>> -> memref<1x200x128xf32, #tpu.memory_space<vmem>>
      %dma_wait3A_183 = tpu.memref_squeeze %dma_wait3A_182 : memref<1x200x128xf32, #tpu.memory_space<vmem>> -> memref<200x128xf32, #tpu.memory_space<vmem>>
      %dma_wait3A_184 = arith.constant 0 : i32
      %dma_wait3A_185 = arith.constant 0 : i32
      %dma_wait3A_186 = tpu.memref_slice %dma_wait3A_183[%dma_wait3A_184, %dma_wait3A_185] : memref<200x128xf32, #tpu.memory_space<vmem>> -> memref<56x128xf32, #tpu.memory_space<vmem>>
      %dma_wait3A_187 = tpu.memref_slice %arg5[%add3A_173] : memref<6400xi32, #tpu.memory_space<vmem>> -> memref<56xi32, #tpu.memory_space<vmem>>
      %dma_wait3A_188 = arith.constant 0 : i32
      %dma_wait3A_189 = arith.constant 0 : i32
      %dma_wait3A_190 = tpu.memref_slice %arg2[%dma_wait3A_188, %dma_wait3A_189] : memref<100000x128xf32, #tpu.memory_space<hbm>> -> memref<100000x128xf32, #tpu.memory_space<hbm>>
      tpu.wait_indirect_dma semaphore(%arg8 : memref<!tpu.dma_semaphore, #tpu.memory_space<semaphore_mem>>) src(%dma_wait3A_190 : memref<100000x128xf32, #tpu.memory_space<hbm>>) dst(%dma_wait3A_186 : memref<56x128xf32, #tpu.memory_space<vmem>>)
      %dma_wait3A_191 = arith.constant 0 : i32
      %dma_wait3A_192 = arith.constant 0 : i32
      %dma_wait3A_193 = arith.constant 0 : i32
      %dma_wait3A_194 = tpu.memref_slice %arg6[%dma_wait3A_191, %dma_wait3A_192, %dma_wait3A_193] : memref<4x200x128xf32, #tpu.memory_space<vmem>> -> memref<1x200x128xf32, #tpu.memory_space<vmem>>
      %dma_wait3A_195 = tpu.memref_squeeze %dma_wait3A_194 : memref<1x200x128xf32, #tpu.memory_space<vmem>> -> memref<200x128xf32, #tpu.memory_space<vmem>>
      %dma_wait3A_196 = arith.constant 56 : i32
      %dma_wait3A_197 = arith.constant 0 : i32
      %dma_wait3A_198 = tpu.memref_slice %dma_wait3A_195[%dma_wait3A_196, %dma_wait3A_197] : memref<200x128xf32, #tpu.memory_space<vmem>> -> memref<48x128xf32, #tpu.memory_space<vmem>>
      %dma_wait3A_199 = tpu.memref_slice %arg5[%add3A_175] : memref<6400xi32, #tpu.memory_space<vmem>> -> memref<48xi32, #tpu.memory_space<vmem>>
      %dma_wait3A_200 = arith.constant 0 : i32
      %dma_wait3A_201 = arith.constant 0 : i32
      %dma_wait3A_202 = tpu.memref_slice %arg2[%dma_wait3A_200, %dma_wait3A_201] : memref<100000x128xf32, #tpu.memory_space<hbm>> -> memref<100000x128xf32, #tpu.memory_space<hbm>>
      tpu.wait_indirect_dma semaphore(%arg8 : memref<!tpu.dma_semaphore, #tpu.memory_space<semaphore_mem>>) src(%dma_wait3A_202 : memref<100000x128xf32, #tpu.memory_space<hbm>>) dst(%dma_wait3A_198 : memref<48x128xf32, #tpu.memory_space<vmem>>)
      %dma_wait3A_203 = arith.constant 0 : i32
      %dma_wait3A_204 = arith.constant 0 : i32
      %dma_wait3A_205 = arith.constant 0 : i32
      %dma_wait3A_206 = tpu.memref_slice %arg6[%dma_wait3A_203, %dma_wait3A_204, %dma_wait3A_205] : memref<4x200x128xf32, #tpu.memory_space<vmem>> -> memref<1x200x128xf32, #tpu.memory_space<vmem>>
      %dma_wait3A_207 = tpu.memref_squeeze %dma_wait3A_206 : memref<1x200x128xf32, #tpu.memory_space<vmem>> -> memref<200x128xf32, #tpu.memory_space<vmem>>
      %dma_wait3A_208 = arith.constant 104 : i32
      %dma_wait3A_209 = arith.constant 0 : i32
      %dma_wait3A_210 = tpu.memref_slice %dma_wait3A_207[%dma_wait3A_208, %dma_wait3A_209] : memref<200x128xf32, #tpu.memory_space<vmem>> -> memref<48x128xf32, #tpu.memory_space<vmem>>
      %dma_wait3A_211 = tpu.memref_slice %arg5[%add3A_177] : memref<6400xi32, #tpu.memory_space<vmem>> -> memref<48xi32, #tpu.memory_space<vmem>>
      %dma_wait3A_212 = arith.constant 0 : i32
      %dma_wait3A_213 = arith.constant 0 : i32
      %dma_wait3A_214 = tpu.memref_slice %arg2[%dma_wait3A_212, %dma_wait3A_213] : memref<100000x128xf32, #tpu.memory_space<hbm>> -> memref<100000x128xf32, #tpu.memory_space<hbm>>
      tpu.wait_indirect_dma semaphore(%arg8 : memref<!tpu.dma_semaphore, #tpu.memory_space<semaphore_mem>>) src(%dma_wait3A_214 : memref<100000x128xf32, #tpu.memory_space<hbm>>) dst(%dma_wait3A_210 : memref<48x128xf32, #tpu.memory_space<vmem>>)
      %dma_wait3A_215 = arith.constant 0 : i32
      %dma_wait3A_216 = arith.constant 0 : i32
      %dma_wait3A_217 = arith.constant 0 : i32
      %dma_wait3A_218 = tpu.memref_slice %arg6[%dma_wait3A_215, %dma_wait3A_216, %dma_wait3A_217] : memref<4x200x128xf32, #tpu.memory_space<vmem>> -> memref<1x200x128xf32, #tpu.memory_space<vmem>>
      %dma_wait3A_219 = tpu.memref_squeeze %dma_wait3A_218 : memref<1x200x128xf32, #tpu.memory_space<vmem>> -> memref<200x128xf32, #tpu.memory_space<vmem>>
      %dma_wait3A_220 = arith.constant 152 : i32
      %dma_wait3A_221 = arith.constant 0 : i32
      %dma_wait3A_222 = tpu.memref_slice %dma_wait3A_219[%dma_wait3A_220, %dma_wait3A_221] : memref<200x128xf32, #tpu.memory_space<vmem>> -> memref<48x128xf32, #tpu.memory_space<vmem>>
      %dma_wait3A_223 = tpu.memref_slice %arg5[%add3A_179] : memref<6400xi32, #tpu.memory_space<vmem>> -> memref<48xi32, #tpu.memory_space<vmem>>
      %dma_wait3A_224 = arith.constant 0 : i32
      %dma_wait3A_225 = arith.constant 0 : i32
      %dma_wait3A_226 = tpu.memref_slice %arg2[%dma_wait3A_224, %dma_wait3A_225] : memref<100000x128xf32, #tpu.memory_space<hbm>> -> memref<100000x128xf32, #tpu.memory_space<hbm>>
      tpu.wait_indirect_dma semaphore(%arg8 : memref<!tpu.dma_semaphore, #tpu.memory_space<semaphore_mem>>) src(%dma_wait3A_226 : memref<100000x128xf32, #tpu.memory_space<hbm>>) dst(%dma_wait3A_222 : memref<48x128xf32, #tpu.memory_space<vmem>>)
      %add3A_227 = arith.constant 4 : i32
      %add3A_228 = arith.addi %add3A_169, %add3A_227 : i32
      %sub3A = arith.constant 1 : i32
      %sub3A_229 = arith.subi %add3A_228, %sub3A : i32
      %lt3A = arith.constant 32 : i32
      %lt3A_230 = arith.cmpi slt, %sub3A_229, %lt3A : i32
      %convert_element_type3A = arith.extui %lt3A_230 : i1 to i32
      %cond3A = arith.constant 0 : i32
      %cond3A_231 = arith.cmpi ne, %convert_element_type3A, %cond3A : i32
      scf.if %cond3A_231 {
        %mul3A_2507 = arith.constant 200 : i32
        %mul3A_2508 = arith.muli %sub3A_229, %mul3A_2507 : i32
        %add3A_2509 = arith.constant 0 : i32
        %add3A_2510 = arith.addi %mul3A_2508, %add3A_2509 : i32
        %add3A_2511 = arith.constant 56 : i32
        %add3A_2512 = arith.addi %mul3A_2508, %add3A_2511 : i32
        %add3A_2513 = arith.constant 104 : i32
        %add3A_2514 = arith.addi %mul3A_2508, %add3A_2513 : i32
        %add3A_2515 = arith.constant 152 : i32
        %add3A_2516 = arith.addi %mul3A_2508, %add3A_2515 : i32
        %dma_start3A_2517 = arith.constant 3 : i32
        %dma_start3A_2518 = arith.constant 0 : i32
        %dma_start3A_2519 = arith.constant 0 : i32
        %dma_start3A_2520 = tpu.memref_slice %arg6[%dma_start3A_2517, %dma_start3A_2518, %dma_start3A_2519] : memref<4x200x128xf32, #tpu.memory_space<vmem>> -> memref<1x200x128xf32, #tpu.memory_space<vmem>>
        %dma_start3A_2521 = tpu.memref_squeeze %dma_start3A_2520 : memref<1x200x128xf32, #tpu.memory_space<vmem>> -> memref<200x128xf32, #tpu.memory_space<vmem>>
        %dma_start3A_2522 = arith.constant 0 : i32
        %dma_start3A_2523 = arith.constant 0 : i32
        %dma_start3A_2524 = tpu.memref_slice %dma_start3A_2521[%dma_start3A_2522, %dma_start3A_2523] : memref<200x128xf32, #tpu.memory_space<vmem>> -> memref<56x128xf32, #tpu.memory_space<vmem>>
        %dma_start3A_2525 = tpu.memref_slice %arg5[%add3A_2510] : memref<6400xi32, #tpu.memory_space<vmem>> -> memref<56xi32, #tpu.memory_space<vmem>>
        %dma_start3A_2526 = arith.constant 0 : i32
        %dma_start3A_2527 = arith.constant 0 : i32
        %dma_start3A_2528 = tpu.memref_slice %arg2[%dma_start3A_2526, %dma_start3A_2527] : memref<100000x128xf32, #tpu.memory_space<hbm>> -> memref<100000x128xf32, #tpu.memory_space<hbm>>
        tpu.enqueue_indirect_dma source(%dma_start3A_2528 : memref<100000x128xf32, #tpu.memory_space<hbm>>) target(%dma_start3A_2524 : memref<56x128xf32, #tpu.memory_space<vmem>>) offsets(%dma_start3A_2525 : memref<56xi32, #tpu.memory_space<vmem>>) semaphore(%arg11 : memref<!tpu.dma_semaphore, #tpu.memory_space<semaphore_mem>>)
        %dma_start3A_2529 = arith.constant 3 : i32
        %dma_start3A_2530 = arith.constant 0 : i32
        %dma_start3A_2531 = arith.constant 0 : i32
        %dma_start3A_2532 = tpu.memref_slice %arg6[%dma_start3A_2529, %dma_start3A_2530, %dma_start3A_2531] : memref<4x200x128xf32, #tpu.memory_space<vmem>> -> memref<1x200x128xf32, #tpu.memory_space<vmem>>
        %dma_start3A_2533 = tpu.memref_squeeze %dma_start3A_2532 : memref<1x200x128xf32, #tpu.memory_space<vmem>> -> memref<200x128xf32, #tpu.memory_space<vmem>>
        %dma_start3A_2534 = arith.constant 56 : i32
        %dma_start3A_2535 = arith.constant 0 : i32
        %dma_start3A_2536 = tpu.memref_slice %dma_start3A_2533[%dma_start3A_2534, %dma_start3A_2535] : memref<200x128xf32, #tpu.memory_space<vmem>> -> memref<48x128xf32, #tpu.memory_space<vmem>>
        %dma_start3A_2537 = tpu.memref_slice %arg5[%add3A_2512] : memref<6400xi32, #tpu.memory_space<vmem>> -> memref<48xi32, #tpu.memory_space<vmem>>
        %dma_start3A_2538 = arith.constant 0 : i32
        %dma_start3A_2539 = arith.constant 0 : i32
        %dma_start3A_2540 = tpu.memref_slice %arg2[%dma_start3A_2538, %dma_start3A_2539] : memref<100000x128xf32, #tpu.memory_space<hbm>> -> memref<100000x128xf32, #tpu.memory_space<hbm>>
        tpu.enqueue_indirect_dma source(%dma_start3A_2540 : memref<100000x128xf32, #tpu.memory_space<hbm>>) target(%dma_start3A_2536 : memref<48x128xf32, #tpu.memory_space<vmem>>) offsets(%dma_start3A_2537 : memref<48xi32, #tpu.memory_space<vmem>>) semaphore(%arg11 : memref<!tpu.dma_semaphore, #tpu.memory_space<semaphore_mem>>)
        %dma_start3A_2541 = arith.constant 3 : i32
        %dma_start3A_2542 = arith.constant 0 : i32
        %dma_start3A_2543 = arith.constant 0 : i32
        %dma_start3A_2544 = tpu.memref_slice %arg6[%dma_start3A_2541, %dma_start3A_2542, %dma_start3A_2543] : memref<4x200x128xf32, #tpu.memory_space<vmem>> -> memref<1x200x128xf32, #tpu.memory_space<vmem>>
        %dma_start3A_2545 = tpu.memref_squeeze %dma_start3A_2544 : memref<1x200x128xf32, #tpu.memory_space<vmem>> -> memref<200x128xf32, #tpu.memory_space<vmem>>
        %dma_start3A_2546 = arith.constant 104 : i32
        %dma_start3A_2547 = arith.constant 0 : i32
        %dma_start3A_2548 = tpu.memref_slice %dma_start3A_2545[%dma_start3A_2546, %dma_start3A_2547] : memref<200x128xf32, #tpu.memory_space<vmem>> -> memref<48x128xf32, #tpu.memory_space<vmem>>
        %dma_start3A_2549 = tpu.memref_slice %arg5[%add3A_2514] : memref<6400xi32, #tpu.memory_space<vmem>> -> memref<48xi32, #tpu.memory_space<vmem>>
        %dma_start3A_2550 = arith.constant 0 : i32
        %dma_start3A_2551 = arith.constant 0 : i32
        %dma_start3A_2552 = tpu.memref_slice %arg2[%dma_start3A_2550, %dma_start3A_2551] : memref<100000x128xf32, #tpu.memory_space<hbm>> -> memref<100000x128xf32, #tpu.memory_space<hbm>>
        tpu.enqueue_indirect_dma source(%dma_start3A_2552 : memref<100000x128xf32, #tpu.memory_space<hbm>>) target(%dma_start3A_2548 : memref<48x128xf32, #tpu.memory_space<vmem>>) offsets(%dma_start3A_2549 : memref<48xi32, #tpu.memory_space<vmem>>) semaphore(%arg11 : memref<!tpu.dma_semaphore, #tpu.memory_space<semaphore_mem>>)
        %dma_start3A_2553 = arith.constant 3 : i32
        %dma_start3A_2554 = arith.constant 0 : i32
        %dma_start3A_2555 = arith.constant 0 : i32
        %dma_start3A_2556 = tpu.memref_slice %arg6[%dma_start3A_2553, %dma_start3A_2554, %dma_start3A_2555] : memref<4x200x128xf32, #tpu.memory_space<vmem>> -> memref<1x200x128xf32, #tpu.memory_space<vmem>>
        %dma_start3A_2557 = tpu.memref_squeeze %dma_start3A_2556 : memref<1x200x128xf32, #tpu.memory_space<vmem>> -> memref<200x128xf32, #tpu.memory_space<vmem>>
        %dma_start3A_2558 = arith.constant 152 : i32
        %dma_start3A_2559 = arith.constant 0 : i32
        %dma_start3A_2560 = tpu.memref_slice %dma_start3A_2557[%dma_start3A_2558, %dma_start3A_2559] : memref<200x128xf32, #tpu.memory_space<vmem>> -> memref<48x128xf32, #tpu.memory_space<vmem>>
        %dma_start3A_2561 = tpu.memref_slice %arg5[%add3A_2516] : memref<6400xi32, #tpu.memory_space<vmem>> -> memref<48xi32, #tpu.memory_space<vmem>>
        %dma_start3A_2562 = arith.constant 0 : i32
        %dma_start3A_2563 = arith.constant 0 : i32
        %dma_start3A_2564 = tpu.memref_slice %arg2[%dma_start3A_2562, %dma_start3A_2563] : memref<100000x128xf32, #tpu.memory_space<hbm>> -> memref<100000x128xf32, #tpu.memory_space<hbm>>
        tpu.enqueue_indirect_dma source(%dma_start3A_2564 : memref<100000x128xf32, #tpu.memory_space<hbm>>) target(%dma_start3A_2560 : memref<48x128xf32, #tpu.memory_space<vmem>>) offsets(%dma_start3A_2561 : memref<48xi32, #tpu.memory_space<vmem>>) semaphore(%arg11 : memref<!tpu.dma_semaphore, #tpu.memory_space<semaphore_mem>>)
      } else {
      }
      %get3A = arith.constant 0 : i32
      %get3A_232 = arith.constant 0 : i32
      %get3A_233 = arith.index_cast %get3A : i32 to index
      %get3A_234 = arith.index_cast %get3A_232 : i32 to index
      %get3A_235 = arith.constant 0 : index
      %get3A_236 = tpu.vector_load %arg6[%get3A_233, %get3A_234, %get3A_235] {strides = array<i32>} : memref<4x200x128xf32, #tpu.memory_space<vmem>>, vector<1x1x16xf32>,
      %get3A_237 = vector.shape_cast %get3A_236 : vector<1x1x16xf32> to vector<16xf32>
      %get3A_238 = arith.constant 0 : i32
      %get3A_239 = arith.constant 0 : i32
      %get3A_240 = arith.index_cast %get3A_238 : i32 to index
      %get3A_241 = arith.index_cast %get3A_239 : i32 to index
      %get3A_242 = arith.constant 16 : index
      %get3A_243 = tpu.vector_load %arg6[%get3A_240, %get3A_241, %get3A_242] {strides = array<i32>} : memref<4x200x128xf32, #tpu.memory_space<vmem>>, vector<1x1x16xf32>,
      %get3A_244 = vector.shape_cast %get3A_243 : vector<1x1x16xf32> to vector<16xf32>
      %get3A_245 = arith.constant 0 : i32
      %get3A_246 = arith.constant 0 : i32
      %get3A_247 = arith.index_cast %get3A_245 : i32 to index
      %get3A_248 = arith.index_cast %get3A_246 : i32 to index
      %get3A_249 = arith.constant 32 : index
      %get3A_250 = tpu.vector_load %arg6[%get3A_247, %get3A_248, %get3A_249] {strides = array<i32>} : memref<4x200x128xf32, #tpu.memory_space<vmem>>, vector<1x1x16xf32>,
      %get3A_251 = vector.shape_cast %get3A_250 : vector<1x1x16xf32> to vector<16xf32>
      %get3A_252 = arith.constant 0 : i32
      %get3A_253 = arith.constant 0 : i32
      %get3A_254 = arith.index_cast %get3A_252 : i32 to index
      %get3A_255 = arith.index_cast %get3A_253 : i32 to index
      %get3A_256 = arith.constant 48 : index
      %get3A_257 = tpu.vector_load %arg6[%get3A_254, %get3A_255, %get3A_256] {strides = array<i32>} : memref<4x200x128xf32, #tpu.memory_space<vmem>>, vector<1x1x16xf32>,
      %get3A_258 = vector.shape_cast %get3A_257 : vector<1x1x16xf32> to vector<16xf32>
      %get3A_259 = arith.constant 0 : i32
      %get3A_260 = arith.constant 0 : i32
      %get3A_261 = arith.index_cast %get3A_259 : i32 to index
      %get3A_262 = arith.index_cast %get3A_260 : i32 to index
      %get3A_263 = arith.constant 64 : index
      %get3A_264 = tpu.vector_load %arg6[%get3A_261, %get3A_262, %get3A_263] {strides = array<i32>} : memref<4x200x128xf32, #tpu.memory_space<vmem>>, vector<1x1x16xf32>,
      %get3A_265 = vector.shape_cast %get3A_264 : vector<1x1x16xf32> to vector<16xf32>
      %get3A_266 = arith.constant 0 : i32
      %get3A_267 = arith.constant 0 : i32
      %get3A_268 = arith.index_cast %get3A_266 : i32 to index
      %get3A_269 = arith.index_cast %get3A_267 : i32 to index
      %get3A_270 = arith.constant 80 : index
      %get3A_271 = tpu.vector_load %arg6[%get3A_268, %get3A_269, %get3A_270] {strides = array<i32>} : memref<4x200x128xf32, #tpu.memory_space<vmem>>, vector<1x1x16xf32>,
      %get3A_272 = vector.shape_cast %get3A_271 : vector<1x1x16xf32> to vector<16xf32>
      %get3A_273 = arith.constant 0 : i32
      %get3A_274 = arith.constant 0 : i32
      %get3A_275 = arith.index_cast %get3A_273 : i32 to index
      %get3A_276 = arith.index_cast %get3A_274 : i32 to index
      %get3A_277 = arith.constant 96 : index
      %get3A_278 = tpu.vector_load %arg6[%get3A_275, %get3A_276, %get3A_277] {strides = array<i32>} : memref<4x200x128xf32, #tpu.memory_space<vmem>>, vector<1x1x16xf32>,
      %get3A_279 = vector.shape_cast %get3A_278 : vector<1x1x16xf32> to vector<16xf32>
      %get3A_280 = arith.constant 0 : i32
      %get3A_281 = arith.constant 0 : i32
      %get3A_282 = arith.index_cast %get3A_280 : i32 to index
      %get3A_283 = arith.index_cast %get3A_281 : i32 to index
      %get3A_284 = arith.constant 112 : index
      %get3A_285 = tpu.vector_load %arg6[%get3A_282, %get3A_283, %get3A_284] {strides = array<i32>} : memref<4x200x128xf32, #tpu.memory_space<vmem>>, vector<1x1x16xf32>,
      %get3A_286 = vector.shape_cast %get3A_285 : vector<1x1x16xf32> to vector<16xf32>
      %get3A_287 = arith.constant 0 : i32
      %get3A_288 = arith.constant 50 : i32
      %get3A_289 = arith.index_cast %get3A_287 : i32 to index
      %get3A_290 = arith.index_cast %get3A_288 : i32 to index
      %get3A_291 = arith.constant 0 : index
      %get3A_292 = tpu.vector_load %arg6[%get3A_289, %get3A_290, %get3A_291] {strides = array<i32>} : memref<4x200x128xf32, #tpu.memory_space<vmem>>, vector<1x1x16xf32>,
      %get3A_293 = vector.shape_cast %get3A_292 : vector<1x1x16xf32> to vector<16xf32>
      %get3A_294 = arith.constant 0 : i32
      %get3A_295 = arith.constant 50 : i32
      %get3A_296 = arith.index_cast %get3A_294 : i32 to index
      %get3A_297 = arith.index_cast %get3A_295 : i32 to index
      %get3A_298 = arith.constant 16 : index
      %get3A_299 = tpu.vector_load %arg6[%get3A_296, %get3A_297, %get3A_298] {strides = array<i32>} : memref<4x200x128xf32, #tpu.memory_space<vmem>>, vector<1x1x16xf32>,
      %get3A_300 = vector.shape_cast %get3A_299 : vector<1x1x16xf32> to vector<16xf32>
      %get3A_301 = arith.constant 0 : i32
      %get3A_302 = arith.constant 50 : i32
      %get3A_303 = arith.index_cast %get3A_301 : i32 to index
      %get3A_304 = arith.index_cast %get3A_302 : i32 to index
      %get3A_305 = arith.constant 32 : index
      %get3A_306 = tpu.vector_load %arg6[%get3A_303, %get3A_304, %get3A_305] {strides = array<i32>} : memref<4x200x128xf32, #tpu.memory_space<vmem>>, vector<1x1x16xf32>,
      %get3A_307 = vector.shape_cast %get3A_306 : vector<1x1x16xf32> to vector<16xf32>
      %get3A_308 = arith.constant 0 : i32
      %get3A_309 = arith.constant 50 : i32
      %get3A_310 = arith.index_cast %get3A_308 : i32 to index
      %get3A_311 = arith.index_cast %get3A_309 : i32 to index
      %get3A_312 = arith.constant 48 : index
      %get3A_313 = tpu.vector_load %arg6[%get3A_310, %get3A_311, %get3A_312] {strides = array<i32>} : memref<4x200x128xf32, #tpu.memory_space<vmem>>, vector<1x1x16xf32>,
      %get3A_314 = vector.shape_cast %get3A_313 : vector<1x1x16xf32> to vector<16xf32>
      %get3A_315 = arith.constant 0 : i32
      %get3A_316 = arith.constant 50 : i32
      %get3A_317 = arith.index_cast %get3A_315 : i32 to index
      %get3A_318 = arith.index_cast %get3A_316 : i32 to index
      %get3A_319 = arith.constant 64 : index
      %get3A_320 = tpu.vector_load %arg6[%get3A_317, %get3A_318, %get3A_319] {strides = array<i32>} : memref<4x200x128xf32, #tpu.memory_space<vmem>>, vector<1x1x16xf32>,
      %get3A_321 = vector.shape_cast %get3A_320 : vector<1x1x16xf32> to vector<16xf32>
      %get3A_322 = arith.constant 0 : i32
      %get3A_323 = arith.constant 50 : i32
      %get3A_324 = arith.index_cast %get3A_322 : i32 to index
      %get3A_325 = arith.index_cast %get3A_323 : i32 to index
      %get3A_326 = arith.constant 80 : index
      %get3A_327 = tpu.vector_load %arg6[%get3A_324, %get3A_325, %get3A_326] {strides = array<i32>} : memref<4x200x128xf32, #tpu.memory_space<vmem>>, vector<1x1x16xf32>,
      %get3A_328 = vector.shape_cast %get3A_327 : vector<1x1x16xf32> to vector<16xf32>
      %get3A_329 = arith.constant 0 : i32
      %get3A_330 = arith.constant 50 : i32
      %get3A_331 = arith.index_cast %get3A_329 : i32 to index
      %get3A_332 = arith.index_cast %get3A_330 : i32 to index
      %get3A_333 = arith.constant 96 : index
      %get3A_334 = tpu.vector_load %arg6[%get3A_331, %get3A_332, %get3A_333] {strides = array<i32>} : memref<4x200x128xf32, #tpu.memory_space<vmem>>, vector<1x1x16xf32>,
      %get3A_335 = vector.shape_cast %get3A_334 : vector<1x1x16xf32> to vector<16xf32>
      %get3A_336 = arith.constant 0 : i32
      %get3A_337 = arith.constant 50 : i32
      %get3A_338 = arith.index_cast %get3A_336 : i32 to index
      %get3A_339 = arith.index_cast %get3A_337 : i32 to index
      %get3A_340 = arith.constant 112 : index
      %get3A_341 = tpu.vector_load %arg6[%get3A_338, %get3A_339, %get3A_340] {strides = array<i32>} : memref<4x200x128xf32, #tpu.memory_space<vmem>>, vector<1x1x16xf32>,
      %get3A_342 = vector.shape_cast %get3A_341 : vector<1x1x16xf32> to vector<16xf32>
      %scan3A_343 = arith.constant 1 : i32
      %scan3A_344 = arith.constant 49 : i32
      %scan3A_345 = arith.addi %scan3A_343, %scan3A_344 : i32
      %scan3A_346 = arith.constant 1 : i32
      %scan3A_347:16 = scf.for %scan3A_2507 = %scan3A_343 to %scan3A_345 step %scan3A_346 iter_args(%scan3A_2508 = %get3A_237, %scan3A_2509 = %get3A_244, %scan3A_2510 = %get3A_251, %scan3A_2511 = %get3A_258, %scan3A_2512 = %get3A_265, %scan3A_2513 = %get3A_272, %scan3A_2514 = %get3A_279, %scan3A_2515 = %get3A_286, %scan3A_2516 = %get3A_293, %scan3A_2517 = %get3A_300, %scan3A_2518 = %get3A_307, %scan3A_2519 = %get3A_314, %scan3A_2520 = %get3A_321, %scan3A_2521 = %get3A_328, %scan3A_2522 = %get3A_335, %scan3A_2523 = %get3A_342) -> (vector<16xf32>, vector<16xf32>, vector<16xf32>, vector<16xf32>, vector<16xf32>, vector<16xf32>, vector<16xf32>, vector<16xf32>, vector<16xf32>, vector<16xf32>, vector<16xf32>, vector<16xf32>, vector<16xf32>, vector<16xf32>, vector<16xf32>, vector<16xf32>)  : i32 {
        %add3A_2524 = arith.constant 0 : i32
        %add3A_2525 = arith.addi %add3A_2524, %scan3A_2507 : i32
        %get3A_2526 = arith.constant 0 : i32
        %get3A_2527 = arith.index_cast %get3A_2526 : i32 to index
        %get3A_2528 = arith.index_cast %add3A_2525 : i32 to index
        %get3A_2529 = arith.constant 0 : index
        %get3A_2530 = tpu.vector_load %arg6[%get3A_2527, %get3A_2528, %get3A_2529] {strides = array<i32>} : memref<4x200x128xf32, #tpu.memory_space<vmem>>, vector<1x1x16xf32>,
        %get3A_2531 = vector.shape_cast %get3A_2530 : vector<1x1x16xf32> to vector<16xf32>
        %add3A_2532 = arith.addf %scan3A_2508, %get3A_2531 : vector<16xf32>
        %add3A_2533 = arith.constant 0 : i32
        %add3A_2534 = arith.addi %add3A_2533, %scan3A_2507 : i32
        %get3A_2535 = arith.constant 0 : i32
        %get3A_2536 = arith.index_cast %get3A_2535 : i32 to index
        %get3A_2537 = arith.index_cast %add3A_2534 : i32 to index
        %get3A_2538 = arith.constant 16 : index
        %get3A_2539 = tpu.vector_load %arg6[%get3A_2536, %get3A_2537, %get3A_2538] {strides = array<i32>} : memref<4x200x128xf32, #tpu.memory_space<vmem>>, vector<1x1x16xf32>,
        %get3A_2540 = vector.shape_cast %get3A_2539 : vector<1x1x16xf32> to vector<16xf32>
        %add3A_2541 = arith.addf %scan3A_2509, %get3A_2540 : vector<16xf32>
        %add3A_2542 = arith.constant 0 : i32
        %add3A_2543 = arith.addi %add3A_2542, %scan3A_2507 : i32
        %get3A_2544 = arith.constant 0 : i32
        %get3A_2545 = arith.index_cast %get3A_2544 : i32 to index
        %get3A_2546 = arith.index_cast %add3A_2543 : i32 to index
        %get3A_2547 = arith.constant 32 : index
        %get3A_2548 = tpu.vector_load %arg6[%get3A_2545, %get3A_2546, %get3A_2547] {strides = array<i32>} : memref<4x200x128xf32, #tpu.memory_space<vmem>>, vector<1x1x16xf32>,
        %get3A_2549 = vector.shape_cast %get3A_2548 : vector<1x1x16xf32> to vector<16xf32>
        %add3A_2550 = arith.addf %scan3A_2510, %get3A_2549 : vector<16xf32>
        %add3A_2551 = arith.constant 0 : i32
        %add3A_2552 = arith.addi %add3A_2551, %scan3A_2507 : i32
        %get3A_2553 = arith.constant 0 : i32
        %get3A_2554 = arith.index_cast %get3A_2553 : i32 to index
        %get3A_2555 = arith.index_cast %add3A_2552 : i32 to index
        %get3A_2556 = arith.constant 48 : index
        %get3A_2557 = tpu.vector_load %arg6[%get3A_2554, %get3A_2555, %get3A_2556] {strides = array<i32>} : memref<4x200x128xf32, #tpu.memory_space<vmem>>, vector<1x1x16xf32>,
        %get3A_2558 = vector.shape_cast %get3A_2557 : vector<1x1x16xf32> to vector<16xf32>
        %add3A_2559 = arith.addf %scan3A_2511, %get3A_2558 : vector<16xf32>
        %add3A_2560 = arith.constant 0 : i32
        %add3A_2561 = arith.addi %add3A_2560, %scan3A_2507 : i32
        %get3A_2562 = arith.constant 0 : i32
        %get3A_2563 = arith.index_cast %get3A_2562 : i32 to index
        %get3A_2564 = arith.index_cast %add3A_2561 : i32 to index
        %get3A_2565 = arith.constant 64 : index
        %get3A_2566 = tpu.vector_load %arg6[%get3A_2563, %get3A_2564, %get3A_2565] {strides = array<i32>} : memref<4x200x128xf32, #tpu.memory_space<vmem>>, vector<1x1x16xf32>,
        %get3A_2567 = vector.shape_cast %get3A_2566 : vector<1x1x16xf32> to vector<16xf32>
        %add3A_2568 = arith.addf %scan3A_2512, %get3A_2567 : vector<16xf32>
        %add3A_2569 = arith.constant 0 : i32
        %add3A_2570 = arith.addi %add3A_2569, %scan3A_2507 : i32
        %get3A_2571 = arith.constant 0 : i32
        %get3A_2572 = arith.index_cast %get3A_2571 : i32 to index
        %get3A_2573 = arith.index_cast %add3A_2570 : i32 to index
        %get3A_2574 = arith.constant 80 : index
        %get3A_2575 = tpu.vector_load %arg6[%get3A_2572, %get3A_2573, %get3A_2574] {strides = array<i32>} : memref<4x200x128xf32, #tpu.memory_space<vmem>>, vector<1x1x16xf32>,
        %get3A_2576 = vector.shape_cast %get3A_2575 : vector<1x1x16xf32> to vector<16xf32>
        %add3A_2577 = arith.addf %scan3A_2513, %get3A_2576 : vector<16xf32>
        %add3A_2578 = arith.constant 0 : i32
        %add3A_2579 = arith.addi %add3A_2578, %scan3A_2507 : i32
        %get3A_2580 = arith.constant 0 : i32
        %get3A_2581 = arith.index_cast %get3A_2580 : i32 to index
        %get3A_2582 = arith.index_cast %add3A_2579 : i32 to index
        %get3A_2583 = arith.constant 96 : index
        %get3A_2584 = tpu.vector_load %arg6[%get3A_2581, %get3A_2582, %get3A_2583] {strides = array<i32>} : memref<4x200x128xf32, #tpu.memory_space<vmem>>, vector<1x1x16xf32>,
        %get3A_2585 = vector.shape_cast %get3A_2584 : vector<1x1x16xf32> to vector<16xf32>
        %add3A_2586 = arith.addf %scan3A_2514, %get3A_2585 : vector<16xf32>
        %add3A_2587 = arith.constant 0 : i32
        %add3A_2588 = arith.addi %add3A_2587, %scan3A_2507 : i32
        %get3A_2589 = arith.constant 0 : i32
        %get3A_2590 = arith.index_cast %get3A_2589 : i32 to index
        %get3A_2591 = arith.index_cast %add3A_2588 : i32 to index
        %get3A_2592 = arith.constant 112 : index
        %get3A_2593 = tpu.vector_load %arg6[%get3A_2590, %get3A_2591, %get3A_2592] {strides = array<i32>} : memref<4x200x128xf32, #tpu.memory_space<vmem>>, vector<1x1x16xf32>,
        %get3A_2594 = vector.shape_cast %get3A_2593 : vector<1x1x16xf32> to vector<16xf32>
        %add3A_2595 = arith.addf %scan3A_2515, %get3A_2594 : vector<16xf32>
        %add3A_2596 = arith.constant 50 : i32
        %add3A_2597 = arith.addi %add3A_2596, %scan3A_2507 : i32
        %get3A_2598 = arith.constant 0 : i32
        %get3A_2599 = arith.index_cast %get3A_2598 : i32 to index
        %get3A_2600 = arith.index_cast %add3A_2597 : i32 to index
        %get3A_2601 = arith.constant 0 : index
        %get3A_2602 = tpu.vector_load %arg6[%get3A_2599, %get3A_2600, %get3A_2601] {strides = array<i32>} : memref<4x200x128xf32, #tpu.memory_space<vmem>>, vector<1x1x16xf32>,
        %get3A_2603 = vector.shape_cast %get3A_2602 : vector<1x1x16xf32> to vector<16xf32>
        %add3A_2604 = arith.addf %scan3A_2516, %get3A_2603 : vector<16xf32>
        %add3A_2605 = arith.constant 50 : i32
        %add3A_2606 = arith.addi %add3A_2605, %scan3A_2507 : i32
        %get3A_2607 = arith.constant 0 : i32
        %get3A_2608 = arith.index_cast %get3A_2607 : i32 to index
        %get3A_2609 = arith.index_cast %add3A_2606 : i32 to index
        %get3A_2610 = arith.constant 16 : index
        %get3A_2611 = tpu.vector_load %arg6[%get3A_2608, %get3A_2609, %get3A_2610] {strides = array<i32>} : memref<4x200x128xf32, #tpu.memory_space<vmem>>, vector<1x1x16xf32>,
        %get3A_2612 = vector.shape_cast %get3A_2611 : vector<1x1x16xf32> to vector<16xf32>
        %add3A_2613 = arith.addf %scan3A_2517, %get3A_2612 : vector<16xf32>
        %add3A_2614 = arith.constant 50 : i32
        %add3A_2615 = arith.addi %add3A_2614, %scan3A_2507 : i32
        %get3A_2616 = arith.constant 0 : i32
        %get3A_2617 = arith.index_cast %get3A_2616 : i32 to index
        %get3A_2618 = arith.index_cast %add3A_2615 : i32 to index
        %get3A_2619 = arith.constant 32 : index
        %get3A_2620 = tpu.vector_load %arg6[%get3A_2617, %get3A_2618, %get3A_2619] {strides = array<i32>} : memref<4x200x128xf32, #tpu.memory_space<vmem>>, vector<1x1x16xf32>,
        %get3A_2621 = vector.shape_cast %get3A_2620 : vector<1x1x16xf32> to vector<16xf32>
        %add3A_2622 = arith.addf %scan3A_2518, %get3A_2621 : vector<16xf32>
        %add3A_2623 = arith.constant 50 : i32
        %add3A_2624 = arith.addi %add3A_2623, %scan3A_2507 : i32
        %get3A_2625 = arith.constant 0 : i32
        %get3A_2626 = arith.index_cast %get3A_2625 : i32 to index
        %get3A_2627 = arith.index_cast %add3A_2624 : i32 to index
        %get3A_2628 = arith.constant 48 : index
        %get3A_2629 = tpu.vector_load %arg6[%get3A_2626, %get3A_2627, %get3A_2628] {strides = array<i32>} : memref<4x200x128xf32, #tpu.memory_space<vmem>>, vector<1x1x16xf32>,
        %get3A_2630 = vector.shape_cast %get3A_2629 : vector<1x1x16xf32> to vector<16xf32>
        %add3A_2631 = arith.addf %scan3A_2519, %get3A_2630 : vector<16xf32>
        %add3A_2632 = arith.constant 50 : i32
        %add3A_2633 = arith.addi %add3A_2632, %scan3A_2507 : i32
        %get3A_2634 = arith.constant 0 : i32
        %get3A_2635 = arith.index_cast %get3A_2634 : i32 to index
        %get3A_2636 = arith.index_cast %add3A_2633 : i32 to index
        %get3A_2637 = arith.constant 64 : index
        %get3A_2638 = tpu.vector_load %arg6[%get3A_2635, %get3A_2636, %get3A_2637] {strides = array<i32>} : memref<4x200x128xf32, #tpu.memory_space<vmem>>, vector<1x1x16xf32>,
        %get3A_2639 = vector.shape_cast %get3A_2638 : vector<1x1x16xf32> to vector<16xf32>
        %add3A_2640 = arith.addf %scan3A_2520, %get3A_2639 : vector<16xf32>
        %add3A_2641 = arith.constant 50 : i32
        %add3A_2642 = arith.addi %add3A_2641, %scan3A_2507 : i32
        %get3A_2643 = arith.constant 0 : i32
        %get3A_2644 = arith.index_cast %get3A_2643 : i32 to index
        %get3A_2645 = arith.index_cast %add3A_2642 : i32 to index
        %get3A_2646 = arith.constant 80 : index
        %get3A_2647 = tpu.vector_load %arg6[%get3A_2644, %get3A_2645, %get3A_2646] {strides = array<i32>} : memref<4x200x128xf32, #tpu.memory_space<vmem>>, vector<1x1x16xf32>,
        %get3A_2648 = vector.shape_cast %get3A_2647 : vector<1x1x16xf32> to vector<16xf32>
        %add3A_2649 = arith.addf %scan3A_2521, %get3A_2648 : vector<16xf32>
        %add3A_2650 = arith.constant 50 : i32
        %add3A_2651 = arith.addi %add3A_2650, %scan3A_2507 : i32
        %get3A_2652 = arith.constant 0 : i32
        %get3A_2653 = arith.index_cast %get3A_2652 : i32 to index
        %get3A_2654 = arith.index_cast %add3A_2651 : i32 to index
        %get3A_2655 = arith.constant 96 : index
        %get3A_2656 = tpu.vector_load %arg6[%get3A_2653, %get3A_2654, %get3A_2655] {strides = array<i32>} : memref<4x200x128xf32, #tpu.memory_space<vmem>>, vector<1x1x16xf32>,
        %get3A_2657 = vector.shape_cast %get3A_2656 : vector<1x1x16xf32> to vector<16xf32>
        %add3A_2658 = arith.addf %scan3A_2522, %get3A_2657 : vector<16xf32>
        %add3A_2659 = arith.constant 50 : i32
        %add3A_2660 = arith.addi %add3A_2659, %scan3A_2507 : i32
        %get3A_2661 = arith.constant 0 : i32
        %get3A_2662 = arith.index_cast %get3A_2661 : i32 to index
        %get3A_2663 = arith.index_cast %add3A_2660 : i32 to index
        %get3A_2664 = arith.constant 112 : index
        %get3A_2665 = tpu.vector_load %arg6[%get3A_2662, %get3A_2663, %get3A_2664] {strides = array<i32>} : memref<4x200x128xf32, #tpu.memory_space<vmem>>, vector<1x1x16xf32>,
        %get3A_2666 = vector.shape_cast %get3A_2665 : vector<1x1x16xf32> to vector<16xf32>
        %add3A_2667 = arith.addf %scan3A_2523, %get3A_2666 : vector<16xf32>
        scf.yield %add3A_2532, %add3A_2541, %add3A_2550, %add3A_2559, %add3A_2568, %add3A_2577, %add3A_2586, %add3A_2595, %add3A_2604, %add3A_2613, %add3A_2622, %add3A_2631, %add3A_2640, %add3A_2649, %add3A_2658, %add3A_2667 : vector<16xf32>, vector<16xf32>, vector<16xf32>, vector<16xf32>, vector<16xf32>, vector<16xf32>, vector<16xf32>, vector<16xf32>, vector<16xf32>, vector<16xf32>, vector<16xf32>, vector<16xf32>, vector<16xf32>, vector<16xf32>, vector<16xf32>, vector<16xf32>
      }
      %scan3A_348 = arith.constant 49 : i32
      %mul3A_349 = arith.constant 4 : i32
      %mul3A_350 = arith.muli %add3A_169, %mul3A_349 : i32
      %add3A_351 = arith.constant 0 : i32
      %add3A_352 = arith.addi %mul3A_350, %add3A_351 : i32
      %add3A_353 = arith.constant 0 : i32
      %add3A_354 = arith.addi %add3A_352, %add3A_353 : i32
      %mul3A_355 = arith.constant 0.141421363 : f32
      %mul3A_356 = vector.broadcast %mul3A_355 : f32 to vector<16xf32>
      %mul3A_357 = arith.mulf %scan3A_347#0, %mul3A_356 : vector<16xf32>
      %swap3A = arith.index_cast %add3A_354 : i32 to index
      %swap3A_358 = arith.constant 0 : index
      %swap3A_359 = tpu.vector_load %arg7[%swap3A, %swap3A_358] {strides = array<i32>} : memref<128x128xf32, #tpu.memory_space<vmem>>, vector<1x16xf32>,
      %swap3A_360 = vector.shape_cast %swap3A_359 : vector<1x16xf32> to vector<16xf32>
      %swap3A_361 = vector.shape_cast %mul3A_357 : vector<16xf32> to vector<1x16xf32>
      tpu.vector_store %arg7[%swap3A, %swap3A_358], %swap3A_361 {strides = array<i32>} : memref<128x128xf32, #tpu.memory_space<vmem>>, vector<1x16xf32>,
      %mul3A_362 = arith.constant 0.141421363 : f32
      %mul3A_363 = vector.broadcast %mul3A_362 : f32 to vector<16xf32>
      %mul3A_364 = arith.mulf %scan3A_347#1, %mul3A_363 : vector<16xf32>
      %swap3A_365 = arith.index_cast %add3A_354 : i32 to index
      %swap3A_366 = arith.constant 16 : index
      %swap3A_367 = tpu.vector_load %arg7[%swap3A_365, %swap3A_366] {strides = array<i32>} : memref<128x128xf32, #tpu.memory_space<vmem>>, vector<1x16xf32>,
      %swap3A_368 = vector.shape_cast %swap3A_367 : vector<1x16xf32> to vector<16xf32>
      %swap3A_369 = vector.shape_cast %mul3A_364 : vector<16xf32> to vector<1x16xf32>
      tpu.vector_store %arg7[%swap3A_365, %swap3A_366], %swap3A_369 {strides = array<i32>} : memref<128x128xf32, #tpu.memory_space<vmem>>, vector<1x16xf32>,
      %mul3A_370 = arith.constant 0.141421363 : f32
      %mul3A_371 = vector.broadcast %mul3A_370 : f32 to vector<16xf32>
      %mul3A_372 = arith.mulf %scan3A_347#2, %mul3A_371 : vector<16xf32>
      %swap3A_373 = arith.index_cast %add3A_354 : i32 to index
      %swap3A_374 = arith.constant 32 : index
      %swap3A_375 = tpu.vector_load %arg7[%swap3A_373, %swap3A_374] {strides = array<i32>} : memref<128x128xf32, #tpu.memory_space<vmem>>, vector<1x16xf32>,
      %swap3A_376 = vector.shape_cast %swap3A_375 : vector<1x16xf32> to vector<16xf32>
      %swap3A_377 = vector.shape_cast %mul3A_372 : vector<16xf32> to vector<1x16xf32>
      tpu.vector_store %arg7[%swap3A_373, %swap3A_374], %swap3A_377 {strides = array<i32>} : memref<128x128xf32, #tpu.memory_space<vmem>>, vector<1x16xf32>,
      %mul3A_378 = arith.constant 0.141421363 : f32
      %mul3A_379 = vector.broadcast %mul3A_378 : f32 to vector<16xf32>
      %mul3A_380 = arith.mulf %scan3A_347#3, %mul3A_379 : vector<16xf32>
      %swap3A_381 = arith.index_cast %add3A_354 : i32 to index
      %swap3A_382 = arith.constant 48 : index
      %swap3A_383 = tpu.vector_load %arg7[%swap3A_381, %swap3A_382] {strides = array<i32>} : memref<128x128xf32, #tpu.memory_space<vmem>>, vector<1x16xf32>,
      %swap3A_384 = vector.shape_cast %swap3A_383 : vector<1x16xf32> to vector<16xf32>
      %swap3A_385 = vector.shape_cast %mul3A_380 : vector<16xf32> to vector<1x16xf32>
      tpu.vector_store %arg7[%swap3A_381, %swap3A_382], %swap3A_385 {strides = array<i32>} : memref<128x128xf32, #tpu.memory_space<vmem>>, vector<1x16xf32>,
      %mul3A_386 = arith.constant 0.141421363 : f32
      %mul3A_387 = vector.broadcast %mul3A_386 : f32 to vector<16xf32>
      %mul3A_388 = arith.mulf %scan3A_347#4, %mul3A_387 : vector<16xf32>
      %swap3A_389 = arith.index_cast %add3A_354 : i32 to index
      %swap3A_390 = arith.constant 64 : index
      %swap3A_391 = tpu.vector_load %arg7[%swap3A_389, %swap3A_390] {strides = array<i32>} : memref<128x128xf32, #tpu.memory_space<vmem>>, vector<1x16xf32>,
      %swap3A_392 = vector.shape_cast %swap3A_391 : vector<1x16xf32> to vector<16xf32>
      %swap3A_393 = vector.shape_cast %mul3A_388 : vector<16xf32> to vector<1x16xf32>
      tpu.vector_store %arg7[%swap3A_389, %swap3A_390], %swap3A_393 {strides = array<i32>} : memref<128x128xf32, #tpu.memory_space<vmem>>, vector<1x16xf32>,
      %mul3A_394 = arith.constant 0.141421363 : f32
      %mul3A_395 = vector.broadcast %mul3A_394 : f32 to vector<16xf32>
      %mul3A_396 = arith.mulf %scan3A_347#5, %mul3A_395 : vector<16xf32>
      %swap3A_397 = arith.index_cast %add3A_354 : i32 to index
      %swap3A_398 = arith.constant 80 : index
      %swap3A_399 = tpu.vector_load %arg7[%swap3A_397, %swap3A_398] {strides = array<i32>} : memref<128x128xf32, #tpu.memory_space<vmem>>, vector<1x16xf32>,
      %swap3A_400 = vector.shape_cast %swap3A_399 : vector<1x16xf32> to vector<16xf32>
      %swap3A_401 = vector.shape_cast %mul3A_396 : vector<16xf32> to vector<1x16xf32>
      tpu.vector_store %arg7[%swap3A_397, %swap3A_398], %swap3A_401 {strides = array<i32>} : memref<128x128xf32, #tpu.memory_space<vmem>>, vector<1x16xf32>,
      %mul3A_402 = arith.constant 0.141421363 : f32
      %mul3A_403 = vector.broadcast %mul3A_402 : f32 to vector<16xf32>
      %mul3A_404 = arith.mulf %scan3A_347#6, %mul3A_403 : vector<16xf32>
      %swap3A_405 = arith.index_cast %add3A_354 : i32 to index
      %swap3A_406 = arith.constant 96 : index
      %swap3A_407 = tpu.vector_load %arg7[%swap3A_405, %swap3A_406] {strides = array<i32>} : memref<128x128xf32, #tpu.memory_space<vmem>>, vector<1x16xf32>,
      %swap3A_408 = vector.shape_cast %swap3A_407 : vector<1x16xf32> to vector<16xf32>
      %swap3A_409 = vector.shape_cast %mul3A_404 : vector<16xf32> to vector<1x16xf32>
      tpu.vector_store %arg7[%swap3A_405, %swap3A_406], %swap3A_409 {strides = array<i32>} : memref<128x128xf32, #tpu.memory_space<vmem>>, vector<1x16xf32>,
      %mul3A_410 = arith.constant 0.141421363 : f32
      %mul3A_411 = vector.broadcast %mul3A_410 : f32 to vector<16xf32>
      %mul3A_412 = arith.mulf %scan3A_347#7, %mul3A_411 : vector<16xf32>
      %swap3A_413 = arith.index_cast %add3A_354 : i32 to index
      %swap3A_414 = arith.constant 112 : index
      %swap3A_415 = tpu.vector_load %arg7[%swap3A_413, %swap3A_414] {strides = array<i32>} : memref<128x128xf32, #tpu.memory_space<vmem>>, vector<1x16xf32>,
      %swap3A_416 = vector.shape_cast %swap3A_415 : vector<1x16xf32> to vector<16xf32>
      %swap3A_417 = vector.shape_cast %mul3A_412 : vector<16xf32> to vector<1x16xf32>
      tpu.vector_store %arg7[%swap3A_413, %swap3A_414], %swap3A_417 {strides = array<i32>} : memref<128x128xf32, #tpu.memory_space<vmem>>, vector<1x16xf32>,
      %mul3A_418 = arith.constant 4 : i32
      %mul3A_419 = arith.muli %add3A_169, %mul3A_418 : i32
      %add3A_420 = arith.constant 0 : i32
      %add3A_421 = arith.addi %mul3A_419, %add3A_420 : i32
      %add3A_422 = arith.constant 1 : i32
      %add3A_423 = arith.addi %add3A_421, %add3A_422 : i32
      %mul3A_424 = arith.constant 0.141421363 : f32
      %mul3A_425 = vector.broadcast %mul3A_424 : f32 to vector<16xf32>
      %mul3A_426 = arith.mulf %scan3A_347#8, %mul3A_425 : vector<16xf32>
      %swap3A_427 = arith.index_cast %add3A_423 : i32 to index
      %swap3A_428 = arith.constant 0 : index
      %swap3A_429 = tpu.vector_load %arg7[%swap3A_427, %swap3A_428] {strides = array<i32>} : memref<128x128xf32, #tpu.memory_space<vmem>>, vector<1x16xf32>,
      %swap3A_430 = vector.shape_cast %swap3A_429 : vector<1x16xf32> to vector<16xf32>
      %swap3A_431 = vector.shape_cast %mul3A_426 : vector<16xf32> to vector<1x16xf32>
      tpu.vector_store %arg7[%swap3A_427, %swap3A_428], %swap3A_431 {strides = array<i32>} : memref<128x128xf32, #tpu.memory_space<vmem>>, vector<1x16xf32>,
      %mul3A_432 = arith.constant 0.141421363 : f32
      %mul3A_433 = vector.broadcast %mul3A_432 : f32 to vector<16xf32>
      %mul3A_434 = arith.mulf %scan3A_347#9, %mul3A_433 : vector<16xf32>
      %swap3A_435 = arith.index_cast %add3A_423 : i32 to index
      %swap3A_436 = arith.constant 16 : index
      %swap3A_437 = tpu.vector_load %arg7[%swap3A_435, %swap3A_436] {strides = array<i32>} : memref<128x128xf32, #tpu.memory_space<vmem>>, vector<1x16xf32>,
      %swap3A_438 = vector.shape_cast %swap3A_437 : vector<1x16xf32> to vector<16xf32>
      %swap3A_439 = vector.shape_cast %mul3A_434 : vector<16xf32> to vector<1x16xf32>
      tpu.vector_store %arg7[%swap3A_435, %swap3A_436], %swap3A_439 {strides = array<i32>} : memref<128x128xf32, #tpu.memory_space<vmem>>, vector<1x16xf32>,
      %mul3A_440 = arith.constant 0.141421363 : f32
      %mul3A_441 = vector.broadcast %mul3A_440 : f32 to vector<16xf32>
      %mul3A_442 = arith.mulf %scan3A_347#10, %mul3A_441 : vector<16xf32>
      %swap3A_443 = arith.index_cast %add3A_423 : i32 to index
      %swap3A_444 = arith.constant 32 : index
      %swap3A_445 = tpu.vector_load %arg7[%swap3A_443, %swap3A_444] {strides = array<i32>} : memref<128x128xf32, #tpu.memory_space<vmem>>, vector<1x16xf32>,
      %swap3A_446 = vector.shape_cast %swap3A_445 : vector<1x16xf32> to vector<16xf32>
      %swap3A_447 = vector.shape_cast %mul3A_442 : vector<16xf32> to vector<1x16xf32>
      tpu.vector_store %arg7[%swap3A_443, %swap3A_444], %swap3A_447 {strides = array<i32>} : memref<128x128xf32, #tpu.memory_space<vmem>>, vector<1x16xf32>,
      %mul3A_448 = arith.constant 0.141421363 : f32
      %mul3A_449 = vector.broadcast %mul3A_448 : f32 to vector<16xf32>
      %mul3A_450 = arith.mulf %scan3A_347#11, %mul3A_449 : vector<16xf32>
      %swap3A_451 = arith.index_cast %add3A_423 : i32 to index
      %swap3A_452 = arith.constant 48 : index
      %swap3A_453 = tpu.vector_load %arg7[%swap3A_451, %swap3A_452] {strides = array<i32>} : memref<128x128xf32, #tpu.memory_space<vmem>>, vector<1x16xf32>,
      %swap3A_454 = vector.shape_cast %swap3A_453 : vector<1x16xf32> to vector<16xf32>
      %swap3A_455 = vector.shape_cast %mul3A_450 : vector<16xf32> to vector<1x16xf32>
      tpu.vector_store %arg7[%swap3A_451, %swap3A_452], %swap3A_455 {strides = array<i32>} : memref<128x128xf32, #tpu.memory_space<vmem>>, vector<1x16xf32>,
      %mul3A_456 = arith.constant 0.141421363 : f32
      %mul3A_457 = vector.broadcast %mul3A_456 : f32 to vector<16xf32>
      %mul3A_458 = arith.mulf %scan3A_347#12, %mul3A_457 : vector<16xf32>
      %swap3A_459 = arith.index_cast %add3A_423 : i32 to index
      %swap3A_460 = arith.constant 64 : index
      %swap3A_461 = tpu.vector_load %arg7[%swap3A_459, %swap3A_460] {strides = array<i32>} : memref<128x128xf32, #tpu.memory_space<vmem>>, vector<1x16xf32>,
      %swap3A_462 = vector.shape_cast %swap3A_461 : vector<1x16xf32> to vector<16xf32>
      %swap3A_463 = vector.shape_cast %mul3A_458 : vector<16xf32> to vector<1x16xf32>
      tpu.vector_store %arg7[%swap3A_459, %swap3A_460], %swap3A_463 {strides = array<i32>} : memref<128x128xf32, #tpu.memory_space<vmem>>, vector<1x16xf32>,
      %mul3A_464 = arith.constant 0.141421363 : f32
      %mul3A_465 = vector.broadcast %mul3A_464 : f32 to vector<16xf32>
      %mul3A_466 = arith.mulf %scan3A_347#13, %mul3A_465 : vector<16xf32>
      %swap3A_467 = arith.index_cast %add3A_423 : i32 to index
      %swap3A_468 = arith.constant 80 : index
      %swap3A_469 = tpu.vector_load %arg7[%swap3A_467, %swap3A_468] {strides = array<i32>} : memref<128x128xf32, #tpu.memory_space<vmem>>, vector<1x16xf32>,
      %swap3A_470 = vector.shape_cast %swap3A_469 : vector<1x16xf32> to vector<16xf32>
      %swap3A_471 = vector.shape_cast %mul3A_466 : vector<16xf32> to vector<1x16xf32>
      tpu.vector_store %arg7[%swap3A_467, %swap3A_468], %swap3A_471 {strides = array<i32>} : memref<128x128xf32, #tpu.memory_space<vmem>>, vector<1x16xf32>,
      %mul3A_472 = arith.constant 0.141421363 : f32
      %mul3A_473 = vector.broadcast %mul3A_472 : f32 to vector<16xf32>
      %mul3A_474 = arith.mulf %scan3A_347#14, %mul3A_473 : vector<16xf32>
      %swap3A_475 = arith.index_cast %add3A_423 : i32 to index
      %swap3A_476 = arith.constant 96 : index
      %swap3A_477 = tpu.vector_load %arg7[%swap3A_475, %swap3A_476] {strides = array<i32>} : memref<128x128xf32, #tpu.memory_space<vmem>>, vector<1x16xf32>,
      %swap3A_478 = vector.shape_cast %swap3A_477 : vector<1x16xf32> to vector<16xf32>
      %swap3A_479 = vector.shape_cast %mul3A_474 : vector<16xf32> to vector<1x16xf32>
      tpu.vector_store %arg7[%swap3A_475, %swap3A_476], %swap3A_479 {strides = array<i32>} : memref<128x128xf32, #tpu.memory_space<vmem>>, vector<1x16xf32>,
      %mul3A_480 = arith.constant 0.141421363 : f32
      %mul3A_481 = vector.broadcast %mul3A_480 : f32 to vector<16xf32>
      %mul3A_482 = arith.mulf %scan3A_347#15, %mul3A_481 : vector<16xf32>
      %swap3A_483 = arith.index_cast %add3A_423 : i32 to index
      %swap3A_484 = arith.constant 112 : index
      %swap3A_485 = tpu.vector_load %arg7[%swap3A_483, %swap3A_484] {strides = array<i32>} : memref<128x128xf32, #tpu.memory_space<vmem>>, vector<1x16xf32>,
      %swap3A_486 = vector.shape_cast %swap3A_485 : vector<1x16xf32> to vector<16xf32>
      %swap3A_487 = vector.shape_cast %mul3A_482 : vector<16xf32> to vector<1x16xf32>
      tpu.vector_store %arg7[%swap3A_483, %swap3A_484], %swap3A_487 {strides = array<i32>} : memref<128x128xf32, #tpu.memory_space<vmem>>, vector<1x16xf32>,
      %get3A_488 = arith.constant 0 : i32
      %get3A_489 = arith.constant 100 : i32
      %get3A_490 = arith.index_cast %get3A_488 : i32 to index
      %get3A_491 = arith.index_cast %get3A_489 : i32 to index
      %get3A_492 = arith.constant 0 : index
      %get3A_493 = tpu.vector_load %arg6[%get3A_490, %get3A_491, %get3A_492] {strides = array<i32>} : memref<4x200x128xf32, #tpu.memory_space<vmem>>, vector<1x1x16xf32>,
      %get3A_494 = vector.shape_cast %get3A_493 : vector<1x1x16xf32> to vector<16xf32>
      %get3A_495 = arith.constant 0 : i32
      %get3A_496 = arith.constant 100 : i32
      %get3A_497 = arith.index_cast %get3A_495 : i32 to index
      %get3A_498 = arith.index_cast %get3A_496 : i32 to index
      %get3A_499 = arith.constant 16 : index
      %get3A_500 = tpu.vector_load %arg6[%get3A_497, %get3A_498, %get3A_499] {strides = array<i32>} : memref<4x200x128xf32, #tpu.memory_space<vmem>>, vector<1x1x16xf32>,
      %get3A_501 = vector.shape_cast %get3A_500 : vector<1x1x16xf32> to vector<16xf32>
      %get3A_502 = arith.constant 0 : i32
      %get3A_503 = arith.constant 100 : i32
      %get3A_504 = arith.index_cast %get3A_502 : i32 to index
      %get3A_505 = arith.index_cast %get3A_503 : i32 to index
      %get3A_506 = arith.constant 32 : index
      %get3A_507 = tpu.vector_load %arg6[%get3A_504, %get3A_505, %get3A_506] {strides = array<i32>} : memref<4x200x128xf32, #tpu.memory_space<vmem>>, vector<1x1x16xf32>,
      %get3A_508 = vector.shape_cast %get3A_507 : vector<1x1x16xf32> to vector<16xf32>
      %get3A_509 = arith.constant 0 : i32
      %get3A_510 = arith.constant 100 : i32
      %get3A_511 = arith.index_cast %get3A_509 : i32 to index
      %get3A_512 = arith.index_cast %get3A_510 : i32 to index
      %get3A_513 = arith.constant 48 : index
      %get3A_514 = tpu.vector_load %arg6[%get3A_511, %get3A_512, %get3A_513] {strides = array<i32>} : memref<4x200x128xf32, #tpu.memory_space<vmem>>, vector<1x1x16xf32>,
      %get3A_515 = vector.shape_cast %get3A_514 : vector<1x1x16xf32> to vector<16xf32>
      %get3A_516 = arith.constant 0 : i32
      %get3A_517 = arith.constant 100 : i32
      %get3A_518 = arith.index_cast %get3A_516 : i32 to index
      %get3A_519 = arith.index_cast %get3A_517 : i32 to index
      %get3A_520 = arith.constant 64 : index
      %get3A_521 = tpu.vector_load %arg6[%get3A_518, %get3A_519, %get3A_520] {strides = array<i32>} : memref<4x200x128xf32, #tpu.memory_space<vmem>>, vector<1x1x16xf32>,
      %get3A_522 = vector.shape_cast %get3A_521 : vector<1x1x16xf32> to vector<16xf32>
      %get3A_523 = arith.constant 0 : i32
      %get3A_524 = arith.constant 100 : i32
      %get3A_525 = arith.index_cast %get3A_523 : i32 to index
      %get3A_526 = arith.index_cast %get3A_524 : i32 to index
      %get3A_527 = arith.constant 80 : index
      %get3A_528 = tpu.vector_load %arg6[%get3A_525, %get3A_526, %get3A_527] {strides = array<i32>} : memref<4x200x128xf32, #tpu.memory_space<vmem>>, vector<1x1x16xf32>,
      %get3A_529 = vector.shape_cast %get3A_528 : vector<1x1x16xf32> to vector<16xf32>
      %get3A_530 = arith.constant 0 : i32
      %get3A_531 = arith.constant 100 : i32
      %get3A_532 = arith.index_cast %get3A_530 : i32 to index
      %get3A_533 = arith.index_cast %get3A_531 : i32 to index
      %get3A_534 = arith.constant 96 : index
      %get3A_535 = tpu.vector_load %arg6[%get3A_532, %get3A_533, %get3A_534] {strides = array<i32>} : memref<4x200x128xf32, #tpu.memory_space<vmem>>, vector<1x1x16xf32>,
      %get3A_536 = vector.shape_cast %get3A_535 : vector<1x1x16xf32> to vector<16xf32>
      %get3A_537 = arith.constant 0 : i32
      %get3A_538 = arith.constant 100 : i32
      %get3A_539 = arith.index_cast %get3A_537 : i32 to index
      %get3A_540 = arith.index_cast %get3A_538 : i32 to index
      %get3A_541 = arith.constant 112 : index
      %get3A_542 = tpu.vector_load %arg6[%get3A_539, %get3A_540, %get3A_541] {strides = array<i32>} : memref<4x200x128xf32, #tpu.memory_space<vmem>>, vector<1x1x16xf32>,
      %get3A_543 = vector.shape_cast %get3A_542 : vector<1x1x16xf32> to vector<16xf32>
      %get3A_544 = arith.constant 0 : i32
      %get3A_545 = arith.constant 150 : i32
      %get3A_546 = arith.index_cast %get3A_544 : i32 to index
      %get3A_547 = arith.index_cast %get3A_545 : i32 to index
      %get3A_548 = arith.constant 0 : index
      %get3A_549 = tpu.vector_load %arg6[%get3A_546, %get3A_547, %get3A_548] {strides = array<i32>} : memref<4x200x128xf32, #tpu.memory_space<vmem>>, vector<1x1x16xf32>,
      %get3A_550 = vector.shape_cast %get3A_549 : vector<1x1x16xf32> to vector<16xf32>
      %get3A_551 = arith.constant 0 : i32
      %get3A_552 = arith.constant 150 : i32
      %get3A_553 = arith.index_cast %get3A_551 : i32 to index
      %get3A_554 = arith.index_cast %get3A_552 : i32 to index
      %get3A_555 = arith.constant 16 : index
      %get3A_556 = tpu.vector_load %arg6[%get3A_553, %get3A_554, %get3A_555] {strides = array<i32>} : memref<4x200x128xf32, #tpu.memory_space<vmem>>, vector<1x1x16xf32>,
      %get3A_557 = vector.shape_cast %get3A_556 : vector<1x1x16xf32> to vector<16xf32>
      %get3A_558 = arith.constant 0 : i32
      %get3A_559 = arith.constant 150 : i32
      %get3A_560 = arith.index_cast %get3A_558 : i32 to index
      %get3A_561 = arith.index_cast %get3A_559 : i32 to index
      %get3A_562 = arith.constant 32 : index
      %get3A_563 = tpu.vector_load %arg6[%get3A_560, %get3A_561, %get3A_562] {strides = array<i32>} : memref<4x200x128xf32, #tpu.memory_space<vmem>>, vector<1x1x16xf32>,
      %get3A_564 = vector.shape_cast %get3A_563 : vector<1x1x16xf32> to vector<16xf32>
      %get3A_565 = arith.constant 0 : i32
      %get3A_566 = arith.constant 150 : i32
      %get3A_567 = arith.index_cast %get3A_565 : i32 to index
      %get3A_568 = arith.index_cast %get3A_566 : i32 to index
      %get3A_569 = arith.constant 48 : index
      %get3A_570 = tpu.vector_load %arg6[%get3A_567, %get3A_568, %get3A_569] {strides = array<i32>} : memref<4x200x128xf32, #tpu.memory_space<vmem>>, vector<1x1x16xf32>,
      %get3A_571 = vector.shape_cast %get3A_570 : vector<1x1x16xf32> to vector<16xf32>
      %get3A_572 = arith.constant 0 : i32
      %get3A_573 = arith.constant 150 : i32
      %get3A_574 = arith.index_cast %get3A_572 : i32 to index
      %get3A_575 = arith.index_cast %get3A_573 : i32 to index
      %get3A_576 = arith.constant 64 : index
      %get3A_577 = tpu.vector_load %arg6[%get3A_574, %get3A_575, %get3A_576] {strides = array<i32>} : memref<4x200x128xf32, #tpu.memory_space<vmem>>, vector<1x1x16xf32>,
      %get3A_578 = vector.shape_cast %get3A_577 : vector<1x1x16xf32> to vector<16xf32>
      %get3A_579 = arith.constant 0 : i32
      %get3A_580 = arith.constant 150 : i32
      %get3A_581 = arith.index_cast %get3A_579 : i32 to index
      %get3A_582 = arith.index_cast %get3A_580 : i32 to index
      %get3A_583 = arith.constant 80 : index
      %get3A_584 = tpu.vector_load %arg6[%get3A_581, %get3A_582, %get3A_583] {strides = array<i32>} : memref<4x200x128xf32, #tpu.memory_space<vmem>>, vector<1x1x16xf32>,
      %get3A_585 = vector.shape_cast %get3A_584 : vector<1x1x16xf32> to vector<16xf32>
      %get3A_586 = arith.constant 0 : i32
      %get3A_587 = arith.constant 150 : i32
      %get3A_588 = arith.index_cast %get3A_586 : i32 to index
      %get3A_589 = arith.index_cast %get3A_587 : i32 to index
      %get3A_590 = arith.constant 96 : index
      %get3A_591 = tpu.vector_load %arg6[%get3A_588, %get3A_589, %get3A_590] {strides = array<i32>} : memref<4x200x128xf32, #tpu.memory_space<vmem>>, vector<1x1x16xf32>,
      %get3A_592 = vector.shape_cast %get3A_591 : vector<1x1x16xf32> to vector<16xf32>
      %get3A_593 = arith.constant 0 : i32
      %get3A_594 = arith.constant 150 : i32
      %get3A_595 = arith.index_cast %get3A_593 : i32 to index
      %get3A_596 = arith.index_cast %get3A_594 : i32 to index
      %get3A_597 = arith.constant 112 : index
      %get3A_598 = tpu.vector_load %arg6[%get3A_595, %get3A_596, %get3A_597] {strides = array<i32>} : memref<4x200x128xf32, #tpu.memory_space<vmem>>, vector<1x1x16xf32>,
      %get3A_599 = vector.shape_cast %get3A_598 : vector<1x1x16xf32> to vector<16xf32>
      %scan3A_600 = arith.constant 1 : i32
      %scan3A_601 = arith.constant 49 : i32
      %scan3A_602 = arith.addi %scan3A_600, %scan3A_601 : i32
      %scan3A_603 = arith.constant 1 : i32
      %scan3A_604:16 = scf.for %scan3A_2507 = %scan3A_600 to %scan3A_602 step %scan3A_603 iter_args(%scan3A_2508 = %get3A_494, %scan3A_2509 = %get3A_501, %scan3A_2510 = %get3A_508, %scan3A_2511 = %get3A_515, %scan3A_2512 = %get3A_522, %scan3A_2513 = %get3A_529, %scan3A_2514 = %get3A_536, %scan3A_2515 = %get3A_543, %scan3A_2516 = %get3A_550, %scan3A_2517 = %get3A_557, %scan3A_2518 = %get3A_564, %scan3A_2519 = %get3A_571, %scan3A_2520 = %get3A_578, %scan3A_2521 = %get3A_585, %scan3A_2522 = %get3A_592, %scan3A_2523 = %get3A_599) -> (vector<16xf32>, vector<16xf32>, vector<16xf32>, vector<16xf32>, vector<16xf32>, vector<16xf32>, vector<16xf32>, vector<16xf32>, vector<16xf32>, vector<16xf32>, vector<16xf32>, vector<16xf32>, vector<16xf32>, vector<16xf32>, vector<16xf32>, vector<16xf32>)  : i32 {
        %add3A_2524 = arith.constant 100 : i32
        %add3A_2525 = arith.addi %add3A_2524, %scan3A_2507 : i32
        %get3A_2526 = arith.constant 0 : i32
        %get3A_2527 = arith.index_cast %get3A_2526 : i32 to index
        %get3A_2528 = arith.index_cast %add3A_2525 : i32 to index
        %get3A_2529 = arith.constant 0 : index
        %get3A_2530 = tpu.vector_load %arg6[%get3A_2527, %get3A_2528, %get3A_2529] {strides = array<i32>} : memref<4x200x128xf32, #tpu.memory_space<vmem>>, vector<1x1x16xf32>,
        %get3A_2531 = vector.shape_cast %get3A_2530 : vector<1x1x16xf32> to vector<16xf32>
        %add3A_2532 = arith.addf %scan3A_2508, %get3A_2531 : vector<16xf32>
        %add3A_2533 = arith.constant 100 : i32
        %add3A_2534 = arith.addi %add3A_2533, %scan3A_2507 : i32
        %get3A_2535 = arith.constant 0 : i32
        %get3A_2536 = arith.index_cast %get3A_2535 : i32 to index
        %get3A_2537 = arith.index_cast %add3A_2534 : i32 to index
        %get3A_2538 = arith.constant 16 : index
        %get3A_2539 = tpu.vector_load %arg6[%get3A_2536, %get3A_2537, %get3A_2538] {strides = array<i32>} : memref<4x200x128xf32, #tpu.memory_space<vmem>>, vector<1x1x16xf32>,
        %get3A_2540 = vector.shape_cast %get3A_2539 : vector<1x1x16xf32> to vector<16xf32>
        %add3A_2541 = arith.addf %scan3A_2509, %get3A_2540 : vector<16xf32>
        %add3A_2542 = arith.constant 100 : i32
        %add3A_2543 = arith.addi %add3A_2542, %scan3A_2507 : i32
        %get3A_2544 = arith.constant 0 : i32
        %get3A_2545 = arith.index_cast %get3A_2544 : i32 to index
        %get3A_2546 = arith.index_cast %add3A_2543 : i32 to index
        %get3A_2547 = arith.constant 32 : index
        %get3A_2548 = tpu.vector_load %arg6[%get3A_2545, %get3A_2546, %get3A_2547] {strides = array<i32>} : memref<4x200x128xf32, #tpu.memory_space<vmem>>, vector<1x1x16xf32>,
        %get3A_2549 = vector.shape_cast %get3A_2548 : vector<1x1x16xf32> to vector<16xf32>
        %add3A_2550 = arith.addf %scan3A_2510, %get3A_2549 : vector<16xf32>
        %add3A_2551 = arith.constant 100 : i32
        %add3A_2552 = arith.addi %add3A_2551, %scan3A_2507 : i32
        %get3A_2553 = arith.constant 0 : i32
        %get3A_2554 = arith.index_cast %get3A_2553 : i32 to index
        %get3A_2555 = arith.index_cast %add3A_2552 : i32 to index
        %get3A_2556 = arith.constant 48 : index
        %get3A_2557 = tpu.vector_load %arg6[%get3A_2554, %get3A_2555, %get3A_2556] {strides = array<i32>} : memref<4x200x128xf32, #tpu.memory_space<vmem>>, vector<1x1x16xf32>,
        %get3A_2558 = vector.shape_cast %get3A_2557 : vector<1x1x16xf32> to vector<16xf32>
        %add3A_2559 = arith.addf %scan3A_2511, %get3A_2558 : vector<16xf32>
        %add3A_2560 = arith.constant 100 : i32
        %add3A_2561 = arith.addi %add3A_2560, %scan3A_2507 : i32
        %get3A_2562 = arith.constant 0 : i32
        %get3A_2563 = arith.index_cast %get3A_2562 : i32 to index
        %get3A_2564 = arith.index_cast %add3A_2561 : i32 to index
        %get3A_2565 = arith.constant 64 : index
        %get3A_2566 = tpu.vector_load %arg6[%get3A_2563, %get3A_2564, %get3A_2565] {strides = array<i32>} : memref<4x200x128xf32, #tpu.memory_space<vmem>>, vector<1x1x16xf32>,
        %get3A_2567 = vector.shape_cast %get3A_2566 : vector<1x1x16xf32> to vector<16xf32>
        %add3A_2568 = arith.addf %scan3A_2512, %get3A_2567 : vector<16xf32>
        %add3A_2569 = arith.constant 100 : i32
        %add3A_2570 = arith.addi %add3A_2569, %scan3A_2507 : i32
        %get3A_2571 = arith.constant 0 : i32
        %get3A_2572 = arith.index_cast %get3A_2571 : i32 to index
        %get3A_2573 = arith.index_cast %add3A_2570 : i32 to index
        %get3A_2574 = arith.constant 80 : index
        %get3A_2575 = tpu.vector_load %arg6[%get3A_2572, %get3A_2573, %get3A_2574] {strides = array<i32>} : memref<4x200x128xf32, #tpu.memory_space<vmem>>, vector<1x1x16xf32>,
        %get3A_2576 = vector.shape_cast %get3A_2575 : vector<1x1x16xf32> to vector<16xf32>
        %add3A_2577 = arith.addf %scan3A_2513, %get3A_2576 : vector<16xf32>
        %add3A_2578 = arith.constant 100 : i32
        %add3A_2579 = arith.addi %add3A_2578, %scan3A_2507 : i32
        %get3A_2580 = arith.constant 0 : i32
        %get3A_2581 = arith.index_cast %get3A_2580 : i32 to index
        %get3A_2582 = arith.index_cast %add3A_2579 : i32 to index
        %get3A_2583 = arith.constant 96 : index
        %get3A_2584 = tpu.vector_load %arg6[%get3A_2581, %get3A_2582, %get3A_2583] {strides = array<i32>} : memref<4x200x128xf32, #tpu.memory_space<vmem>>, vector<1x1x16xf32>,
        %get3A_2585 = vector.shape_cast %get3A_2584 : vector<1x1x16xf32> to vector<16xf32>
        %add3A_2586 = arith.addf %scan3A_2514, %get3A_2585 : vector<16xf32>
        %add3A_2587 = arith.constant 100 : i32
        %add3A_2588 = arith.addi %add3A_2587, %scan3A_2507 : i32
        %get3A_2589 = arith.constant 0 : i32
        %get3A_2590 = arith.index_cast %get3A_2589 : i32 to index
        %get3A_2591 = arith.index_cast %add3A_2588 : i32 to index
        %get3A_2592 = arith.constant 112 : index
        %get3A_2593 = tpu.vector_load %arg6[%get3A_2590, %get3A_2591, %get3A_2592] {strides = array<i32>} : memref<4x200x128xf32, #tpu.memory_space<vmem>>, vector<1x1x16xf32>,
        %get3A_2594 = vector.shape_cast %get3A_2593 : vector<1x1x16xf32> to vector<16xf32>
        %add3A_2595 = arith.addf %scan3A_2515, %get3A_2594 : vector<16xf32>
        %add3A_2596 = arith.constant 150 : i32
        %add3A_2597 = arith.addi %add3A_2596, %scan3A_2507 : i32
        %get3A_2598 = arith.constant 0 : i32
        %get3A_2599 = arith.index_cast %get3A_2598 : i32 to index
        %get3A_2600 = arith.index_cast %add3A_2597 : i32 to index
        %get3A_2601 = arith.constant 0 : index
        %get3A_2602 = tpu.vector_load %arg6[%get3A_2599, %get3A_2600, %get3A_2601] {strides = array<i32>} : memref<4x200x128xf32, #tpu.memory_space<vmem>>, vector<1x1x16xf32>,
        %get3A_2603 = vector.shape_cast %get3A_2602 : vector<1x1x16xf32> to vector<16xf32>
        %add3A_2604 = arith.addf %scan3A_2516, %get3A_2603 : vector<16xf32>
        %add3A_2605 = arith.constant 150 : i32
        %add3A_2606 = arith.addi %add3A_2605, %scan3A_2507 : i32
        %get3A_2607 = arith.constant 0 : i32
        %get3A_2608 = arith.index_cast %get3A_2607 : i32 to index
        %get3A_2609 = arith.index_cast %add3A_2606 : i32 to index
        %get3A_2610 = arith.constant 16 : index
        %get3A_2611 = tpu.vector_load %arg6[%get3A_2608, %get3A_2609, %get3A_2610] {strides = array<i32>} : memref<4x200x128xf32, #tpu.memory_space<vmem>>, vector<1x1x16xf32>,
        %get3A_2612 = vector.shape_cast %get3A_2611 : vector<1x1x16xf32> to vector<16xf32>
        %add3A_2613 = arith.addf %scan3A_2517, %get3A_2612 : vector<16xf32>
        %add3A_2614 = arith.constant 150 : i32
        %add3A_2615 = arith.addi %add3A_2614, %scan3A_2507 : i32
        %get3A_2616 = arith.constant 0 : i32
        %get3A_2617 = arith.index_cast %get3A_2616 : i32 to index
        %get3A_2618 = arith.index_cast %add3A_2615 : i32 to index
        %get3A_2619 = arith.constant 32 : index
        %get3A_2620 = tpu.vector_load %arg6[%get3A_2617, %get3A_2618, %get3A_2619] {strides = array<i32>} : memref<4x200x128xf32, #tpu.memory_space<vmem>>, vector<1x1x16xf32>,
        %get3A_2621 = vector.shape_cast %get3A_2620 : vector<1x1x16xf32> to vector<16xf32>
        %add3A_2622 = arith.addf %scan3A_2518, %get3A_2621 : vector<16xf32>
        %add3A_2623 = arith.constant 150 : i32
        %add3A_2624 = arith.addi %add3A_2623, %scan3A_2507 : i32
        %get3A_2625 = arith.constant 0 : i32
        %get3A_2626 = arith.index_cast %get3A_2625 : i32 to index
        %get3A_2627 = arith.index_cast %add3A_2624 : i32 to index
        %get3A_2628 = arith.constant 48 : index
        %get3A_2629 = tpu.vector_load %arg6[%get3A_2626, %get3A_2627, %get3A_2628] {strides = array<i32>} : memref<4x200x128xf32, #tpu.memory_space<vmem>>, vector<1x1x16xf32>,
        %get3A_2630 = vector.shape_cast %get3A_2629 : vector<1x1x16xf32> to vector<16xf32>
        %add3A_2631 = arith.addf %scan3A_2519, %get3A_2630 : vector<16xf32>
        %add3A_2632 = arith.constant 150 : i32
        %add3A_2633 = arith.addi %add3A_2632, %scan3A_2507 : i32
        %get3A_2634 = arith.constant 0 : i32
        %get3A_2635 = arith.index_cast %get3A_2634 : i32 to index
        %get3A_2636 = arith.index_cast %add3A_2633 : i32 to index
        %get3A_2637 = arith.constant 64 : index
        %get3A_2638 = tpu.vector_load %arg6[%get3A_2635, %get3A_2636, %get3A_2637] {strides = array<i32>} : memref<4x200x128xf32, #tpu.memory_space<vmem>>, vector<1x1x16xf32>,
        %get3A_2639 = vector.shape_cast %get3A_2638 : vector<1x1x16xf32> to vector<16xf32>
        %add3A_2640 = arith.addf %scan3A_2520, %get3A_2639 : vector<16xf32>
        %add3A_2641 = arith.constant 150 : i32
        %add3A_2642 = arith.addi %add3A_2641, %scan3A_2507 : i32
        %get3A_2643 = arith.constant 0 : i32
        %get3A_2644 = arith.index_cast %get3A_2643 : i32 to index
        %get3A_2645 = arith.index_cast %add3A_2642 : i32 to index
        %get3A_2646 = arith.constant 80 : index
        %get3A_2647 = tpu.vector_load %arg6[%get3A_2644, %get3A_2645, %get3A_2646] {strides = array<i32>} : memref<4x200x128xf32, #tpu.memory_space<vmem>>, vector<1x1x16xf32>,
        %get3A_2648 = vector.shape_cast %get3A_2647 : vector<1x1x16xf32> to vector<16xf32>
        %add3A_2649 = arith.addf %scan3A_2521, %get3A_2648 : vector<16xf32>
        %add3A_2650 = arith.constant 150 : i32
        %add3A_2651 = arith.addi %add3A_2650, %scan3A_2507 : i32
        %get3A_2652 = arith.constant 0 : i32
        %get3A_2653 = arith.index_cast %get3A_2652 : i32 to index
        %get3A_2654 = arith.index_cast %add3A_2651 : i32 to index
        %get3A_2655 = arith.constant 96 : index
        %get3A_2656 = tpu.vector_load %arg6[%get3A_2653, %get3A_2654, %get3A_2655] {strides = array<i32>} : memref<4x200x128xf32, #tpu.memory_space<vmem>>, vector<1x1x16xf32>,
        %get3A_2657 = vector.shape_cast %get3A_2656 : vector<1x1x16xf32> to vector<16xf32>
        %add3A_2658 = arith.addf %scan3A_2522, %get3A_2657 : vector<16xf32>
        %add3A_2659 = arith.constant 150 : i32
        %add3A_2660 = arith.addi %add3A_2659, %scan3A_2507 : i32
        %get3A_2661 = arith.constant 0 : i32
        %get3A_2662 = arith.index_cast %get3A_2661 : i32 to index
        %get3A_2663 = arith.index_cast %add3A_2660 : i32 to index
        %get3A_2664 = arith.constant 112 : index
        %get3A_2665 = tpu.vector_load %arg6[%get3A_2662, %get3A_2663, %get3A_2664] {strides = array<i32>} : memref<4x200x128xf32, #tpu.memory_space<vmem>>, vector<1x1x16xf32>,
        %get3A_2666 = vector.shape_cast %get3A_2665 : vector<1x1x16xf32> to vector<16xf32>
        %add3A_2667 = arith.addf %scan3A_2523, %get3A_2666 : vector<16xf32>
        scf.yield %add3A_2532, %add3A_2541, %add3A_2550, %add3A_2559, %add3A_2568, %add3A_2577, %add3A_2586, %add3A_2595, %add3A_2604, %add3A_2613, %add3A_2622, %add3A_2631, %add3A_2640, %add3A_2649, %add3A_2658, %add3A_2667 : vector<16xf32>, vector<16xf32>, vector<16xf32>, vector<16xf32>, vector<16xf32>, vector<16xf32>, vector<16xf32>, vector<16xf32>, vector<16xf32>, vector<16xf32>, vector<16xf32>, vector<16xf32>, vector<16xf32>, vector<16xf32>, vector<16xf32>, vector<16xf32>
      }
      %scan3A_605 = arith.constant 49 : i32
      %mul3A_606 = arith.constant 4 : i32
      %mul3A_607 = arith.muli %add3A_169, %mul3A_606 : i32
      %add3A_608 = arith.constant 2 : i32
      %add3A_609 = arith.addi %mul3A_607, %add3A_608 : i32
      %add3A_610 = arith.constant 0 : i32
      %add3A_611 = arith.addi %add3A_609, %add3A_610 : i32
      %mul3A_612 = arith.constant 0.141421363 : f32
      %mul3A_613 = vector.broadcast %mul3A_612 : f32 to vector<16xf32>
      %mul3A_614 = arith.mulf %scan3A_604#0, %mul3A_613 : vector<16xf32>
      %swap3A_615 = arith.index_cast %add3A_611 : i32 to index
      %swap3A_616 = arith.constant 0 : index
      %swap3A_617 = tpu.vector_load %arg7[%swap3A_615, %swap3A_616] {strides = array<i32>} : memref<128x128xf32, #tpu.memory_space<vmem>>, vector<1x16xf32>,
      %swap3A_618 = vector.shape_cast %swap3A_617 : vector<1x16xf32> to vector<16xf32>
      %swap3A_619 = vector.shape_cast %mul3A_614 : vector<16xf32> to vector<1x16xf32>
      tpu.vector_store %arg7[%swap3A_615, %swap3A_616], %swap3A_619 {strides = array<i32>} : memref<128x128xf32, #tpu.memory_space<vmem>>, vector<1x16xf32>,
      %mul3A_620 = arith.constant 0.141421363 : f32
      %mul3A_621 = vector.broadcast %mul3A_620 : f32 to vector<16xf32>
      %mul3A_622 = arith.mulf %scan3A_604#1, %mul3A_621 : vector<16xf32>
      %swap3A_623 = arith.index_cast %add3A_611 : i32 to index
      %swap3A_624 = arith.constant 16 : index
      %swap3A_625 = tpu.vector_load %arg7[%swap3A_623, %swap3A_624] {strides = array<i32>} : memref<128x128xf32, #tpu.memory_space<vmem>>, vector<1x16xf32>,
      %swap3A_626 = vector.shape_cast %swap3A_625 : vector<1x16xf32> to vector<16xf32>
      %swap3A_627 = vector.shape_cast %mul3A_622 : vector<16xf32> to vector<1x16xf32>
      tpu.vector_store %arg7[%swap3A_623, %swap3A_624], %swap3A_627 {strides = array<i32>} : memref<128x128xf32, #tpu.memory_space<vmem>>, vector<1x16xf32>,
      %mul3A_628 = arith.constant 0.141421363 : f32
      %mul3A_629 = vector.broadcast %mul3A_628 : f32 to vector<16xf32>
      %mul3A_630 = arith.mulf %scan3A_604#2, %mul3A_629 : vector<16xf32>
      %swap3A_631 = arith.index_cast %add3A_611 : i32 to index
      %swap3A_632 = arith.constant 32 : index
      %swap3A_633 = tpu.vector_load %arg7[%swap3A_631, %swap3A_632] {strides = array<i32>} : memref<128x128xf32, #tpu.memory_space<vmem>>, vector<1x16xf32>,
      %swap3A_634 = vector.shape_cast %swap3A_633 : vector<1x16xf32> to vector<16xf32>
      %swap3A_635 = vector.shape_cast %mul3A_630 : vector<16xf32> to vector<1x16xf32>
      tpu.vector_store %arg7[%swap3A_631, %swap3A_632], %swap3A_635 {strides = array<i32>} : memref<128x128xf32, #tpu.memory_space<vmem>>, vector<1x16xf32>,
      %mul3A_636 = arith.constant 0.141421363 : f32
      %mul3A_637 = vector.broadcast %mul3A_636 : f32 to vector<16xf32>
      %mul3A_638 = arith.mulf %scan3A_604#3, %mul3A_637 : vector<16xf32>
      %swap3A_639 = arith.index_cast %add3A_611 : i32 to index
      %swap3A_640 = arith.constant 48 : index
      %swap3A_641 = tpu.vector_load %arg7[%swap3A_639, %swap3A_640] {strides = array<i32>} : memref<128x128xf32, #tpu.memory_space<vmem>>, vector<1x16xf32>,
      %swap3A_642 = vector.shape_cast %swap3A_641 : vector<1x16xf32> to vector<16xf32>
      %swap3A_643 = vector.shape_cast %mul3A_638 : vector<16xf32> to vector<1x16xf32>
      tpu.vector_store %arg7[%swap3A_639, %swap3A_640], %swap3A_643 {strides = array<i32>} : memref<128x128xf32, #tpu.memory_space<vmem>>, vector<1x16xf32>,
      %mul3A_644 = arith.constant 0.141421363 : f32
      %mul3A_645 = vector.broadcast %mul3A_644 : f32 to vector<16xf32>
      %mul3A_646 = arith.mulf %scan3A_604#4, %mul3A_645 : vector<16xf32>
      %swap3A_647 = arith.index_cast %add3A_611 : i32 to index
      %swap3A_648 = arith.constant 64 : index
      %swap3A_649 = tpu.vector_load %arg7[%swap3A_647, %swap3A_648] {strides = array<i32>} : memref<128x128xf32, #tpu.memory_space<vmem>>, vector<1x16xf32>,
      %swap3A_650 = vector.shape_cast %swap3A_649 : vector<1x16xf32> to vector<16xf32>
      %swap3A_651 = vector.shape_cast %mul3A_646 : vector<16xf32> to vector<1x16xf32>
      tpu.vector_store %arg7[%swap3A_647, %swap3A_648], %swap3A_651 {strides = array<i32>} : memref<128x128xf32, #tpu.memory_space<vmem>>, vector<1x16xf32>,
      %mul3A_652 = arith.constant 0.141421363 : f32
      %mul3A_653 = vector.broadcast %mul3A_652 : f32 to vector<16xf32>
      %mul3A_654 = arith.mulf %scan3A_604#5, %mul3A_653 : vector<16xf32>
      %swap3A_655 = arith.index_cast %add3A_611 : i32 to index
      %swap3A_656 = arith.constant 80 : index
      %swap3A_657 = tpu.vector_load %arg7[%swap3A_655, %swap3A_656] {strides = array<i32>} : memref<128x128xf32, #tpu.memory_space<vmem>>, vector<1x16xf32>,
      %swap3A_658 = vector.shape_cast %swap3A_657 : vector<1x16xf32> to vector<16xf32>
      %swap3A_659 = vector.shape_cast %mul3A_654 : vector<16xf32> to vector<1x16xf32>
      tpu.vector_store %arg7[%swap3A_655, %swap3A_656], %swap3A_659 {strides = array<i32>} : memref<128x128xf32, #tpu.memory_space<vmem>>, vector<1x16xf32>,
      %mul3A_660 = arith.constant 0.141421363 : f32
      %mul3A_661 = vector.broadcast %mul3A_660 : f32 to vector<16xf32>
      %mul3A_662 = arith.mulf %scan3A_604#6, %mul3A_661 : vector<16xf32>
      %swap3A_663 = arith.index_cast %add3A_611 : i32 to index
      %swap3A_664 = arith.constant 96 : index
      %swap3A_665 = tpu.vector_load %arg7[%swap3A_663, %swap3A_664] {strides = array<i32>} : memref<128x128xf32, #tpu.memory_space<vmem>>, vector<1x16xf32>,
      %swap3A_666 = vector.shape_cast %swap3A_665 : vector<1x16xf32> to vector<16xf32>
      %swap3A_667 = vector.shape_cast %mul3A_662 : vector<16xf32> to vector<1x16xf32>
      tpu.vector_store %arg7[%swap3A_663, %swap3A_664], %swap3A_667 {strides = array<i32>} : memref<128x128xf32, #tpu.memory_space<vmem>>, vector<1x16xf32>,
      %mul3A_668 = arith.constant 0.141421363 : f32
      %mul3A_669 = vector.broadcast %mul3A_668 : f32 to vector<16xf32>
      %mul3A_670 = arith.mulf %scan3A_604#7, %mul3A_669 : vector<16xf32>
      %swap3A_671 = arith.index_cast %add3A_611 : i32 to index
      %swap3A_672 = arith.constant 112 : index
      %swap3A_673 = tpu.vector_load %arg7[%swap3A_671, %swap3A_672] {strides = array<i32>} : memref<128x128xf32, #tpu.memory_space<vmem>>, vector<1x16xf32>,
      %swap3A_674 = vector.shape_cast %swap3A_673 : vector<1x16xf32> to vector<16xf32>
      %swap3A_675 = vector.shape_cast %mul3A_670 : vector<16xf32> to vector<1x16xf32>
      tpu.vector_store %arg7[%swap3A_671, %swap3A_672], %swap3A_675 {strides = array<i32>} : memref<128x128xf32, #tpu.memory_space<vmem>>, vector<1x16xf32>,
      %mul3A_676 = arith.constant 4 : i32
      %mul3A_677 = arith.muli %add3A_169, %mul3A_676 : i32
      %add3A_678 = arith.constant 2 : i32
      %add3A_679 = arith.addi %mul3A_677, %add3A_678 : i32
      %add3A_680 = arith.constant 1 : i32
      %add3A_681 = arith.addi %add3A_679, %add3A_680 : i32
      %mul3A_682 = arith.constant 0.141421363 : f32
      %mul3A_683 = vector.broadcast %mul3A_682 : f32 to vector<16xf32>
      %mul3A_684 = arith.mulf %scan3A_604#8, %mul3A_683 : vector<16xf32>
      %swap3A_685 = arith.index_cast %add3A_681 : i32 to index
      %swap3A_686 = arith.constant 0 : index
      %swap3A_687 = tpu.vector_load %arg7[%swap3A_685, %swap3A_686] {strides = array<i32>} : memref<128x128xf32, #tpu.memory_space<vmem>>, vector<1x16xf32>,
      %swap3A_688 = vector.shape_cast %swap3A_687 : vector<1x16xf32> to vector<16xf32>
      %swap3A_689 = vector.shape_cast %mul3A_684 : vector<16xf32> to vector<1x16xf32>
      tpu.vector_store %arg7[%swap3A_685, %swap3A_686], %swap3A_689 {strides = array<i32>} : memref<128x128xf32, #tpu.memory_space<vmem>>, vector<1x16xf32>,
      %mul3A_690 = arith.constant 0.141421363 : f32
      %mul3A_691 = vector.broadcast %mul3A_690 : f32 to vector<16xf32>
      %mul3A_692 = arith.mulf %scan3A_604#9, %mul3A_691 : vector<16xf32>
      %swap3A_693 = arith.index_cast %add3A_681 : i32 to index
      %swap3A_694 = arith.constant 16 : index
      %swap3A_695 = tpu.vector_load %arg7[%swap3A_693, %swap3A_694] {strides = array<i32>} : memref<128x128xf32, #tpu.memory_space<vmem>>, vector<1x16xf32>,
      %swap3A_696 = vector.shape_cast %swap3A_695 : vector<1x16xf32> to vector<16xf32>
      %swap3A_697 = vector.shape_cast %mul3A_692 : vector<16xf32> to vector<1x16xf32>
      tpu.vector_store %arg7[%swap3A_693, %swap3A_694], %swap3A_697 {strides = array<i32>} : memref<128x128xf32, #tpu.memory_space<vmem>>, vector<1x16xf32>,
      %mul3A_698 = arith.constant 0.141421363 : f32
      %mul3A_699 = vector.broadcast %mul3A_698 : f32 to vector<16xf32>
      %mul3A_700 = arith.mulf %scan3A_604#10, %mul3A_699 : vector<16xf32>
      %swap3A_701 = arith.index_cast %add3A_681 : i32 to index
      %swap3A_702 = arith.constant 32 : index
      %swap3A_703 = tpu.vector_load %arg7[%swap3A_701, %swap3A_702] {strides = array<i32>} : memref<128x128xf32, #tpu.memory_space<vmem>>, vector<1x16xf32>,
      %swap3A_704 = vector.shape_cast %swap3A_703 : vector<1x16xf32> to vector<16xf32>
      %swap3A_705 = vector.shape_cast %mul3A_700 : vector<16xf32> to vector<1x16xf32>
      tpu.vector_store %arg7[%swap3A_701, %swap3A_702], %swap3A_705 {strides = array<i32>} : memref<128x128xf32, #tpu.memory_space<vmem>>, vector<1x16xf32>,
      %mul3A_706 = arith.constant 0.141421363 : f32
      %mul3A_707 = vector.broadcast %mul3A_706 : f32 to vector<16xf32>
      %mul3A_708 = arith.mulf %scan3A_604#11, %mul3A_707 : vector<16xf32>
      %swap3A_709 = arith.index_cast %add3A_681 : i32 to index
      %swap3A_710 = arith.constant 48 : index
      %swap3A_711 = tpu.vector_load %arg7[%swap3A_709, %swap3A_710] {strides = array<i32>} : memref<128x128xf32, #tpu.memory_space<vmem>>, vector<1x16xf32>,
      %swap3A_712 = vector.shape_cast %swap3A_711 : vector<1x16xf32> to vector<16xf32>
      %swap3A_713 = vector.shape_cast %mul3A_708 : vector<16xf32> to vector<1x16xf32>
      tpu.vector_store %arg7[%swap3A_709, %swap3A_710], %swap3A_713 {strides = array<i32>} : memref<128x128xf32, #tpu.memory_space<vmem>>, vector<1x16xf32>,
      %mul3A_714 = arith.constant 0.141421363 : f32
      %mul3A_715 = vector.broadcast %mul3A_714 : f32 to vector<16xf32>
      %mul3A_716 = arith.mulf %scan3A_604#12, %mul3A_715 : vector<16xf32>
      %swap3A_717 = arith.index_cast %add3A_681 : i32 to index
      %swap3A_718 = arith.constant 64 : index
      %swap3A_719 = tpu.vector_load %arg7[%swap3A_717, %swap3A_718] {strides = array<i32>} : memref<128x128xf32, #tpu.memory_space<vmem>>, vector<1x16xf32>,
      %swap3A_720 = vector.shape_cast %swap3A_719 : vector<1x16xf32> to vector<16xf32>
      %swap3A_721 = vector.shape_cast %mul3A_716 : vector<16xf32> to vector<1x16xf32>
      tpu.vector_store %arg7[%swap3A_717, %swap3A_718], %swap3A_721 {strides = array<i32>} : memref<128x128xf32, #tpu.memory_space<vmem>>, vector<1x16xf32>,
      %mul3A_722 = arith.constant 0.141421363 : f32
      %mul3A_723 = vector.broadcast %mul3A_722 : f32 to vector<16xf32>
      %mul3A_724 = arith.mulf %scan3A_604#13, %mul3A_723 : vector<16xf32>
      %swap3A_725 = arith.index_cast %add3A_681 : i32 to index
      %swap3A_726 = arith.constant 80 : index
      %swap3A_727 = tpu.vector_load %arg7[%swap3A_725, %swap3A_726] {strides = array<i32>} : memref<128x128xf32, #tpu.memory_space<vmem>>, vector<1x16xf32>,
      %swap3A_728 = vector.shape_cast %swap3A_727 : vector<1x16xf32> to vector<16xf32>
      %swap3A_729 = vector.shape_cast %mul3A_724 : vector<16xf32> to vector<1x16xf32>
      tpu.vector_store %arg7[%swap3A_725, %swap3A_726], %swap3A_729 {strides = array<i32>} : memref<128x128xf32, #tpu.memory_space<vmem>>, vector<1x16xf32>,
      %mul3A_730 = arith.constant 0.141421363 : f32
      %mul3A_731 = vector.broadcast %mul3A_730 : f32 to vector<16xf32>
      %mul3A_732 = arith.mulf %scan3A_604#14, %mul3A_731 : vector<16xf32>
      %swap3A_733 = arith.index_cast %add3A_681 : i32 to index
      %swap3A_734 = arith.constant 96 : index
      %swap3A_735 = tpu.vector_load %arg7[%swap3A_733, %swap3A_734] {strides = array<i32>} : memref<128x128xf32, #tpu.memory_space<vmem>>, vector<1x16xf32>,
      %swap3A_736 = vector.shape_cast %swap3A_735 : vector<1x16xf32> to vector<16xf32>
      %swap3A_737 = vector.shape_cast %mul3A_732 : vector<16xf32> to vector<1x16xf32>
      tpu.vector_store %arg7[%swap3A_733, %swap3A_734], %swap3A_737 {strides = array<i32>} : memref<128x128xf32, #tpu.memory_space<vmem>>, vector<1x16xf32>,
      %mul3A_738 = arith.constant 0.141421363 : f32
      %mul3A_739 = vector.broadcast %mul3A_738 : f32 to vector<16xf32>
      %mul3A_740 = arith.mulf %scan3A_604#15, %mul3A_739 : vector<16xf32>
      %swap3A_741 = arith.index_cast %add3A_681 : i32 to index
      %swap3A_742 = arith.constant 112 : index
      %swap3A_743 = tpu.vector_load %arg7[%swap3A_741, %swap3A_742] {strides = array<i32>} : memref<128x128xf32, #tpu.memory_space<vmem>>, vector<1x16xf32>,
      %swap3A_744 = vector.shape_cast %swap3A_743 : vector<1x16xf32> to vector<16xf32>
      %swap3A_745 = vector.shape_cast %mul3A_740 : vector<16xf32> to vector<1x16xf32>
      tpu.vector_store %arg7[%swap3A_741, %swap3A_742], %swap3A_745 {strides = array<i32>} : memref<128x128xf32, #tpu.memory_space<vmem>>, vector<1x16xf32>,
      %mul3A_746 = arith.constant 4 : i32
      %mul3A_747 = arith.muli %scan3A_165, %mul3A_746 : i32
      %add3A_748 = arith.constant 1 : i32
      %add3A_749 = arith.addi %mul3A_747, %add3A_748 : i32
      %mul3A_750 = arith.constant 200 : i32
      %mul3A_751 = arith.muli %add3A_749, %mul3A_750 : i32
      %add3A_752 = arith.constant 0 : i32
      %add3A_753 = arith.addi %mul3A_751, %add3A_752 : i32
      %add3A_754 = arith.constant 56 : i32
      %add3A_755 = arith.addi %mul3A_751, %add3A_754 : i32
      %add3A_756 = arith.constant 104 : i32
      %add3A_757 = arith.addi %mul3A_751, %add3A_756 : i32
      %add3A_758 = arith.constant 152 : i32
      %add3A_759 = arith.addi %mul3A_751, %add3A_758 : i32
      %dma_wait3A_760 = arith.constant 1 : i32
      %dma_wait3A_761 = arith.constant 0 : i32
      %dma_wait3A_762 = arith.constant 0 : i32
      %dma_wait3A_763 = tpu.memref_slice %arg6[%dma_wait3A_760, %dma_wait3A_761, %dma_wait3A_762] : memref<4x200x128xf32, #tpu.memory_space<vmem>> -> memref<1x200x128xf32, #tpu.memory_space<vmem>>
      %dma_wait3A_764 = tpu.memref_squeeze %dma_wait3A_763 : memref<1x200x128xf32, #tpu.memory_space<vmem>> -> memref<200x128xf32, #tpu.memory_space<vmem>>
      %dma_wait3A_765 = arith.constant 0 : i32
      %dma_wait3A_766 = arith.constant 0 : i32
      %dma_wait3A_767 = tpu.memref_slice %dma_wait3A_764[%dma_wait3A_765, %dma_wait3A_766] : memref<200x128xf32, #tpu.memory_space<vmem>> -> memref<56x128xf32, #tpu.memory_space<vmem>>
      %dma_wait3A_768 = tpu.memref_slice %arg5[%add3A_753] : memref<6400xi32, #tpu.memory_space<vmem>> -> memref<56xi32, #tpu.memory_space<vmem>>
      %dma_wait3A_769 = arith.constant 0 : i32
      %dma_wait3A_770 = arith.constant 0 : i32
      %dma_wait3A_771 = tpu.memref_slice %arg2[%dma_wait3A_769, %dma_wait3A_770] : memref<100000x128xf32, #tpu.memory_space<hbm>> -> memref<100000x128xf32, #tpu.memory_space<hbm>>
      tpu.wait_indirect_dma semaphore(%arg9 : memref<!tpu.dma_semaphore, #tpu.memory_space<semaphore_mem>>) src(%dma_wait3A_771 : memref<100000x128xf32, #tpu.memory_space<hbm>>) dst(%dma_wait3A_767 : memref<56x128xf32, #tpu.memory_space<vmem>>)
      %dma_wait3A_772 = arith.constant 1 : i32
      %dma_wait3A_773 = arith.constant 0 : i32
      %dma_wait3A_774 = arith.constant 0 : i32
      %dma_wait3A_775 = tpu.memref_slice %arg6[%dma_wait3A_772, %dma_wait3A_773, %dma_wait3A_774] : memref<4x200x128xf32, #tpu.memory_space<vmem>> -> memref<1x200x128xf32, #tpu.memory_space<vmem>>
      %dma_wait3A_776 = tpu.memref_squeeze %dma_wait3A_775 : memref<1x200x128xf32, #tpu.memory_space<vmem>> -> memref<200x128xf32, #tpu.memory_space<vmem>>
      %dma_wait3A_777 = arith.constant 56 : i32
      %dma_wait3A_778 = arith.constant 0 : i32
      %dma_wait3A_779 = tpu.memref_slice %dma_wait3A_776[%dma_wait3A_777, %dma_wait3A_778] : memref<200x128xf32, #tpu.memory_space<vmem>> -> memref<48x128xf32, #tpu.memory_space<vmem>>
      %dma_wait3A_780 = tpu.memref_slice %arg5[%add3A_755] : memref<6400xi32, #tpu.memory_space<vmem>> -> memref<48xi32, #tpu.memory_space<vmem>>
      %dma_wait3A_781 = arith.constant 0 : i32
      %dma_wait3A_782 = arith.constant 0 : i32
      %dma_wait3A_783 = tpu.memref_slice %arg2[%dma_wait3A_781, %dma_wait3A_782] : memref<100000x128xf32, #tpu.memory_space<hbm>> -> memref<100000x128xf32, #tpu.memory_space<hbm>>
      tpu.wait_indirect_dma semaphore(%arg9 : memref<!tpu.dma_semaphore, #tpu.memory_space<semaphore_mem>>) src(%dma_wait3A_783 : memref<100000x128xf32, #tpu.memory_space<hbm>>) dst(%dma_wait3A_779 : memref<48x128xf32, #tpu.memory_space<vmem>>)
      %dma_wait3A_784 = arith.constant 1 : i32
      %dma_wait3A_785 = arith.constant 0 : i32
      %dma_wait3A_786 = arith.constant 0 : i32
      %dma_wait3A_787 = tpu.memref_slice %arg6[%dma_wait3A_784, %dma_wait3A_785, %dma_wait3A_786] : memref<4x200x128xf32, #tpu.memory_space<vmem>> -> memref<1x200x128xf32, #tpu.memory_space<vmem>>
      %dma_wait3A_788 = tpu.memref_squeeze %dma_wait3A_787 : memref<1x200x128xf32, #tpu.memory_space<vmem>> -> memref<200x128xf32, #tpu.memory_space<vmem>>
      %dma_wait3A_789 = arith.constant 104 : i32
      %dma_wait3A_790 = arith.constant 0 : i32
      %dma_wait3A_791 = tpu.memref_slice %dma_wait3A_788[%dma_wait3A_789, %dma_wait3A_790] : memref<200x128xf32, #tpu.memory_space<vmem>> -> memref<48x128xf32, #tpu.memory_space<vmem>>
      %dma_wait3A_792 = tpu.memref_slice %arg5[%add3A_757] : memref<6400xi32, #tpu.memory_space<vmem>> -> memref<48xi32, #tpu.memory_space<vmem>>
      %dma_wait3A_793 = arith.constant 0 : i32
      %dma_wait3A_794 = arith.constant 0 : i32
      %dma_wait3A_795 = tpu.memref_slice %arg2[%dma_wait3A_793, %dma_wait3A_794] : memref<100000x128xf32, #tpu.memory_space<hbm>> -> memref<100000x128xf32, #tpu.memory_space<hbm>>
      tpu.wait_indirect_dma semaphore(%arg9 : memref<!tpu.dma_semaphore, #tpu.memory_space<semaphore_mem>>) src(%dma_wait3A_795 : memref<100000x128xf32, #tpu.memory_space<hbm>>) dst(%dma_wait3A_791 : memref<48x128xf32, #tpu.memory_space<vmem>>)
      %dma_wait3A_796 = arith.constant 1 : i32
      %dma_wait3A_797 = arith.constant 0 : i32
      %dma_wait3A_798 = arith.constant 0 : i32
      %dma_wait3A_799 = tpu.memref_slice %arg6[%dma_wait3A_796, %dma_wait3A_797, %dma_wait3A_798] : memref<4x200x128xf32, #tpu.memory_space<vmem>> -> memref<1x200x128xf32, #tpu.memory_space<vmem>>
      %dma_wait3A_800 = tpu.memref_squeeze %dma_wait3A_799 : memref<1x200x128xf32, #tpu.memory_space<vmem>> -> memref<200x128xf32, #tpu.memory_space<vmem>>
      %dma_wait3A_801 = arith.constant 152 : i32
      %dma_wait3A_802 = arith.constant 0 : i32
      %dma_wait3A_803 = tpu.memref_slice %dma_wait3A_800[%dma_wait3A_801, %dma_wait3A_802] : memref<200x128xf32, #tpu.memory_space<vmem>> -> memref<48x128xf32, #tpu.memory_space<vmem>>
      %dma_wait3A_804 = tpu.memref_slice %arg5[%add3A_759] : memref<6400xi32, #tpu.memory_space<vmem>> -> memref<48xi32, #tpu.memory_space<vmem>>
      %dma_wait3A_805 = arith.constant 0 : i32
      %dma_wait3A_806 = arith.constant 0 : i32
      %dma_wait3A_807 = tpu.memref_slice %arg2[%dma_wait3A_805, %dma_wait3A_806] : memref<100000x128xf32, #tpu.memory_space<hbm>> -> memref<100000x128xf32, #tpu.memory_space<hbm>>
      tpu.wait_indirect_dma semaphore(%arg9 : memref<!tpu.dma_semaphore, #tpu.memory_space<semaphore_mem>>) src(%dma_wait3A_807 : memref<100000x128xf32, #tpu.memory_space<hbm>>) dst(%dma_wait3A_803 : memref<48x128xf32, #tpu.memory_space<vmem>>)
      %add3A_808 = arith.constant 4 : i32
      %add3A_809 = arith.addi %add3A_749, %add3A_808 : i32
      %sub3A_810 = arith.constant 1 : i32
      %sub3A_811 = arith.subi %add3A_809, %sub3A_810 : i32
      %lt3A_812 = arith.constant 32 : i32
      %lt3A_813 = arith.cmpi slt, %sub3A_811, %lt3A_812 : i32
      %convert_element_type3A_814 = arith.extui %lt3A_813 : i1 to i32
      %cond3A_815 = arith.constant 0 : i32
      %cond3A_816 = arith.cmpi ne, %convert_element_type3A_814, %cond3A_815 : i32
      scf.if %cond3A_816 {
        %mul3A_2507 = arith.constant 200 : i32
        %mul3A_2508 = arith.muli %sub3A_811, %mul3A_2507 : i32
        %add3A_2509 = arith.constant 0 : i32
        %add3A_2510 = arith.addi %mul3A_2508, %add3A_2509 : i32
        %add3A_2511 = arith.constant 56 : i32
        %add3A_2512 = arith.addi %mul3A_2508, %add3A_2511 : i32
        %add3A_2513 = arith.constant 104 : i32
        %add3A_2514 = arith.addi %mul3A_2508, %add3A_2513 : i32
        %add3A_2515 = arith.constant 152 : i32
        %add3A_2516 = arith.addi %mul3A_2508, %add3A_2515 : i32
        %dma_start3A_2517 = arith.constant 0 : i32
        %dma_start3A_2518 = arith.constant 0 : i32
        %dma_start3A_2519 = arith.constant 0 : i32
        %dma_start3A_2520 = tpu.memref_slice %arg6[%dma_start3A_2517, %dma_start3A_2518, %dma_start3A_2519] : memref<4x200x128xf32, #tpu.memory_space<vmem>> -> memref<1x200x128xf32, #tpu.memory_space<vmem>>
        %dma_start3A_2521 = tpu.memref_squeeze %dma_start3A_2520 : memref<1x200x128xf32, #tpu.memory_space<vmem>> -> memref<200x128xf32, #tpu.memory_space<vmem>>
        %dma_start3A_2522 = arith.constant 0 : i32
        %dma_start3A_2523 = arith.constant 0 : i32
        %dma_start3A_2524 = tpu.memref_slice %dma_start3A_2521[%dma_start3A_2522, %dma_start3A_2523] : memref<200x128xf32, #tpu.memory_space<vmem>> -> memref<56x128xf32, #tpu.memory_space<vmem>>
        %dma_start3A_2525 = tpu.memref_slice %arg5[%add3A_2510] : memref<6400xi32, #tpu.memory_space<vmem>> -> memref<56xi32, #tpu.memory_space<vmem>>
        %dma_start3A_2526 = arith.constant 0 : i32
        %dma_start3A_2527 = arith.constant 0 : i32
        %dma_start3A_2528 = tpu.memref_slice %arg2[%dma_start3A_2526, %dma_start3A_2527] : memref<100000x128xf32, #tpu.memory_space<hbm>> -> memref<100000x128xf32, #tpu.memory_space<hbm>>
        tpu.enqueue_indirect_dma source(%dma_start3A_2528 : memref<100000x128xf32, #tpu.memory_space<hbm>>) target(%dma_start3A_2524 : memref<56x128xf32, #tpu.memory_space<vmem>>) offsets(%dma_start3A_2525 : memref<56xi32, #tpu.memory_space<vmem>>) semaphore(%arg8 : memref<!tpu.dma_semaphore, #tpu.memory_space<semaphore_mem>>)
        %dma_start3A_2529 = arith.constant 0 : i32
        %dma_start3A_2530 = arith.constant 0 : i32
        %dma_start3A_2531 = arith.constant 0 : i32
        %dma_start3A_2532 = tpu.memref_slice %arg6[%dma_start3A_2529, %dma_start3A_2530, %dma_start3A_2531] : memref<4x200x128xf32, #tpu.memory_space<vmem>> -> memref<1x200x128xf32, #tpu.memory_space<vmem>>
        %dma_start3A_2533 = tpu.memref_squeeze %dma_start3A_2532 : memref<1x200x128xf32, #tpu.memory_space<vmem>> -> memref<200x128xf32, #tpu.memory_space<vmem>>
        %dma_start3A_2534 = arith.constant 56 : i32
        %dma_start3A_2535 = arith.constant 0 : i32
        %dma_start3A_2536 = tpu.memref_slice %dma_start3A_2533[%dma_start3A_2534, %dma_start3A_2535] : memref<200x128xf32, #tpu.memory_space<vmem>> -> memref<48x128xf32, #tpu.memory_space<vmem>>
        %dma_start3A_2537 = tpu.memref_slice %arg5[%add3A_2512] : memref<6400xi32, #tpu.memory_space<vmem>> -> memref<48xi32, #tpu.memory_space<vmem>>
        %dma_start3A_2538 = arith.constant 0 : i32
        %dma_start3A_2539 = arith.constant 0 : i32
        %dma_start3A_2540 = tpu.memref_slice %arg2[%dma_start3A_2538, %dma_start3A_2539] : memref<100000x128xf32, #tpu.memory_space<hbm>> -> memref<100000x128xf32, #tpu.memory_space<hbm>>
        tpu.enqueue_indirect_dma source(%dma_start3A_2540 : memref<100000x128xf32, #tpu.memory_space<hbm>>) target(%dma_start3A_2536 : memref<48x128xf32, #tpu.memory_space<vmem>>) offsets(%dma_start3A_2537 : memref<48xi32, #tpu.memory_space<vmem>>) semaphore(%arg8 : memref<!tpu.dma_semaphore, #tpu.memory_space<semaphore_mem>>)
        %dma_start3A_2541 = arith.constant 0 : i32
        %dma_start3A_2542 = arith.constant 0 : i32
        %dma_start3A_2543 = arith.constant 0 : i32
        %dma_start3A_2544 = tpu.memref_slice %arg6[%dma_start3A_2541, %dma_start3A_2542, %dma_start3A_2543] : memref<4x200x128xf32, #tpu.memory_space<vmem>> -> memref<1x200x128xf32, #tpu.memory_space<vmem>>
        %dma_start3A_2545 = tpu.memref_squeeze %dma_start3A_2544 : memref<1x200x128xf32, #tpu.memory_space<vmem>> -> memref<200x128xf32, #tpu.memory_space<vmem>>
        %dma_start3A_2546 = arith.constant 104 : i32
        %dma_start3A_2547 = arith.constant 0 : i32
        %dma_start3A_2548 = tpu.memref_slice %dma_start3A_2545[%dma_start3A_2546, %dma_start3A_2547] : memref<200x128xf32, #tpu.memory_space<vmem>> -> memref<48x128xf32, #tpu.memory_space<vmem>>
        %dma_start3A_2549 = tpu.memref_slice %arg5[%add3A_2514] : memref<6400xi32, #tpu.memory_space<vmem>> -> memref<48xi32, #tpu.memory_space<vmem>>
        %dma_start3A_2550 = arith.constant 0 : i32
        %dma_start3A_2551 = arith.constant 0 : i32
        %dma_start3A_2552 = tpu.memref_slice %arg2[%dma_start3A_2550, %dma_start3A_2551] : memref<100000x128xf32, #tpu.memory_space<hbm>> -> memref<100000x128xf32, #tpu.memory_space<hbm>>
        tpu.enqueue_indirect_dma source(%dma_start3A_2552 : memref<100000x128xf32, #tpu.memory_space<hbm>>) target(%dma_start3A_2548 : memref<48x128xf32, #tpu.memory_space<vmem>>) offsets(%dma_start3A_2549 : memref<48xi32, #tpu.memory_space<vmem>>) semaphore(%arg8 : memref<!tpu.dma_semaphore, #tpu.memory_space<semaphore_mem>>)
        %dma_start3A_2553 = arith.constant 0 : i32
        %dma_start3A_2554 = arith.constant 0 : i32
        %dma_start3A_2555 = arith.constant 0 : i32
        %dma_start3A_2556 = tpu.memref_slice %arg6[%dma_start3A_2553, %dma_start3A_2554, %dma_start3A_2555] : memref<4x200x128xf32, #tpu.memory_space<vmem>> -> memref<1x200x128xf32, #tpu.memory_space<vmem>>
        %dma_start3A_2557 = tpu.memref_squeeze %dma_start3A_2556 : memref<1x200x128xf32, #tpu.memory_space<vmem>> -> memref<200x128xf32, #tpu.memory_space<vmem>>
        %dma_start3A_2558 = arith.constant 152 : i32
        %dma_start3A_2559 = arith.constant 0 : i32
        %dma_start3A_2560 = tpu.memref_slice %dma_start3A_2557[%dma_start3A_2558, %dma_start3A_2559] : memref<200x128xf32, #tpu.memory_space<vmem>> -> memref<48x128xf32, #tpu.memory_space<vmem>>
        %dma_start3A_2561 = tpu.memref_slice %arg5[%add3A_2516] : memref<6400xi32, #tpu.memory_space<vmem>> -> memref<48xi32, #tpu.memory_space<vmem>>
        %dma_start3A_2562 = arith.constant 0 : i32
        %dma_start3A_2563 = arith.constant 0 : i32
        %dma_start3A_2564 = tpu.memref_slice %arg2[%dma_start3A_2562, %dma_start3A_2563] : memref<100000x128xf32, #tpu.memory_space<hbm>> -> memref<100000x128xf32, #tpu.memory_space<hbm>>
        tpu.enqueue_indirect_dma source(%dma_start3A_2564 : memref<100000x128xf32, #tpu.memory_space<hbm>>) target(%dma_start3A_2560 : memref<48x128xf32, #tpu.memory_space<vmem>>) offsets(%dma_start3A_2561 : memref<48xi32, #tpu.memory_space<vmem>>) semaphore(%arg8 : memref<!tpu.dma_semaphore, #tpu.memory_space<semaphore_mem>>)
      } else {
      }
      %get3A_817 = arith.constant 1 : i32
      %get3A_818 = arith.constant 0 : i32
      %get3A_819 = arith.index_cast %get3A_817 : i32 to index
      %get3A_820 = arith.index_cast %get3A_818 : i32 to index
      %get3A_821 = arith.constant 0 : index
      %get3A_822 = tpu.vector_load %arg6[%get3A_819, %get3A_820, %get3A_821] {strides = array<i32>} : memref<4x200x128xf32, #tpu.memory_space<vmem>>, vector<1x1x16xf32>,
      %get3A_823 = vector.shape_cast %get3A_822 : vector<1x1x16xf32> to vector<16xf32>
      %get3A_824 = arith.constant 1 : i32
      %get3A_825 = arith.constant 0 : i32
      %get3A_826 = arith.index_cast %get3A_824 : i32 to index
      %get3A_827 = arith.index_cast %get3A_825 : i32 to index
      %get3A_828 = arith.constant 16 : index
      %get3A_829 = tpu.vector_load %arg6[%get3A_826, %get3A_827, %get3A_828] {strides = array<i32>} : memref<4x200x128xf32, #tpu.memory_space<vmem>>, vector<1x1x16xf32>,
      %get3A_830 = vector.shape_cast %get3A_829 : vector<1x1x16xf32> to vector<16xf32>
      %get3A_831 = arith.constant 1 : i32
      %get3A_832 = arith.constant 0 : i32
      %get3A_833 = arith.index_cast %get3A_831 : i32 to index
      %get3A_834 = arith.index_cast %get3A_832 : i32 to index
      %get3A_835 = arith.constant 32 : index
      %get3A_836 = tpu.vector_load %arg6[%get3A_833, %get3A_834, %get3A_835] {strides = array<i32>} : memref<4x200x128xf32, #tpu.memory_space<vmem>>, vector<1x1x16xf32>,
      %get3A_837 = vector.shape_cast %get3A_836 : vector<1x1x16xf32> to vector<16xf32>
      %get3A_838 = arith.constant 1 : i32
      %get3A_839 = arith.constant 0 : i32
      %get3A_840 = arith.index_cast %get3A_838 : i32 to index
      %get3A_841 = arith.index_cast %get3A_839 : i32 to index
      %get3A_842 = arith.constant 48 : index
      %get3A_843 = tpu.vector_load %arg6[%get3A_840, %get3A_841, %get3A_842] {strides = array<i32>} : memref<4x200x128xf32, #tpu.memory_space<vmem>>, vector<1x1x16xf32>,
      %get3A_844 = vector.shape_cast %get3A_843 : vector<1x1x16xf32> to vector<16xf32>
      %get3A_845 = arith.constant 1 : i32
      %get3A_846 = arith.constant 0 : i32
      %get3A_847 = arith.index_cast %get3A_845 : i32 to index
      %get3A_848 = arith.index_cast %get3A_846 : i32 to index
      %get3A_849 = arith.constant 64 : index
      %get3A_850 = tpu.vector_load %arg6[%get3A_847, %get3A_848, %get3A_849] {strides = array<i32>} : memref<4x200x128xf32, #tpu.memory_space<vmem>>, vector<1x1x16xf32>,
      %get3A_851 = vector.shape_cast %get3A_850 : vector<1x1x16xf32> to vector<16xf32>
      %get3A_852 = arith.constant 1 : i32
      %get3A_853 = arith.constant 0 : i32
      %get3A_854 = arith.index_cast %get3A_852 : i32 to index
      %get3A_855 = arith.index_cast %get3A_853 : i32 to index
      %get3A_856 = arith.constant 80 : index
      %get3A_857 = tpu.vector_load %arg6[%get3A_854, %get3A_855, %get3A_856] {strides = array<i32>} : memref<4x200x128xf32, #tpu.memory_space<vmem>>, vector<1x1x16xf32>,
      %get3A_858 = vector.shape_cast %get3A_857 : vector<1x1x16xf32> to vector<16xf32>
      %get3A_859 = arith.constant 1 : i32
      %get3A_860 = arith.constant 0 : i32
      %get3A_861 = arith.index_cast %get3A_859 : i32 to index
      %get3A_862 = arith.index_cast %get3A_860 : i32 to index
      %get3A_863 = arith.constant 96 : index
      %get3A_864 = tpu.vector_load %arg6[%get3A_861, %get3A_862, %get3A_863] {strides = array<i32>} : memref<4x200x128xf32, #tpu.memory_space<vmem>>, vector<1x1x16xf32>,
      %get3A_865 = vector.shape_cast %get3A_864 : vector<1x1x16xf32> to vector<16xf32>
      %get3A_866 = arith.constant 1 : i32
      %get3A_867 = arith.constant 0 : i32
      %get3A_868 = arith.index_cast %get3A_866 : i32 to index
      %get3A_869 = arith.index_cast %get3A_867 : i32 to index
      %get3A_870 = arith.constant 112 : index
      %get3A_871 = tpu.vector_load %arg6[%get3A_868, %get3A_869, %get3A_870] {strides = array<i32>} : memref<4x200x128xf32, #tpu.memory_space<vmem>>, vector<1x1x16xf32>,
      %get3A_872 = vector.shape_cast %get3A_871 : vector<1x1x16xf32> to vector<16xf32>
      %get3A_873 = arith.constant 1 : i32
      %get3A_874 = arith.constant 50 : i32
      %get3A_875 = arith.index_cast %get3A_873 : i32 to index
      %get3A_876 = arith.index_cast %get3A_874 : i32 to index
      %get3A_877 = arith.constant 0 : index
      %get3A_878 = tpu.vector_load %arg6[%get3A_875, %get3A_876, %get3A_877] {strides = array<i32>} : memref<4x200x128xf32, #tpu.memory_space<vmem>>, vector<1x1x16xf32>,
      %get3A_879 = vector.shape_cast %get3A_878 : vector<1x1x16xf32> to vector<16xf32>
      %get3A_880 = arith.constant 1 : i32
      %get3A_881 = arith.constant 50 : i32
      %get3A_882 = arith.index_cast %get3A_880 : i32 to index
      %get3A_883 = arith.index_cast %get3A_881 : i32 to index
      %get3A_884 = arith.constant 16 : index
      %get3A_885 = tpu.vector_load %arg6[%get3A_882, %get3A_883, %get3A_884] {strides = array<i32>} : memref<4x200x128xf32, #tpu.memory_space<vmem>>, vector<1x1x16xf32>,
      %get3A_886 = vector.shape_cast %get3A_885 : vector<1x1x16xf32> to vector<16xf32>
      %get3A_887 = arith.constant 1 : i32
      %get3A_888 = arith.constant 50 : i32
      %get3A_889 = arith.index_cast %get3A_887 : i32 to index
      %get3A_890 = arith.index_cast %get3A_888 : i32 to index
      %get3A_891 = arith.constant 32 : index
      %get3A_892 = tpu.vector_load %arg6[%get3A_889, %get3A_890, %get3A_891] {strides = array<i32>} : memref<4x200x128xf32, #tpu.memory_space<vmem>>, vector<1x1x16xf32>,
      %get3A_893 = vector.shape_cast %get3A_892 : vector<1x1x16xf32> to vector<16xf32>
      %get3A_894 = arith.constant 1 : i32
      %get3A_895 = arith.constant 50 : i32
      %get3A_896 = arith.index_cast %get3A_894 : i32 to index
      %get3A_897 = arith.index_cast %get3A_895 : i32 to index
      %get3A_898 = arith.constant 48 : index
      %get3A_899 = tpu.vector_load %arg6[%get3A_896, %get3A_897, %get3A_898] {strides = array<i32>} : memref<4x200x128xf32, #tpu.memory_space<vmem>>, vector<1x1x16xf32>,
      %get3A_900 = vector.shape_cast %get3A_899 : vector<1x1x16xf32> to vector<16xf32>
      %get3A_901 = arith.constant 1 : i32
      %get3A_902 = arith.constant 50 : i32
      %get3A_903 = arith.index_cast %get3A_901 : i32 to index
      %get3A_904 = arith.index_cast %get3A_902 : i32 to index
      %get3A_905 = arith.constant 64 : index
      %get3A_906 = tpu.vector_load %arg6[%get3A_903, %get3A_904, %get3A_905] {strides = array<i32>} : memref<4x200x128xf32, #tpu.memory_space<vmem>>, vector<1x1x16xf32>,
      %get3A_907 = vector.shape_cast %get3A_906 : vector<1x1x16xf32> to vector<16xf32>
      %get3A_908 = arith.constant 1 : i32
      %get3A_909 = arith.constant 50 : i32
      %get3A_910 = arith.index_cast %get3A_908 : i32 to index
      %get3A_911 = arith.index_cast %get3A_909 : i32 to index
      %get3A_912 = arith.constant 80 : index
      %get3A_913 = tpu.vector_load %arg6[%get3A_910, %get3A_911, %get3A_912] {strides = array<i32>} : memref<4x200x128xf32, #tpu.memory_space<vmem>>, vector<1x1x16xf32>,
      %get3A_914 = vector.shape_cast %get3A_913 : vector<1x1x16xf32> to vector<16xf32>
      %get3A_915 = arith.constant 1 : i32
      %get3A_916 = arith.constant 50 : i32
      %get3A_917 = arith.index_cast %get3A_915 : i32 to index
      %get3A_918 = arith.index_cast %get3A_916 : i32 to index
      %get3A_919 = arith.constant 96 : index
      %get3A_920 = tpu.vector_load %arg6[%get3A_917, %get3A_918, %get3A_919] {strides = array<i32>} : memref<4x200x128xf32, #tpu.memory_space<vmem>>, vector<1x1x16xf32>,
      %get3A_921 = vector.shape_cast %get3A_920 : vector<1x1x16xf32> to vector<16xf32>
      %get3A_922 = arith.constant 1 : i32
      %get3A_923 = arith.constant 50 : i32
      %get3A_924 = arith.index_cast %get3A_922 : i32 to index
      %get3A_925 = arith.index_cast %get3A_923 : i32 to index
      %get3A_926 = arith.constant 112 : index
      %get3A_927 = tpu.vector_load %arg6[%get3A_924, %get3A_925, %get3A_926] {strides = array<i32>} : memref<4x200x128xf32, #tpu.memory_space<vmem>>, vector<1x1x16xf32>,
      %get3A_928 = vector.shape_cast %get3A_927 : vector<1x1x16xf32> to vector<16xf32>
      %scan3A_929 = arith.constant 1 : i32
      %scan3A_930 = arith.constant 49 : i32
      %scan3A_931 = arith.addi %scan3A_929, %scan3A_930 : i32
      %scan3A_932 = arith.constant 1 : i32
      %scan3A_933:16 = scf.for %scan3A_2507 = %scan3A_929 to %scan3A_931 step %scan3A_932 iter_args(%scan3A_2508 = %get3A_823, %scan3A_2509 = %get3A_830, %scan3A_2510 = %get3A_837, %scan3A_2511 = %get3A_844, %scan3A_2512 = %get3A_851, %scan3A_2513 = %get3A_858, %scan3A_2514 = %get3A_865, %scan3A_2515 = %get3A_872, %scan3A_2516 = %get3A_879, %scan3A_2517 = %get3A_886, %scan3A_2518 = %get3A_893, %scan3A_2519 = %get3A_900, %scan3A_2520 = %get3A_907, %scan3A_2521 = %get3A_914, %scan3A_2522 = %get3A_921, %scan3A_2523 = %get3A_928) -> (vector<16xf32>, vector<16xf32>, vector<16xf32>, vector<16xf32>, vector<16xf32>, vector<16xf32>, vector<16xf32>, vector<16xf32>, vector<16xf32>, vector<16xf32>, vector<16xf32>, vector<16xf32>, vector<16xf32>, vector<16xf32>, vector<16xf32>, vector<16xf32>)  : i32 {
        %add3A_2524 = arith.constant 0 : i32
        %add3A_2525 = arith.addi %add3A_2524, %scan3A_2507 : i32
        %get3A_2526 = arith.constant 1 : i32
        %get3A_2527 = arith.index_cast %get3A_2526 : i32 to index
        %get3A_2528 = arith.index_cast %add3A_2525 : i32 to index
        %get3A_2529 = arith.constant 0 : index
        %get3A_2530 = tpu.vector_load %arg6[%get3A_2527, %get3A_2528, %get3A_2529] {strides = array<i32>} : memref<4x200x128xf32, #tpu.memory_space<vmem>>, vector<1x1x16xf32>,
        %get3A_2531 = vector.shape_cast %get3A_2530 : vector<1x1x16xf32> to vector<16xf32>
        %add3A_2532 = arith.addf %scan3A_2508, %get3A_2531 : vector<16xf32>
        %add3A_2533 = arith.constant 0 : i32
        %add3A_2534 = arith.addi %add3A_2533, %scan3A_2507 : i32
        %get3A_2535 = arith.constant 1 : i32
        %get3A_2536 = arith.index_cast %get3A_2535 : i32 to index
        %get3A_2537 = arith.index_cast %add3A_2534 : i32 to index
        %get3A_2538 = arith.constant 16 : index
        %get3A_2539 = tpu.vector_load %arg6[%get3A_2536, %get3A_2537, %get3A_2538] {strides = array<i32>} : memref<4x200x128xf32, #tpu.memory_space<vmem>>, vector<1x1x16xf32>,
        %get3A_2540 = vector.shape_cast %get3A_2539 : vector<1x1x16xf32> to vector<16xf32>
        %add3A_2541 = arith.addf %scan3A_2509, %get3A_2540 : vector<16xf32>
        %add3A_2542 = arith.constant 0 : i32
        %add3A_2543 = arith.addi %add3A_2542, %scan3A_2507 : i32
        %get3A_2544 = arith.constant 1 : i32
        %get3A_2545 = arith.index_cast %get3A_2544 : i32 to index
        %get3A_2546 = arith.index_cast %add3A_2543 : i32 to index
        %get3A_2547 = arith.constant 32 : index
        %get3A_2548 = tpu.vector_load %arg6[%get3A_2545, %get3A_2546, %get3A_2547] {strides = array<i32>} : memref<4x200x128xf32, #tpu.memory_space<vmem>>, vector<1x1x16xf32>,
        %get3A_2549 = vector.shape_cast %get3A_2548 : vector<1x1x16xf32> to vector<16xf32>
        %add3A_2550 = arith.addf %scan3A_2510, %get3A_2549 : vector<16xf32>
        %add3A_2551 = arith.constant 0 : i32
        %add3A_2552 = arith.addi %add3A_2551, %scan3A_2507 : i32
        %get3A_2553 = arith.constant 1 : i32
        %get3A_2554 = arith.index_cast %get3A_2553 : i32 to index
        %get3A_2555 = arith.index_cast %add3A_2552 : i32 to index
        %get3A_2556 = arith.constant 48 : index
        %get3A_2557 = tpu.vector_load %arg6[%get3A_2554, %get3A_2555, %get3A_2556] {strides = array<i32>} : memref<4x200x128xf32, #tpu.memory_space<vmem>>, vector<1x1x16xf32>,
        %get3A_2558 = vector.shape_cast %get3A_2557 : vector<1x1x16xf32> to vector<16xf32>
        %add3A_2559 = arith.addf %scan3A_2511, %get3A_2558 : vector<16xf32>
        %add3A_2560 = arith.constant 0 : i32
        %add3A_2561 = arith.addi %add3A_2560, %scan3A_2507 : i32
        %get3A_2562 = arith.constant 1 : i32
        %get3A_2563 = arith.index_cast %get3A_2562 : i32 to index
        %get3A_2564 = arith.index_cast %add3A_2561 : i32 to index
        %get3A_2565 = arith.constant 64 : index
        %get3A_2566 = tpu.vector_load %arg6[%get3A_2563, %get3A_2564, %get3A_2565] {strides = array<i32>} : memref<4x200x128xf32, #tpu.memory_space<vmem>>, vector<1x1x16xf32>,
        %get3A_2567 = vector.shape_cast %get3A_2566 : vector<1x1x16xf32> to vector<16xf32>
        %add3A_2568 = arith.addf %scan3A_2512, %get3A_2567 : vector<16xf32>
        %add3A_2569 = arith.constant 0 : i32
        %add3A_2570 = arith.addi %add3A_2569, %scan3A_2507 : i32
        %get3A_2571 = arith.constant 1 : i32
        %get3A_2572 = arith.index_cast %get3A_2571 : i32 to index
        %get3A_2573 = arith.index_cast %add3A_2570 : i32 to index
        %get3A_2574 = arith.constant 80 : index
        %get3A_2575 = tpu.vector_load %arg6[%get3A_2572, %get3A_2573, %get3A_2574] {strides = array<i32>} : memref<4x200x128xf32, #tpu.memory_space<vmem>>, vector<1x1x16xf32>,
        %get3A_2576 = vector.shape_cast %get3A_2575 : vector<1x1x16xf32> to vector<16xf32>
        %add3A_2577 = arith.addf %scan3A_2513, %get3A_2576 : vector<16xf32>
        %add3A_2578 = arith.constant 0 : i32
        %add3A_2579 = arith.addi %add3A_2578, %scan3A_2507 : i32
        %get3A_2580 = arith.constant 1 : i32
        %get3A_2581 = arith.index_cast %get3A_2580 : i32 to index
        %get3A_2582 = arith.index_cast %add3A_2579 : i32 to index
        %get3A_2583 = arith.constant 96 : index
        %get3A_2584 = tpu.vector_load %arg6[%get3A_2581, %get3A_2582, %get3A_2583] {strides = array<i32>} : memref<4x200x128xf32, #tpu.memory_space<vmem>>, vector<1x1x16xf32>,
        %get3A_2585 = vector.shape_cast %get3A_2584 : vector<1x1x16xf32> to vector<16xf32>
        %add3A_2586 = arith.addf %scan3A_2514, %get3A_2585 : vector<16xf32>
        %add3A_2587 = arith.constant 0 : i32
        %add3A_2588 = arith.addi %add3A_2587, %scan3A_2507 : i32
        %get3A_2589 = arith.constant 1 : i32
        %get3A_2590 = arith.index_cast %get3A_2589 : i32 to index
        %get3A_2591 = arith.index_cast %add3A_2588 : i32 to index
        %get3A_2592 = arith.constant 112 : index
        %get3A_2593 = tpu.vector_load %arg6[%get3A_2590, %get3A_2591, %get3A_2592] {strides = array<i32>} : memref<4x200x128xf32, #tpu.memory_space<vmem>>, vector<1x1x16xf32>,
        %get3A_2594 = vector.shape_cast %get3A_2593 : vector<1x1x16xf32> to vector<16xf32>
        %add3A_2595 = arith.addf %scan3A_2515, %get3A_2594 : vector<16xf32>
        %add3A_2596 = arith.constant 50 : i32
        %add3A_2597 = arith.addi %add3A_2596, %scan3A_2507 : i32
        %get3A_2598 = arith.constant 1 : i32
        %get3A_2599 = arith.index_cast %get3A_2598 : i32 to index
        %get3A_2600 = arith.index_cast %add3A_2597 : i32 to index
        %get3A_2601 = arith.constant 0 : index
        %get3A_2602 = tpu.vector_load %arg6[%get3A_2599, %get3A_2600, %get3A_2601] {strides = array<i32>} : memref<4x200x128xf32, #tpu.memory_space<vmem>>, vector<1x1x16xf32>,
        %get3A_2603 = vector.shape_cast %get3A_2602 : vector<1x1x16xf32> to vector<16xf32>
        %add3A_2604 = arith.addf %scan3A_2516, %get3A_2603 : vector<16xf32>
        %add3A_2605 = arith.constant 50 : i32
        %add3A_2606 = arith.addi %add3A_2605, %scan3A_2507 : i32
        %get3A_2607 = arith.constant 1 : i32
        %get3A_2608 = arith.index_cast %get3A_2607 : i32 to index
        %get3A_2609 = arith.index_cast %add3A_2606 : i32 to index
        %get3A_2610 = arith.constant 16 : index
        %get3A_2611 = tpu.vector_load %arg6[%get3A_2608, %get3A_2609, %get3A_2610] {strides = array<i32>} : memref<4x200x128xf32, #tpu.memory_space<vmem>>, vector<1x1x16xf32>,
        %get3A_2612 = vector.shape_cast %get3A_2611 : vector<1x1x16xf32> to vector<16xf32>
        %add3A_2613 = arith.addf %scan3A_2517, %get3A_2612 : vector<16xf32>
        %add3A_2614 = arith.constant 50 : i32
        %add3A_2615 = arith.addi %add3A_2614, %scan3A_2507 : i32
        %get3A_2616 = arith.constant 1 : i32
        %get3A_2617 = arith.index_cast %get3A_2616 : i32 to index
        %get3A_2618 = arith.index_cast %add3A_2615 : i32 to index
        %get3A_2619 = arith.constant 32 : index
        %get3A_2620 = tpu.vector_load %arg6[%get3A_2617, %get3A_2618, %get3A_2619] {strides = array<i32>} : memref<4x200x128xf32, #tpu.memory_space<vmem>>, vector<1x1x16xf32>,
        %get3A_2621 = vector.shape_cast %get3A_2620 : vector<1x1x16xf32> to vector<16xf32>
        %add3A_2622 = arith.addf %scan3A_2518, %get3A_2621 : vector<16xf32>
        %add3A_2623 = arith.constant 50 : i32
        %add3A_2624 = arith.addi %add3A_2623, %scan3A_2507 : i32
        %get3A_2625 = arith.constant 1 : i32
        %get3A_2626 = arith.index_cast %get3A_2625 : i32 to index
        %get3A_2627 = arith.index_cast %add3A_2624 : i32 to index
        %get3A_2628 = arith.constant 48 : index
        %get3A_2629 = tpu.vector_load %arg6[%get3A_2626, %get3A_2627, %get3A_2628] {strides = array<i32>} : memref<4x200x128xf32, #tpu.memory_space<vmem>>, vector<1x1x16xf32>,
        %get3A_2630 = vector.shape_cast %get3A_2629 : vector<1x1x16xf32> to vector<16xf32>
        %add3A_2631 = arith.addf %scan3A_2519, %get3A_2630 : vector<16xf32>
        %add3A_2632 = arith.constant 50 : i32
        %add3A_2633 = arith.addi %add3A_2632, %scan3A_2507 : i32
        %get3A_2634 = arith.constant 1 : i32
        %get3A_2635 = arith.index_cast %get3A_2634 : i32 to index
        %get3A_2636 = arith.index_cast %add3A_2633 : i32 to index
        %get3A_2637 = arith.constant 64 : index
        %get3A_2638 = tpu.vector_load %arg6[%get3A_2635, %get3A_2636, %get3A_2637] {strides = array<i32>} : memref<4x200x128xf32, #tpu.memory_space<vmem>>, vector<1x1x16xf32>,
        %get3A_2639 = vector.shape_cast %get3A_2638 : vector<1x1x16xf32> to vector<16xf32>
        %add3A_2640 = arith.addf %scan3A_2520, %get3A_2639 : vector<16xf32>
        %add3A_2641 = arith.constant 50 : i32
        %add3A_2642 = arith.addi %add3A_2641, %scan3A_2507 : i32
        %get3A_2643 = arith.constant 1 : i32
        %get3A_2644 = arith.index_cast %get3A_2643 : i32 to index
        %get3A_2645 = arith.index_cast %add3A_2642 : i32 to index
        %get3A_2646 = arith.constant 80 : index
        %get3A_2647 = tpu.vector_load %arg6[%get3A_2644, %get3A_2645, %get3A_2646] {strides = array<i32>} : memref<4x200x128xf32, #tpu.memory_space<vmem>>, vector<1x1x16xf32>,
        %get3A_2648 = vector.shape_cast %get3A_2647 : vector<1x1x16xf32> to vector<16xf32>
        %add3A_2649 = arith.addf %scan3A_2521, %get3A_2648 : vector<16xf32>
        %add3A_2650 = arith.constant 50 : i32
        %add3A_2651 = arith.addi %add3A_2650, %scan3A_2507 : i32
        %get3A_2652 = arith.constant 1 : i32
        %get3A_2653 = arith.index_cast %get3A_2652 : i32 to index
        %get3A_2654 = arith.index_cast %add3A_2651 : i32 to index
        %get3A_2655 = arith.constant 96 : index
        %get3A_2656 = tpu.vector_load %arg6[%get3A_2653, %get3A_2654, %get3A_2655] {strides = array<i32>} : memref<4x200x128xf32, #tpu.memory_space<vmem>>, vector<1x1x16xf32>,
        %get3A_2657 = vector.shape_cast %get3A_2656 : vector<1x1x16xf32> to vector<16xf32>
        %add3A_2658 = arith.addf %scan3A_2522, %get3A_2657 : vector<16xf32>
        %add3A_2659 = arith.constant 50 : i32
        %add3A_2660 = arith.addi %add3A_2659, %scan3A_2507 : i32
        %get3A_2661 = arith.constant 1 : i32
        %get3A_2662 = arith.index_cast %get3A_2661 : i32 to index
        %get3A_2663 = arith.index_cast %add3A_2660 : i32 to index
        %get3A_2664 = arith.constant 112 : index
        %get3A_2665 = tpu.vector_load %arg6[%get3A_2662, %get3A_2663, %get3A_2664] {strides = array<i32>} : memref<4x200x128xf32, #tpu.memory_space<vmem>>, vector<1x1x16xf32>,
        %get3A_2666 = vector.shape_cast %get3A_2665 : vector<1x1x16xf32> to vector<16xf32>
        %add3A_2667 = arith.addf %scan3A_2523, %get3A_2666 : vector<16xf32>
        scf.yield %add3A_2532, %add3A_2541, %add3A_2550, %add3A_2559, %add3A_2568, %add3A_2577, %add3A_2586, %add3A_2595, %add3A_2604, %add3A_2613, %add3A_2622, %add3A_2631, %add3A_2640, %add3A_2649, %add3A_2658, %add3A_2667 : vector<16xf32>, vector<16xf32>, vector<16xf32>, vector<16xf32>, vector<16xf32>, vector<16xf32>, vector<16xf32>, vector<16xf32>, vector<16xf32>, vector<16xf32>, vector<16xf32>, vector<16xf32>, vector<16xf32>, vector<16xf32>, vector<16xf32>, vector<16xf32>
      }
      %scan3A_934 = arith.constant 49 : i32
      %mul3A_935 = arith.constant 4 : i32
      %mul3A_936 = arith.muli %add3A_749, %mul3A_935 : i32
      %add3A_937 = arith.constant 0 : i32
      %add3A_938 = arith.addi %mul3A_936, %add3A_937 : i32
      %add3A_939 = arith.constant 0 : i32
      %add3A_940 = arith.addi %add3A_938, %add3A_939 : i32
      %mul3A_941 = arith.constant 0.141421363 : f32
      %mul3A_942 = vector.broadcast %mul3A_941 : f32 to vector<16xf32>
      %mul3A_943 = arith.mulf %scan3A_933#0, %mul3A_942 : vector<16xf32>
      %swap3A_944 = arith.index_cast %add3A_940 : i32 to index
      %swap3A_945 = arith.constant 0 : index
      %swap3A_946 = tpu.vector_load %arg7[%swap3A_944, %swap3A_945] {strides = array<i32>} : memref<128x128xf32, #tpu.memory_space<vmem>>, vector<1x16xf32>,
      %swap3A_947 = vector.shape_cast %swap3A_946 : vector<1x16xf32> to vector<16xf32>
      %swap3A_948 = vector.shape_cast %mul3A_943 : vector<16xf32> to vector<1x16xf32>
      tpu.vector_store %arg7[%swap3A_944, %swap3A_945], %swap3A_948 {strides = array<i32>} : memref<128x128xf32, #tpu.memory_space<vmem>>, vector<1x16xf32>,
      %mul3A_949 = arith.constant 0.141421363 : f32
      %mul3A_950 = vector.broadcast %mul3A_949 : f32 to vector<16xf32>
      %mul3A_951 = arith.mulf %scan3A_933#1, %mul3A_950 : vector<16xf32>
      %swap3A_952 = arith.index_cast %add3A_940 : i32 to index
      %swap3A_953 = arith.constant 16 : index
      %swap3A_954 = tpu.vector_load %arg7[%swap3A_952, %swap3A_953] {strides = array<i32>} : memref<128x128xf32, #tpu.memory_space<vmem>>, vector<1x16xf32>,
      %swap3A_955 = vector.shape_cast %swap3A_954 : vector<1x16xf32> to vector<16xf32>
      %swap3A_956 = vector.shape_cast %mul3A_951 : vector<16xf32> to vector<1x16xf32>
      tpu.vector_store %arg7[%swap3A_952, %swap3A_953], %swap3A_956 {strides = array<i32>} : memref<128x128xf32, #tpu.memory_space<vmem>>, vector<1x16xf32>,
      %mul3A_957 = arith.constant 0.141421363 : f32
      %mul3A_958 = vector.broadcast %mul3A_957 : f32 to vector<16xf32>
      %mul3A_959 = arith.mulf %scan3A_933#2, %mul3A_958 : vector<16xf32>
      %swap3A_960 = arith.index_cast %add3A_940 : i32 to index
      %swap3A_961 = arith.constant 32 : index
      %swap3A_962 = tpu.vector_load %arg7[%swap3A_960, %swap3A_961] {strides = array<i32>} : memref<128x128xf32, #tpu.memory_space<vmem>>, vector<1x16xf32>,
      %swap3A_963 = vector.shape_cast %swap3A_962 : vector<1x16xf32> to vector<16xf32>
      %swap3A_964 = vector.shape_cast %mul3A_959 : vector<16xf32> to vector<1x16xf32>
      tpu.vector_store %arg7[%swap3A_960, %swap3A_961], %swap3A_964 {strides = array<i32>} : memref<128x128xf32, #tpu.memory_space<vmem>>, vector<1x16xf32>,
      %mul3A_965 = arith.constant 0.141421363 : f32
      %mul3A_966 = vector.broadcast %mul3A_965 : f32 to vector<16xf32>
      %mul3A_967 = arith.mulf %scan3A_933#3, %mul3A_966 : vector<16xf32>
      %swap3A_968 = arith.index_cast %add3A_940 : i32 to index
      %swap3A_969 = arith.constant 48 : index
      %swap3A_970 = tpu.vector_load %arg7[%swap3A_968, %swap3A_969] {strides = array<i32>} : memref<128x128xf32, #tpu.memory_space<vmem>>, vector<1x16xf32>,
      %swap3A_971 = vector.shape_cast %swap3A_970 : vector<1x16xf32> to vector<16xf32>
      %swap3A_972 = vector.shape_cast %mul3A_967 : vector<16xf32> to vector<1x16xf32>
      tpu.vector_store %arg7[%swap3A_968, %swap3A_969], %swap3A_972 {strides = array<i32>} : memref<128x128xf32, #tpu.memory_space<vmem>>, vector<1x16xf32>,
      %mul3A_973 = arith.constant 0.141421363 : f32
      %mul3A_974 = vector.broadcast %mul3A_973 : f32 to vector<16xf32>
      %mul3A_975 = arith.mulf %scan3A_933#4, %mul3A_974 : vector<16xf32>
      %swap3A_976 = arith.index_cast %add3A_940 : i32 to index
      %swap3A_977 = arith.constant 64 : index
      %swap3A_978 = tpu.vector_load %arg7[%swap3A_976, %swap3A_977] {strides = array<i32>} : memref<128x128xf32, #tpu.memory_space<vmem>>, vector<1x16xf32>,
      %swap3A_979 = vector.shape_cast %swap3A_978 : vector<1x16xf32> to vector<16xf32>
      %swap3A_980 = vector.shape_cast %mul3A_975 : vector<16xf32> to vector<1x16xf32>
      tpu.vector_store %arg7[%swap3A_976, %swap3A_977], %swap3A_980 {strides = array<i32>} : memref<128x128xf32, #tpu.memory_space<vmem>>, vector<1x16xf32>,
      %mul3A_981 = arith.constant 0.141421363 : f32
      %mul3A_982 = vector.broadcast %mul3A_981 : f32 to vector<16xf32>
      %mul3A_983 = arith.mulf %scan3A_933#5, %mul3A_982 : vector<16xf32>
      %swap3A_984 = arith.index_cast %add3A_940 : i32 to index
      %swap3A_985 = arith.constant 80 : index
      %swap3A_986 = tpu.vector_load %arg7[%swap3A_984, %swap3A_985] {strides = array<i32>} : memref<128x128xf32, #tpu.memory_space<vmem>>, vector<1x16xf32>,
      %swap3A_987 = vector.shape_cast %swap3A_986 : vector<1x16xf32> to vector<16xf32>
      %swap3A_988 = vector.shape_cast %mul3A_983 : vector<16xf32> to vector<1x16xf32>
      tpu.vector_store %arg7[%swap3A_984, %swap3A_985], %swap3A_988 {strides = array<i32>} : memref<128x128xf32, #tpu.memory_space<vmem>>, vector<1x16xf32>,
      %mul3A_989 = arith.constant 0.141421363 : f32
      %mul3A_990 = vector.broadcast %mul3A_989 : f32 to vector<16xf32>
      %mul3A_991 = arith.mulf %scan3A_933#6, %mul3A_990 : vector<16xf32>
      %swap3A_992 = arith.index_cast %add3A_940 : i32 to index
      %swap3A_993 = arith.constant 96 : index
      %swap3A_994 = tpu.vector_load %arg7[%swap3A_992, %swap3A_993] {strides = array<i32>} : memref<128x128xf32, #tpu.memory_space<vmem>>, vector<1x16xf32>,
      %swap3A_995 = vector.shape_cast %swap3A_994 : vector<1x16xf32> to vector<16xf32>
      %swap3A_996 = vector.shape_cast %mul3A_991 : vector<16xf32> to vector<1x16xf32>
      tpu.vector_store %arg7[%swap3A_992, %swap3A_993], %swap3A_996 {strides = array<i32>} : memref<128x128xf32, #tpu.memory_space<vmem>>, vector<1x16xf32>,
      %mul3A_997 = arith.constant 0.141421363 : f32
      %mul3A_998 = vector.broadcast %mul3A_997 : f32 to vector<16xf32>
      %mul3A_999 = arith.mulf %scan3A_933#7, %mul3A_998 : vector<16xf32>
      %swap3A_1000 = arith.index_cast %add3A_940 : i32 to index
      %swap3A_1001 = arith.constant 112 : index
      %swap3A_1002 = tpu.vector_load %arg7[%swap3A_1000, %swap3A_1001] {strides = array<i32>} : memref<128x128xf32, #tpu.memory_space<vmem>>, vector<1x16xf32>,
      %swap3A_1003 = vector.shape_cast %swap3A_1002 : vector<1x16xf32> to vector<16xf32>
      %swap3A_1004 = vector.shape_cast %mul3A_999 : vector<16xf32> to vector<1x16xf32>
      tpu.vector_store %arg7[%swap3A_1000, %swap3A_1001], %swap3A_1004 {strides = array<i32>} : memref<128x128xf32, #tpu.memory_space<vmem>>, vector<1x16xf32>,
      %mul3A_1005 = arith.constant 4 : i32
      %mul3A_1006 = arith.muli %add3A_749, %mul3A_1005 : i32
      %add3A_1007 = arith.constant 0 : i32
      %add3A_1008 = arith.addi %mul3A_1006, %add3A_1007 : i32
      %add3A_1009 = arith.constant 1 : i32
      %add3A_1010 = arith.addi %add3A_1008, %add3A_1009 : i32
      %mul3A_1011 = arith.constant 0.141421363 : f32
      %mul3A_1012 = vector.broadcast %mul3A_1011 : f32 to vector<16xf32>
      %mul3A_1013 = arith.mulf %scan3A_933#8, %mul3A_1012 : vector<16xf32>
      %swap3A_1014 = arith.index_cast %add3A_1010 : i32 to index
      %swap3A_1015 = arith.constant 0 : index
      %swap3A_1016 = tpu.vector_load %arg7[%swap3A_1014, %swap3A_1015] {strides = array<i32>} : memref<128x128xf32, #tpu.memory_space<vmem>>, vector<1x16xf32>,
      %swap3A_1017 = vector.shape_cast %swap3A_1016 : vector<1x16xf32> to vector<16xf32>
      %swap3A_1018 = vector.shape_cast %mul3A_1013 : vector<16xf32> to vector<1x16xf32>
      tpu.vector_store %arg7[%swap3A_1014, %swap3A_1015], %swap3A_1018 {strides = array<i32>} : memref<128x128xf32, #tpu.memory_space<vmem>>, vector<1x16xf32>,
      %mul3A_1019 = arith.constant 0.141421363 : f32
      %mul3A_1020 = vector.broadcast %mul3A_1019 : f32 to vector<16xf32>
      %mul3A_1021 = arith.mulf %scan3A_933#9, %mul3A_1020 : vector<16xf32>
      %swap3A_1022 = arith.index_cast %add3A_1010 : i32 to index
      %swap3A_1023 = arith.constant 16 : index
      %swap3A_1024 = tpu.vector_load %arg7[%swap3A_1022, %swap3A_1023] {strides = array<i32>} : memref<128x128xf32, #tpu.memory_space<vmem>>, vector<1x16xf32>,
      %swap3A_1025 = vector.shape_cast %swap3A_1024 : vector<1x16xf32> to vector<16xf32>
      %swap3A_1026 = vector.shape_cast %mul3A_1021 : vector<16xf32> to vector<1x16xf32>
      tpu.vector_store %arg7[%swap3A_1022, %swap3A_1023], %swap3A_1026 {strides = array<i32>} : memref<128x128xf32, #tpu.memory_space<vmem>>, vector<1x16xf32>,
      %mul3A_1027 = arith.constant 0.141421363 : f32
      %mul3A_1028 = vector.broadcast %mul3A_1027 : f32 to vector<16xf32>
      %mul3A_1029 = arith.mulf %scan3A_933#10, %mul3A_1028 : vector<16xf32>
      %swap3A_1030 = arith.index_cast %add3A_1010 : i32 to index
      %swap3A_1031 = arith.constant 32 : index
      %swap3A_1032 = tpu.vector_load %arg7[%swap3A_1030, %swap3A_1031] {strides = array<i32>} : memref<128x128xf32, #tpu.memory_space<vmem>>, vector<1x16xf32>,
      %swap3A_1033 = vector.shape_cast %swap3A_1032 : vector<1x16xf32> to vector<16xf32>
      %swap3A_1034 = vector.shape_cast %mul3A_1029 : vector<16xf32> to vector<1x16xf32>
      tpu.vector_store %arg7[%swap3A_1030, %swap3A_1031], %swap3A_1034 {strides = array<i32>} : memref<128x128xf32, #tpu.memory_space<vmem>>, vector<1x16xf32>,
      %mul3A_1035 = arith.constant 0.141421363 : f32
      %mul3A_1036 = vector.broadcast %mul3A_1035 : f32 to vector<16xf32>
      %mul3A_1037 = arith.mulf %scan3A_933#11, %mul3A_1036 : vector<16xf32>
      %swap3A_1038 = arith.index_cast %add3A_1010 : i32 to index
      %swap3A_1039 = arith.constant 48 : index
      %swap3A_1040 = tpu.vector_load %arg7[%swap3A_1038, %swap3A_1039] {strides = array<i32>} : memref<128x128xf32, #tpu.memory_space<vmem>>, vector<1x16xf32>,
      %swap3A_1041 = vector.shape_cast %swap3A_1040 : vector<1x16xf32> to vector<16xf32>
      %swap3A_1042 = vector.shape_cast %mul3A_1037 : vector<16xf32> to vector<1x16xf32>
      tpu.vector_store %arg7[%swap3A_1038, %swap3A_1039], %swap3A_1042 {strides = array<i32>} : memref<128x128xf32, #tpu.memory_space<vmem>>, vector<1x16xf32>,
      %mul3A_1043 = arith.constant 0.141421363 : f32
      %mul3A_1044 = vector.broadcast %mul3A_1043 : f32 to vector<16xf32>
      %mul3A_1045 = arith.mulf %scan3A_933#12, %mul3A_1044 : vector<16xf32>
      %swap3A_1046 = arith.index_cast %add3A_1010 : i32 to index
      %swap3A_1047 = arith.constant 64 : index
      %swap3A_1048 = tpu.vector_load %arg7[%swap3A_1046, %swap3A_1047] {strides = array<i32>} : memref<128x128xf32, #tpu.memory_space<vmem>>, vector<1x16xf32>,
      %swap3A_1049 = vector.shape_cast %swap3A_1048 : vector<1x16xf32> to vector<16xf32>
      %swap3A_1050 = vector.shape_cast %mul3A_1045 : vector<16xf32> to vector<1x16xf32>
      tpu.vector_store %arg7[%swap3A_1046, %swap3A_1047], %swap3A_1050 {strides = array<i32>} : memref<128x128xf32, #tpu.memory_space<vmem>>, vector<1x16xf32>,
      %mul3A_1051 = arith.constant 0.141421363 : f32
      %mul3A_1052 = vector.broadcast %mul3A_1051 : f32 to vector<16xf32>
      %mul3A_1053 = arith.mulf %scan3A_933#13, %mul3A_1052 : vector<16xf32>
      %swap3A_1054 = arith.index_cast %add3A_1010 : i32 to index
      %swap3A_1055 = arith.constant 80 : index
      %swap3A_1056 = tpu.vector_load %arg7[%swap3A_1054, %swap3A_1055] {strides = array<i32>} : memref<128x128xf32, #tpu.memory_space<vmem>>, vector<1x16xf32>,
      %swap3A_1057 = vector.shape_cast %swap3A_1056 : vector<1x16xf32> to vector<16xf32>
      %swap3A_1058 = vector.shape_cast %mul3A_1053 : vector<16xf32> to vector<1x16xf32>
      tpu.vector_store %arg7[%swap3A_1054, %swap3A_1055], %swap3A_1058 {strides = array<i32>} : memref<128x128xf32, #tpu.memory_space<vmem>>, vector<1x16xf32>,
      %mul3A_1059 = arith.constant 0.141421363 : f32
      %mul3A_1060 = vector.broadcast %mul3A_1059 : f32 to vector<16xf32>
      %mul3A_1061 = arith.mulf %scan3A_933#14, %mul3A_1060 : vector<16xf32>
      %swap3A_1062 = arith.index_cast %add3A_1010 : i32 to index
      %swap3A_1063 = arith.constant 96 : index
      %swap3A_1064 = tpu.vector_load %arg7[%swap3A_1062, %swap3A_1063] {strides = array<i32>} : memref<128x128xf32, #tpu.memory_space<vmem>>, vector<1x16xf32>,
      %swap3A_1065 = vector.shape_cast %swap3A_1064 : vector<1x16xf32> to vector<16xf32>
      %swap3A_1066 = vector.shape_cast %mul3A_1061 : vector<16xf32> to vector<1x16xf32>
      tpu.vector_store %arg7[%swap3A_1062, %swap3A_1063], %swap3A_1066 {strides = array<i32>} : memref<128x128xf32, #tpu.memory_space<vmem>>, vector<1x16xf32>,
      %mul3A_1067 = arith.constant 0.141421363 : f32
      %mul3A_1068 = vector.broadcast %mul3A_1067 : f32 to vector<16xf32>
      %mul3A_1069 = arith.mulf %scan3A_933#15, %mul3A_1068 : vector<16xf32>
      %swap3A_1070 = arith.index_cast %add3A_1010 : i32 to index
      %swap3A_1071 = arith.constant 112 : index
      %swap3A_1072 = tpu.vector_load %arg7[%swap3A_1070, %swap3A_1071] {strides = array<i32>} : memref<128x128xf32, #tpu.memory_space<vmem>>, vector<1x16xf32>,
      %swap3A_1073 = vector.shape_cast %swap3A_1072 : vector<1x16xf32> to vector<16xf32>
      %swap3A_1074 = vector.shape_cast %mul3A_1069 : vector<16xf32> to vector<1x16xf32>
      tpu.vector_store %arg7[%swap3A_1070, %swap3A_1071], %swap3A_1074 {strides = array<i32>} : memref<128x128xf32, #tpu.memory_space<vmem>>, vector<1x16xf32>,
      %get3A_1075 = arith.constant 1 : i32
      %get3A_1076 = arith.constant 100 : i32
      %get3A_1077 = arith.index_cast %get3A_1075 : i32 to index
      %get3A_1078 = arith.index_cast %get3A_1076 : i32 to index
      %get3A_1079 = arith.constant 0 : index
      %get3A_1080 = tpu.vector_load %arg6[%get3A_1077, %get3A_1078, %get3A_1079] {strides = array<i32>} : memref<4x200x128xf32, #tpu.memory_space<vmem>>, vector<1x1x16xf32>,
      %get3A_1081 = vector.shape_cast %get3A_1080 : vector<1x1x16xf32> to vector<16xf32>
      %get3A_1082 = arith.constant 1 : i32
      %get3A_1083 = arith.constant 100 : i32
      %get3A_1084 = arith.index_cast %get3A_1082 : i32 to index
      %get3A_1085 = arith.index_cast %get3A_1083 : i32 to index
      %get3A_1086 = arith.constant 16 : index
      %get3A_1087 = tpu.vector_load %arg6[%get3A_1084, %get3A_1085, %get3A_1086] {strides = array<i32>} : memref<4x200x128xf32, #tpu.memory_space<vmem>>, vector<1x1x16xf32>,
      %get3A_1088 = vector.shape_cast %get3A_1087 : vector<1x1x16xf32> to vector<16xf32>
      %get3A_1089 = arith.constant 1 : i32
      %get3A_1090 = arith.constant 100 : i32
      %get3A_1091 = arith.index_cast %get3A_1089 : i32 to index
      %get3A_1092 = arith.index_cast %get3A_1090 : i32 to index
      %get3A_1093 = arith.constant 32 : index
      %get3A_1094 = tpu.vector_load %arg6[%get3A_1091, %get3A_1092, %get3A_1093] {strides = array<i32>} : memref<4x200x128xf32, #tpu.memory_space<vmem>>, vector<1x1x16xf32>,
      %get3A_1095 = vector.shape_cast %get3A_1094 : vector<1x1x16xf32> to vector<16xf32>
      %get3A_1096 = arith.constant 1 : i32
      %get3A_1097 = arith.constant 100 : i32
      %get3A_1098 = arith.index_cast %get3A_1096 : i32 to index
      %get3A_1099 = arith.index_cast %get3A_1097 : i32 to index
      %get3A_1100 = arith.constant 48 : index
      %get3A_1101 = tpu.vector_load %arg6[%get3A_1098, %get3A_1099, %get3A_1100] {strides = array<i32>} : memref<4x200x128xf32, #tpu.memory_space<vmem>>, vector<1x1x16xf32>,
      %get3A_1102 = vector.shape_cast %get3A_1101 : vector<1x1x16xf32> to vector<16xf32>
      %get3A_1103 = arith.constant 1 : i32
      %get3A_1104 = arith.constant 100 : i32
      %get3A_1105 = arith.index_cast %get3A_1103 : i32 to index
      %get3A_1106 = arith.index_cast %get3A_1104 : i32 to index
      %get3A_1107 = arith.constant 64 : index
      %get3A_1108 = tpu.vector_load %arg6[%get3A_1105, %get3A_1106, %get3A_1107] {strides = array<i32>} : memref<4x200x128xf32, #tpu.memory_space<vmem>>, vector<1x1x16xf32>,
      %get3A_1109 = vector.shape_cast %get3A_1108 : vector<1x1x16xf32> to vector<16xf32>
      %get3A_1110 = arith.constant 1 : i32
      %get3A_1111 = arith.constant 100 : i32
      %get3A_1112 = arith.index_cast %get3A_1110 : i32 to index
      %get3A_1113 = arith.index_cast %get3A_1111 : i32 to index
      %get3A_1114 = arith.constant 80 : index
      %get3A_1115 = tpu.vector_load %arg6[%get3A_1112, %get3A_1113, %get3A_1114] {strides = array<i32>} : memref<4x200x128xf32, #tpu.memory_space<vmem>>, vector<1x1x16xf32>,
      %get3A_1116 = vector.shape_cast %get3A_1115 : vector<1x1x16xf32> to vector<16xf32>
      %get3A_1117 = arith.constant 1 : i32
      %get3A_1118 = arith.constant 100 : i32
      %get3A_1119 = arith.index_cast %get3A_1117 : i32 to index
      %get3A_1120 = arith.index_cast %get3A_1118 : i32 to index
      %get3A_1121 = arith.constant 96 : index
      %get3A_1122 = tpu.vector_load %arg6[%get3A_1119, %get3A_1120, %get3A_1121] {strides = array<i32>} : memref<4x200x128xf32, #tpu.memory_space<vmem>>, vector<1x1x16xf32>,
      %get3A_1123 = vector.shape_cast %get3A_1122 : vector<1x1x16xf32> to vector<16xf32>
      %get3A_1124 = arith.constant 1 : i32
      %get3A_1125 = arith.constant 100 : i32
      %get3A_1126 = arith.index_cast %get3A_1124 : i32 to index
      %get3A_1127 = arith.index_cast %get3A_1125 : i32 to index
      %get3A_1128 = arith.constant 112 : index
      %get3A_1129 = tpu.vector_load %arg6[%get3A_1126, %get3A_1127, %get3A_1128] {strides = array<i32>} : memref<4x200x128xf32, #tpu.memory_space<vmem>>, vector<1x1x16xf32>,
      %get3A_1130 = vector.shape_cast %get3A_1129 : vector<1x1x16xf32> to vector<16xf32>
      %get3A_1131 = arith.constant 1 : i32
      %get3A_1132 = arith.constant 150 : i32
      %get3A_1133 = arith.index_cast %get3A_1131 : i32 to index
      %get3A_1134 = arith.index_cast %get3A_1132 : i32 to index
      %get3A_1135 = arith.constant 0 : index
      %get3A_1136 = tpu.vector_load %arg6[%get3A_1133, %get3A_1134, %get3A_1135] {strides = array<i32>} : memref<4x200x128xf32, #tpu.memory_space<vmem>>, vector<1x1x16xf32>,
      %get3A_1137 = vector.shape_cast %get3A_1136 : vector<1x1x16xf32> to vector<16xf32>
      %get3A_1138 = arith.constant 1 : i32
      %get3A_1139 = arith.constant 150 : i32
      %get3A_1140 = arith.index_cast %get3A_1138 : i32 to index
      %get3A_1141 = arith.index_cast %get3A_1139 : i32 to index
      %get3A_1142 = arith.constant 16 : index
      %get3A_1143 = tpu.vector_load %arg6[%get3A_1140, %get3A_1141, %get3A_1142] {strides = array<i32>} : memref<4x200x128xf32, #tpu.memory_space<vmem>>, vector<1x1x16xf32>,
      %get3A_1144 = vector.shape_cast %get3A_1143 : vector<1x1x16xf32> to vector<16xf32>
      %get3A_1145 = arith.constant 1 : i32
      %get3A_1146 = arith.constant 150 : i32
      %get3A_1147 = arith.index_cast %get3A_1145 : i32 to index
      %get3A_1148 = arith.index_cast %get3A_1146 : i32 to index
      %get3A_1149 = arith.constant 32 : index
      %get3A_1150 = tpu.vector_load %arg6[%get3A_1147, %get3A_1148, %get3A_1149] {strides = array<i32>} : memref<4x200x128xf32, #tpu.memory_space<vmem>>, vector<1x1x16xf32>,
      %get3A_1151 = vector.shape_cast %get3A_1150 : vector<1x1x16xf32> to vector<16xf32>
      %get3A_1152 = arith.constant 1 : i32
      %get3A_1153 = arith.constant 150 : i32
      %get3A_1154 = arith.index_cast %get3A_1152 : i32 to index
      %get3A_1155 = arith.index_cast %get3A_1153 : i32 to index
      %get3A_1156 = arith.constant 48 : index
      %get3A_1157 = tpu.vector_load %arg6[%get3A_1154, %get3A_1155, %get3A_1156] {strides = array<i32>} : memref<4x200x128xf32, #tpu.memory_space<vmem>>, vector<1x1x16xf32>,
      %get3A_1158 = vector.shape_cast %get3A_1157 : vector<1x1x16xf32> to vector<16xf32>
      %get3A_1159 = arith.constant 1 : i32
      %get3A_1160 = arith.constant 150 : i32
      %get3A_1161 = arith.index_cast %get3A_1159 : i32 to index
      %get3A_1162 = arith.index_cast %get3A_1160 : i32 to index
      %get3A_1163 = arith.constant 64 : index
      %get3A_1164 = tpu.vector_load %arg6[%get3A_1161, %get3A_1162, %get3A_1163] {strides = array<i32>} : memref<4x200x128xf32, #tpu.memory_space<vmem>>, vector<1x1x16xf32>,
      %get3A_1165 = vector.shape_cast %get3A_1164 : vector<1x1x16xf32> to vector<16xf32>
      %get3A_1166 = arith.constant 1 : i32
      %get3A_1167 = arith.constant 150 : i32
      %get3A_1168 = arith.index_cast %get3A_1166 : i32 to index
      %get3A_1169 = arith.index_cast %get3A_1167 : i32 to index
      %get3A_1170 = arith.constant 80 : index
      %get3A_1171 = tpu.vector_load %arg6[%get3A_1168, %get3A_1169, %get3A_1170] {strides = array<i32>} : memref<4x200x128xf32, #tpu.memory_space<vmem>>, vector<1x1x16xf32>,
      %get3A_1172 = vector.shape_cast %get3A_1171 : vector<1x1x16xf32> to vector<16xf32>
      %get3A_1173 = arith.constant 1 : i32
      %get3A_1174 = arith.constant 150 : i32
      %get3A_1175 = arith.index_cast %get3A_1173 : i32 to index
      %get3A_1176 = arith.index_cast %get3A_1174 : i32 to index
      %get3A_1177 = arith.constant 96 : index
      %get3A_1178 = tpu.vector_load %arg6[%get3A_1175, %get3A_1176, %get3A_1177] {strides = array<i32>} : memref<4x200x128xf32, #tpu.memory_space<vmem>>, vector<1x1x16xf32>,
      %get3A_1179 = vector.shape_cast %get3A_1178 : vector<1x1x16xf32> to vector<16xf32>
      %get3A_1180 = arith.constant 1 : i32
      %get3A_1181 = arith.constant 150 : i32
      %get3A_1182 = arith.index_cast %get3A_1180 : i32 to index
      %get3A_1183 = arith.index_cast %get3A_1181 : i32 to index
      %get3A_1184 = arith.constant 112 : index
      %get3A_1185 = tpu.vector_load %arg6[%get3A_1182, %get3A_1183, %get3A_1184] {strides = array<i32>} : memref<4x200x128xf32, #tpu.memory_space<vmem>>, vector<1x1x16xf32>,
      %get3A_1186 = vector.shape_cast %get3A_1185 : vector<1x1x16xf32> to vector<16xf32>
      %scan3A_1187 = arith.constant 1 : i32
      %scan3A_1188 = arith.constant 49 : i32
      %scan3A_1189 = arith.addi %scan3A_1187, %scan3A_1188 : i32
      %scan3A_1190 = arith.constant 1 : i32
      %scan3A_1191:16 = scf.for %scan3A_2507 = %scan3A_1187 to %scan3A_1189 step %scan3A_1190 iter_args(%scan3A_2508 = %get3A_1081, %scan3A_2509 = %get3A_1088, %scan3A_2510 = %get3A_1095, %scan3A_2511 = %get3A_1102, %scan3A_2512 = %get3A_1109, %scan3A_2513 = %get3A_1116, %scan3A_2514 = %get3A_1123, %scan3A_2515 = %get3A_1130, %scan3A_2516 = %get3A_1137, %scan3A_2517 = %get3A_1144, %scan3A_2518 = %get3A_1151, %scan3A_2519 = %get3A_1158, %scan3A_2520 = %get3A_1165, %scan3A_2521 = %get3A_1172, %scan3A_2522 = %get3A_1179, %scan3A_2523 = %get3A_1186) -> (vector<16xf32>, vector<16xf32>, vector<16xf32>, vector<16xf32>, vector<16xf32>, vector<16xf32>, vector<16xf32>, vector<16xf32>, vector<16xf32>, vector<16xf32>, vector<16xf32>, vector<16xf32>, vector<16xf32>, vector<16xf32>, vector<16xf32>, vector<16xf32>)  : i32 {
        %add3A_2524 = arith.constant 100 : i32
        %add3A_2525 = arith.addi %add3A_2524, %scan3A_2507 : i32
        %get3A_2526 = arith.constant 1 : i32
        %get3A_2527 = arith.index_cast %get3A_2526 : i32 to index
        %get3A_2528 = arith.index_cast %add3A_2525 : i32 to index
        %get3A_2529 = arith.constant 0 : index
        %get3A_2530 = tpu.vector_load %arg6[%get3A_2527, %get3A_2528, %get3A_2529] {strides = array<i32>} : memref<4x200x128xf32, #tpu.memory_space<vmem>>, vector<1x1x16xf32>,
        %get3A_2531 = vector.shape_cast %get3A_2530 : vector<1x1x16xf32> to vector<16xf32>
        %add3A_2532 = arith.addf %scan3A_2508, %get3A_2531 : vector<16xf32>
        %add3A_2533 = arith.constant 100 : i32
        %add3A_2534 = arith.addi %add3A_2533, %scan3A_2507 : i32
        %get3A_2535 = arith.constant 1 : i32
        %get3A_2536 = arith.index_cast %get3A_2535 : i32 to index
        %get3A_2537 = arith.index_cast %add3A_2534 : i32 to index
        %get3A_2538 = arith.constant 16 : index
        %get3A_2539 = tpu.vector_load %arg6[%get3A_2536, %get3A_2537, %get3A_2538] {strides = array<i32>} : memref<4x200x128xf32, #tpu.memory_space<vmem>>, vector<1x1x16xf32>,
        %get3A_2540 = vector.shape_cast %get3A_2539 : vector<1x1x16xf32> to vector<16xf32>
        %add3A_2541 = arith.addf %scan3A_2509, %get3A_2540 : vector<16xf32>
        %add3A_2542 = arith.constant 100 : i32
        %add3A_2543 = arith.addi %add3A_2542, %scan3A_2507 : i32
        %get3A_2544 = arith.constant 1 : i32
        %get3A_2545 = arith.index_cast %get3A_2544 : i32 to index
        %get3A_2546 = arith.index_cast %add3A_2543 : i32 to index
        %get3A_2547 = arith.constant 32 : index
        %get3A_2548 = tpu.vector_load %arg6[%get3A_2545, %get3A_2546, %get3A_2547] {strides = array<i32>} : memref<4x200x128xf32, #tpu.memory_space<vmem>>, vector<1x1x16xf32>,
        %get3A_2549 = vector.shape_cast %get3A_2548 : vector<1x1x16xf32> to vector<16xf32>
        %add3A_2550 = arith.addf %scan3A_2510, %get3A_2549 : vector<16xf32>
        %add3A_2551 = arith.constant 100 : i32
        %add3A_2552 = arith.addi %add3A_2551, %scan3A_2507 : i32
        %get3A_2553 = arith.constant 1 : i32
        %get3A_2554 = arith.index_cast %get3A_2553 : i32 to index
        %get3A_2555 = arith.index_cast %add3A_2552 : i32 to index
        %get3A_2556 = arith.constant 48 : index
        %get3A_2557 = tpu.vector_load %arg6[%get3A_2554, %get3A_2555, %get3A_2556] {strides = array<i32>} : memref<4x200x128xf32, #tpu.memory_space<vmem>>, vector<1x1x16xf32>,
        %get3A_2558 = vector.shape_cast %get3A_2557 : vector<1x1x16xf32> to vector<16xf32>
        %add3A_2559 = arith.addf %scan3A_2511, %get3A_2558 : vector<16xf32>
        %add3A_2560 = arith.constant 100 : i32
        %add3A_2561 = arith.addi %add3A_2560, %scan3A_2507 : i32
        %get3A_2562 = arith.constant 1 : i32
        %get3A_2563 = arith.index_cast %get3A_2562 : i32 to index
        %get3A_2564 = arith.index_cast %add3A_2561 : i32 to index
        %get3A_2565 = arith.constant 64 : index
        %get3A_2566 = tpu.vector_load %arg6[%get3A_2563, %get3A_2564, %get3A_2565] {strides = array<i32>} : memref<4x200x128xf32, #tpu.memory_space<vmem>>, vector<1x1x16xf32>,
        %get3A_2567 = vector.shape_cast %get3A_2566 : vector<1x1x16xf32> to vector<16xf32>
        %add3A_2568 = arith.addf %scan3A_2512, %get3A_2567 : vector<16xf32>
        %add3A_2569 = arith.constant 100 : i32
        %add3A_2570 = arith.addi %add3A_2569, %scan3A_2507 : i32
        %get3A_2571 = arith.constant 1 : i32
        %get3A_2572 = arith.index_cast %get3A_2571 : i32 to index
        %get3A_2573 = arith.index_cast %add3A_2570 : i32 to index
        %get3A_2574 = arith.constant 80 : index
        %get3A_2575 = tpu.vector_load %arg6[%get3A_2572, %get3A_2573, %get3A_2574] {strides = array<i32>} : memref<4x200x128xf32, #tpu.memory_space<vmem>>, vector<1x1x16xf32>,
        %get3A_2576 = vector.shape_cast %get3A_2575 : vector<1x1x16xf32> to vector<16xf32>
        %add3A_2577 = arith.addf %scan3A_2513, %get3A_2576 : vector<16xf32>
        %add3A_2578 = arith.constant 100 : i32
        %add3A_2579 = arith.addi %add3A_2578, %scan3A_2507 : i32
        %get3A_2580 = arith.constant 1 : i32
        %get3A_2581 = arith.index_cast %get3A_2580 : i32 to index
        %get3A_2582 = arith.index_cast %add3A_2579 : i32 to index
        %get3A_2583 = arith.constant 96 : index
        %get3A_2584 = tpu.vector_load %arg6[%get3A_2581, %get3A_2582, %get3A_2583] {strides = array<i32>} : memref<4x200x128xf32, #tpu.memory_space<vmem>>, vector<1x1x16xf32>,
        %get3A_2585 = vector.shape_cast %get3A_2584 : vector<1x1x16xf32> to vector<16xf32>
        %add3A_2586 = arith.addf %scan3A_2514, %get3A_2585 : vector<16xf32>
        %add3A_2587 = arith.constant 100 : i32
        %add3A_2588 = arith.addi %add3A_2587, %scan3A_2507 : i32
        %get3A_2589 = arith.constant 1 : i32
        %get3A_2590 = arith.index_cast %get3A_2589 : i32 to index
        %get3A_2591 = arith.index_cast %add3A_2588 : i32 to index
        %get3A_2592 = arith.constant 112 : index
        %get3A_2593 = tpu.vector_load %arg6[%get3A_2590, %get3A_2591, %get3A_2592] {strides = array<i32>} : memref<4x200x128xf32, #tpu.memory_space<vmem>>, vector<1x1x16xf32>,
        %get3A_2594 = vector.shape_cast %get3A_2593 : vector<1x1x16xf32> to vector<16xf32>
        %add3A_2595 = arith.addf %scan3A_2515, %get3A_2594 : vector<16xf32>
        %add3A_2596 = arith.constant 150 : i32
        %add3A_2597 = arith.addi %add3A_2596, %scan3A_2507 : i32
        %get3A_2598 = arith.constant 1 : i32
        %get3A_2599 = arith.index_cast %get3A_2598 : i32 to index
        %get3A_2600 = arith.index_cast %add3A_2597 : i32 to index
        %get3A_2601 = arith.constant 0 : index
        %get3A_2602 = tpu.vector_load %arg6[%get3A_2599, %get3A_2600, %get3A_2601] {strides = array<i32>} : memref<4x200x128xf32, #tpu.memory_space<vmem>>, vector<1x1x16xf32>,
        %get3A_2603 = vector.shape_cast %get3A_2602 : vector<1x1x16xf32> to vector<16xf32>
        %add3A_2604 = arith.addf %scan3A_2516, %get3A_2603 : vector<16xf32>
        %add3A_2605 = arith.constant 150 : i32
        %add3A_2606 = arith.addi %add3A_2605, %scan3A_2507 : i32
        %get3A_2607 = arith.constant 1 : i32
        %get3A_2608 = arith.index_cast %get3A_2607 : i32 to index
        %get3A_2609 = arith.index_cast %add3A_2606 : i32 to index
        %get3A_2610 = arith.constant 16 : index
        %get3A_2611 = tpu.vector_load %arg6[%get3A_2608, %get3A_2609, %get3A_2610] {strides = array<i32>} : memref<4x200x128xf32, #tpu.memory_space<vmem>>, vector<1x1x16xf32>,
        %get3A_2612 = vector.shape_cast %get3A_2611 : vector<1x1x16xf32> to vector<16xf32>
        %add3A_2613 = arith.addf %scan3A_2517, %get3A_2612 : vector<16xf32>
        %add3A_2614 = arith.constant 150 : i32
        %add3A_2615 = arith.addi %add3A_2614, %scan3A_2507 : i32
        %get3A_2616 = arith.constant 1 : i32
        %get3A_2617 = arith.index_cast %get3A_2616 : i32 to index
        %get3A_2618 = arith.index_cast %add3A_2615 : i32 to index
        %get3A_2619 = arith.constant 32 : index
        %get3A_2620 = tpu.vector_load %arg6[%get3A_2617, %get3A_2618, %get3A_2619] {strides = array<i32>} : memref<4x200x128xf32, #tpu.memory_space<vmem>>, vector<1x1x16xf32>,
        %get3A_2621 = vector.shape_cast %get3A_2620 : vector<1x1x16xf32> to vector<16xf32>
        %add3A_2622 = arith.addf %scan3A_2518, %get3A_2621 : vector<16xf32>
        %add3A_2623 = arith.constant 150 : i32
        %add3A_2624 = arith.addi %add3A_2623, %scan3A_2507 : i32
        %get3A_2625 = arith.constant 1 : i32
        %get3A_2626 = arith.index_cast %get3A_2625 : i32 to index
        %get3A_2627 = arith.index_cast %add3A_2624 : i32 to index
        %get3A_2628 = arith.constant 48 : index
        %get3A_2629 = tpu.vector_load %arg6[%get3A_2626, %get3A_2627, %get3A_2628] {strides = array<i32>} : memref<4x200x128xf32, #tpu.memory_space<vmem>>, vector<1x1x16xf32>,
        %get3A_2630 = vector.shape_cast %get3A_2629 : vector<1x1x16xf32> to vector<16xf32>
        %add3A_2631 = arith.addf %scan3A_2519, %get3A_2630 : vector<16xf32>
        %add3A_2632 = arith.constant 150 : i32
        %add3A_2633 = arith.addi %add3A_2632, %scan3A_2507 : i32
        %get3A_2634 = arith.constant 1 : i32
        %get3A_2635 = arith.index_cast %get3A_2634 : i32 to index
        %get3A_2636 = arith.index_cast %add3A_2633 : i32 to index
        %get3A_2637 = arith.constant 64 : index
        %get3A_2638 = tpu.vector_load %arg6[%get3A_2635, %get3A_2636, %get3A_2637] {strides = array<i32>} : memref<4x200x128xf32, #tpu.memory_space<vmem>>, vector<1x1x16xf32>,
        %get3A_2639 = vector.shape_cast %get3A_2638 : vector<1x1x16xf32> to vector<16xf32>
        %add3A_2640 = arith.addf %scan3A_2520, %get3A_2639 : vector<16xf32>
        %add3A_2641 = arith.constant 150 : i32
        %add3A_2642 = arith.addi %add3A_2641, %scan3A_2507 : i32
        %get3A_2643 = arith.constant 1 : i32
        %get3A_2644 = arith.index_cast %get3A_2643 : i32 to index
        %get3A_2645 = arith.index_cast %add3A_2642 : i32 to index
        %get3A_2646 = arith.constant 80 : index
        %get3A_2647 = tpu.vector_load %arg6[%get3A_2644, %get3A_2645, %get3A_2646] {strides = array<i32>} : memref<4x200x128xf32, #tpu.memory_space<vmem>>, vector<1x1x16xf32>,
        %get3A_2648 = vector.shape_cast %get3A_2647 : vector<1x1x16xf32> to vector<16xf32>
        %add3A_2649 = arith.addf %scan3A_2521, %get3A_2648 : vector<16xf32>
        %add3A_2650 = arith.constant 150 : i32
        %add3A_2651 = arith.addi %add3A_2650, %scan3A_2507 : i32
        %get3A_2652 = arith.constant 1 : i32
        %get3A_2653 = arith.index_cast %get3A_2652 : i32 to index
        %get3A_2654 = arith.index_cast %add3A_2651 : i32 to index
        %get3A_2655 = arith.constant 96 : index
        %get3A_2656 = tpu.vector_load %arg6[%get3A_2653, %get3A_2654, %get3A_2655] {strides = array<i32>} : memref<4x200x128xf32, #tpu.memory_space<vmem>>, vector<1x1x16xf32>,
        %get3A_2657 = vector.shape_cast %get3A_2656 : vector<1x1x16xf32> to vector<16xf32>
        %add3A_2658 = arith.addf %scan3A_2522, %get3A_2657 : vector<16xf32>
        %add3A_2659 = arith.constant 150 : i32
        %add3A_2660 = arith.addi %add3A_2659, %scan3A_2507 : i32
        %get3A_2661 = arith.constant 1 : i32
        %get3A_2662 = arith.index_cast %get3A_2661 : i32 to index
        %get3A_2663 = arith.index_cast %add3A_2660 : i32 to index
        %get3A_2664 = arith.constant 112 : index
        %get3A_2665 = tpu.vector_load %arg6[%get3A_2662, %get3A_2663, %get3A_2664] {strides = array<i32>} : memref<4x200x128xf32, #tpu.memory_space<vmem>>, vector<1x1x16xf32>,
        %get3A_2666 = vector.shape_cast %get3A_2665 : vector<1x1x16xf32> to vector<16xf32>
        %add3A_2667 = arith.addf %scan3A_2523, %get3A_2666 : vector<16xf32>
        scf.yield %add3A_2532, %add3A_2541, %add3A_2550, %add3A_2559, %add3A_2568, %add3A_2577, %add3A_2586, %add3A_2595, %add3A_2604, %add3A_2613, %add3A_2622, %add3A_2631, %add3A_2640, %add3A_2649, %add3A_2658, %add3A_2667 : vector<16xf32>, vector<16xf32>, vector<16xf32>, vector<16xf32>, vector<16xf32>, vector<16xf32>, vector<16xf32>, vector<16xf32>, vector<16xf32>, vector<16xf32>, vector<16xf32>, vector<16xf32>, vector<16xf32>, vector<16xf32>, vector<16xf32>, vector<16xf32>
      }
      %scan3A_1192 = arith.constant 49 : i32
      %mul3A_1193 = arith.constant 4 : i32
      %mul3A_1194 = arith.muli %add3A_749, %mul3A_1193 : i32
      %add3A_1195 = arith.constant 2 : i32
      %add3A_1196 = arith.addi %mul3A_1194, %add3A_1195 : i32
      %add3A_1197 = arith.constant 0 : i32
      %add3A_1198 = arith.addi %add3A_1196, %add3A_1197 : i32
      %mul3A_1199 = arith.constant 0.141421363 : f32
      %mul3A_1200 = vector.broadcast %mul3A_1199 : f32 to vector<16xf32>
      %mul3A_1201 = arith.mulf %scan3A_1191#0, %mul3A_1200 : vector<16xf32>
      %swap3A_1202 = arith.index_cast %add3A_1198 : i32 to index
      %swap3A_1203 = arith.constant 0 : index
      %swap3A_1204 = tpu.vector_load %arg7[%swap3A_1202, %swap3A_1203] {strides = array<i32>} : memref<128x128xf32, #tpu.memory_space<vmem>>, vector<1x16xf32>,
      %swap3A_1205 = vector.shape_cast %swap3A_1204 : vector<1x16xf32> to vector<16xf32>
      %swap3A_1206 = vector.shape_cast %mul3A_1201 : vector<16xf32> to vector<1x16xf32>
      tpu.vector_store %arg7[%swap3A_1202, %swap3A_1203], %swap3A_1206 {strides = array<i32>} : memref<128x128xf32, #tpu.memory_space<vmem>>, vector<1x16xf32>,
      %mul3A_1207 = arith.constant 0.141421363 : f32
      %mul3A_1208 = vector.broadcast %mul3A_1207 : f32 to vector<16xf32>
      %mul3A_1209 = arith.mulf %scan3A_1191#1, %mul3A_1208 : vector<16xf32>
      %swap3A_1210 = arith.index_cast %add3A_1198 : i32 to index
      %swap3A_1211 = arith.constant 16 : index
      %swap3A_1212 = tpu.vector_load %arg7[%swap3A_1210, %swap3A_1211] {strides = array<i32>} : memref<128x128xf32, #tpu.memory_space<vmem>>, vector<1x16xf32>,
      %swap3A_1213 = vector.shape_cast %swap3A_1212 : vector<1x16xf32> to vector<16xf32>
      %swap3A_1214 = vector.shape_cast %mul3A_1209 : vector<16xf32> to vector<1x16xf32>
      tpu.vector_store %arg7[%swap3A_1210, %swap3A_1211], %swap3A_1214 {strides = array<i32>} : memref<128x128xf32, #tpu.memory_space<vmem>>, vector<1x16xf32>,
      %mul3A_1215 = arith.constant 0.141421363 : f32
      %mul3A_1216 = vector.broadcast %mul3A_1215 : f32 to vector<16xf32>
      %mul3A_1217 = arith.mulf %scan3A_1191#2, %mul3A_1216 : vector<16xf32>
      %swap3A_1218 = arith.index_cast %add3A_1198 : i32 to index
      %swap3A_1219 = arith.constant 32 : index
      %swap3A_1220 = tpu.vector_load %arg7[%swap3A_1218, %swap3A_1219] {strides = array<i32>} : memref<128x128xf32, #tpu.memory_space<vmem>>, vector<1x16xf32>,
      %swap3A_1221 = vector.shape_cast %swap3A_1220 : vector<1x16xf32> to vector<16xf32>
      %swap3A_1222 = vector.shape_cast %mul3A_1217 : vector<16xf32> to vector<1x16xf32>
      tpu.vector_store %arg7[%swap3A_1218, %swap3A_1219], %swap3A_1222 {strides = array<i32>} : memref<128x128xf32, #tpu.memory_space<vmem>>, vector<1x16xf32>,
      %mul3A_1223 = arith.constant 0.141421363 : f32
      %mul3A_1224 = vector.broadcast %mul3A_1223 : f32 to vector<16xf32>
      %mul3A_1225 = arith.mulf %scan3A_1191#3, %mul3A_1224 : vector<16xf32>
      %swap3A_1226 = arith.index_cast %add3A_1198 : i32 to index
      %swap3A_1227 = arith.constant 48 : index
      %swap3A_1228 = tpu.vector_load %arg7[%swap3A_1226, %swap3A_1227] {strides = array<i32>} : memref<128x128xf32, #tpu.memory_space<vmem>>, vector<1x16xf32>,
      %swap3A_1229 = vector.shape_cast %swap3A_1228 : vector<1x16xf32> to vector<16xf32>
      %swap3A_1230 = vector.shape_cast %mul3A_1225 : vector<16xf32> to vector<1x16xf32>
      tpu.vector_store %arg7[%swap3A_1226, %swap3A_1227], %swap3A_1230 {strides = array<i32>} : memref<128x128xf32, #tpu.memory_space<vmem>>, vector<1x16xf32>,
      %mul3A_1231 = arith.constant 0.141421363 : f32
      %mul3A_1232 = vector.broadcast %mul3A_1231 : f32 to vector<16xf32>
      %mul3A_1233 = arith.mulf %scan3A_1191#4, %mul3A_1232 : vector<16xf32>
      %swap3A_1234 = arith.index_cast %add3A_1198 : i32 to index
      %swap3A_1235 = arith.constant 64 : index
      %swap3A_1236 = tpu.vector_load %arg7[%swap3A_1234, %swap3A_1235] {strides = array<i32>} : memref<128x128xf32, #tpu.memory_space<vmem>>, vector<1x16xf32>,
      %swap3A_1237 = vector.shape_cast %swap3A_1236 : vector<1x16xf32> to vector<16xf32>
      %swap3A_1238 = vector.shape_cast %mul3A_1233 : vector<16xf32> to vector<1x16xf32>
      tpu.vector_store %arg7[%swap3A_1234, %swap3A_1235], %swap3A_1238 {strides = array<i32>} : memref<128x128xf32, #tpu.memory_space<vmem>>, vector<1x16xf32>,
      %mul3A_1239 = arith.constant 0.141421363 : f32
      %mul3A_1240 = vector.broadcast %mul3A_1239 : f32 to vector<16xf32>
      %mul3A_1241 = arith.mulf %scan3A_1191#5, %mul3A_1240 : vector<16xf32>
      %swap3A_1242 = arith.index_cast %add3A_1198 : i32 to index
      %swap3A_1243 = arith.constant 80 : index
      %swap3A_1244 = tpu.vector_load %arg7[%swap3A_1242, %swap3A_1243] {strides = array<i32>} : memref<128x128xf32, #tpu.memory_space<vmem>>, vector<1x16xf32>,
      %swap3A_1245 = vector.shape_cast %swap3A_1244 : vector<1x16xf32> to vector<16xf32>
      %swap3A_1246 = vector.shape_cast %mul3A_1241 : vector<16xf32> to vector<1x16xf32>
      tpu.vector_store %arg7[%swap3A_1242, %swap3A_1243], %swap3A_1246 {strides = array<i32>} : memref<128x128xf32, #tpu.memory_space<vmem>>, vector<1x16xf32>,
      %mul3A_1247 = arith.constant 0.141421363 : f32
      %mul3A_1248 = vector.broadcast %mul3A_1247 : f32 to vector<16xf32>
      %mul3A_1249 = arith.mulf %scan3A_1191#6, %mul3A_1248 : vector<16xf32>
      %swap3A_1250 = arith.index_cast %add3A_1198 : i32 to index
      %swap3A_1251 = arith.constant 96 : index
      %swap3A_1252 = tpu.vector_load %arg7[%swap3A_1250, %swap3A_1251] {strides = array<i32>} : memref<128x128xf32, #tpu.memory_space<vmem>>, vector<1x16xf32>,
      %swap3A_1253 = vector.shape_cast %swap3A_1252 : vector<1x16xf32> to vector<16xf32>
      %swap3A_1254 = vector.shape_cast %mul3A_1249 : vector<16xf32> to vector<1x16xf32>
      tpu.vector_store %arg7[%swap3A_1250, %swap3A_1251], %swap3A_1254 {strides = array<i32>} : memref<128x128xf32, #tpu.memory_space<vmem>>, vector<1x16xf32>,
      %mul3A_1255 = arith.constant 0.141421363 : f32
      %mul3A_1256 = vector.broadcast %mul3A_1255 : f32 to vector<16xf32>
      %mul3A_1257 = arith.mulf %scan3A_1191#7, %mul3A_1256 : vector<16xf32>
      %swap3A_1258 = arith.index_cast %add3A_1198 : i32 to index
      %swap3A_1259 = arith.constant 112 : index
      %swap3A_1260 = tpu.vector_load %arg7[%swap3A_1258, %swap3A_1259] {strides = array<i32>} : memref<128x128xf32, #tpu.memory_space<vmem>>, vector<1x16xf32>,
      %swap3A_1261 = vector.shape_cast %swap3A_1260 : vector<1x16xf32> to vector<16xf32>
      %swap3A_1262 = vector.shape_cast %mul3A_1257 : vector<16xf32> to vector<1x16xf32>
      tpu.vector_store %arg7[%swap3A_1258, %swap3A_1259], %swap3A_1262 {strides = array<i32>} : memref<128x128xf32, #tpu.memory_space<vmem>>, vector<1x16xf32>,
      %mul3A_1263 = arith.constant 4 : i32
      %mul3A_1264 = arith.muli %add3A_749, %mul3A_1263 : i32
      %add3A_1265 = arith.constant 2 : i32
      %add3A_1266 = arith.addi %mul3A_1264, %add3A_1265 : i32
      %add3A_1267 = arith.constant 1 : i32
      %add3A_1268 = arith.addi %add3A_1266, %add3A_1267 : i32
      %mul3A_1269 = arith.constant 0.141421363 : f32
      %mul3A_1270 = vector.broadcast %mul3A_1269 : f32 to vector<16xf32>
      %mul3A_1271 = arith.mulf %scan3A_1191#8, %mul3A_1270 : vector<16xf32>
      %swap3A_1272 = arith.index_cast %add3A_1268 : i32 to index
      %swap3A_1273 = arith.constant 0 : index
      %swap3A_1274 = tpu.vector_load %arg7[%swap3A_1272, %swap3A_1273] {strides = array<i32>} : memref<128x128xf32, #tpu.memory_space<vmem>>, vector<1x16xf32>,
      %swap3A_1275 = vector.shape_cast %swap3A_1274 : vector<1x16xf32> to vector<16xf32>
      %swap3A_1276 = vector.shape_cast %mul3A_1271 : vector<16xf32> to vector<1x16xf32>
      tpu.vector_store %arg7[%swap3A_1272, %swap3A_1273], %swap3A_1276 {strides = array<i32>} : memref<128x128xf32, #tpu.memory_space<vmem>>, vector<1x16xf32>,
      %mul3A_1277 = arith.constant 0.141421363 : f32
      %mul3A_1278 = vector.broadcast %mul3A_1277 : f32 to vector<16xf32>
      %mul3A_1279 = arith.mulf %scan3A_1191#9, %mul3A_1278 : vector<16xf32>
      %swap3A_1280 = arith.index_cast %add3A_1268 : i32 to index
      %swap3A_1281 = arith.constant 16 : index
      %swap3A_1282 = tpu.vector_load %arg7[%swap3A_1280, %swap3A_1281] {strides = array<i32>} : memref<128x128xf32, #tpu.memory_space<vmem>>, vector<1x16xf32>,
      %swap3A_1283 = vector.shape_cast %swap3A_1282 : vector<1x16xf32> to vector<16xf32>
      %swap3A_1284 = vector.shape_cast %mul3A_1279 : vector<16xf32> to vector<1x16xf32>
      tpu.vector_store %arg7[%swap3A_1280, %swap3A_1281], %swap3A_1284 {strides = array<i32>} : memref<128x128xf32, #tpu.memory_space<vmem>>, vector<1x16xf32>,
      %mul3A_1285 = arith.constant 0.141421363 : f32
      %mul3A_1286 = vector.broadcast %mul3A_1285 : f32 to vector<16xf32>
      %mul3A_1287 = arith.mulf %scan3A_1191#10, %mul3A_1286 : vector<16xf32>
      %swap3A_1288 = arith.index_cast %add3A_1268 : i32 to index
      %swap3A_1289 = arith.constant 32 : index
      %swap3A_1290 = tpu.vector_load %arg7[%swap3A_1288, %swap3A_1289] {strides = array<i32>} : memref<128x128xf32, #tpu.memory_space<vmem>>, vector<1x16xf32>,
      %swap3A_1291 = vector.shape_cast %swap3A_1290 : vector<1x16xf32> to vector<16xf32>
      %swap3A_1292 = vector.shape_cast %mul3A_1287 : vector<16xf32> to vector<1x16xf32>
      tpu.vector_store %arg7[%swap3A_1288, %swap3A_1289], %swap3A_1292 {strides = array<i32>} : memref<128x128xf32, #tpu.memory_space<vmem>>, vector<1x16xf32>,
      %mul3A_1293 = arith.constant 0.141421363 : f32
      %mul3A_1294 = vector.broadcast %mul3A_1293 : f32 to vector<16xf32>
      %mul3A_1295 = arith.mulf %scan3A_1191#11, %mul3A_1294 : vector<16xf32>
      %swap3A_1296 = arith.index_cast %add3A_1268 : i32 to index
      %swap3A_1297 = arith.constant 48 : index
      %swap3A_1298 = tpu.vector_load %arg7[%swap3A_1296, %swap3A_1297] {strides = array<i32>} : memref<128x128xf32, #tpu.memory_space<vmem>>, vector<1x16xf32>,
      %swap3A_1299 = vector.shape_cast %swap3A_1298 : vector<1x16xf32> to vector<16xf32>
      %swap3A_1300 = vector.shape_cast %mul3A_1295 : vector<16xf32> to vector<1x16xf32>
      tpu.vector_store %arg7[%swap3A_1296, %swap3A_1297], %swap3A_1300 {strides = array<i32>} : memref<128x128xf32, #tpu.memory_space<vmem>>, vector<1x16xf32>,
      %mul3A_1301 = arith.constant 0.141421363 : f32
      %mul3A_1302 = vector.broadcast %mul3A_1301 : f32 to vector<16xf32>
      %mul3A_1303 = arith.mulf %scan3A_1191#12, %mul3A_1302 : vector<16xf32>
      %swap3A_1304 = arith.index_cast %add3A_1268 : i32 to index
      %swap3A_1305 = arith.constant 64 : index
      %swap3A_1306 = tpu.vector_load %arg7[%swap3A_1304, %swap3A_1305] {strides = array<i32>} : memref<128x128xf32, #tpu.memory_space<vmem>>, vector<1x16xf32>,
      %swap3A_1307 = vector.shape_cast %swap3A_1306 : vector<1x16xf32> to vector<16xf32>
      %swap3A_1308 = vector.shape_cast %mul3A_1303 : vector<16xf32> to vector<1x16xf32>
      tpu.vector_store %arg7[%swap3A_1304, %swap3A_1305], %swap3A_1308 {strides = array<i32>} : memref<128x128xf32, #tpu.memory_space<vmem>>, vector<1x16xf32>,
      %mul3A_1309 = arith.constant 0.141421363 : f32
      %mul3A_1310 = vector.broadcast %mul3A_1309 : f32 to vector<16xf32>
      %mul3A_1311 = arith.mulf %scan3A_1191#13, %mul3A_1310 : vector<16xf32>
      %swap3A_1312 = arith.index_cast %add3A_1268 : i32 to index
      %swap3A_1313 = arith.constant 80 : index
      %swap3A_1314 = tpu.vector_load %arg7[%swap3A_1312, %swap3A_1313] {strides = array<i32>} : memref<128x128xf32, #tpu.memory_space<vmem>>, vector<1x16xf32>,
      %swap3A_1315 = vector.shape_cast %swap3A_1314 : vector<1x16xf32> to vector<16xf32>
      %swap3A_1316 = vector.shape_cast %mul3A_1311 : vector<16xf32> to vector<1x16xf32>
      tpu.vector_store %arg7[%swap3A_1312, %swap3A_1313], %swap3A_1316 {strides = array<i32>} : memref<128x128xf32, #tpu.memory_space<vmem>>, vector<1x16xf32>,
      %mul3A_1317 = arith.constant 0.141421363 : f32
      %mul3A_1318 = vector.broadcast %mul3A_1317 : f32 to vector<16xf32>
      %mul3A_1319 = arith.mulf %scan3A_1191#14, %mul3A_1318 : vector<16xf32>
      %swap3A_1320 = arith.index_cast %add3A_1268 : i32 to index
      %swap3A_1321 = arith.constant 96 : index
      %swap3A_1322 = tpu.vector_load %arg7[%swap3A_1320, %swap3A_1321] {strides = array<i32>} : memref<128x128xf32, #tpu.memory_space<vmem>>, vector<1x16xf32>,
      %swap3A_1323 = vector.shape_cast %swap3A_1322 : vector<1x16xf32> to vector<16xf32>
      %swap3A_1324 = vector.shape_cast %mul3A_1319 : vector<16xf32> to vector<1x16xf32>
      tpu.vector_store %arg7[%swap3A_1320, %swap3A_1321], %swap3A_1324 {strides = array<i32>} : memref<128x128xf32, #tpu.memory_space<vmem>>, vector<1x16xf32>,
      %mul3A_1325 = arith.constant 0.141421363 : f32
      %mul3A_1326 = vector.broadcast %mul3A_1325 : f32 to vector<16xf32>
      %mul3A_1327 = arith.mulf %scan3A_1191#15, %mul3A_1326 : vector<16xf32>
      %swap3A_1328 = arith.index_cast %add3A_1268 : i32 to index
      %swap3A_1329 = arith.constant 112 : index
      %swap3A_1330 = tpu.vector_load %arg7[%swap3A_1328, %swap3A_1329] {strides = array<i32>} : memref<128x128xf32, #tpu.memory_space<vmem>>, vector<1x16xf32>,
      %swap3A_1331 = vector.shape_cast %swap3A_1330 : vector<1x16xf32> to vector<16xf32>
      %swap3A_1332 = vector.shape_cast %mul3A_1327 : vector<16xf32> to vector<1x16xf32>
      tpu.vector_store %arg7[%swap3A_1328, %swap3A_1329], %swap3A_1332 {strides = array<i32>} : memref<128x128xf32, #tpu.memory_space<vmem>>, vector<1x16xf32>,
      %mul3A_1333 = arith.constant 4 : i32
      %mul3A_1334 = arith.muli %scan3A_165, %mul3A_1333 : i32
      %add3A_1335 = arith.constant 2 : i32
      %add3A_1336 = arith.addi %mul3A_1334, %add3A_1335 : i32
      %mul3A_1337 = arith.constant 200 : i32
      %mul3A_1338 = arith.muli %add3A_1336, %mul3A_1337 : i32
      %add3A_1339 = arith.constant 0 : i32
      %add3A_1340 = arith.addi %mul3A_1338, %add3A_1339 : i32
      %add3A_1341 = arith.constant 56 : i32
      %add3A_1342 = arith.addi %mul3A_1338, %add3A_1341 : i32
      %add3A_1343 = arith.constant 104 : i32
      %add3A_1344 = arith.addi %mul3A_1338, %add3A_1343 : i32
      %add3A_1345 = arith.constant 152 : i32
      %add3A_1346 = arith.addi %mul3A_1338, %add3A_1345 : i32
      %dma_wait3A_1347 = arith.constant 2 : i32
      %dma_wait3A_1348 = arith.constant 0 : i32
      %dma_wait3A_1349 = arith.constant 0 : i32
      %dma_wait3A_1350 = tpu.memref_slice %arg6[%dma_wait3A_1347, %dma_wait3A_1348, %dma_wait3A_1349] : memref<4x200x128xf32, #tpu.memory_space<vmem>> -> memref<1x200x128xf32, #tpu.memory_space<vmem>>
      %dma_wait3A_1351 = tpu.memref_squeeze %dma_wait3A_1350 : memref<1x200x128xf32, #tpu.memory_space<vmem>> -> memref<200x128xf32, #tpu.memory_space<vmem>>
      %dma_wait3A_1352 = arith.constant 0 : i32
      %dma_wait3A_1353 = arith.constant 0 : i32
      %dma_wait3A_1354 = tpu.memref_slice %dma_wait3A_1351[%dma_wait3A_1352, %dma_wait3A_1353] : memref<200x128xf32, #tpu.memory_space<vmem>> -> memref<56x128xf32, #tpu.memory_space<vmem>>
      %dma_wait3A_1355 = tpu.memref_slice %arg5[%add3A_1340] : memref<6400xi32, #tpu.memory_space<vmem>> -> memref<56xi32, #tpu.memory_space<vmem>>
      %dma_wait3A_1356 = arith.constant 0 : i32
      %dma_wait3A_1357 = arith.constant 0 : i32
      %dma_wait3A_1358 = tpu.memref_slice %arg2[%dma_wait3A_1356, %dma_wait3A_1357] : memref<100000x128xf32, #tpu.memory_space<hbm>> -> memref<100000x128xf32, #tpu.memory_space<hbm>>
      tpu.wait_indirect_dma semaphore(%arg10 : memref<!tpu.dma_semaphore, #tpu.memory_space<semaphore_mem>>) src(%dma_wait3A_1358 : memref<100000x128xf32, #tpu.memory_space<hbm>>) dst(%dma_wait3A_1354 : memref<56x128xf32, #tpu.memory_space<vmem>>)
      %dma_wait3A_1359 = arith.constant 2 : i32
      %dma_wait3A_1360 = arith.constant 0 : i32
      %dma_wait3A_1361 = arith.constant 0 : i32
      %dma_wait3A_1362 = tpu.memref_slice %arg6[%dma_wait3A_1359, %dma_wait3A_1360, %dma_wait3A_1361] : memref<4x200x128xf32, #tpu.memory_space<vmem>> -> memref<1x200x128xf32, #tpu.memory_space<vmem>>
      %dma_wait3A_1363 = tpu.memref_squeeze %dma_wait3A_1362 : memref<1x200x128xf32, #tpu.memory_space<vmem>> -> memref<200x128xf32, #tpu.memory_space<vmem>>
      %dma_wait3A_1364 = arith.constant 56 : i32
      %dma_wait3A_1365 = arith.constant 0 : i32
      %dma_wait3A_1366 = tpu.memref_slice %dma_wait3A_1363[%dma_wait3A_1364, %dma_wait3A_1365] : memref<200x128xf32, #tpu.memory_space<vmem>> -> memref<48x128xf32, #tpu.memory_space<vmem>>
      %dma_wait3A_1367 = tpu.memref_slice %arg5[%add3A_1342] : memref<6400xi32, #tpu.memory_space<vmem>> -> memref<48xi32, #tpu.memory_space<vmem>>
      %dma_wait3A_1368 = arith.constant 0 : i32
      %dma_wait3A_1369 = arith.constant 0 : i32
      %dma_wait3A_1370 = tpu.memref_slice %arg2[%dma_wait3A_1368, %dma_wait3A_1369] : memref<100000x128xf32, #tpu.memory_space<hbm>> -> memref<100000x128xf32, #tpu.memory_space<hbm>>
      tpu.wait_indirect_dma semaphore(%arg10 : memref<!tpu.dma_semaphore, #tpu.memory_space<semaphore_mem>>) src(%dma_wait3A_1370 : memref<100000x128xf32, #tpu.memory_space<hbm>>) dst(%dma_wait3A_1366 : memref<48x128xf32, #tpu.memory_space<vmem>>)
      %dma_wait3A_1371 = arith.constant 2 : i32
      %dma_wait3A_1372 = arith.constant 0 : i32
      %dma_wait3A_1373 = arith.constant 0 : i32
      %dma_wait3A_1374 = tpu.memref_slice %arg6[%dma_wait3A_1371, %dma_wait3A_1372, %dma_wait3A_1373] : memref<4x200x128xf32, #tpu.memory_space<vmem>> -> memref<1x200x128xf32, #tpu.memory_space<vmem>>
      %dma_wait3A_1375 = tpu.memref_squeeze %dma_wait3A_1374 : memref<1x200x128xf32, #tpu.memory_space<vmem>> -> memref<200x128xf32, #tpu.memory_space<vmem>>
      %dma_wait3A_1376 = arith.constant 104 : i32
      %dma_wait3A_1377 = arith.constant 0 : i32
      %dma_wait3A_1378 = tpu.memref_slice %dma_wait3A_1375[%dma_wait3A_1376, %dma_wait3A_1377] : memref<200x128xf32, #tpu.memory_space<vmem>> -> memref<48x128xf32, #tpu.memory_space<vmem>>
      %dma_wait3A_1379 = tpu.memref_slice %arg5[%add3A_1344] : memref<6400xi32, #tpu.memory_space<vmem>> -> memref<48xi32, #tpu.memory_space<vmem>>
      %dma_wait3A_1380 = arith.constant 0 : i32
      %dma_wait3A_1381 = arith.constant 0 : i32
      %dma_wait3A_1382 = tpu.memref_slice %arg2[%dma_wait3A_1380, %dma_wait3A_1381] : memref<100000x128xf32, #tpu.memory_space<hbm>> -> memref<100000x128xf32, #tpu.memory_space<hbm>>
      tpu.wait_indirect_dma semaphore(%arg10 : memref<!tpu.dma_semaphore, #tpu.memory_space<semaphore_mem>>) src(%dma_wait3A_1382 : memref<100000x128xf32, #tpu.memory_space<hbm>>) dst(%dma_wait3A_1378 : memref<48x128xf32, #tpu.memory_space<vmem>>)
      %dma_wait3A_1383 = arith.constant 2 : i32
      %dma_wait3A_1384 = arith.constant 0 : i32
      %dma_wait3A_1385 = arith.constant 0 : i32
      %dma_wait3A_1386 = tpu.memref_slice %arg6[%dma_wait3A_1383, %dma_wait3A_1384, %dma_wait3A_1385] : memref<4x200x128xf32, #tpu.memory_space<vmem>> -> memref<1x200x128xf32, #tpu.memory_space<vmem>>
      %dma_wait3A_1387 = tpu.memref_squeeze %dma_wait3A_1386 : memref<1x200x128xf32, #tpu.memory_space<vmem>> -> memref<200x128xf32, #tpu.memory_space<vmem>>
      %dma_wait3A_1388 = arith.constant 152 : i32
      %dma_wait3A_1389 = arith.constant 0 : i32
      %dma_wait3A_1390 = tpu.memref_slice %dma_wait3A_1387[%dma_wait3A_1388, %dma_wait3A_1389] : memref<200x128xf32, #tpu.memory_space<vmem>> -> memref<48x128xf32, #tpu.memory_space<vmem>>
      %dma_wait3A_1391 = tpu.memref_slice %arg5[%add3A_1346] : memref<6400xi32, #tpu.memory_space<vmem>> -> memref<48xi32, #tpu.memory_space<vmem>>
      %dma_wait3A_1392 = arith.constant 0 : i32
      %dma_wait3A_1393 = arith.constant 0 : i32
      %dma_wait3A_1394 = tpu.memref_slice %arg2[%dma_wait3A_1392, %dma_wait3A_1393] : memref<100000x128xf32, #tpu.memory_space<hbm>> -> memref<100000x128xf32, #tpu.memory_space<hbm>>
      tpu.wait_indirect_dma semaphore(%arg10 : memref<!tpu.dma_semaphore, #tpu.memory_space<semaphore_mem>>) src(%dma_wait3A_1394 : memref<100000x128xf32, #tpu.memory_space<hbm>>) dst(%dma_wait3A_1390 : memref<48x128xf32, #tpu.memory_space<vmem>>)
      %add3A_1395 = arith.constant 4 : i32
      %add3A_1396 = arith.addi %add3A_1336, %add3A_1395 : i32
      %sub3A_1397 = arith.constant 1 : i32
      %sub3A_1398 = arith.subi %add3A_1396, %sub3A_1397 : i32
      %lt3A_1399 = arith.constant 32 : i32
      %lt3A_1400 = arith.cmpi slt, %sub3A_1398, %lt3A_1399 : i32
      %convert_element_type3A_1401 = arith.extui %lt3A_1400 : i1 to i32
      %cond3A_1402 = arith.constant 0 : i32
      %cond3A_1403 = arith.cmpi ne, %convert_element_type3A_1401, %cond3A_1402 : i32
      scf.if %cond3A_1403 {
        %mul3A_2507 = arith.constant 200 : i32
        %mul3A_2508 = arith.muli %sub3A_1398, %mul3A_2507 : i32
        %add3A_2509 = arith.constant 0 : i32
        %add3A_2510 = arith.addi %mul3A_2508, %add3A_2509 : i32
        %add3A_2511 = arith.constant 56 : i32
        %add3A_2512 = arith.addi %mul3A_2508, %add3A_2511 : i32
        %add3A_2513 = arith.constant 104 : i32
        %add3A_2514 = arith.addi %mul3A_2508, %add3A_2513 : i32
        %add3A_2515 = arith.constant 152 : i32
        %add3A_2516 = arith.addi %mul3A_2508, %add3A_2515 : i32
        %dma_start3A_2517 = arith.constant 1 : i32
        %dma_start3A_2518 = arith.constant 0 : i32
        %dma_start3A_2519 = arith.constant 0 : i32
        %dma_start3A_2520 = tpu.memref_slice %arg6[%dma_start3A_2517, %dma_start3A_2518, %dma_start3A_2519] : memref<4x200x128xf32, #tpu.memory_space<vmem>> -> memref<1x200x128xf32, #tpu.memory_space<vmem>>
        %dma_start3A_2521 = tpu.memref_squeeze %dma_start3A_2520 : memref<1x200x128xf32, #tpu.memory_space<vmem>> -> memref<200x128xf32, #tpu.memory_space<vmem>>
        %dma_start3A_2522 = arith.constant 0 : i32
        %dma_start3A_2523 = arith.constant 0 : i32
        %dma_start3A_2524 = tpu.memref_slice %dma_start3A_2521[%dma_start3A_2522, %dma_start3A_2523] : memref<200x128xf32, #tpu.memory_space<vmem>> -> memref<56x128xf32, #tpu.memory_space<vmem>>
        %dma_start3A_2525 = tpu.memref_slice %arg5[%add3A_2510] : memref<6400xi32, #tpu.memory_space<vmem>> -> memref<56xi32, #tpu.memory_space<vmem>>
        %dma_start3A_2526 = arith.constant 0 : i32
        %dma_start3A_2527 = arith.constant 0 : i32
        %dma_start3A_2528 = tpu.memref_slice %arg2[%dma_start3A_2526, %dma_start3A_2527] : memref<100000x128xf32, #tpu.memory_space<hbm>> -> memref<100000x128xf32, #tpu.memory_space<hbm>>
        tpu.enqueue_indirect_dma source(%dma_start3A_2528 : memref<100000x128xf32, #tpu.memory_space<hbm>>) target(%dma_start3A_2524 : memref<56x128xf32, #tpu.memory_space<vmem>>) offsets(%dma_start3A_2525 : memref<56xi32, #tpu.memory_space<vmem>>) semaphore(%arg9 : memref<!tpu.dma_semaphore, #tpu.memory_space<semaphore_mem>>)
        %dma_start3A_2529 = arith.constant 1 : i32
        %dma_start3A_2530 = arith.constant 0 : i32
        %dma_start3A_2531 = arith.constant 0 : i32
        %dma_start3A_2532 = tpu.memref_slice %arg6[%dma_start3A_2529, %dma_start3A_2530, %dma_start3A_2531] : memref<4x200x128xf32, #tpu.memory_space<vmem>> -> memref<1x200x128xf32, #tpu.memory_space<vmem>>
        %dma_start3A_2533 = tpu.memref_squeeze %dma_start3A_2532 : memref<1x200x128xf32, #tpu.memory_space<vmem>> -> memref<200x128xf32, #tpu.memory_space<vmem>>
        %dma_start3A_2534 = arith.constant 56 : i32
        %dma_start3A_2535 = arith.constant 0 : i32
        %dma_start3A_2536 = tpu.memref_slice %dma_start3A_2533[%dma_start3A_2534, %dma_start3A_2535] : memref<200x128xf32, #tpu.memory_space<vmem>> -> memref<48x128xf32, #tpu.memory_space<vmem>>
        %dma_start3A_2537 = tpu.memref_slice %arg5[%add3A_2512] : memref<6400xi32, #tpu.memory_space<vmem>> -> memref<48xi32, #tpu.memory_space<vmem>>
        %dma_start3A_2538 = arith.constant 0 : i32
        %dma_start3A_2539 = arith.constant 0 : i32
        %dma_start3A_2540 = tpu.memref_slice %arg2[%dma_start3A_2538, %dma_start3A_2539] : memref<100000x128xf32, #tpu.memory_space<hbm>> -> memref<100000x128xf32, #tpu.memory_space<hbm>>
        tpu.enqueue_indirect_dma source(%dma_start3A_2540 : memref<100000x128xf32, #tpu.memory_space<hbm>>) target(%dma_start3A_2536 : memref<48x128xf32, #tpu.memory_space<vmem>>) offsets(%dma_start3A_2537 : memref<48xi32, #tpu.memory_space<vmem>>) semaphore(%arg9 : memref<!tpu.dma_semaphore, #tpu.memory_space<semaphore_mem>>)
        %dma_start3A_2541 = arith.constant 1 : i32
        %dma_start3A_2542 = arith.constant 0 : i32
        %dma_start3A_2543 = arith.constant 0 : i32
        %dma_start3A_2544 = tpu.memref_slice %arg6[%dma_start3A_2541, %dma_start3A_2542, %dma_start3A_2543] : memref<4x200x128xf32, #tpu.memory_space<vmem>> -> memref<1x200x128xf32, #tpu.memory_space<vmem>>
        %dma_start3A_2545 = tpu.memref_squeeze %dma_start3A_2544 : memref<1x200x128xf32, #tpu.memory_space<vmem>> -> memref<200x128xf32, #tpu.memory_space<vmem>>
        %dma_start3A_2546 = arith.constant 104 : i32
        %dma_start3A_2547 = arith.constant 0 : i32
        %dma_start3A_2548 = tpu.memref_slice %dma_start3A_2545[%dma_start3A_2546, %dma_start3A_2547] : memref<200x128xf32, #tpu.memory_space<vmem>> -> memref<48x128xf32, #tpu.memory_space<vmem>>
        %dma_start3A_2549 = tpu.memref_slice %arg5[%add3A_2514] : memref<6400xi32, #tpu.memory_space<vmem>> -> memref<48xi32, #tpu.memory_space<vmem>>
        %dma_start3A_2550 = arith.constant 0 : i32
        %dma_start3A_2551 = arith.constant 0 : i32
        %dma_start3A_2552 = tpu.memref_slice %arg2[%dma_start3A_2550, %dma_start3A_2551] : memref<100000x128xf32, #tpu.memory_space<hbm>> -> memref<100000x128xf32, #tpu.memory_space<hbm>>
        tpu.enqueue_indirect_dma source(%dma_start3A_2552 : memref<100000x128xf32, #tpu.memory_space<hbm>>) target(%dma_start3A_2548 : memref<48x128xf32, #tpu.memory_space<vmem>>) offsets(%dma_start3A_2549 : memref<48xi32, #tpu.memory_space<vmem>>) semaphore(%arg9 : memref<!tpu.dma_semaphore, #tpu.memory_space<semaphore_mem>>)
        %dma_start3A_2553 = arith.constant 1 : i32
        %dma_start3A_2554 = arith.constant 0 : i32
        %dma_start3A_2555 = arith.constant 0 : i32
        %dma_start3A_2556 = tpu.memref_slice %arg6[%dma_start3A_2553, %dma_start3A_2554, %dma_start3A_2555] : memref<4x200x128xf32, #tpu.memory_space<vmem>> -> memref<1x200x128xf32, #tpu.memory_space<vmem>>
        %dma_start3A_2557 = tpu.memref_squeeze %dma_start3A_2556 : memref<1x200x128xf32, #tpu.memory_space<vmem>> -> memref<200x128xf32, #tpu.memory_space<vmem>>
        %dma_start3A_2558 = arith.constant 152 : i32
        %dma_start3A_2559 = arith.constant 0 : i32
        %dma_start3A_2560 = tpu.memref_slice %dma_start3A_2557[%dma_start3A_2558, %dma_start3A_2559] : memref<200x128xf32, #tpu.memory_space<vmem>> -> memref<48x128xf32, #tpu.memory_space<vmem>>
        %dma_start3A_2561 = tpu.memref_slice %arg5[%add3A_2516] : memref<6400xi32, #tpu.memory_space<vmem>> -> memref<48xi32, #tpu.memory_space<vmem>>
        %dma_start3A_2562 = arith.constant 0 : i32
        %dma_start3A_2563 = arith.constant 0 : i32
        %dma_start3A_2564 = tpu.memref_slice %arg2[%dma_start3A_2562, %dma_start3A_2563] : memref<100000x128xf32, #tpu.memory_space<hbm>> -> memref<100000x128xf32, #tpu.memory_space<hbm>>
        tpu.enqueue_indirect_dma source(%dma_start3A_2564 : memref<100000x128xf32, #tpu.memory_space<hbm>>) target(%dma_start3A_2560 : memref<48x128xf32, #tpu.memory_space<vmem>>) offsets(%dma_start3A_2561 : memref<48xi32, #tpu.memory_space<vmem>>) semaphore(%arg9 : memref<!tpu.dma_semaphore, #tpu.memory_space<semaphore_mem>>)
      } else {
      }
      %get3A_1404 = arith.constant 2 : i32
      %get3A_1405 = arith.constant 0 : i32
      %get3A_1406 = arith.index_cast %get3A_1404 : i32 to index
      %get3A_1407 = arith.index_cast %get3A_1405 : i32 to index
      %get3A_1408 = arith.constant 0 : index
      %get3A_1409 = tpu.vector_load %arg6[%get3A_1406, %get3A_1407, %get3A_1408] {strides = array<i32>} : memref<4x200x128xf32, #tpu.memory_space<vmem>>, vector<1x1x16xf32>,
      %get3A_1410 = vector.shape_cast %get3A_1409 : vector<1x1x16xf32> to vector<16xf32>
      %get3A_1411 = arith.constant 2 : i32
      %get3A_1412 = arith.constant 0 : i32
      %get3A_1413 = arith.index_cast %get3A_1411 : i32 to index
      %get3A_1414 = arith.index_cast %get3A_1412 : i32 to index
      %get3A_1415 = arith.constant 16 : index
      %get3A_1416 = tpu.vector_load %arg6[%get3A_1413, %get3A_1414, %get3A_1415] {strides = array<i32>} : memref<4x200x128xf32, #tpu.memory_space<vmem>>, vector<1x1x16xf32>,
      %get3A_1417 = vector.shape_cast %get3A_1416 : vector<1x1x16xf32> to vector<16xf32>
      %get3A_1418 = arith.constant 2 : i32
      %get3A_1419 = arith.constant 0 : i32
      %get3A_1420 = arith.index_cast %get3A_1418 : i32 to index
      %get3A_1421 = arith.index_cast %get3A_1419 : i32 to index
      %get3A_1422 = arith.constant 32 : index
      %get3A_1423 = tpu.vector_load %arg6[%get3A_1420, %get3A_1421, %get3A_1422] {strides = array<i32>} : memref<4x200x128xf32, #tpu.memory_space<vmem>>, vector<1x1x16xf32>,
      %get3A_1424 = vector.shape_cast %get3A_1423 : vector<1x1x16xf32> to vector<16xf32>
      %get3A_1425 = arith.constant 2 : i32
      %get3A_1426 = arith.constant 0 : i32
      %get3A_1427 = arith.index_cast %get3A_1425 : i32 to index
      %get3A_1428 = arith.index_cast %get3A_1426 : i32 to index
      %get3A_1429 = arith.constant 48 : index
      %get3A_1430 = tpu.vector_load %arg6[%get3A_1427, %get3A_1428, %get3A_1429] {strides = array<i32>} : memref<4x200x128xf32, #tpu.memory_space<vmem>>, vector<1x1x16xf32>,
      %get3A_1431 = vector.shape_cast %get3A_1430 : vector<1x1x16xf32> to vector<16xf32>
      %get3A_1432 = arith.constant 2 : i32
      %get3A_1433 = arith.constant 0 : i32
      %get3A_1434 = arith.index_cast %get3A_1432 : i32 to index
      %get3A_1435 = arith.index_cast %get3A_1433 : i32 to index
      %get3A_1436 = arith.constant 64 : index
      %get3A_1437 = tpu.vector_load %arg6[%get3A_1434, %get3A_1435, %get3A_1436] {strides = array<i32>} : memref<4x200x128xf32, #tpu.memory_space<vmem>>, vector<1x1x16xf32>,
      %get3A_1438 = vector.shape_cast %get3A_1437 : vector<1x1x16xf32> to vector<16xf32>
      %get3A_1439 = arith.constant 2 : i32
      %get3A_1440 = arith.constant 0 : i32
      %get3A_1441 = arith.index_cast %get3A_1439 : i32 to index
      %get3A_1442 = arith.index_cast %get3A_1440 : i32 to index
      %get3A_1443 = arith.constant 80 : index
      %get3A_1444 = tpu.vector_load %arg6[%get3A_1441, %get3A_1442, %get3A_1443] {strides = array<i32>} : memref<4x200x128xf32, #tpu.memory_space<vmem>>, vector<1x1x16xf32>,
      %get3A_1445 = vector.shape_cast %get3A_1444 : vector<1x1x16xf32> to vector<16xf32>
      %get3A_1446 = arith.constant 2 : i32
      %get3A_1447 = arith.constant 0 : i32
      %get3A_1448 = arith.index_cast %get3A_1446 : i32 to index
      %get3A_1449 = arith.index_cast %get3A_1447 : i32 to index
      %get3A_1450 = arith.constant 96 : index
      %get3A_1451 = tpu.vector_load %arg6[%get3A_1448, %get3A_1449, %get3A_1450] {strides = array<i32>} : memref<4x200x128xf32, #tpu.memory_space<vmem>>, vector<1x1x16xf32>,
      %get3A_1452 = vector.shape_cast %get3A_1451 : vector<1x1x16xf32> to vector<16xf32>
      %get3A_1453 = arith.constant 2 : i32
      %get3A_1454 = arith.constant 0 : i32
      %get3A_1455 = arith.index_cast %get3A_1453 : i32 to index
      %get3A_1456 = arith.index_cast %get3A_1454 : i32 to index
      %get3A_1457 = arith.constant 112 : index
      %get3A_1458 = tpu.vector_load %arg6[%get3A_1455, %get3A_1456, %get3A_1457] {strides = array<i32>} : memref<4x200x128xf32, #tpu.memory_space<vmem>>, vector<1x1x16xf32>,
      %get3A_1459 = vector.shape_cast %get3A_1458 : vector<1x1x16xf32> to vector<16xf32>
      %get3A_1460 = arith.constant 2 : i32
      %get3A_1461 = arith.constant 50 : i32
      %get3A_1462 = arith.index_cast %get3A_1460 : i32 to index
      %get3A_1463 = arith.index_cast %get3A_1461 : i32 to index
      %get3A_1464 = arith.constant 0 : index
      %get3A_1465 = tpu.vector_load %arg6[%get3A_1462, %get3A_1463, %get3A_1464] {strides = array<i32>} : memref<4x200x128xf32, #tpu.memory_space<vmem>>, vector<1x1x16xf32>,
      %get3A_1466 = vector.shape_cast %get3A_1465 : vector<1x1x16xf32> to vector<16xf32>
      %get3A_1467 = arith.constant 2 : i32
      %get3A_1468 = arith.constant 50 : i32
      %get3A_1469 = arith.index_cast %get3A_1467 : i32 to index
      %get3A_1470 = arith.index_cast %get3A_1468 : i32 to index
      %get3A_1471 = arith.constant 16 : index
      %get3A_1472 = tpu.vector_load %arg6[%get3A_1469, %get3A_1470, %get3A_1471] {strides = array<i32>} : memref<4x200x128xf32, #tpu.memory_space<vmem>>, vector<1x1x16xf32>,
      %get3A_1473 = vector.shape_cast %get3A_1472 : vector<1x1x16xf32> to vector<16xf32>
      %get3A_1474 = arith.constant 2 : i32
      %get3A_1475 = arith.constant 50 : i32
      %get3A_1476 = arith.index_cast %get3A_1474 : i32 to index
      %get3A_1477 = arith.index_cast %get3A_1475 : i32 to index
      %get3A_1478 = arith.constant 32 : index
      %get3A_1479 = tpu.vector_load %arg6[%get3A_1476, %get3A_1477, %get3A_1478] {strides = array<i32>} : memref<4x200x128xf32, #tpu.memory_space<vmem>>, vector<1x1x16xf32>,
      %get3A_1480 = vector.shape_cast %get3A_1479 : vector<1x1x16xf32> to vector<16xf32>
      %get3A_1481 = arith.constant 2 : i32
      %get3A_1482 = arith.constant 50 : i32
      %get3A_1483 = arith.index_cast %get3A_1481 : i32 to index
      %get3A_1484 = arith.index_cast %get3A_1482 : i32 to index
      %get3A_1485 = arith.constant 48 : index
      %get3A_1486 = tpu.vector_load %arg6[%get3A_1483, %get3A_1484, %get3A_1485] {strides = array<i32>} : memref<4x200x128xf32, #tpu.memory_space<vmem>>, vector<1x1x16xf32>,
      %get3A_1487 = vector.shape_cast %get3A_1486 : vector<1x1x16xf32> to vector<16xf32>
      %get3A_1488 = arith.constant 2 : i32
      %get3A_1489 = arith.constant 50 : i32
      %get3A_1490 = arith.index_cast %get3A_1488 : i32 to index
      %get3A_1491 = arith.index_cast %get3A_1489 : i32 to index
      %get3A_1492 = arith.constant 64 : index
      %get3A_1493 = tpu.vector_load %arg6[%get3A_1490, %get3A_1491, %get3A_1492] {strides = array<i32>} : memref<4x200x128xf32, #tpu.memory_space<vmem>>, vector<1x1x16xf32>,
      %get3A_1494 = vector.shape_cast %get3A_1493 : vector<1x1x16xf32> to vector<16xf32>
      %get3A_1495 = arith.constant 2 : i32
      %get3A_1496 = arith.constant 50 : i32
      %get3A_1497 = arith.index_cast %get3A_1495 : i32 to index
      %get3A_1498 = arith.index_cast %get3A_1496 : i32 to index
      %get3A_1499 = arith.constant 80 : index
      %get3A_1500 = tpu.vector_load %arg6[%get3A_1497, %get3A_1498, %get3A_1499] {strides = array<i32>} : memref<4x200x128xf32, #tpu.memory_space<vmem>>, vector<1x1x16xf32>,
      %get3A_1501 = vector.shape_cast %get3A_1500 : vector<1x1x16xf32> to vector<16xf32>
      %get3A_1502 = arith.constant 2 : i32
      %get3A_1503 = arith.constant 50 : i32
      %get3A_1504 = arith.index_cast %get3A_1502 : i32 to index
      %get3A_1505 = arith.index_cast %get3A_1503 : i32 to index
      %get3A_1506 = arith.constant 96 : index
      %get3A_1507 = tpu.vector_load %arg6[%get3A_1504, %get3A_1505, %get3A_1506] {strides = array<i32>} : memref<4x200x128xf32, #tpu.memory_space<vmem>>, vector<1x1x16xf32>,
      %get3A_1508 = vector.shape_cast %get3A_1507 : vector<1x1x16xf32> to vector<16xf32>
      %get3A_1509 = arith.constant 2 : i32
      %get3A_1510 = arith.constant 50 : i32
      %get3A_1511 = arith.index_cast %get3A_1509 : i32 to index
      %get3A_1512 = arith.index_cast %get3A_1510 : i32 to index
      %get3A_1513 = arith.constant 112 : index
      %get3A_1514 = tpu.vector_load %arg6[%get3A_1511, %get3A_1512, %get3A_1513] {strides = array<i32>} : memref<4x200x128xf32, #tpu.memory_space<vmem>>, vector<1x1x16xf32>,
      %get3A_1515 = vector.shape_cast %get3A_1514 : vector<1x1x16xf32> to vector<16xf32>
      %scan3A_1516 = arith.constant 1 : i32
      %scan3A_1517 = arith.constant 49 : i32
      %scan3A_1518 = arith.addi %scan3A_1516, %scan3A_1517 : i32
      %scan3A_1519 = arith.constant 1 : i32
      %scan3A_1520:16 = scf.for %scan3A_2507 = %scan3A_1516 to %scan3A_1518 step %scan3A_1519 iter_args(%scan3A_2508 = %get3A_1410, %scan3A_2509 = %get3A_1417, %scan3A_2510 = %get3A_1424, %scan3A_2511 = %get3A_1431, %scan3A_2512 = %get3A_1438, %scan3A_2513 = %get3A_1445, %scan3A_2514 = %get3A_1452, %scan3A_2515 = %get3A_1459, %scan3A_2516 = %get3A_1466, %scan3A_2517 = %get3A_1473, %scan3A_2518 = %get3A_1480, %scan3A_2519 = %get3A_1487, %scan3A_2520 = %get3A_1494, %scan3A_2521 = %get3A_1501, %scan3A_2522 = %get3A_1508, %scan3A_2523 = %get3A_1515) -> (vector<16xf32>, vector<16xf32>, vector<16xf32>, vector<16xf32>, vector<16xf32>, vector<16xf32>, vector<16xf32>, vector<16xf32>, vector<16xf32>, vector<16xf32>, vector<16xf32>, vector<16xf32>, vector<16xf32>, vector<16xf32>, vector<16xf32>, vector<16xf32>)  : i32 {
        %add3A_2524 = arith.constant 0 : i32
        %add3A_2525 = arith.addi %add3A_2524, %scan3A_2507 : i32
        %get3A_2526 = arith.constant 2 : i32
        %get3A_2527 = arith.index_cast %get3A_2526 : i32 to index
        %get3A_2528 = arith.index_cast %add3A_2525 : i32 to index
        %get3A_2529 = arith.constant 0 : index
        %get3A_2530 = tpu.vector_load %arg6[%get3A_2527, %get3A_2528, %get3A_2529] {strides = array<i32>} : memref<4x200x128xf32, #tpu.memory_space<vmem>>, vector<1x1x16xf32>,
        %get3A_2531 = vector.shape_cast %get3A_2530 : vector<1x1x16xf32> to vector<16xf32>
        %add3A_2532 = arith.addf %scan3A_2508, %get3A_2531 : vector<16xf32>
        %add3A_2533 = arith.constant 0 : i32
        %add3A_2534 = arith.addi %add3A_2533, %scan3A_2507 : i32
        %get3A_2535 = arith.constant 2 : i32
        %get3A_2536 = arith.index_cast %get3A_2535 : i32 to index
        %get3A_2537 = arith.index_cast %add3A_2534 : i32 to index
        %get3A_2538 = arith.constant 16 : index
        %get3A_2539 = tpu.vector_load %arg6[%get3A_2536, %get3A_2537, %get3A_2538] {strides = array<i32>} : memref<4x200x128xf32, #tpu.memory_space<vmem>>, vector<1x1x16xf32>,
        %get3A_2540 = vector.shape_cast %get3A_2539 : vector<1x1x16xf32> to vector<16xf32>
        %add3A_2541 = arith.addf %scan3A_2509, %get3A_2540 : vector<16xf32>
        %add3A_2542 = arith.constant 0 : i32
        %add3A_2543 = arith.addi %add3A_2542, %scan3A_2507 : i32
        %get3A_2544 = arith.constant 2 : i32
        %get3A_2545 = arith.index_cast %get3A_2544 : i32 to index
        %get3A_2546 = arith.index_cast %add3A_2543 : i32 to index
        %get3A_2547 = arith.constant 32 : index
        %get3A_2548 = tpu.vector_load %arg6[%get3A_2545, %get3A_2546, %get3A_2547] {strides = array<i32>} : memref<4x200x128xf32, #tpu.memory_space<vmem>>, vector<1x1x16xf32>,
        %get3A_2549 = vector.shape_cast %get3A_2548 : vector<1x1x16xf32> to vector<16xf32>
        %add3A_2550 = arith.addf %scan3A_2510, %get3A_2549 : vector<16xf32>
        %add3A_2551 = arith.constant 0 : i32
        %add3A_2552 = arith.addi %add3A_2551, %scan3A_2507 : i32
        %get3A_2553 = arith.constant 2 : i32
        %get3A_2554 = arith.index_cast %get3A_2553 : i32 to index
        %get3A_2555 = arith.index_cast %add3A_2552 : i32 to index
        %get3A_2556 = arith.constant 48 : index
        %get3A_2557 = tpu.vector_load %arg6[%get3A_2554, %get3A_2555, %get3A_2556] {strides = array<i32>} : memref<4x200x128xf32, #tpu.memory_space<vmem>>, vector<1x1x16xf32>,
        %get3A_2558 = vector.shape_cast %get3A_2557 : vector<1x1x16xf32> to vector<16xf32>
        %add3A_2559 = arith.addf %scan3A_2511, %get3A_2558 : vector<16xf32>
        %add3A_2560 = arith.constant 0 : i32
        %add3A_2561 = arith.addi %add3A_2560, %scan3A_2507 : i32
        %get3A_2562 = arith.constant 2 : i32
        %get3A_2563 = arith.index_cast %get3A_2562 : i32 to index
        %get3A_2564 = arith.index_cast %add3A_2561 : i32 to index
        %get3A_2565 = arith.constant 64 : index
        %get3A_2566 = tpu.vector_load %arg6[%get3A_2563, %get3A_2564, %get3A_2565] {strides = array<i32>} : memref<4x200x128xf32, #tpu.memory_space<vmem>>, vector<1x1x16xf32>,
        %get3A_2567 = vector.shape_cast %get3A_2566 : vector<1x1x16xf32> to vector<16xf32>
        %add3A_2568 = arith.addf %scan3A_2512, %get3A_2567 : vector<16xf32>
        %add3A_2569 = arith.constant 0 : i32
        %add3A_2570 = arith.addi %add3A_2569, %scan3A_2507 : i32
        %get3A_2571 = arith.constant 2 : i32
        %get3A_2572 = arith.index_cast %get3A_2571 : i32 to index
        %get3A_2573 = arith.index_cast %add3A_2570 : i32 to index
        %get3A_2574 = arith.constant 80 : index
        %get3A_2575 = tpu.vector_load %arg6[%get3A_2572, %get3A_2573, %get3A_2574] {strides = array<i32>} : memref<4x200x128xf32, #tpu.memory_space<vmem>>, vector<1x1x16xf32>,
        %get3A_2576 = vector.shape_cast %get3A_2575 : vector<1x1x16xf32> to vector<16xf32>
        %add3A_2577 = arith.addf %scan3A_2513, %get3A_2576 : vector<16xf32>
        %add3A_2578 = arith.constant 0 : i32
        %add3A_2579 = arith.addi %add3A_2578, %scan3A_2507 : i32
        %get3A_2580 = arith.constant 2 : i32
        %get3A_2581 = arith.index_cast %get3A_2580 : i32 to index
        %get3A_2582 = arith.index_cast %add3A_2579 : i32 to index
        %get3A_2583 = arith.constant 96 : index
        %get3A_2584 = tpu.vector_load %arg6[%get3A_2581, %get3A_2582, %get3A_2583] {strides = array<i32>} : memref<4x200x128xf32, #tpu.memory_space<vmem>>, vector<1x1x16xf32>,
        %get3A_2585 = vector.shape_cast %get3A_2584 : vector<1x1x16xf32> to vector<16xf32>
        %add3A_2586 = arith.addf %scan3A_2514, %get3A_2585 : vector<16xf32>
        %add3A_2587 = arith.constant 0 : i32
        %add3A_2588 = arith.addi %add3A_2587, %scan3A_2507 : i32
        %get3A_2589 = arith.constant 2 : i32
        %get3A_2590 = arith.index_cast %get3A_2589 : i32 to index
        %get3A_2591 = arith.index_cast %add3A_2588 : i32 to index
        %get3A_2592 = arith.constant 112 : index
        %get3A_2593 = tpu.vector_load %arg6[%get3A_2590, %get3A_2591, %get3A_2592] {strides = array<i32>} : memref<4x200x128xf32, #tpu.memory_space<vmem>>, vector<1x1x16xf32>,
        %get3A_2594 = vector.shape_cast %get3A_2593 : vector<1x1x16xf32> to vector<16xf32>
        %add3A_2595 = arith.addf %scan3A_2515, %get3A_2594 : vector<16xf32>
        %add3A_2596 = arith.constant 50 : i32
        %add3A_2597 = arith.addi %add3A_2596, %scan3A_2507 : i32
        %get3A_2598 = arith.constant 2 : i32
        %get3A_2599 = arith.index_cast %get3A_2598 : i32 to index
        %get3A_2600 = arith.index_cast %add3A_2597 : i32 to index
        %get3A_2601 = arith.constant 0 : index
        %get3A_2602 = tpu.vector_load %arg6[%get3A_2599, %get3A_2600, %get3A_2601] {strides = array<i32>} : memref<4x200x128xf32, #tpu.memory_space<vmem>>, vector<1x1x16xf32>,
        %get3A_2603 = vector.shape_cast %get3A_2602 : vector<1x1x16xf32> to vector<16xf32>
        %add3A_2604 = arith.addf %scan3A_2516, %get3A_2603 : vector<16xf32>
        %add3A_2605 = arith.constant 50 : i32
        %add3A_2606 = arith.addi %add3A_2605, %scan3A_2507 : i32
        %get3A_2607 = arith.constant 2 : i32
        %get3A_2608 = arith.index_cast %get3A_2607 : i32 to index
        %get3A_2609 = arith.index_cast %add3A_2606 : i32 to index
        %get3A_2610 = arith.constant 16 : index
        %get3A_2611 = tpu.vector_load %arg6[%get3A_2608, %get3A_2609, %get3A_2610] {strides = array<i32>} : memref<4x200x128xf32, #tpu.memory_space<vmem>>, vector<1x1x16xf32>,
        %get3A_2612 = vector.shape_cast %get3A_2611 : vector<1x1x16xf32> to vector<16xf32>
        %add3A_2613 = arith.addf %scan3A_2517, %get3A_2612 : vector<16xf32>
        %add3A_2614 = arith.constant 50 : i32
        %add3A_2615 = arith.addi %add3A_2614, %scan3A_2507 : i32
        %get3A_2616 = arith.constant 2 : i32
        %get3A_2617 = arith.index_cast %get3A_2616 : i32 to index
        %get3A_2618 = arith.index_cast %add3A_2615 : i32 to index
        %get3A_2619 = arith.constant 32 : index
        %get3A_2620 = tpu.vector_load %arg6[%get3A_2617, %get3A_2618, %get3A_2619] {strides = array<i32>} : memref<4x200x128xf32, #tpu.memory_space<vmem>>, vector<1x1x16xf32>,
        %get3A_2621 = vector.shape_cast %get3A_2620 : vector<1x1x16xf32> to vector<16xf32>
        %add3A_2622 = arith.addf %scan3A_2518, %get3A_2621 : vector<16xf32>
        %add3A_2623 = arith.constant 50 : i32
        %add3A_2624 = arith.addi %add3A_2623, %scan3A_2507 : i32
        %get3A_2625 = arith.constant 2 : i32
        %get3A_2626 = arith.index_cast %get3A_2625 : i32 to index
        %get3A_2627 = arith.index_cast %add3A_2624 : i32 to index
        %get3A_2628 = arith.constant 48 : index
        %get3A_2629 = tpu.vector_load %arg6[%get3A_2626, %get3A_2627, %get3A_2628] {strides = array<i32>} : memref<4x200x128xf32, #tpu.memory_space<vmem>>, vector<1x1x16xf32>,
        %get3A_2630 = vector.shape_cast %get3A_2629 : vector<1x1x16xf32> to vector<16xf32>
        %add3A_2631 = arith.addf %scan3A_2519, %get3A_2630 : vector<16xf32>
        %add3A_2632 = arith.constant 50 : i32
        %add3A_2633 = arith.addi %add3A_2632, %scan3A_2507 : i32
        %get3A_2634 = arith.constant 2 : i32
        %get3A_2635 = arith.index_cast %get3A_2634 : i32 to index
        %get3A_2636 = arith.index_cast %add3A_2633 : i32 to index
        %get3A_2637 = arith.constant 64 : index
        %get3A_2638 = tpu.vector_load %arg6[%get3A_2635, %get3A_2636, %get3A_2637] {strides = array<i32>} : memref<4x200x128xf32, #tpu.memory_space<vmem>>, vector<1x1x16xf32>,
        %get3A_2639 = vector.shape_cast %get3A_2638 : vector<1x1x16xf32> to vector<16xf32>
        %add3A_2640 = arith.addf %scan3A_2520, %get3A_2639 : vector<16xf32>
        %add3A_2641 = arith.constant 50 : i32
        %add3A_2642 = arith.addi %add3A_2641, %scan3A_2507 : i32
        %get3A_2643 = arith.constant 2 : i32
        %get3A_2644 = arith.index_cast %get3A_2643 : i32 to index
        %get3A_2645 = arith.index_cast %add3A_2642 : i32 to index
        %get3A_2646 = arith.constant 80 : index
        %get3A_2647 = tpu.vector_load %arg6[%get3A_2644, %get3A_2645, %get3A_2646] {strides = array<i32>} : memref<4x200x128xf32, #tpu.memory_space<vmem>>, vector<1x1x16xf32>,
        %get3A_2648 = vector.shape_cast %get3A_2647 : vector<1x1x16xf32> to vector<16xf32>
        %add3A_2649 = arith.addf %scan3A_2521, %get3A_2648 : vector<16xf32>
        %add3A_2650 = arith.constant 50 : i32
        %add3A_2651 = arith.addi %add3A_2650, %scan3A_2507 : i32
        %get3A_2652 = arith.constant 2 : i32
        %get3A_2653 = arith.index_cast %get3A_2652 : i32 to index
        %get3A_2654 = arith.index_cast %add3A_2651 : i32 to index
        %get3A_2655 = arith.constant 96 : index
        %get3A_2656 = tpu.vector_load %arg6[%get3A_2653, %get3A_2654, %get3A_2655] {strides = array<i32>} : memref<4x200x128xf32, #tpu.memory_space<vmem>>, vector<1x1x16xf32>,
        %get3A_2657 = vector.shape_cast %get3A_2656 : vector<1x1x16xf32> to vector<16xf32>
        %add3A_2658 = arith.addf %scan3A_2522, %get3A_2657 : vector<16xf32>
        %add3A_2659 = arith.constant 50 : i32
        %add3A_2660 = arith.addi %add3A_2659, %scan3A_2507 : i32
        %get3A_2661 = arith.constant 2 : i32
        %get3A_2662 = arith.index_cast %get3A_2661 : i32 to index
        %get3A_2663 = arith.index_cast %add3A_2660 : i32 to index
        %get3A_2664 = arith.constant 112 : index
        %get3A_2665 = tpu.vector_load %arg6[%get3A_2662, %get3A_2663, %get3A_2664] {strides = array<i32>} : memref<4x200x128xf32, #tpu.memory_space<vmem>>, vector<1x1x16xf32>,
        %get3A_2666 = vector.shape_cast %get3A_2665 : vector<1x1x16xf32> to vector<16xf32>
        %add3A_2667 = arith.addf %scan3A_2523, %get3A_2666 : vector<16xf32>
        scf.yield %add3A_2532, %add3A_2541, %add3A_2550, %add3A_2559, %add3A_2568, %add3A_2577, %add3A_2586, %add3A_2595, %add3A_2604, %add3A_2613, %add3A_2622, %add3A_2631, %add3A_2640, %add3A_2649, %add3A_2658, %add3A_2667 : vector<16xf32>, vector<16xf32>, vector<16xf32>, vector<16xf32>, vector<16xf32>, vector<16xf32>, vector<16xf32>, vector<16xf32>, vector<16xf32>, vector<16xf32>, vector<16xf32>, vector<16xf32>, vector<16xf32>, vector<16xf32>, vector<16xf32>, vector<16xf32>
      }
      %scan3A_1521 = arith.constant 49 : i32
      %mul3A_1522 = arith.constant 4 : i32
      %mul3A_1523 = arith.muli %add3A_1336, %mul3A_1522 : i32
      %add3A_1524 = arith.constant 0 : i32
      %add3A_1525 = arith.addi %mul3A_1523, %add3A_1524 : i32
      %add3A_1526 = arith.constant 0 : i32
      %add3A_1527 = arith.addi %add3A_1525, %add3A_1526 : i32
      %mul3A_1528 = arith.constant 0.141421363 : f32
      %mul3A_1529 = vector.broadcast %mul3A_1528 : f32 to vector<16xf32>
      %mul3A_1530 = arith.mulf %scan3A_1520#0, %mul3A_1529 : vector<16xf32>
      %swap3A_1531 = arith.index_cast %add3A_1527 : i32 to index
      %swap3A_1532 = arith.constant 0 : index
      %swap3A_1533 = tpu.vector_load %arg7[%swap3A_1531, %swap3A_1532] {strides = array<i32>} : memref<128x128xf32, #tpu.memory_space<vmem>>, vector<1x16xf32>,
      %swap3A_1534 = vector.shape_cast %swap3A_1533 : vector<1x16xf32> to vector<16xf32>
      %swap3A_1535 = vector.shape_cast %mul3A_1530 : vector<16xf32> to vector<1x16xf32>
      tpu.vector_store %arg7[%swap3A_1531, %swap3A_1532], %swap3A_1535 {strides = array<i32>} : memref<128x128xf32, #tpu.memory_space<vmem>>, vector<1x16xf32>,
      %mul3A_1536 = arith.constant 0.141421363 : f32
      %mul3A_1537 = vector.broadcast %mul3A_1536 : f32 to vector<16xf32>
      %mul3A_1538 = arith.mulf %scan3A_1520#1, %mul3A_1537 : vector<16xf32>
      %swap3A_1539 = arith.index_cast %add3A_1527 : i32 to index
      %swap3A_1540 = arith.constant 16 : index
      %swap3A_1541 = tpu.vector_load %arg7[%swap3A_1539, %swap3A_1540] {strides = array<i32>} : memref<128x128xf32, #tpu.memory_space<vmem>>, vector<1x16xf32>,
      %swap3A_1542 = vector.shape_cast %swap3A_1541 : vector<1x16xf32> to vector<16xf32>
      %swap3A_1543 = vector.shape_cast %mul3A_1538 : vector<16xf32> to vector<1x16xf32>
      tpu.vector_store %arg7[%swap3A_1539, %swap3A_1540], %swap3A_1543 {strides = array<i32>} : memref<128x128xf32, #tpu.memory_space<vmem>>, vector<1x16xf32>,
      %mul3A_1544 = arith.constant 0.141421363 : f32
      %mul3A_1545 = vector.broadcast %mul3A_1544 : f32 to vector<16xf32>
      %mul3A_1546 = arith.mulf %scan3A_1520#2, %mul3A_1545 : vector<16xf32>
      %swap3A_1547 = arith.index_cast %add3A_1527 : i32 to index
      %swap3A_1548 = arith.constant 32 : index
      %swap3A_1549 = tpu.vector_load %arg7[%swap3A_1547, %swap3A_1548] {strides = array<i32>} : memref<128x128xf32, #tpu.memory_space<vmem>>, vector<1x16xf32>,
      %swap3A_1550 = vector.shape_cast %swap3A_1549 : vector<1x16xf32> to vector<16xf32>
      %swap3A_1551 = vector.shape_cast %mul3A_1546 : vector<16xf32> to vector<1x16xf32>
      tpu.vector_store %arg7[%swap3A_1547, %swap3A_1548], %swap3A_1551 {strides = array<i32>} : memref<128x128xf32, #tpu.memory_space<vmem>>, vector<1x16xf32>,
      %mul3A_1552 = arith.constant 0.141421363 : f32
      %mul3A_1553 = vector.broadcast %mul3A_1552 : f32 to vector<16xf32>
      %mul3A_1554 = arith.mulf %scan3A_1520#3, %mul3A_1553 : vector<16xf32>
      %swap3A_1555 = arith.index_cast %add3A_1527 : i32 to index
      %swap3A_1556 = arith.constant 48 : index
      %swap3A_1557 = tpu.vector_load %arg7[%swap3A_1555, %swap3A_1556] {strides = array<i32>} : memref<128x128xf32, #tpu.memory_space<vmem>>, vector<1x16xf32>,
      %swap3A_1558 = vector.shape_cast %swap3A_1557 : vector<1x16xf32> to vector<16xf32>
      %swap3A_1559 = vector.shape_cast %mul3A_1554 : vector<16xf32> to vector<1x16xf32>
      tpu.vector_store %arg7[%swap3A_1555, %swap3A_1556], %swap3A_1559 {strides = array<i32>} : memref<128x128xf32, #tpu.memory_space<vmem>>, vector<1x16xf32>,
      %mul3A_1560 = arith.constant 0.141421363 : f32
      %mul3A_1561 = vector.broadcast %mul3A_1560 : f32 to vector<16xf32>
      %mul3A_1562 = arith.mulf %scan3A_1520#4, %mul3A_1561 : vector<16xf32>
      %swap3A_1563 = arith.index_cast %add3A_1527 : i32 to index
      %swap3A_1564 = arith.constant 64 : index
      %swap3A_1565 = tpu.vector_load %arg7[%swap3A_1563, %swap3A_1564] {strides = array<i32>} : memref<128x128xf32, #tpu.memory_space<vmem>>, vector<1x16xf32>,
      %swap3A_1566 = vector.shape_cast %swap3A_1565 : vector<1x16xf32> to vector<16xf32>
      %swap3A_1567 = vector.shape_cast %mul3A_1562 : vector<16xf32> to vector<1x16xf32>
      tpu.vector_store %arg7[%swap3A_1563, %swap3A_1564], %swap3A_1567 {strides = array<i32>} : memref<128x128xf32, #tpu.memory_space<vmem>>, vector<1x16xf32>,
      %mul3A_1568 = arith.constant 0.141421363 : f32
      %mul3A_1569 = vector.broadcast %mul3A_1568 : f32 to vector<16xf32>
      %mul3A_1570 = arith.mulf %scan3A_1520#5, %mul3A_1569 : vector<16xf32>
      %swap3A_1571 = arith.index_cast %add3A_1527 : i32 to index
      %swap3A_1572 = arith.constant 80 : index
      %swap3A_1573 = tpu.vector_load %arg7[%swap3A_1571, %swap3A_1572] {strides = array<i32>} : memref<128x128xf32, #tpu.memory_space<vmem>>, vector<1x16xf32>,
      %swap3A_1574 = vector.shape_cast %swap3A_1573 : vector<1x16xf32> to vector<16xf32>
      %swap3A_1575 = vector.shape_cast %mul3A_1570 : vector<16xf32> to vector<1x16xf32>
      tpu.vector_store %arg7[%swap3A_1571, %swap3A_1572], %swap3A_1575 {strides = array<i32>} : memref<128x128xf32, #tpu.memory_space<vmem>>, vector<1x16xf32>,
      %mul3A_1576 = arith.constant 0.141421363 : f32
      %mul3A_1577 = vector.broadcast %mul3A_1576 : f32 to vector<16xf32>
      %mul3A_1578 = arith.mulf %scan3A_1520#6, %mul3A_1577 : vector<16xf32>
      %swap3A_1579 = arith.index_cast %add3A_1527 : i32 to index
      %swap3A_1580 = arith.constant 96 : index
      %swap3A_1581 = tpu.vector_load %arg7[%swap3A_1579, %swap3A_1580] {strides = array<i32>} : memref<128x128xf32, #tpu.memory_space<vmem>>, vector<1x16xf32>,
      %swap3A_1582 = vector.shape_cast %swap3A_1581 : vector<1x16xf32> to vector<16xf32>
      %swap3A_1583 = vector.shape_cast %mul3A_1578 : vector<16xf32> to vector<1x16xf32>
      tpu.vector_store %arg7[%swap3A_1579, %swap3A_1580], %swap3A_1583 {strides = array<i32>} : memref<128x128xf32, #tpu.memory_space<vmem>>, vector<1x16xf32>,
      %mul3A_1584 = arith.constant 0.141421363 : f32
      %mul3A_1585 = vector.broadcast %mul3A_1584 : f32 to vector<16xf32>
      %mul3A_1586 = arith.mulf %scan3A_1520#7, %mul3A_1585 : vector<16xf32>
      %swap3A_1587 = arith.index_cast %add3A_1527 : i32 to index
      %swap3A_1588 = arith.constant 112 : index
      %swap3A_1589 = tpu.vector_load %arg7[%swap3A_1587, %swap3A_1588] {strides = array<i32>} : memref<128x128xf32, #tpu.memory_space<vmem>>, vector<1x16xf32>,
      %swap3A_1590 = vector.shape_cast %swap3A_1589 : vector<1x16xf32> to vector<16xf32>
      %swap3A_1591 = vector.shape_cast %mul3A_1586 : vector<16xf32> to vector<1x16xf32>
      tpu.vector_store %arg7[%swap3A_1587, %swap3A_1588], %swap3A_1591 {strides = array<i32>} : memref<128x128xf32, #tpu.memory_space<vmem>>, vector<1x16xf32>,
      %mul3A_1592 = arith.constant 4 : i32
      %mul3A_1593 = arith.muli %add3A_1336, %mul3A_1592 : i32
      %add3A_1594 = arith.constant 0 : i32
      %add3A_1595 = arith.addi %mul3A_1593, %add3A_1594 : i32
      %add3A_1596 = arith.constant 1 : i32
      %add3A_1597 = arith.addi %add3A_1595, %add3A_1596 : i32
      %mul3A_1598 = arith.constant 0.141421363 : f32
      %mul3A_1599 = vector.broadcast %mul3A_1598 : f32 to vector<16xf32>
      %mul3A_1600 = arith.mulf %scan3A_1520#8, %mul3A_1599 : vector<16xf32>
      %swap3A_1601 = arith.index_cast %add3A_1597 : i32 to index
      %swap3A_1602 = arith.constant 0 : index
      %swap3A_1603 = tpu.vector_load %arg7[%swap3A_1601, %swap3A_1602] {strides = array<i32>} : memref<128x128xf32, #tpu.memory_space<vmem>>, vector<1x16xf32>,
      %swap3A_1604 = vector.shape_cast %swap3A_1603 : vector<1x16xf32> to vector<16xf32>
      %swap3A_1605 = vector.shape_cast %mul3A_1600 : vector<16xf32> to vector<1x16xf32>
      tpu.vector_store %arg7[%swap3A_1601, %swap3A_1602], %swap3A_1605 {strides = array<i32>} : memref<128x128xf32, #tpu.memory_space<vmem>>, vector<1x16xf32>,
      %mul3A_1606 = arith.constant 0.141421363 : f32
      %mul3A_1607 = vector.broadcast %mul3A_1606 : f32 to vector<16xf32>
      %mul3A_1608 = arith.mulf %scan3A_1520#9, %mul3A_1607 : vector<16xf32>
      %swap3A_1609 = arith.index_cast %add3A_1597 : i32 to index
      %swap3A_1610 = arith.constant 16 : index
      %swap3A_1611 = tpu.vector_load %arg7[%swap3A_1609, %swap3A_1610] {strides = array<i32>} : memref<128x128xf32, #tpu.memory_space<vmem>>, vector<1x16xf32>,
      %swap3A_1612 = vector.shape_cast %swap3A_1611 : vector<1x16xf32> to vector<16xf32>
      %swap3A_1613 = vector.shape_cast %mul3A_1608 : vector<16xf32> to vector<1x16xf32>
      tpu.vector_store %arg7[%swap3A_1609, %swap3A_1610], %swap3A_1613 {strides = array<i32>} : memref<128x128xf32, #tpu.memory_space<vmem>>, vector<1x16xf32>,
      %mul3A_1614 = arith.constant 0.141421363 : f32
      %mul3A_1615 = vector.broadcast %mul3A_1614 : f32 to vector<16xf32>
      %mul3A_1616 = arith.mulf %scan3A_1520#10, %mul3A_1615 : vector<16xf32>
      %swap3A_1617 = arith.index_cast %add3A_1597 : i32 to index
      %swap3A_1618 = arith.constant 32 : index
      %swap3A_1619 = tpu.vector_load %arg7[%swap3A_1617, %swap3A_1618] {strides = array<i32>} : memref<128x128xf32, #tpu.memory_space<vmem>>, vector<1x16xf32>,
      %swap3A_1620 = vector.shape_cast %swap3A_1619 : vector<1x16xf32> to vector<16xf32>
      %swap3A_1621 = vector.shape_cast %mul3A_1616 : vector<16xf32> to vector<1x16xf32>
      tpu.vector_store %arg7[%swap3A_1617, %swap3A_1618], %swap3A_1621 {strides = array<i32>} : memref<128x128xf32, #tpu.memory_space<vmem>>, vector<1x16xf32>,
      %mul3A_1622 = arith.constant 0.141421363 : f32
      %mul3A_1623 = vector.broadcast %mul3A_1622 : f32 to vector<16xf32>
      %mul3A_1624 = arith.mulf %scan3A_1520#11, %mul3A_1623 : vector<16xf32>
      %swap3A_1625 = arith.index_cast %add3A_1597 : i32 to index
      %swap3A_1626 = arith.constant 48 : index
      %swap3A_1627 = tpu.vector_load %arg7[%swap3A_1625, %swap3A_1626] {strides = array<i32>} : memref<128x128xf32, #tpu.memory_space<vmem>>, vector<1x16xf32>,
      %swap3A_1628 = vector.shape_cast %swap3A_1627 : vector<1x16xf32> to vector<16xf32>
      %swap3A_1629 = vector.shape_cast %mul3A_1624 : vector<16xf32> to vector<1x16xf32>
      tpu.vector_store %arg7[%swap3A_1625, %swap3A_1626], %swap3A_1629 {strides = array<i32>} : memref<128x128xf32, #tpu.memory_space<vmem>>, vector<1x16xf32>,
      %mul3A_1630 = arith.constant 0.141421363 : f32
      %mul3A_1631 = vector.broadcast %mul3A_1630 : f32 to vector<16xf32>
      %mul3A_1632 = arith.mulf %scan3A_1520#12, %mul3A_1631 : vector<16xf32>
      %swap3A_1633 = arith.index_cast %add3A_1597 : i32 to index
      %swap3A_1634 = arith.constant 64 : index
      %swap3A_1635 = tpu.vector_load %arg7[%swap3A_1633, %swap3A_1634] {strides = array<i32>} : memref<128x128xf32, #tpu.memory_space<vmem>>, vector<1x16xf32>,
      %swap3A_1636 = vector.shape_cast %swap3A_1635 : vector<1x16xf32> to vector<16xf32>
      %swap3A_1637 = vector.shape_cast %mul3A_1632 : vector<16xf32> to vector<1x16xf32>
      tpu.vector_store %arg7[%swap3A_1633, %swap3A_1634], %swap3A_1637 {strides = array<i32>} : memref<128x128xf32, #tpu.memory_space<vmem>>, vector<1x16xf32>,
      %mul3A_1638 = arith.constant 0.141421363 : f32
      %mul3A_1639 = vector.broadcast %mul3A_1638 : f32 to vector<16xf32>
      %mul3A_1640 = arith.mulf %scan3A_1520#13, %mul3A_1639 : vector<16xf32>
      %swap3A_1641 = arith.index_cast %add3A_1597 : i32 to index
      %swap3A_1642 = arith.constant 80 : index
      %swap3A_1643 = tpu.vector_load %arg7[%swap3A_1641, %swap3A_1642] {strides = array<i32>} : memref<128x128xf32, #tpu.memory_space<vmem>>, vector<1x16xf32>,
      %swap3A_1644 = vector.shape_cast %swap3A_1643 : vector<1x16xf32> to vector<16xf32>
      %swap3A_1645 = vector.shape_cast %mul3A_1640 : vector<16xf32> to vector<1x16xf32>
      tpu.vector_store %arg7[%swap3A_1641, %swap3A_1642], %swap3A_1645 {strides = array<i32>} : memref<128x128xf32, #tpu.memory_space<vmem>>, vector<1x16xf32>,
      %mul3A_1646 = arith.constant 0.141421363 : f32
      %mul3A_1647 = vector.broadcast %mul3A_1646 : f32 to vector<16xf32>
      %mul3A_1648 = arith.mulf %scan3A_1520#14, %mul3A_1647 : vector<16xf32>
      %swap3A_1649 = arith.index_cast %add3A_1597 : i32 to index
      %swap3A_1650 = arith.constant 96 : index
      %swap3A_1651 = tpu.vector_load %arg7[%swap3A_1649, %swap3A_1650] {strides = array<i32>} : memref<128x128xf32, #tpu.memory_space<vmem>>, vector<1x16xf32>,
      %swap3A_1652 = vector.shape_cast %swap3A_1651 : vector<1x16xf32> to vector<16xf32>
      %swap3A_1653 = vector.shape_cast %mul3A_1648 : vector<16xf32> to vector<1x16xf32>
      tpu.vector_store %arg7[%swap3A_1649, %swap3A_1650], %swap3A_1653 {strides = array<i32>} : memref<128x128xf32, #tpu.memory_space<vmem>>, vector<1x16xf32>,
      %mul3A_1654 = arith.constant 0.141421363 : f32
      %mul3A_1655 = vector.broadcast %mul3A_1654 : f32 to vector<16xf32>
      %mul3A_1656 = arith.mulf %scan3A_1520#15, %mul3A_1655 : vector<16xf32>
      %swap3A_1657 = arith.index_cast %add3A_1597 : i32 to index
      %swap3A_1658 = arith.constant 112 : index
      %swap3A_1659 = tpu.vector_load %arg7[%swap3A_1657, %swap3A_1658] {strides = array<i32>} : memref<128x128xf32, #tpu.memory_space<vmem>>, vector<1x16xf32>,
      %swap3A_1660 = vector.shape_cast %swap3A_1659 : vector<1x16xf32> to vector<16xf32>
      %swap3A_1661 = vector.shape_cast %mul3A_1656 : vector<16xf32> to vector<1x16xf32>
      tpu.vector_store %arg7[%swap3A_1657, %swap3A_1658], %swap3A_1661 {strides = array<i32>} : memref<128x128xf32, #tpu.memory_space<vmem>>, vector<1x16xf32>,
      %get3A_1662 = arith.constant 2 : i32
      %get3A_1663 = arith.constant 100 : i32
      %get3A_1664 = arith.index_cast %get3A_1662 : i32 to index
      %get3A_1665 = arith.index_cast %get3A_1663 : i32 to index
      %get3A_1666 = arith.constant 0 : index
      %get3A_1667 = tpu.vector_load %arg6[%get3A_1664, %get3A_1665, %get3A_1666] {strides = array<i32>} : memref<4x200x128xf32, #tpu.memory_space<vmem>>, vector<1x1x16xf32>,
      %get3A_1668 = vector.shape_cast %get3A_1667 : vector<1x1x16xf32> to vector<16xf32>
      %get3A_1669 = arith.constant 2 : i32
      %get3A_1670 = arith.constant 100 : i32
      %get3A_1671 = arith.index_cast %get3A_1669 : i32 to index
      %get3A_1672 = arith.index_cast %get3A_1670 : i32 to index
      %get3A_1673 = arith.constant 16 : index
      %get3A_1674 = tpu.vector_load %arg6[%get3A_1671, %get3A_1672, %get3A_1673] {strides = array<i32>} : memref<4x200x128xf32, #tpu.memory_space<vmem>>, vector<1x1x16xf32>,
      %get3A_1675 = vector.shape_cast %get3A_1674 : vector<1x1x16xf32> to vector<16xf32>
      %get3A_1676 = arith.constant 2 : i32
      %get3A_1677 = arith.constant 100 : i32
      %get3A_1678 = arith.index_cast %get3A_1676 : i32 to index
      %get3A_1679 = arith.index_cast %get3A_1677 : i32 to index
      %get3A_1680 = arith.constant 32 : index
      %get3A_1681 = tpu.vector_load %arg6[%get3A_1678, %get3A_1679, %get3A_1680] {strides = array<i32>} : memref<4x200x128xf32, #tpu.memory_space<vmem>>, vector<1x1x16xf32>,
      %get3A_1682 = vector.shape_cast %get3A_1681 : vector<1x1x16xf32> to vector<16xf32>
      %get3A_1683 = arith.constant 2 : i32
      %get3A_1684 = arith.constant 100 : i32
      %get3A_1685 = arith.index_cast %get3A_1683 : i32 to index
      %get3A_1686 = arith.index_cast %get3A_1684 : i32 to index
      %get3A_1687 = arith.constant 48 : index
      %get3A_1688 = tpu.vector_load %arg6[%get3A_1685, %get3A_1686, %get3A_1687] {strides = array<i32>} : memref<4x200x128xf32, #tpu.memory_space<vmem>>, vector<1x1x16xf32>,
      %get3A_1689 = vector.shape_cast %get3A_1688 : vector<1x1x16xf32> to vector<16xf32>
      %get3A_1690 = arith.constant 2 : i32
      %get3A_1691 = arith.constant 100 : i32
      %get3A_1692 = arith.index_cast %get3A_1690 : i32 to index
      %get3A_1693 = arith.index_cast %get3A_1691 : i32 to index
      %get3A_1694 = arith.constant 64 : index
      %get3A_1695 = tpu.vector_load %arg6[%get3A_1692, %get3A_1693, %get3A_1694] {strides = array<i32>} : memref<4x200x128xf32, #tpu.memory_space<vmem>>, vector<1x1x16xf32>,
      %get3A_1696 = vector.shape_cast %get3A_1695 : vector<1x1x16xf32> to vector<16xf32>
      %get3A_1697 = arith.constant 2 : i32
      %get3A_1698 = arith.constant 100 : i32
      %get3A_1699 = arith.index_cast %get3A_1697 : i32 to index
      %get3A_1700 = arith.index_cast %get3A_1698 : i32 to index
      %get3A_1701 = arith.constant 80 : index
      %get3A_1702 = tpu.vector_load %arg6[%get3A_1699, %get3A_1700, %get3A_1701] {strides = array<i32>} : memref<4x200x128xf32, #tpu.memory_space<vmem>>, vector<1x1x16xf32>,
      %get3A_1703 = vector.shape_cast %get3A_1702 : vector<1x1x16xf32> to vector<16xf32>
      %get3A_1704 = arith.constant 2 : i32
      %get3A_1705 = arith.constant 100 : i32
      %get3A_1706 = arith.index_cast %get3A_1704 : i32 to index
      %get3A_1707 = arith.index_cast %get3A_1705 : i32 to index
      %get3A_1708 = arith.constant 96 : index
      %get3A_1709 = tpu.vector_load %arg6[%get3A_1706, %get3A_1707, %get3A_1708] {strides = array<i32>} : memref<4x200x128xf32, #tpu.memory_space<vmem>>, vector<1x1x16xf32>,
      %get3A_1710 = vector.shape_cast %get3A_1709 : vector<1x1x16xf32> to vector<16xf32>
      %get3A_1711 = arith.constant 2 : i32
      %get3A_1712 = arith.constant 100 : i32
      %get3A_1713 = arith.index_cast %get3A_1711 : i32 to index
      %get3A_1714 = arith.index_cast %get3A_1712 : i32 to index
      %get3A_1715 = arith.constant 112 : index
      %get3A_1716 = tpu.vector_load %arg6[%get3A_1713, %get3A_1714, %get3A_1715] {strides = array<i32>} : memref<4x200x128xf32, #tpu.memory_space<vmem>>, vector<1x1x16xf32>,
      %get3A_1717 = vector.shape_cast %get3A_1716 : vector<1x1x16xf32> to vector<16xf32>
      %get3A_1718 = arith.constant 2 : i32
      %get3A_1719 = arith.constant 150 : i32
      %get3A_1720 = arith.index_cast %get3A_1718 : i32 to index
      %get3A_1721 = arith.index_cast %get3A_1719 : i32 to index
      %get3A_1722 = arith.constant 0 : index
      %get3A_1723 = tpu.vector_load %arg6[%get3A_1720, %get3A_1721, %get3A_1722] {strides = array<i32>} : memref<4x200x128xf32, #tpu.memory_space<vmem>>, vector<1x1x16xf32>,
      %get3A_1724 = vector.shape_cast %get3A_1723 : vector<1x1x16xf32> to vector<16xf32>
      %get3A_1725 = arith.constant 2 : i32
      %get3A_1726 = arith.constant 150 : i32
      %get3A_1727 = arith.index_cast %get3A_1725 : i32 to index
      %get3A_1728 = arith.index_cast %get3A_1726 : i32 to index
      %get3A_1729 = arith.constant 16 : index
      %get3A_1730 = tpu.vector_load %arg6[%get3A_1727, %get3A_1728, %get3A_1729] {strides = array<i32>} : memref<4x200x128xf32, #tpu.memory_space<vmem>>, vector<1x1x16xf32>,
      %get3A_1731 = vector.shape_cast %get3A_1730 : vector<1x1x16xf32> to vector<16xf32>
      %get3A_1732 = arith.constant 2 : i32
      %get3A_1733 = arith.constant 150 : i32
      %get3A_1734 = arith.index_cast %get3A_1732 : i32 to index
      %get3A_1735 = arith.index_cast %get3A_1733 : i32 to index
      %get3A_1736 = arith.constant 32 : index
      %get3A_1737 = tpu.vector_load %arg6[%get3A_1734, %get3A_1735, %get3A_1736] {strides = array<i32>} : memref<4x200x128xf32, #tpu.memory_space<vmem>>, vector<1x1x16xf32>,
      %get3A_1738 = vector.shape_cast %get3A_1737 : vector<1x1x16xf32> to vector<16xf32>
      %get3A_1739 = arith.constant 2 : i32
      %get3A_1740 = arith.constant 150 : i32
      %get3A_1741 = arith.index_cast %get3A_1739 : i32 to index
      %get3A_1742 = arith.index_cast %get3A_1740 : i32 to index
      %get3A_1743 = arith.constant 48 : index
      %get3A_1744 = tpu.vector_load %arg6[%get3A_1741, %get3A_1742, %get3A_1743] {strides = array<i32>} : memref<4x200x128xf32, #tpu.memory_space<vmem>>, vector<1x1x16xf32>,
      %get3A_1745 = vector.shape_cast %get3A_1744 : vector<1x1x16xf32> to vector<16xf32>
      %get3A_1746 = arith.constant 2 : i32
      %get3A_1747 = arith.constant 150 : i32
      %get3A_1748 = arith.index_cast %get3A_1746 : i32 to index
      %get3A_1749 = arith.index_cast %get3A_1747 : i32 to index
      %get3A_1750 = arith.constant 64 : index
      %get3A_1751 = tpu.vector_load %arg6[%get3A_1748, %get3A_1749, %get3A_1750] {strides = array<i32>} : memref<4x200x128xf32, #tpu.memory_space<vmem>>, vector<1x1x16xf32>,
      %get3A_1752 = vector.shape_cast %get3A_1751 : vector<1x1x16xf32> to vector<16xf32>
      %get3A_1753 = arith.constant 2 : i32
      %get3A_1754 = arith.constant 150 : i32
      %get3A_1755 = arith.index_cast %get3A_1753 : i32 to index
      %get3A_1756 = arith.index_cast %get3A_1754 : i32 to index
      %get3A_1757 = arith.constant 80 : index
      %get3A_1758 = tpu.vector_load %arg6[%get3A_1755, %get3A_1756, %get3A_1757] {strides = array<i32>} : memref<4x200x128xf32, #tpu.memory_space<vmem>>, vector<1x1x16xf32>,
      %get3A_1759 = vector.shape_cast %get3A_1758 : vector<1x1x16xf32> to vector<16xf32>
      %get3A_1760 = arith.constant 2 : i32
      %get3A_1761 = arith.constant 150 : i32
      %get3A_1762 = arith.index_cast %get3A_1760 : i32 to index
      %get3A_1763 = arith.index_cast %get3A_1761 : i32 to index
      %get3A_1764 = arith.constant 96 : index
      %get3A_1765 = tpu.vector_load %arg6[%get3A_1762, %get3A_1763, %get3A_1764] {strides = array<i32>} : memref<4x200x128xf32, #tpu.memory_space<vmem>>, vector<1x1x16xf32>,
      %get3A_1766 = vector.shape_cast %get3A_1765 : vector<1x1x16xf32> to vector<16xf32>
      %get3A_1767 = arith.constant 2 : i32
      %get3A_1768 = arith.constant 150 : i32
      %get3A_1769 = arith.index_cast %get3A_1767 : i32 to index
      %get3A_1770 = arith.index_cast %get3A_1768 : i32 to index
      %get3A_1771 = arith.constant 112 : index
      %get3A_1772 = tpu.vector_load %arg6[%get3A_1769, %get3A_1770, %get3A_1771] {strides = array<i32>} : memref<4x200x128xf32, #tpu.memory_space<vmem>>, vector<1x1x16xf32>,
      %get3A_1773 = vector.shape_cast %get3A_1772 : vector<1x1x16xf32> to vector<16xf32>
      %scan3A_1774 = arith.constant 1 : i32
      %scan3A_1775 = arith.constant 49 : i32
      %scan3A_1776 = arith.addi %scan3A_1774, %scan3A_1775 : i32
      %scan3A_1777 = arith.constant 1 : i32
      %scan3A_1778:16 = scf.for %scan3A_2507 = %scan3A_1774 to %scan3A_1776 step %scan3A_1777 iter_args(%scan3A_2508 = %get3A_1668, %scan3A_2509 = %get3A_1675, %scan3A_2510 = %get3A_1682, %scan3A_2511 = %get3A_1689, %scan3A_2512 = %get3A_1696, %scan3A_2513 = %get3A_1703, %scan3A_2514 = %get3A_1710, %scan3A_2515 = %get3A_1717, %scan3A_2516 = %get3A_1724, %scan3A_2517 = %get3A_1731, %scan3A_2518 = %get3A_1738, %scan3A_2519 = %get3A_1745, %scan3A_2520 = %get3A_1752, %scan3A_2521 = %get3A_1759, %scan3A_2522 = %get3A_1766, %scan3A_2523 = %get3A_1773) -> (vector<16xf32>, vector<16xf32>, vector<16xf32>, vector<16xf32>, vector<16xf32>, vector<16xf32>, vector<16xf32>, vector<16xf32>, vector<16xf32>, vector<16xf32>, vector<16xf32>, vector<16xf32>, vector<16xf32>, vector<16xf32>, vector<16xf32>, vector<16xf32>)  : i32 {
        %add3A_2524 = arith.constant 100 : i32
        %add3A_2525 = arith.addi %add3A_2524, %scan3A_2507 : i32
        %get3A_2526 = arith.constant 2 : i32
        %get3A_2527 = arith.index_cast %get3A_2526 : i32 to index
        %get3A_2528 = arith.index_cast %add3A_2525 : i32 to index
        %get3A_2529 = arith.constant 0 : index
        %get3A_2530 = tpu.vector_load %arg6[%get3A_2527, %get3A_2528, %get3A_2529] {strides = array<i32>} : memref<4x200x128xf32, #tpu.memory_space<vmem>>, vector<1x1x16xf32>,
        %get3A_2531 = vector.shape_cast %get3A_2530 : vector<1x1x16xf32> to vector<16xf32>
        %add3A_2532 = arith.addf %scan3A_2508, %get3A_2531 : vector<16xf32>
        %add3A_2533 = arith.constant 100 : i32
        %add3A_2534 = arith.addi %add3A_2533, %scan3A_2507 : i32
        %get3A_2535 = arith.constant 2 : i32
        %get3A_2536 = arith.index_cast %get3A_2535 : i32 to index
        %get3A_2537 = arith.index_cast %add3A_2534 : i32 to index
        %get3A_2538 = arith.constant 16 : index
        %get3A_2539 = tpu.vector_load %arg6[%get3A_2536, %get3A_2537, %get3A_2538] {strides = array<i32>} : memref<4x200x128xf32, #tpu.memory_space<vmem>>, vector<1x1x16xf32>,
        %get3A_2540 = vector.shape_cast %get3A_2539 : vector<1x1x16xf32> to vector<16xf32>
        %add3A_2541 = arith.addf %scan3A_2509, %get3A_2540 : vector<16xf32>
        %add3A_2542 = arith.constant 100 : i32
        %add3A_2543 = arith.addi %add3A_2542, %scan3A_2507 : i32
        %get3A_2544 = arith.constant 2 : i32
        %get3A_2545 = arith.index_cast %get3A_2544 : i32 to index
        %get3A_2546 = arith.index_cast %add3A_2543 : i32 to index
        %get3A_2547 = arith.constant 32 : index
        %get3A_2548 = tpu.vector_load %arg6[%get3A_2545, %get3A_2546, %get3A_2547] {strides = array<i32>} : memref<4x200x128xf32, #tpu.memory_space<vmem>>, vector<1x1x16xf32>,
        %get3A_2549 = vector.shape_cast %get3A_2548 : vector<1x1x16xf32> to vector<16xf32>
        %add3A_2550 = arith.addf %scan3A_2510, %get3A_2549 : vector<16xf32>
        %add3A_2551 = arith.constant 100 : i32
        %add3A_2552 = arith.addi %add3A_2551, %scan3A_2507 : i32
        %get3A_2553 = arith.constant 2 : i32
        %get3A_2554 = arith.index_cast %get3A_2553 : i32 to index
        %get3A_2555 = arith.index_cast %add3A_2552 : i32 to index
        %get3A_2556 = arith.constant 48 : index
        %get3A_2557 = tpu.vector_load %arg6[%get3A_2554, %get3A_2555, %get3A_2556] {strides = array<i32>} : memref<4x200x128xf32, #tpu.memory_space<vmem>>, vector<1x1x16xf32>,
        %get3A_2558 = vector.shape_cast %get3A_2557 : vector<1x1x16xf32> to vector<16xf32>
        %add3A_2559 = arith.addf %scan3A_2511, %get3A_2558 : vector<16xf32>
        %add3A_2560 = arith.constant 100 : i32
        %add3A_2561 = arith.addi %add3A_2560, %scan3A_2507 : i32
        %get3A_2562 = arith.constant 2 : i32
        %get3A_2563 = arith.index_cast %get3A_2562 : i32 to index
        %get3A_2564 = arith.index_cast %add3A_2561 : i32 to index
        %get3A_2565 = arith.constant 64 : index
        %get3A_2566 = tpu.vector_load %arg6[%get3A_2563, %get3A_2564, %get3A_2565] {strides = array<i32>} : memref<4x200x128xf32, #tpu.memory_space<vmem>>, vector<1x1x16xf32>,
        %get3A_2567 = vector.shape_cast %get3A_2566 : vector<1x1x16xf32> to vector<16xf32>
        %add3A_2568 = arith.addf %scan3A_2512, %get3A_2567 : vector<16xf32>
        %add3A_2569 = arith.constant 100 : i32
        %add3A_2570 = arith.addi %add3A_2569, %scan3A_2507 : i32
        %get3A_2571 = arith.constant 2 : i32
        %get3A_2572 = arith.index_cast %get3A_2571 : i32 to index
        %get3A_2573 = arith.index_cast %add3A_2570 : i32 to index
        %get3A_2574 = arith.constant 80 : index
        %get3A_2575 = tpu.vector_load %arg6[%get3A_2572, %get3A_2573, %get3A_2574] {strides = array<i32>} : memref<4x200x128xf32, #tpu.memory_space<vmem>>, vector<1x1x16xf32>,
        %get3A_2576 = vector.shape_cast %get3A_2575 : vector<1x1x16xf32> to vector<16xf32>
        %add3A_2577 = arith.addf %scan3A_2513, %get3A_2576 : vector<16xf32>
        %add3A_2578 = arith.constant 100 : i32
        %add3A_2579 = arith.addi %add3A_2578, %scan3A_2507 : i32
        %get3A_2580 = arith.constant 2 : i32
        %get3A_2581 = arith.index_cast %get3A_2580 : i32 to index
        %get3A_2582 = arith.index_cast %add3A_2579 : i32 to index
        %get3A_2583 = arith.constant 96 : index
        %get3A_2584 = tpu.vector_load %arg6[%get3A_2581, %get3A_2582, %get3A_2583] {strides = array<i32>} : memref<4x200x128xf32, #tpu.memory_space<vmem>>, vector<1x1x16xf32>,
        %get3A_2585 = vector.shape_cast %get3A_2584 : vector<1x1x16xf32> to vector<16xf32>
        %add3A_2586 = arith.addf %scan3A_2514, %get3A_2585 : vector<16xf32>
        %add3A_2587 = arith.constant 100 : i32
        %add3A_2588 = arith.addi %add3A_2587, %scan3A_2507 : i32
        %get3A_2589 = arith.constant 2 : i32
        %get3A_2590 = arith.index_cast %get3A_2589 : i32 to index
        %get3A_2591 = arith.index_cast %add3A_2588 : i32 to index
        %get3A_2592 = arith.constant 112 : index
        %get3A_2593 = tpu.vector_load %arg6[%get3A_2590, %get3A_2591, %get3A_2592] {strides = array<i32>} : memref<4x200x128xf32, #tpu.memory_space<vmem>>, vector<1x1x16xf32>,
        %get3A_2594 = vector.shape_cast %get3A_2593 : vector<1x1x16xf32> to vector<16xf32>
        %add3A_2595 = arith.addf %scan3A_2515, %get3A_2594 : vector<16xf32>
        %add3A_2596 = arith.constant 150 : i32
        %add3A_2597 = arith.addi %add3A_2596, %scan3A_2507 : i32
        %get3A_2598 = arith.constant 2 : i32
        %get3A_2599 = arith.index_cast %get3A_2598 : i32 to index
        %get3A_2600 = arith.index_cast %add3A_2597 : i32 to index
        %get3A_2601 = arith.constant 0 : index
        %get3A_2602 = tpu.vector_load %arg6[%get3A_2599, %get3A_2600, %get3A_2601] {strides = array<i32>} : memref<4x200x128xf32, #tpu.memory_space<vmem>>, vector<1x1x16xf32>,
        %get3A_2603 = vector.shape_cast %get3A_2602 : vector<1x1x16xf32> to vector<16xf32>
        %add3A_2604 = arith.addf %scan3A_2516, %get3A_2603 : vector<16xf32>
        %add3A_2605 = arith.constant 150 : i32
        %add3A_2606 = arith.addi %add3A_2605, %scan3A_2507 : i32
        %get3A_2607 = arith.constant 2 : i32
        %get3A_2608 = arith.index_cast %get3A_2607 : i32 to index
        %get3A_2609 = arith.index_cast %add3A_2606 : i32 to index
        %get3A_2610 = arith.constant 16 : index
        %get3A_2611 = tpu.vector_load %arg6[%get3A_2608, %get3A_2609, %get3A_2610] {strides = array<i32>} : memref<4x200x128xf32, #tpu.memory_space<vmem>>, vector<1x1x16xf32>,
        %get3A_2612 = vector.shape_cast %get3A_2611 : vector<1x1x16xf32> to vector<16xf32>
        %add3A_2613 = arith.addf %scan3A_2517, %get3A_2612 : vector<16xf32>
        %add3A_2614 = arith.constant 150 : i32
        %add3A_2615 = arith.addi %add3A_2614, %scan3A_2507 : i32
        %get3A_2616 = arith.constant 2 : i32
        %get3A_2617 = arith.index_cast %get3A_2616 : i32 to index
        %get3A_2618 = arith.index_cast %add3A_2615 : i32 to index
        %get3A_2619 = arith.constant 32 : index
        %get3A_2620 = tpu.vector_load %arg6[%get3A_2617, %get3A_2618, %get3A_2619] {strides = array<i32>} : memref<4x200x128xf32, #tpu.memory_space<vmem>>, vector<1x1x16xf32>,
        %get3A_2621 = vector.shape_cast %get3A_2620 : vector<1x1x16xf32> to vector<16xf32>
        %add3A_2622 = arith.addf %scan3A_2518, %get3A_2621 : vector<16xf32>
        %add3A_2623 = arith.constant 150 : i32
        %add3A_2624 = arith.addi %add3A_2623, %scan3A_2507 : i32
        %get3A_2625 = arith.constant 2 : i32
        %get3A_2626 = arith.index_cast %get3A_2625 : i32 to index
        %get3A_2627 = arith.index_cast %add3A_2624 : i32 to index
        %get3A_2628 = arith.constant 48 : index
        %get3A_2629 = tpu.vector_load %arg6[%get3A_2626, %get3A_2627, %get3A_2628] {strides = array<i32>} : memref<4x200x128xf32, #tpu.memory_space<vmem>>, vector<1x1x16xf32>,
        %get3A_2630 = vector.shape_cast %get3A_2629 : vector<1x1x16xf32> to vector<16xf32>
        %add3A_2631 = arith.addf %scan3A_2519, %get3A_2630 : vector<16xf32>
        %add3A_2632 = arith.constant 150 : i32
        %add3A_2633 = arith.addi %add3A_2632, %scan3A_2507 : i32
        %get3A_2634 = arith.constant 2 : i32
        %get3A_2635 = arith.index_cast %get3A_2634 : i32 to index
        %get3A_2636 = arith.index_cast %add3A_2633 : i32 to index
        %get3A_2637 = arith.constant 64 : index
        %get3A_2638 = tpu.vector_load %arg6[%get3A_2635, %get3A_2636, %get3A_2637] {strides = array<i32>} : memref<4x200x128xf32, #tpu.memory_space<vmem>>, vector<1x1x16xf32>,
        %get3A_2639 = vector.shape_cast %get3A_2638 : vector<1x1x16xf32> to vector<16xf32>
        %add3A_2640 = arith.addf %scan3A_2520, %get3A_2639 : vector<16xf32>
        %add3A_2641 = arith.constant 150 : i32
        %add3A_2642 = arith.addi %add3A_2641, %scan3A_2507 : i32
        %get3A_2643 = arith.constant 2 : i32
        %get3A_2644 = arith.index_cast %get3A_2643 : i32 to index
        %get3A_2645 = arith.index_cast %add3A_2642 : i32 to index
        %get3A_2646 = arith.constant 80 : index
        %get3A_2647 = tpu.vector_load %arg6[%get3A_2644, %get3A_2645, %get3A_2646] {strides = array<i32>} : memref<4x200x128xf32, #tpu.memory_space<vmem>>, vector<1x1x16xf32>,
        %get3A_2648 = vector.shape_cast %get3A_2647 : vector<1x1x16xf32> to vector<16xf32>
        %add3A_2649 = arith.addf %scan3A_2521, %get3A_2648 : vector<16xf32>
        %add3A_2650 = arith.constant 150 : i32
        %add3A_2651 = arith.addi %add3A_2650, %scan3A_2507 : i32
        %get3A_2652 = arith.constant 2 : i32
        %get3A_2653 = arith.index_cast %get3A_2652 : i32 to index
        %get3A_2654 = arith.index_cast %add3A_2651 : i32 to index
        %get3A_2655 = arith.constant 96 : index
        %get3A_2656 = tpu.vector_load %arg6[%get3A_2653, %get3A_2654, %get3A_2655] {strides = array<i32>} : memref<4x200x128xf32, #tpu.memory_space<vmem>>, vector<1x1x16xf32>,
        %get3A_2657 = vector.shape_cast %get3A_2656 : vector<1x1x16xf32> to vector<16xf32>
        %add3A_2658 = arith.addf %scan3A_2522, %get3A_2657 : vector<16xf32>
        %add3A_2659 = arith.constant 150 : i32
        %add3A_2660 = arith.addi %add3A_2659, %scan3A_2507 : i32
        %get3A_2661 = arith.constant 2 : i32
        %get3A_2662 = arith.index_cast %get3A_2661 : i32 to index
        %get3A_2663 = arith.index_cast %add3A_2660 : i32 to index
        %get3A_2664 = arith.constant 112 : index
        %get3A_2665 = tpu.vector_load %arg6[%get3A_2662, %get3A_2663, %get3A_2664] {strides = array<i32>} : memref<4x200x128xf32, #tpu.memory_space<vmem>>, vector<1x1x16xf32>,
        %get3A_2666 = vector.shape_cast %get3A_2665 : vector<1x1x16xf32> to vector<16xf32>
        %add3A_2667 = arith.addf %scan3A_2523, %get3A_2666 : vector<16xf32>
        scf.yield %add3A_2532, %add3A_2541, %add3A_2550, %add3A_2559, %add3A_2568, %add3A_2577, %add3A_2586, %add3A_2595, %add3A_2604, %add3A_2613, %add3A_2622, %add3A_2631, %add3A_2640, %add3A_2649, %add3A_2658, %add3A_2667 : vector<16xf32>, vector<16xf32>, vector<16xf32>, vector<16xf32>, vector<16xf32>, vector<16xf32>, vector<16xf32>, vector<16xf32>, vector<16xf32>, vector<16xf32>, vector<16xf32>, vector<16xf32>, vector<16xf32>, vector<16xf32>, vector<16xf32>, vector<16xf32>
      }
      %scan3A_1779 = arith.constant 49 : i32
      %mul3A_1780 = arith.constant 4 : i32
      %mul3A_1781 = arith.muli %add3A_1336, %mul3A_1780 : i32
      %add3A_1782 = arith.constant 2 : i32
      %add3A_1783 = arith.addi %mul3A_1781, %add3A_1782 : i32
      %add3A_1784 = arith.constant 0 : i32
      %add3A_1785 = arith.addi %add3A_1783, %add3A_1784 : i32
      %mul3A_1786 = arith.constant 0.141421363 : f32
      %mul3A_1787 = vector.broadcast %mul3A_1786 : f32 to vector<16xf32>
      %mul3A_1788 = arith.mulf %scan3A_1778#0, %mul3A_1787 : vector<16xf32>
      %swap3A_1789 = arith.index_cast %add3A_1785 : i32 to index
      %swap3A_1790 = arith.constant 0 : index
      %swap3A_1791 = tpu.vector_load %arg7[%swap3A_1789, %swap3A_1790] {strides = array<i32>} : memref<128x128xf32, #tpu.memory_space<vmem>>, vector<1x16xf32>,
      %swap3A_1792 = vector.shape_cast %swap3A_1791 : vector<1x16xf32> to vector<16xf32>
      %swap3A_1793 = vector.shape_cast %mul3A_1788 : vector<16xf32> to vector<1x16xf32>
      tpu.vector_store %arg7[%swap3A_1789, %swap3A_1790], %swap3A_1793 {strides = array<i32>} : memref<128x128xf32, #tpu.memory_space<vmem>>, vector<1x16xf32>,
      %mul3A_1794 = arith.constant 0.141421363 : f32
      %mul3A_1795 = vector.broadcast %mul3A_1794 : f32 to vector<16xf32>
      %mul3A_1796 = arith.mulf %scan3A_1778#1, %mul3A_1795 : vector<16xf32>
      %swap3A_1797 = arith.index_cast %add3A_1785 : i32 to index
      %swap3A_1798 = arith.constant 16 : index
      %swap3A_1799 = tpu.vector_load %arg7[%swap3A_1797, %swap3A_1798] {strides = array<i32>} : memref<128x128xf32, #tpu.memory_space<vmem>>, vector<1x16xf32>,
      %swap3A_1800 = vector.shape_cast %swap3A_1799 : vector<1x16xf32> to vector<16xf32>
      %swap3A_1801 = vector.shape_cast %mul3A_1796 : vector<16xf32> to vector<1x16xf32>
      tpu.vector_store %arg7[%swap3A_1797, %swap3A_1798], %swap3A_1801 {strides = array<i32>} : memref<128x128xf32, #tpu.memory_space<vmem>>, vector<1x16xf32>,
      %mul3A_1802 = arith.constant 0.141421363 : f32
      %mul3A_1803 = vector.broadcast %mul3A_1802 : f32 to vector<16xf32>
      %mul3A_1804 = arith.mulf %scan3A_1778#2, %mul3A_1803 : vector<16xf32>
      %swap3A_1805 = arith.index_cast %add3A_1785 : i32 to index
      %swap3A_1806 = arith.constant 32 : index
      %swap3A_1807 = tpu.vector_load %arg7[%swap3A_1805, %swap3A_1806] {strides = array<i32>} : memref<128x128xf32, #tpu.memory_space<vmem>>, vector<1x16xf32>,
      %swap3A_1808 = vector.shape_cast %swap3A_1807 : vector<1x16xf32> to vector<16xf32>
      %swap3A_1809 = vector.shape_cast %mul3A_1804 : vector<16xf32> to vector<1x16xf32>
      tpu.vector_store %arg7[%swap3A_1805, %swap3A_1806], %swap3A_1809 {strides = array<i32>} : memref<128x128xf32, #tpu.memory_space<vmem>>, vector<1x16xf32>,
      %mul3A_1810 = arith.constant 0.141421363 : f32
      %mul3A_1811 = vector.broadcast %mul3A_1810 : f32 to vector<16xf32>
      %mul3A_1812 = arith.mulf %scan3A_1778#3, %mul3A_1811 : vector<16xf32>
      %swap3A_1813 = arith.index_cast %add3A_1785 : i32 to index
      %swap3A_1814 = arith.constant 48 : index
      %swap3A_1815 = tpu.vector_load %arg7[%swap3A_1813, %swap3A_1814] {strides = array<i32>} : memref<128x128xf32, #tpu.memory_space<vmem>>, vector<1x16xf32>,
      %swap3A_1816 = vector.shape_cast %swap3A_1815 : vector<1x16xf32> to vector<16xf32>
      %swap3A_1817 = vector.shape_cast %mul3A_1812 : vector<16xf32> to vector<1x16xf32>
      tpu.vector_store %arg7[%swap3A_1813, %swap3A_1814], %swap3A_1817 {strides = array<i32>} : memref<128x128xf32, #tpu.memory_space<vmem>>, vector<1x16xf32>,
      %mul3A_1818 = arith.constant 0.141421363 : f32
      %mul3A_1819 = vector.broadcast %mul3A_1818 : f32 to vector<16xf32>
      %mul3A_1820 = arith.mulf %scan3A_1778#4, %mul3A_1819 : vector<16xf32>
      %swap3A_1821 = arith.index_cast %add3A_1785 : i32 to index
      %swap3A_1822 = arith.constant 64 : index
      %swap3A_1823 = tpu.vector_load %arg7[%swap3A_1821, %swap3A_1822] {strides = array<i32>} : memref<128x128xf32, #tpu.memory_space<vmem>>, vector<1x16xf32>,
      %swap3A_1824 = vector.shape_cast %swap3A_1823 : vector<1x16xf32> to vector<16xf32>
      %swap3A_1825 = vector.shape_cast %mul3A_1820 : vector<16xf32> to vector<1x16xf32>
      tpu.vector_store %arg7[%swap3A_1821, %swap3A_1822], %swap3A_1825 {strides = array<i32>} : memref<128x128xf32, #tpu.memory_space<vmem>>, vector<1x16xf32>,
      %mul3A_1826 = arith.constant 0.141421363 : f32
      %mul3A_1827 = vector.broadcast %mul3A_1826 : f32 to vector<16xf32>
      %mul3A_1828 = arith.mulf %scan3A_1778#5, %mul3A_1827 : vector<16xf32>
      %swap3A_1829 = arith.index_cast %add3A_1785 : i32 to index
      %swap3A_1830 = arith.constant 80 : index
      %swap3A_1831 = tpu.vector_load %arg7[%swap3A_1829, %swap3A_1830] {strides = array<i32>} : memref<128x128xf32, #tpu.memory_space<vmem>>, vector<1x16xf32>,
      %swap3A_1832 = vector.shape_cast %swap3A_1831 : vector<1x16xf32> to vector<16xf32>
      %swap3A_1833 = vector.shape_cast %mul3A_1828 : vector<16xf32> to vector<1x16xf32>
      tpu.vector_store %arg7[%swap3A_1829, %swap3A_1830], %swap3A_1833 {strides = array<i32>} : memref<128x128xf32, #tpu.memory_space<vmem>>, vector<1x16xf32>,
      %mul3A_1834 = arith.constant 0.141421363 : f32
      %mul3A_1835 = vector.broadcast %mul3A_1834 : f32 to vector<16xf32>
      %mul3A_1836 = arith.mulf %scan3A_1778#6, %mul3A_1835 : vector<16xf32>
      %swap3A_1837 = arith.index_cast %add3A_1785 : i32 to index
      %swap3A_1838 = arith.constant 96 : index
      %swap3A_1839 = tpu.vector_load %arg7[%swap3A_1837, %swap3A_1838] {strides = array<i32>} : memref<128x128xf32, #tpu.memory_space<vmem>>, vector<1x16xf32>,
      %swap3A_1840 = vector.shape_cast %swap3A_1839 : vector<1x16xf32> to vector<16xf32>
      %swap3A_1841 = vector.shape_cast %mul3A_1836 : vector<16xf32> to vector<1x16xf32>
      tpu.vector_store %arg7[%swap3A_1837, %swap3A_1838], %swap3A_1841 {strides = array<i32>} : memref<128x128xf32, #tpu.memory_space<vmem>>, vector<1x16xf32>,
      %mul3A_1842 = arith.constant 0.141421363 : f32
      %mul3A_1843 = vector.broadcast %mul3A_1842 : f32 to vector<16xf32>
      %mul3A_1844 = arith.mulf %scan3A_1778#7, %mul3A_1843 : vector<16xf32>
      %swap3A_1845 = arith.index_cast %add3A_1785 : i32 to index
      %swap3A_1846 = arith.constant 112 : index
      %swap3A_1847 = tpu.vector_load %arg7[%swap3A_1845, %swap3A_1846] {strides = array<i32>} : memref<128x128xf32, #tpu.memory_space<vmem>>, vector<1x16xf32>,
      %swap3A_1848 = vector.shape_cast %swap3A_1847 : vector<1x16xf32> to vector<16xf32>
      %swap3A_1849 = vector.shape_cast %mul3A_1844 : vector<16xf32> to vector<1x16xf32>
      tpu.vector_store %arg7[%swap3A_1845, %swap3A_1846], %swap3A_1849 {strides = array<i32>} : memref<128x128xf32, #tpu.memory_space<vmem>>, vector<1x16xf32>,
      %mul3A_1850 = arith.constant 4 : i32
      %mul3A_1851 = arith.muli %add3A_1336, %mul3A_1850 : i32
      %add3A_1852 = arith.constant 2 : i32
      %add3A_1853 = arith.addi %mul3A_1851, %add3A_1852 : i32
      %add3A_1854 = arith.constant 1 : i32
      %add3A_1855 = arith.addi %add3A_1853, %add3A_1854 : i32
      %mul3A_1856 = arith.constant 0.141421363 : f32
      %mul3A_1857 = vector.broadcast %mul3A_1856 : f32 to vector<16xf32>
      %mul3A_1858 = arith.mulf %scan3A_1778#8, %mul3A_1857 : vector<16xf32>
      %swap3A_1859 = arith.index_cast %add3A_1855 : i32 to index
      %swap3A_1860 = arith.constant 0 : index
      %swap3A_1861 = tpu.vector_load %arg7[%swap3A_1859, %swap3A_1860] {strides = array<i32>} : memref<128x128xf32, #tpu.memory_space<vmem>>, vector<1x16xf32>,
      %swap3A_1862 = vector.shape_cast %swap3A_1861 : vector<1x16xf32> to vector<16xf32>
      %swap3A_1863 = vector.shape_cast %mul3A_1858 : vector<16xf32> to vector<1x16xf32>
      tpu.vector_store %arg7[%swap3A_1859, %swap3A_1860], %swap3A_1863 {strides = array<i32>} : memref<128x128xf32, #tpu.memory_space<vmem>>, vector<1x16xf32>,
      %mul3A_1864 = arith.constant 0.141421363 : f32
      %mul3A_1865 = vector.broadcast %mul3A_1864 : f32 to vector<16xf32>
      %mul3A_1866 = arith.mulf %scan3A_1778#9, %mul3A_1865 : vector<16xf32>
      %swap3A_1867 = arith.index_cast %add3A_1855 : i32 to index
      %swap3A_1868 = arith.constant 16 : index
      %swap3A_1869 = tpu.vector_load %arg7[%swap3A_1867, %swap3A_1868] {strides = array<i32>} : memref<128x128xf32, #tpu.memory_space<vmem>>, vector<1x16xf32>,
      %swap3A_1870 = vector.shape_cast %swap3A_1869 : vector<1x16xf32> to vector<16xf32>
      %swap3A_1871 = vector.shape_cast %mul3A_1866 : vector<16xf32> to vector<1x16xf32>
      tpu.vector_store %arg7[%swap3A_1867, %swap3A_1868], %swap3A_1871 {strides = array<i32>} : memref<128x128xf32, #tpu.memory_space<vmem>>, vector<1x16xf32>,
      %mul3A_1872 = arith.constant 0.141421363 : f32
      %mul3A_1873 = vector.broadcast %mul3A_1872 : f32 to vector<16xf32>
      %mul3A_1874 = arith.mulf %scan3A_1778#10, %mul3A_1873 : vector<16xf32>
      %swap3A_1875 = arith.index_cast %add3A_1855 : i32 to index
      %swap3A_1876 = arith.constant 32 : index
      %swap3A_1877 = tpu.vector_load %arg7[%swap3A_1875, %swap3A_1876] {strides = array<i32>} : memref<128x128xf32, #tpu.memory_space<vmem>>, vector<1x16xf32>,
      %swap3A_1878 = vector.shape_cast %swap3A_1877 : vector<1x16xf32> to vector<16xf32>
      %swap3A_1879 = vector.shape_cast %mul3A_1874 : vector<16xf32> to vector<1x16xf32>
      tpu.vector_store %arg7[%swap3A_1875, %swap3A_1876], %swap3A_1879 {strides = array<i32>} : memref<128x128xf32, #tpu.memory_space<vmem>>, vector<1x16xf32>,
      %mul3A_1880 = arith.constant 0.141421363 : f32
      %mul3A_1881 = vector.broadcast %mul3A_1880 : f32 to vector<16xf32>
      %mul3A_1882 = arith.mulf %scan3A_1778#11, %mul3A_1881 : vector<16xf32>
      %swap3A_1883 = arith.index_cast %add3A_1855 : i32 to index
      %swap3A_1884 = arith.constant 48 : index
      %swap3A_1885 = tpu.vector_load %arg7[%swap3A_1883, %swap3A_1884] {strides = array<i32>} : memref<128x128xf32, #tpu.memory_space<vmem>>, vector<1x16xf32>,
      %swap3A_1886 = vector.shape_cast %swap3A_1885 : vector<1x16xf32> to vector<16xf32>
      %swap3A_1887 = vector.shape_cast %mul3A_1882 : vector<16xf32> to vector<1x16xf32>
      tpu.vector_store %arg7[%swap3A_1883, %swap3A_1884], %swap3A_1887 {strides = array<i32>} : memref<128x128xf32, #tpu.memory_space<vmem>>, vector<1x16xf32>,
      %mul3A_1888 = arith.constant 0.141421363 : f32
      %mul3A_1889 = vector.broadcast %mul3A_1888 : f32 to vector<16xf32>
      %mul3A_1890 = arith.mulf %scan3A_1778#12, %mul3A_1889 : vector<16xf32>
      %swap3A_1891 = arith.index_cast %add3A_1855 : i32 to index
      %swap3A_1892 = arith.constant 64 : index
      %swap3A_1893 = tpu.vector_load %arg7[%swap3A_1891, %swap3A_1892] {strides = array<i32>} : memref<128x128xf32, #tpu.memory_space<vmem>>, vector<1x16xf32>,
      %swap3A_1894 = vector.shape_cast %swap3A_1893 : vector<1x16xf32> to vector<16xf32>
      %swap3A_1895 = vector.shape_cast %mul3A_1890 : vector<16xf32> to vector<1x16xf32>
      tpu.vector_store %arg7[%swap3A_1891, %swap3A_1892], %swap3A_1895 {strides = array<i32>} : memref<128x128xf32, #tpu.memory_space<vmem>>, vector<1x16xf32>,
      %mul3A_1896 = arith.constant 0.141421363 : f32
      %mul3A_1897 = vector.broadcast %mul3A_1896 : f32 to vector<16xf32>
      %mul3A_1898 = arith.mulf %scan3A_1778#13, %mul3A_1897 : vector<16xf32>
      %swap3A_1899 = arith.index_cast %add3A_1855 : i32 to index
      %swap3A_1900 = arith.constant 80 : index
      %swap3A_1901 = tpu.vector_load %arg7[%swap3A_1899, %swap3A_1900] {strides = array<i32>} : memref<128x128xf32, #tpu.memory_space<vmem>>, vector<1x16xf32>,
      %swap3A_1902 = vector.shape_cast %swap3A_1901 : vector<1x16xf32> to vector<16xf32>
      %swap3A_1903 = vector.shape_cast %mul3A_1898 : vector<16xf32> to vector<1x16xf32>
      tpu.vector_store %arg7[%swap3A_1899, %swap3A_1900], %swap3A_1903 {strides = array<i32>} : memref<128x128xf32, #tpu.memory_space<vmem>>, vector<1x16xf32>,
      %mul3A_1904 = arith.constant 0.141421363 : f32
      %mul3A_1905 = vector.broadcast %mul3A_1904 : f32 to vector<16xf32>
      %mul3A_1906 = arith.mulf %scan3A_1778#14, %mul3A_1905 : vector<16xf32>
      %swap3A_1907 = arith.index_cast %add3A_1855 : i32 to index
      %swap3A_1908 = arith.constant 96 : index
      %swap3A_1909 = tpu.vector_load %arg7[%swap3A_1907, %swap3A_1908] {strides = array<i32>} : memref<128x128xf32, #tpu.memory_space<vmem>>, vector<1x16xf32>,
      %swap3A_1910 = vector.shape_cast %swap3A_1909 : vector<1x16xf32> to vector<16xf32>
      %swap3A_1911 = vector.shape_cast %mul3A_1906 : vector<16xf32> to vector<1x16xf32>
      tpu.vector_store %arg7[%swap3A_1907, %swap3A_1908], %swap3A_1911 {strides = array<i32>} : memref<128x128xf32, #tpu.memory_space<vmem>>, vector<1x16xf32>,
      %mul3A_1912 = arith.constant 0.141421363 : f32
      %mul3A_1913 = vector.broadcast %mul3A_1912 : f32 to vector<16xf32>
      %mul3A_1914 = arith.mulf %scan3A_1778#15, %mul3A_1913 : vector<16xf32>
      %swap3A_1915 = arith.index_cast %add3A_1855 : i32 to index
      %swap3A_1916 = arith.constant 112 : index
      %swap3A_1917 = tpu.vector_load %arg7[%swap3A_1915, %swap3A_1916] {strides = array<i32>} : memref<128x128xf32, #tpu.memory_space<vmem>>, vector<1x16xf32>,
      %swap3A_1918 = vector.shape_cast %swap3A_1917 : vector<1x16xf32> to vector<16xf32>
      %swap3A_1919 = vector.shape_cast %mul3A_1914 : vector<16xf32> to vector<1x16xf32>
      tpu.vector_store %arg7[%swap3A_1915, %swap3A_1916], %swap3A_1919 {strides = array<i32>} : memref<128x128xf32, #tpu.memory_space<vmem>>, vector<1x16xf32>,
      %mul3A_1920 = arith.constant 4 : i32
      %mul3A_1921 = arith.muli %scan3A_165, %mul3A_1920 : i32
      %add3A_1922 = arith.constant 3 : i32
      %add3A_1923 = arith.addi %mul3A_1921, %add3A_1922 : i32
      %mul3A_1924 = arith.constant 200 : i32
      %mul3A_1925 = arith.muli %add3A_1923, %mul3A_1924 : i32
      %add3A_1926 = arith.constant 0 : i32
      %add3A_1927 = arith.addi %mul3A_1925, %add3A_1926 : i32
      %add3A_1928 = arith.constant 56 : i32
      %add3A_1929 = arith.addi %mul3A_1925, %add3A_1928 : i32
      %add3A_1930 = arith.constant 104 : i32
      %add3A_1931 = arith.addi %mul3A_1925, %add3A_1930 : i32
      %add3A_1932 = arith.constant 152 : i32
      %add3A_1933 = arith.addi %mul3A_1925, %add3A_1932 : i32
      %dma_wait3A_1934 = arith.constant 3 : i32
      %dma_wait3A_1935 = arith.constant 0 : i32
      %dma_wait3A_1936 = arith.constant 0 : i32
      %dma_wait3A_1937 = tpu.memref_slice %arg6[%dma_wait3A_1934, %dma_wait3A_1935, %dma_wait3A_1936] : memref<4x200x128xf32, #tpu.memory_space<vmem>> -> memref<1x200x128xf32, #tpu.memory_space<vmem>>
      %dma_wait3A_1938 = tpu.memref_squeeze %dma_wait3A_1937 : memref<1x200x128xf32, #tpu.memory_space<vmem>> -> memref<200x128xf32, #tpu.memory_space<vmem>>
      %dma_wait3A_1939 = arith.constant 0 : i32
      %dma_wait3A_1940 = arith.constant 0 : i32
      %dma_wait3A_1941 = tpu.memref_slice %dma_wait3A_1938[%dma_wait3A_1939, %dma_wait3A_1940] : memref<200x128xf32, #tpu.memory_space<vmem>> -> memref<56x128xf32, #tpu.memory_space<vmem>>
      %dma_wait3A_1942 = tpu.memref_slice %arg5[%add3A_1927] : memref<6400xi32, #tpu.memory_space<vmem>> -> memref<56xi32, #tpu.memory_space<vmem>>
      %dma_wait3A_1943 = arith.constant 0 : i32
      %dma_wait3A_1944 = arith.constant 0 : i32
      %dma_wait3A_1945 = tpu.memref_slice %arg2[%dma_wait3A_1943, %dma_wait3A_1944] : memref<100000x128xf32, #tpu.memory_space<hbm>> -> memref<100000x128xf32, #tpu.memory_space<hbm>>
      tpu.wait_indirect_dma semaphore(%arg11 : memref<!tpu.dma_semaphore, #tpu.memory_space<semaphore_mem>>) src(%dma_wait3A_1945 : memref<100000x128xf32, #tpu.memory_space<hbm>>) dst(%dma_wait3A_1941 : memref<56x128xf32, #tpu.memory_space<vmem>>)
      %dma_wait3A_1946 = arith.constant 3 : i32
      %dma_wait3A_1947 = arith.constant 0 : i32
      %dma_wait3A_1948 = arith.constant 0 : i32
      %dma_wait3A_1949 = tpu.memref_slice %arg6[%dma_wait3A_1946, %dma_wait3A_1947, %dma_wait3A_1948] : memref<4x200x128xf32, #tpu.memory_space<vmem>> -> memref<1x200x128xf32, #tpu.memory_space<vmem>>
      %dma_wait3A_1950 = tpu.memref_squeeze %dma_wait3A_1949 : memref<1x200x128xf32, #tpu.memory_space<vmem>> -> memref<200x128xf32, #tpu.memory_space<vmem>>
      %dma_wait3A_1951 = arith.constant 56 : i32
      %dma_wait3A_1952 = arith.constant 0 : i32
      %dma_wait3A_1953 = tpu.memref_slice %dma_wait3A_1950[%dma_wait3A_1951, %dma_wait3A_1952] : memref<200x128xf32, #tpu.memory_space<vmem>> -> memref<48x128xf32, #tpu.memory_space<vmem>>
      %dma_wait3A_1954 = tpu.memref_slice %arg5[%add3A_1929] : memref<6400xi32, #tpu.memory_space<vmem>> -> memref<48xi32, #tpu.memory_space<vmem>>
      %dma_wait3A_1955 = arith.constant 0 : i32
      %dma_wait3A_1956 = arith.constant 0 : i32
      %dma_wait3A_1957 = tpu.memref_slice %arg2[%dma_wait3A_1955, %dma_wait3A_1956] : memref<100000x128xf32, #tpu.memory_space<hbm>> -> memref<100000x128xf32, #tpu.memory_space<hbm>>
      tpu.wait_indirect_dma semaphore(%arg11 : memref<!tpu.dma_semaphore, #tpu.memory_space<semaphore_mem>>) src(%dma_wait3A_1957 : memref<100000x128xf32, #tpu.memory_space<hbm>>) dst(%dma_wait3A_1953 : memref<48x128xf32, #tpu.memory_space<vmem>>)
      %dma_wait3A_1958 = arith.constant 3 : i32
      %dma_wait3A_1959 = arith.constant 0 : i32
      %dma_wait3A_1960 = arith.constant 0 : i32
      %dma_wait3A_1961 = tpu.memref_slice %arg6[%dma_wait3A_1958, %dma_wait3A_1959, %dma_wait3A_1960] : memref<4x200x128xf32, #tpu.memory_space<vmem>> -> memref<1x200x128xf32, #tpu.memory_space<vmem>>
      %dma_wait3A_1962 = tpu.memref_squeeze %dma_wait3A_1961 : memref<1x200x128xf32, #tpu.memory_space<vmem>> -> memref<200x128xf32, #tpu.memory_space<vmem>>
      %dma_wait3A_1963 = arith.constant 104 : i32
      %dma_wait3A_1964 = arith.constant 0 : i32
      %dma_wait3A_1965 = tpu.memref_slice %dma_wait3A_1962[%dma_wait3A_1963, %dma_wait3A_1964] : memref<200x128xf32, #tpu.memory_space<vmem>> -> memref<48x128xf32, #tpu.memory_space<vmem>>
      %dma_wait3A_1966 = tpu.memref_slice %arg5[%add3A_1931] : memref<6400xi32, #tpu.memory_space<vmem>> -> memref<48xi32, #tpu.memory_space<vmem>>
      %dma_wait3A_1967 = arith.constant 0 : i32
      %dma_wait3A_1968 = arith.constant 0 : i32
      %dma_wait3A_1969 = tpu.memref_slice %arg2[%dma_wait3A_1967, %dma_wait3A_1968] : memref<100000x128xf32, #tpu.memory_space<hbm>> -> memref<100000x128xf32, #tpu.memory_space<hbm>>
      tpu.wait_indirect_dma semaphore(%arg11 : memref<!tpu.dma_semaphore, #tpu.memory_space<semaphore_mem>>) src(%dma_wait3A_1969 : memref<100000x128xf32, #tpu.memory_space<hbm>>) dst(%dma_wait3A_1965 : memref<48x128xf32, #tpu.memory_space<vmem>>)
      %dma_wait3A_1970 = arith.constant 3 : i32
      %dma_wait3A_1971 = arith.constant 0 : i32
      %dma_wait3A_1972 = arith.constant 0 : i32
      %dma_wait3A_1973 = tpu.memref_slice %arg6[%dma_wait3A_1970, %dma_wait3A_1971, %dma_wait3A_1972] : memref<4x200x128xf32, #tpu.memory_space<vmem>> -> memref<1x200x128xf32, #tpu.memory_space<vmem>>
      %dma_wait3A_1974 = tpu.memref_squeeze %dma_wait3A_1973 : memref<1x200x128xf32, #tpu.memory_space<vmem>> -> memref<200x128xf32, #tpu.memory_space<vmem>>
      %dma_wait3A_1975 = arith.constant 152 : i32
      %dma_wait3A_1976 = arith.constant 0 : i32
      %dma_wait3A_1977 = tpu.memref_slice %dma_wait3A_1974[%dma_wait3A_1975, %dma_wait3A_1976] : memref<200x128xf32, #tpu.memory_space<vmem>> -> memref<48x128xf32, #tpu.memory_space<vmem>>
      %dma_wait3A_1978 = tpu.memref_slice %arg5[%add3A_1933] : memref<6400xi32, #tpu.memory_space<vmem>> -> memref<48xi32, #tpu.memory_space<vmem>>
      %dma_wait3A_1979 = arith.constant 0 : i32
      %dma_wait3A_1980 = arith.constant 0 : i32
      %dma_wait3A_1981 = tpu.memref_slice %arg2[%dma_wait3A_1979, %dma_wait3A_1980] : memref<100000x128xf32, #tpu.memory_space<hbm>> -> memref<100000x128xf32, #tpu.memory_space<hbm>>
      tpu.wait_indirect_dma semaphore(%arg11 : memref<!tpu.dma_semaphore, #tpu.memory_space<semaphore_mem>>) src(%dma_wait3A_1981 : memref<100000x128xf32, #tpu.memory_space<hbm>>) dst(%dma_wait3A_1977 : memref<48x128xf32, #tpu.memory_space<vmem>>)
      %add3A_1982 = arith.constant 4 : i32
      %add3A_1983 = arith.addi %add3A_1923, %add3A_1982 : i32
      %sub3A_1984 = arith.constant 1 : i32
      %sub3A_1985 = arith.subi %add3A_1983, %sub3A_1984 : i32
      %lt3A_1986 = arith.constant 32 : i32
      %lt3A_1987 = arith.cmpi slt, %sub3A_1985, %lt3A_1986 : i32
      %convert_element_type3A_1988 = arith.extui %lt3A_1987 : i1 to i32
      %cond3A_1989 = arith.constant 0 : i32
      %cond3A_1990 = arith.cmpi ne, %convert_element_type3A_1988, %cond3A_1989 : i32
      scf.if %cond3A_1990 {
        %mul3A_2507 = arith.constant 200 : i32
        %mul3A_2508 = arith.muli %sub3A_1985, %mul3A_2507 : i32
        %add3A_2509 = arith.constant 0 : i32
        %add3A_2510 = arith.addi %mul3A_2508, %add3A_2509 : i32
        %add3A_2511 = arith.constant 56 : i32
        %add3A_2512 = arith.addi %mul3A_2508, %add3A_2511 : i32
        %add3A_2513 = arith.constant 104 : i32
        %add3A_2514 = arith.addi %mul3A_2508, %add3A_2513 : i32
        %add3A_2515 = arith.constant 152 : i32
        %add3A_2516 = arith.addi %mul3A_2508, %add3A_2515 : i32
        %dma_start3A_2517 = arith.constant 2 : i32
        %dma_start3A_2518 = arith.constant 0 : i32
        %dma_start3A_2519 = arith.constant 0 : i32
        %dma_start3A_2520 = tpu.memref_slice %arg6[%dma_start3A_2517, %dma_start3A_2518, %dma_start3A_2519] : memref<4x200x128xf32, #tpu.memory_space<vmem>> -> memref<1x200x128xf32, #tpu.memory_space<vmem>>
        %dma_start3A_2521 = tpu.memref_squeeze %dma_start3A_2520 : memref<1x200x128xf32, #tpu.memory_space<vmem>> -> memref<200x128xf32, #tpu.memory_space<vmem>>
        %dma_start3A_2522 = arith.constant 0 : i32
        %dma_start3A_2523 = arith.constant 0 : i32
        %dma_start3A_2524 = tpu.memref_slice %dma_start3A_2521[%dma_start3A_2522, %dma_start3A_2523] : memref<200x128xf32, #tpu.memory_space<vmem>> -> memref<56x128xf32, #tpu.memory_space<vmem>>
        %dma_start3A_2525 = tpu.memref_slice %arg5[%add3A_2510] : memref<6400xi32, #tpu.memory_space<vmem>> -> memref<56xi32, #tpu.memory_space<vmem>>
        %dma_start3A_2526 = arith.constant 0 : i32
        %dma_start3A_2527 = arith.constant 0 : i32
        %dma_start3A_2528 = tpu.memref_slice %arg2[%dma_start3A_2526, %dma_start3A_2527] : memref<100000x128xf32, #tpu.memory_space<hbm>> -> memref<100000x128xf32, #tpu.memory_space<hbm>>
        tpu.enqueue_indirect_dma source(%dma_start3A_2528 : memref<100000x128xf32, #tpu.memory_space<hbm>>) target(%dma_start3A_2524 : memref<56x128xf32, #tpu.memory_space<vmem>>) offsets(%dma_start3A_2525 : memref<56xi32, #tpu.memory_space<vmem>>) semaphore(%arg10 : memref<!tpu.dma_semaphore, #tpu.memory_space<semaphore_mem>>)
        %dma_start3A_2529 = arith.constant 2 : i32
        %dma_start3A_2530 = arith.constant 0 : i32
        %dma_start3A_2531 = arith.constant 0 : i32
        %dma_start3A_2532 = tpu.memref_slice %arg6[%dma_start3A_2529, %dma_start3A_2530, %dma_start3A_2531] : memref<4x200x128xf32, #tpu.memory_space<vmem>> -> memref<1x200x128xf32, #tpu.memory_space<vmem>>
        %dma_start3A_2533 = tpu.memref_squeeze %dma_start3A_2532 : memref<1x200x128xf32, #tpu.memory_space<vmem>> -> memref<200x128xf32, #tpu.memory_space<vmem>>
        %dma_start3A_2534 = arith.constant 56 : i32
        %dma_start3A_2535 = arith.constant 0 : i32
        %dma_start3A_2536 = tpu.memref_slice %dma_start3A_2533[%dma_start3A_2534, %dma_start3A_2535] : memref<200x128xf32, #tpu.memory_space<vmem>> -> memref<48x128xf32, #tpu.memory_space<vmem>>
        %dma_start3A_2537 = tpu.memref_slice %arg5[%add3A_2512] : memref<6400xi32, #tpu.memory_space<vmem>> -> memref<48xi32, #tpu.memory_space<vmem>>
        %dma_start3A_2538 = arith.constant 0 : i32
        %dma_start3A_2539 = arith.constant 0 : i32
        %dma_start3A_2540 = tpu.memref_slice %arg2[%dma_start3A_2538, %dma_start3A_2539] : memref<100000x128xf32, #tpu.memory_space<hbm>> -> memref<100000x128xf32, #tpu.memory_space<hbm>>
        tpu.enqueue_indirect_dma source(%dma_start3A_2540 : memref<100000x128xf32, #tpu.memory_space<hbm>>) target(%dma_start3A_2536 : memref<48x128xf32, #tpu.memory_space<vmem>>) offsets(%dma_start3A_2537 : memref<48xi32, #tpu.memory_space<vmem>>) semaphore(%arg10 : memref<!tpu.dma_semaphore, #tpu.memory_space<semaphore_mem>>)
        %dma_start3A_2541 = arith.constant 2 : i32
        %dma_start3A_2542 = arith.constant 0 : i32
        %dma_start3A_2543 = arith.constant 0 : i32
        %dma_start3A_2544 = tpu.memref_slice %arg6[%dma_start3A_2541, %dma_start3A_2542, %dma_start3A_2543] : memref<4x200x128xf32, #tpu.memory_space<vmem>> -> memref<1x200x128xf32, #tpu.memory_space<vmem>>
        %dma_start3A_2545 = tpu.memref_squeeze %dma_start3A_2544 : memref<1x200x128xf32, #tpu.memory_space<vmem>> -> memref<200x128xf32, #tpu.memory_space<vmem>>
        %dma_start3A_2546 = arith.constant 104 : i32
        %dma_start3A_2547 = arith.constant 0 : i32
        %dma_start3A_2548 = tpu.memref_slice %dma_start3A_2545[%dma_start3A_2546, %dma_start3A_2547] : memref<200x128xf32, #tpu.memory_space<vmem>> -> memref<48x128xf32, #tpu.memory_space<vmem>>
        %dma_start3A_2549 = tpu.memref_slice %arg5[%add3A_2514] : memref<6400xi32, #tpu.memory_space<vmem>> -> memref<48xi32, #tpu.memory_space<vmem>>
        %dma_start3A_2550 = arith.constant 0 : i32
        %dma_start3A_2551 = arith.constant 0 : i32
        %dma_start3A_2552 = tpu.memref_slice %arg2[%dma_start3A_2550, %dma_start3A_2551] : memref<100000x128xf32, #tpu.memory_space<hbm>> -> memref<100000x128xf32, #tpu.memory_space<hbm>>
        tpu.enqueue_indirect_dma source(%dma_start3A_2552 : memref<100000x128xf32, #tpu.memory_space<hbm>>) target(%dma_start3A_2548 : memref<48x128xf32, #tpu.memory_space<vmem>>) offsets(%dma_start3A_2549 : memref<48xi32, #tpu.memory_space<vmem>>) semaphore(%arg10 : memref<!tpu.dma_semaphore, #tpu.memory_space<semaphore_mem>>)
        %dma_start3A_2553 = arith.constant 2 : i32
        %dma_start3A_2554 = arith.constant 0 : i32
        %dma_start3A_2555 = arith.constant 0 : i32
        %dma_start3A_2556 = tpu.memref_slice %arg6[%dma_start3A_2553, %dma_start3A_2554, %dma_start3A_2555] : memref<4x200x128xf32, #tpu.memory_space<vmem>> -> memref<1x200x128xf32, #tpu.memory_space<vmem>>
        %dma_start3A_2557 = tpu.memref_squeeze %dma_start3A_2556 : memref<1x200x128xf32, #tpu.memory_space<vmem>> -> memref<200x128xf32, #tpu.memory_space<vmem>>
        %dma_start3A_2558 = arith.constant 152 : i32
        %dma_start3A_2559 = arith.constant 0 : i32
        %dma_start3A_2560 = tpu.memref_slice %dma_start3A_2557[%dma_start3A_2558, %dma_start3A_2559] : memref<200x128xf32, #tpu.memory_space<vmem>> -> memref<48x128xf32, #tpu.memory_space<vmem>>
        %dma_start3A_2561 = tpu.memref_slice %arg5[%add3A_2516] : memref<6400xi32, #tpu.memory_space<vmem>> -> memref<48xi32, #tpu.memory_space<vmem>>
        %dma_start3A_2562 = arith.constant 0 : i32
        %dma_start3A_2563 = arith.constant 0 : i32
        %dma_start3A_2564 = tpu.memref_slice %arg2[%dma_start3A_2562, %dma_start3A_2563] : memref<100000x128xf32, #tpu.memory_space<hbm>> -> memref<100000x128xf32, #tpu.memory_space<hbm>>
        tpu.enqueue_indirect_dma source(%dma_start3A_2564 : memref<100000x128xf32, #tpu.memory_space<hbm>>) target(%dma_start3A_2560 : memref<48x128xf32, #tpu.memory_space<vmem>>) offsets(%dma_start3A_2561 : memref<48xi32, #tpu.memory_space<vmem>>) semaphore(%arg10 : memref<!tpu.dma_semaphore, #tpu.memory_space<semaphore_mem>>)
      } else {
      }
      %get3A_1991 = arith.constant 3 : i32
      %get3A_1992 = arith.constant 0 : i32
      %get3A_1993 = arith.index_cast %get3A_1991 : i32 to index
      %get3A_1994 = arith.index_cast %get3A_1992 : i32 to index
      %get3A_1995 = arith.constant 0 : index
      %get3A_1996 = tpu.vector_load %arg6[%get3A_1993, %get3A_1994, %get3A_1995] {strides = array<i32>} : memref<4x200x128xf32, #tpu.memory_space<vmem>>, vector<1x1x16xf32>,
      %get3A_1997 = vector.shape_cast %get3A_1996 : vector<1x1x16xf32> to vector<16xf32>
      %get3A_1998 = arith.constant 3 : i32
      %get3A_1999 = arith.constant 0 : i32
      %get3A_2000 = arith.index_cast %get3A_1998 : i32 to index
      %get3A_2001 = arith.index_cast %get3A_1999 : i32 to index
      %get3A_2002 = arith.constant 16 : index
      %get3A_2003 = tpu.vector_load %arg6[%get3A_2000, %get3A_2001, %get3A_2002] {strides = array<i32>} : memref<4x200x128xf32, #tpu.memory_space<vmem>>, vector<1x1x16xf32>,
      %get3A_2004 = vector.shape_cast %get3A_2003 : vector<1x1x16xf32> to vector<16xf32>
      %get3A_2005 = arith.constant 3 : i32
      %get3A_2006 = arith.constant 0 : i32
      %get3A_2007 = arith.index_cast %get3A_2005 : i32 to index
      %get3A_2008 = arith.index_cast %get3A_2006 : i32 to index
      %get3A_2009 = arith.constant 32 : index
      %get3A_2010 = tpu.vector_load %arg6[%get3A_2007, %get3A_2008, %get3A_2009] {strides = array<i32>} : memref<4x200x128xf32, #tpu.memory_space<vmem>>, vector<1x1x16xf32>,
      %get3A_2011 = vector.shape_cast %get3A_2010 : vector<1x1x16xf32> to vector<16xf32>
      %get3A_2012 = arith.constant 3 : i32
      %get3A_2013 = arith.constant 0 : i32
      %get3A_2014 = arith.index_cast %get3A_2012 : i32 to index
      %get3A_2015 = arith.index_cast %get3A_2013 : i32 to index
      %get3A_2016 = arith.constant 48 : index
      %get3A_2017 = tpu.vector_load %arg6[%get3A_2014, %get3A_2015, %get3A_2016] {strides = array<i32>} : memref<4x200x128xf32, #tpu.memory_space<vmem>>, vector<1x1x16xf32>,
      %get3A_2018 = vector.shape_cast %get3A_2017 : vector<1x1x16xf32> to vector<16xf32>
      %get3A_2019 = arith.constant 3 : i32
      %get3A_2020 = arith.constant 0 : i32
      %get3A_2021 = arith.index_cast %get3A_2019 : i32 to index
      %get3A_2022 = arith.index_cast %get3A_2020 : i32 to index
      %get3A_2023 = arith.constant 64 : index
      %get3A_2024 = tpu.vector_load %arg6[%get3A_2021, %get3A_2022, %get3A_2023] {strides = array<i32>} : memref<4x200x128xf32, #tpu.memory_space<vmem>>, vector<1x1x16xf32>,
      %get3A_2025 = vector.shape_cast %get3A_2024 : vector<1x1x16xf32> to vector<16xf32>
      %get3A_2026 = arith.constant 3 : i32
      %get3A_2027 = arith.constant 0 : i32
      %get3A_2028 = arith.index_cast %get3A_2026 : i32 to index
      %get3A_2029 = arith.index_cast %get3A_2027 : i32 to index
      %get3A_2030 = arith.constant 80 : index
      %get3A_2031 = tpu.vector_load %arg6[%get3A_2028, %get3A_2029, %get3A_2030] {strides = array<i32>} : memref<4x200x128xf32, #tpu.memory_space<vmem>>, vector<1x1x16xf32>,
      %get3A_2032 = vector.shape_cast %get3A_2031 : vector<1x1x16xf32> to vector<16xf32>
      %get3A_2033 = arith.constant 3 : i32
      %get3A_2034 = arith.constant 0 : i32
      %get3A_2035 = arith.index_cast %get3A_2033 : i32 to index
      %get3A_2036 = arith.index_cast %get3A_2034 : i32 to index
      %get3A_2037 = arith.constant 96 : index
      %get3A_2038 = tpu.vector_load %arg6[%get3A_2035, %get3A_2036, %get3A_2037] {strides = array<i32>} : memref<4x200x128xf32, #tpu.memory_space<vmem>>, vector<1x1x16xf32>,
      %get3A_2039 = vector.shape_cast %get3A_2038 : vector<1x1x16xf32> to vector<16xf32>
      %get3A_2040 = arith.constant 3 : i32
      %get3A_2041 = arith.constant 0 : i32
      %get3A_2042 = arith.index_cast %get3A_2040 : i32 to index
      %get3A_2043 = arith.index_cast %get3A_2041 : i32 to index
      %get3A_2044 = arith.constant 112 : index
      %get3A_2045 = tpu.vector_load %arg6[%get3A_2042, %get3A_2043, %get3A_2044] {strides = array<i32>} : memref<4x200x128xf32, #tpu.memory_space<vmem>>, vector<1x1x16xf32>,
      %get3A_2046 = vector.shape_cast %get3A_2045 : vector<1x1x16xf32> to vector<16xf32>
      %get3A_2047 = arith.constant 3 : i32
      %get3A_2048 = arith.constant 50 : i32
      %get3A_2049 = arith.index_cast %get3A_2047 : i32 to index
      %get3A_2050 = arith.index_cast %get3A_2048 : i32 to index
      %get3A_2051 = arith.constant 0 : index
      %get3A_2052 = tpu.vector_load %arg6[%get3A_2049, %get3A_2050, %get3A_2051] {strides = array<i32>} : memref<4x200x128xf32, #tpu.memory_space<vmem>>, vector<1x1x16xf32>,
      %get3A_2053 = vector.shape_cast %get3A_2052 : vector<1x1x16xf32> to vector<16xf32>
      %get3A_2054 = arith.constant 3 : i32
      %get3A_2055 = arith.constant 50 : i32
      %get3A_2056 = arith.index_cast %get3A_2054 : i32 to index
      %get3A_2057 = arith.index_cast %get3A_2055 : i32 to index
      %get3A_2058 = arith.constant 16 : index
      %get3A_2059 = tpu.vector_load %arg6[%get3A_2056, %get3A_2057, %get3A_2058] {strides = array<i32>} : memref<4x200x128xf32, #tpu.memory_space<vmem>>, vector<1x1x16xf32>,
      %get3A_2060 = vector.shape_cast %get3A_2059 : vector<1x1x16xf32> to vector<16xf32>
      %get3A_2061 = arith.constant 3 : i32
      %get3A_2062 = arith.constant 50 : i32
      %get3A_2063 = arith.index_cast %get3A_2061 : i32 to index
      %get3A_2064 = arith.index_cast %get3A_2062 : i32 to index
      %get3A_2065 = arith.constant 32 : index
      %get3A_2066 = tpu.vector_load %arg6[%get3A_2063, %get3A_2064, %get3A_2065] {strides = array<i32>} : memref<4x200x128xf32, #tpu.memory_space<vmem>>, vector<1x1x16xf32>,
      %get3A_2067 = vector.shape_cast %get3A_2066 : vector<1x1x16xf32> to vector<16xf32>
      %get3A_2068 = arith.constant 3 : i32
      %get3A_2069 = arith.constant 50 : i32
      %get3A_2070 = arith.index_cast %get3A_2068 : i32 to index
      %get3A_2071 = arith.index_cast %get3A_2069 : i32 to index
      %get3A_2072 = arith.constant 48 : index
      %get3A_2073 = tpu.vector_load %arg6[%get3A_2070, %get3A_2071, %get3A_2072] {strides = array<i32>} : memref<4x200x128xf32, #tpu.memory_space<vmem>>, vector<1x1x16xf32>,
      %get3A_2074 = vector.shape_cast %get3A_2073 : vector<1x1x16xf32> to vector<16xf32>
      %get3A_2075 = arith.constant 3 : i32
      %get3A_2076 = arith.constant 50 : i32
      %get3A_2077 = arith.index_cast %get3A_2075 : i32 to index
      %get3A_2078 = arith.index_cast %get3A_2076 : i32 to index
      %get3A_2079 = arith.constant 64 : index
      %get3A_2080 = tpu.vector_load %arg6[%get3A_2077, %get3A_2078, %get3A_2079] {strides = array<i32>} : memref<4x200x128xf32, #tpu.memory_space<vmem>>, vector<1x1x16xf32>,
      %get3A_2081 = vector.shape_cast %get3A_2080 : vector<1x1x16xf32> to vector<16xf32>
      %get3A_2082 = arith.constant 3 : i32
      %get3A_2083 = arith.constant 50 : i32
      %get3A_2084 = arith.index_cast %get3A_2082 : i32 to index
      %get3A_2085 = arith.index_cast %get3A_2083 : i32 to index
      %get3A_2086 = arith.constant 80 : index
      %get3A_2087 = tpu.vector_load %arg6[%get3A_2084, %get3A_2085, %get3A_2086] {strides = array<i32>} : memref<4x200x128xf32, #tpu.memory_space<vmem>>, vector<1x1x16xf32>,
      %get3A_2088 = vector.shape_cast %get3A_2087 : vector<1x1x16xf32> to vector<16xf32>
      %get3A_2089 = arith.constant 3 : i32
      %get3A_2090 = arith.constant 50 : i32
      %get3A_2091 = arith.index_cast %get3A_2089 : i32 to index
      %get3A_2092 = arith.index_cast %get3A_2090 : i32 to index
      %get3A_2093 = arith.constant 96 : index
      %get3A_2094 = tpu.vector_load %arg6[%get3A_2091, %get3A_2092, %get3A_2093] {strides = array<i32>} : memref<4x200x128xf32, #tpu.memory_space<vmem>>, vector<1x1x16xf32>,
      %get3A_2095 = vector.shape_cast %get3A_2094 : vector<1x1x16xf32> to vector<16xf32>
      %get3A_2096 = arith.constant 3 : i32
      %get3A_2097 = arith.constant 50 : i32
      %get3A_2098 = arith.index_cast %get3A_2096 : i32 to index
      %get3A_2099 = arith.index_cast %get3A_2097 : i32 to index
      %get3A_2100 = arith.constant 112 : index
      %get3A_2101 = tpu.vector_load %arg6[%get3A_2098, %get3A_2099, %get3A_2100] {strides = array<i32>} : memref<4x200x128xf32, #tpu.memory_space<vmem>>, vector<1x1x16xf32>,
      %get3A_2102 = vector.shape_cast %get3A_2101 : vector<1x1x16xf32> to vector<16xf32>
      %scan3A_2103 = arith.constant 1 : i32
      %scan3A_2104 = arith.constant 49 : i32
      %scan3A_2105 = arith.addi %scan3A_2103, %scan3A_2104 : i32
      %scan3A_2106 = arith.constant 1 : i32
      %scan3A_2107:16 = scf.for %scan3A_2507 = %scan3A_2103 to %scan3A_2105 step %scan3A_2106 iter_args(%scan3A_2508 = %get3A_1997, %scan3A_2509 = %get3A_2004, %scan3A_2510 = %get3A_2011, %scan3A_2511 = %get3A_2018, %scan3A_2512 = %get3A_2025, %scan3A_2513 = %get3A_2032, %scan3A_2514 = %get3A_2039, %scan3A_2515 = %get3A_2046, %scan3A_2516 = %get3A_2053, %scan3A_2517 = %get3A_2060, %scan3A_2518 = %get3A_2067, %scan3A_2519 = %get3A_2074, %scan3A_2520 = %get3A_2081, %scan3A_2521 = %get3A_2088, %scan3A_2522 = %get3A_2095, %scan3A_2523 = %get3A_2102) -> (vector<16xf32>, vector<16xf32>, vector<16xf32>, vector<16xf32>, vector<16xf32>, vector<16xf32>, vector<16xf32>, vector<16xf32>, vector<16xf32>, vector<16xf32>, vector<16xf32>, vector<16xf32>, vector<16xf32>, vector<16xf32>, vector<16xf32>, vector<16xf32>)  : i32 {
        %add3A_2524 = arith.constant 0 : i32
        %add3A_2525 = arith.addi %add3A_2524, %scan3A_2507 : i32
        %get3A_2526 = arith.constant 3 : i32
        %get3A_2527 = arith.index_cast %get3A_2526 : i32 to index
        %get3A_2528 = arith.index_cast %add3A_2525 : i32 to index
        %get3A_2529 = arith.constant 0 : index
        %get3A_2530 = tpu.vector_load %arg6[%get3A_2527, %get3A_2528, %get3A_2529] {strides = array<i32>} : memref<4x200x128xf32, #tpu.memory_space<vmem>>, vector<1x1x16xf32>,
        %get3A_2531 = vector.shape_cast %get3A_2530 : vector<1x1x16xf32> to vector<16xf32>
        %add3A_2532 = arith.addf %scan3A_2508, %get3A_2531 : vector<16xf32>
        %add3A_2533 = arith.constant 0 : i32
        %add3A_2534 = arith.addi %add3A_2533, %scan3A_2507 : i32
        %get3A_2535 = arith.constant 3 : i32
        %get3A_2536 = arith.index_cast %get3A_2535 : i32 to index
        %get3A_2537 = arith.index_cast %add3A_2534 : i32 to index
        %get3A_2538 = arith.constant 16 : index
        %get3A_2539 = tpu.vector_load %arg6[%get3A_2536, %get3A_2537, %get3A_2538] {strides = array<i32>} : memref<4x200x128xf32, #tpu.memory_space<vmem>>, vector<1x1x16xf32>,
        %get3A_2540 = vector.shape_cast %get3A_2539 : vector<1x1x16xf32> to vector<16xf32>
        %add3A_2541 = arith.addf %scan3A_2509, %get3A_2540 : vector<16xf32>
        %add3A_2542 = arith.constant 0 : i32
        %add3A_2543 = arith.addi %add3A_2542, %scan3A_2507 : i32
        %get3A_2544 = arith.constant 3 : i32
        %get3A_2545 = arith.index_cast %get3A_2544 : i32 to index
        %get3A_2546 = arith.index_cast %add3A_2543 : i32 to index
        %get3A_2547 = arith.constant 32 : index
        %get3A_2548 = tpu.vector_load %arg6[%get3A_2545, %get3A_2546, %get3A_2547] {strides = array<i32>} : memref<4x200x128xf32, #tpu.memory_space<vmem>>, vector<1x1x16xf32>,
        %get3A_2549 = vector.shape_cast %get3A_2548 : vector<1x1x16xf32> to vector<16xf32>
        %add3A_2550 = arith.addf %scan3A_2510, %get3A_2549 : vector<16xf32>
        %add3A_2551 = arith.constant 0 : i32
        %add3A_2552 = arith.addi %add3A_2551, %scan3A_2507 : i32
        %get3A_2553 = arith.constant 3 : i32
        %get3A_2554 = arith.index_cast %get3A_2553 : i32 to index
        %get3A_2555 = arith.index_cast %add3A_2552 : i32 to index
        %get3A_2556 = arith.constant 48 : index
        %get3A_2557 = tpu.vector_load %arg6[%get3A_2554, %get3A_2555, %get3A_2556] {strides = array<i32>} : memref<4x200x128xf32, #tpu.memory_space<vmem>>, vector<1x1x16xf32>,
        %get3A_2558 = vector.shape_cast %get3A_2557 : vector<1x1x16xf32> to vector<16xf32>
        %add3A_2559 = arith.addf %scan3A_2511, %get3A_2558 : vector<16xf32>
        %add3A_2560 = arith.constant 0 : i32
        %add3A_2561 = arith.addi %add3A_2560, %scan3A_2507 : i32
        %get3A_2562 = arith.constant 3 : i32
        %get3A_2563 = arith.index_cast %get3A_2562 : i32 to index
        %get3A_2564 = arith.index_cast %add3A_2561 : i32 to index
        %get3A_2565 = arith.constant 64 : index
        %get3A_2566 = tpu.vector_load %arg6[%get3A_2563, %get3A_2564, %get3A_2565] {strides = array<i32>} : memref<4x200x128xf32, #tpu.memory_space<vmem>>, vector<1x1x16xf32>,
        %get3A_2567 = vector.shape_cast %get3A_2566 : vector<1x1x16xf32> to vector<16xf32>
        %add3A_2568 = arith.addf %scan3A_2512, %get3A_2567 : vector<16xf32>
        %add3A_2569 = arith.constant 0 : i32
        %add3A_2570 = arith.addi %add3A_2569, %scan3A_2507 : i32
        %get3A_2571 = arith.constant 3 : i32
        %get3A_2572 = arith.index_cast %get3A_2571 : i32 to index
        %get3A_2573 = arith.index_cast %add3A_2570 : i32 to index
        %get3A_2574 = arith.constant 80 : index
        %get3A_2575 = tpu.vector_load %arg6[%get3A_2572, %get3A_2573, %get3A_2574] {strides = array<i32>} : memref<4x200x128xf32, #tpu.memory_space<vmem>>, vector<1x1x16xf32>,
        %get3A_2576 = vector.shape_cast %get3A_2575 : vector<1x1x16xf32> to vector<16xf32>
        %add3A_2577 = arith.addf %scan3A_2513, %get3A_2576 : vector<16xf32>
        %add3A_2578 = arith.constant 0 : i32
        %add3A_2579 = arith.addi %add3A_2578, %scan3A_2507 : i32
        %get3A_2580 = arith.constant 3 : i32
        %get3A_2581 = arith.index_cast %get3A_2580 : i32 to index
        %get3A_2582 = arith.index_cast %add3A_2579 : i32 to index
        %get3A_2583 = arith.constant 96 : index
        %get3A_2584 = tpu.vector_load %arg6[%get3A_2581, %get3A_2582, %get3A_2583] {strides = array<i32>} : memref<4x200x128xf32, #tpu.memory_space<vmem>>, vector<1x1x16xf32>,
        %get3A_2585 = vector.shape_cast %get3A_2584 : vector<1x1x16xf32> to vector<16xf32>
        %add3A_2586 = arith.addf %scan3A_2514, %get3A_2585 : vector<16xf32>
        %add3A_2587 = arith.constant 0 : i32
        %add3A_2588 = arith.addi %add3A_2587, %scan3A_2507 : i32
        %get3A_2589 = arith.constant 3 : i32
        %get3A_2590 = arith.index_cast %get3A_2589 : i32 to index
        %get3A_2591 = arith.index_cast %add3A_2588 : i32 to index
        %get3A_2592 = arith.constant 112 : index
        %get3A_2593 = tpu.vector_load %arg6[%get3A_2590, %get3A_2591, %get3A_2592] {strides = array<i32>} : memref<4x200x128xf32, #tpu.memory_space<vmem>>, vector<1x1x16xf32>,
        %get3A_2594 = vector.shape_cast %get3A_2593 : vector<1x1x16xf32> to vector<16xf32>
        %add3A_2595 = arith.addf %scan3A_2515, %get3A_2594 : vector<16xf32>
        %add3A_2596 = arith.constant 50 : i32
        %add3A_2597 = arith.addi %add3A_2596, %scan3A_2507 : i32
        %get3A_2598 = arith.constant 3 : i32
        %get3A_2599 = arith.index_cast %get3A_2598 : i32 to index
        %get3A_2600 = arith.index_cast %add3A_2597 : i32 to index
        %get3A_2601 = arith.constant 0 : index
        %get3A_2602 = tpu.vector_load %arg6[%get3A_2599, %get3A_2600, %get3A_2601] {strides = array<i32>} : memref<4x200x128xf32, #tpu.memory_space<vmem>>, vector<1x1x16xf32>,
        %get3A_2603 = vector.shape_cast %get3A_2602 : vector<1x1x16xf32> to vector<16xf32>
        %add3A_2604 = arith.addf %scan3A_2516, %get3A_2603 : vector<16xf32>
        %add3A_2605 = arith.constant 50 : i32
        %add3A_2606 = arith.addi %add3A_2605, %scan3A_2507 : i32
        %get3A_2607 = arith.constant 3 : i32
        %get3A_2608 = arith.index_cast %get3A_2607 : i32 to index
        %get3A_2609 = arith.index_cast %add3A_2606 : i32 to index
        %get3A_2610 = arith.constant 16 : index
        %get3A_2611 = tpu.vector_load %arg6[%get3A_2608, %get3A_2609, %get3A_2610] {strides = array<i32>} : memref<4x200x128xf32, #tpu.memory_space<vmem>>, vector<1x1x16xf32>,
        %get3A_2612 = vector.shape_cast %get3A_2611 : vector<1x1x16xf32> to vector<16xf32>
        %add3A_2613 = arith.addf %scan3A_2517, %get3A_2612 : vector<16xf32>
        %add3A_2614 = arith.constant 50 : i32
        %add3A_2615 = arith.addi %add3A_2614, %scan3A_2507 : i32
        %get3A_2616 = arith.constant 3 : i32
        %get3A_2617 = arith.index_cast %get3A_2616 : i32 to index
        %get3A_2618 = arith.index_cast %add3A_2615 : i32 to index
        %get3A_2619 = arith.constant 32 : index
        %get3A_2620 = tpu.vector_load %arg6[%get3A_2617, %get3A_2618, %get3A_2619] {strides = array<i32>} : memref<4x200x128xf32, #tpu.memory_space<vmem>>, vector<1x1x16xf32>,
        %get3A_2621 = vector.shape_cast %get3A_2620 : vector<1x1x16xf32> to vector<16xf32>
        %add3A_2622 = arith.addf %scan3A_2518, %get3A_2621 : vector<16xf32>
        %add3A_2623 = arith.constant 50 : i32
        %add3A_2624 = arith.addi %add3A_2623, %scan3A_2507 : i32
        %get3A_2625 = arith.constant 3 : i32
        %get3A_2626 = arith.index_cast %get3A_2625 : i32 to index
        %get3A_2627 = arith.index_cast %add3A_2624 : i32 to index
        %get3A_2628 = arith.constant 48 : index
        %get3A_2629 = tpu.vector_load %arg6[%get3A_2626, %get3A_2627, %get3A_2628] {strides = array<i32>} : memref<4x200x128xf32, #tpu.memory_space<vmem>>, vector<1x1x16xf32>,
        %get3A_2630 = vector.shape_cast %get3A_2629 : vector<1x1x16xf32> to vector<16xf32>
        %add3A_2631 = arith.addf %scan3A_2519, %get3A_2630 : vector<16xf32>
        %add3A_2632 = arith.constant 50 : i32
        %add3A_2633 = arith.addi %add3A_2632, %scan3A_2507 : i32
        %get3A_2634 = arith.constant 3 : i32
        %get3A_2635 = arith.index_cast %get3A_2634 : i32 to index
        %get3A_2636 = arith.index_cast %add3A_2633 : i32 to index
        %get3A_2637 = arith.constant 64 : index
        %get3A_2638 = tpu.vector_load %arg6[%get3A_2635, %get3A_2636, %get3A_2637] {strides = array<i32>} : memref<4x200x128xf32, #tpu.memory_space<vmem>>, vector<1x1x16xf32>,
        %get3A_2639 = vector.shape_cast %get3A_2638 : vector<1x1x16xf32> to vector<16xf32>
        %add3A_2640 = arith.addf %scan3A_2520, %get3A_2639 : vector<16xf32>
        %add3A_2641 = arith.constant 50 : i32
        %add3A_2642 = arith.addi %add3A_2641, %scan3A_2507 : i32
        %get3A_2643 = arith.constant 3 : i32
        %get3A_2644 = arith.index_cast %get3A_2643 : i32 to index
        %get3A_2645 = arith.index_cast %add3A_2642 : i32 to index
        %get3A_2646 = arith.constant 80 : index
        %get3A_2647 = tpu.vector_load %arg6[%get3A_2644, %get3A_2645, %get3A_2646] {strides = array<i32>} : memref<4x200x128xf32, #tpu.memory_space<vmem>>, vector<1x1x16xf32>,
        %get3A_2648 = vector.shape_cast %get3A_2647 : vector<1x1x16xf32> to vector<16xf32>
        %add3A_2649 = arith.addf %scan3A_2521, %get3A_2648 : vector<16xf32>
        %add3A_2650 = arith.constant 50 : i32
        %add3A_2651 = arith.addi %add3A_2650, %scan3A_2507 : i32
        %get3A_2652 = arith.constant 3 : i32
        %get3A_2653 = arith.index_cast %get3A_2652 : i32 to index
        %get3A_2654 = arith.index_cast %add3A_2651 : i32 to index
        %get3A_2655 = arith.constant 96 : index
        %get3A_2656 = tpu.vector_load %arg6[%get3A_2653, %get3A_2654, %get3A_2655] {strides = array<i32>} : memref<4x200x128xf32, #tpu.memory_space<vmem>>, vector<1x1x16xf32>,
        %get3A_2657 = vector.shape_cast %get3A_2656 : vector<1x1x16xf32> to vector<16xf32>
        %add3A_2658 = arith.addf %scan3A_2522, %get3A_2657 : vector<16xf32>
        %add3A_2659 = arith.constant 50 : i32
        %add3A_2660 = arith.addi %add3A_2659, %scan3A_2507 : i32
        %get3A_2661 = arith.constant 3 : i32
        %get3A_2662 = arith.index_cast %get3A_2661 : i32 to index
        %get3A_2663 = arith.index_cast %add3A_2660 : i32 to index
        %get3A_2664 = arith.constant 112 : index
        %get3A_2665 = tpu.vector_load %arg6[%get3A_2662, %get3A_2663, %get3A_2664] {strides = array<i32>} : memref<4x200x128xf32, #tpu.memory_space<vmem>>, vector<1x1x16xf32>,
        %get3A_2666 = vector.shape_cast %get3A_2665 : vector<1x1x16xf32> to vector<16xf32>
        %add3A_2667 = arith.addf %scan3A_2523, %get3A_2666 : vector<16xf32>
        scf.yield %add3A_2532, %add3A_2541, %add3A_2550, %add3A_2559, %add3A_2568, %add3A_2577, %add3A_2586, %add3A_2595, %add3A_2604, %add3A_2613, %add3A_2622, %add3A_2631, %add3A_2640, %add3A_2649, %add3A_2658, %add3A_2667 : vector<16xf32>, vector<16xf32>, vector<16xf32>, vector<16xf32>, vector<16xf32>, vector<16xf32>, vector<16xf32>, vector<16xf32>, vector<16xf32>, vector<16xf32>, vector<16xf32>, vector<16xf32>, vector<16xf32>, vector<16xf32>, vector<16xf32>, vector<16xf32>
      }
      %scan3A_2108 = arith.constant 49 : i32
      %mul3A_2109 = arith.constant 4 : i32
      %mul3A_2110 = arith.muli %add3A_1923, %mul3A_2109 : i32
      %add3A_2111 = arith.constant 0 : i32
      %add3A_2112 = arith.addi %mul3A_2110, %add3A_2111 : i32
      %add3A_2113 = arith.constant 0 : i32
      %add3A_2114 = arith.addi %add3A_2112, %add3A_2113 : i32
      %mul3A_2115 = arith.constant 0.141421363 : f32
      %mul3A_2116 = vector.broadcast %mul3A_2115 : f32 to vector<16xf32>
      %mul3A_2117 = arith.mulf %scan3A_2107#0, %mul3A_2116 : vector<16xf32>
      %swap3A_2118 = arith.index_cast %add3A_2114 : i32 to index
      %swap3A_2119 = arith.constant 0 : index
      %swap3A_2120 = tpu.vector_load %arg7[%swap3A_2118, %swap3A_2119] {strides = array<i32>} : memref<128x128xf32, #tpu.memory_space<vmem>>, vector<1x16xf32>,
      %swap3A_2121 = vector.shape_cast %swap3A_2120 : vector<1x16xf32> to vector<16xf32>
      %swap3A_2122 = vector.shape_cast %mul3A_2117 : vector<16xf32> to vector<1x16xf32>
      tpu.vector_store %arg7[%swap3A_2118, %swap3A_2119], %swap3A_2122 {strides = array<i32>} : memref<128x128xf32, #tpu.memory_space<vmem>>, vector<1x16xf32>,
      %mul3A_2123 = arith.constant 0.141421363 : f32
      %mul3A_2124 = vector.broadcast %mul3A_2123 : f32 to vector<16xf32>
      %mul3A_2125 = arith.mulf %scan3A_2107#1, %mul3A_2124 : vector<16xf32>
      %swap3A_2126 = arith.index_cast %add3A_2114 : i32 to index
      %swap3A_2127 = arith.constant 16 : index
      %swap3A_2128 = tpu.vector_load %arg7[%swap3A_2126, %swap3A_2127] {strides = array<i32>} : memref<128x128xf32, #tpu.memory_space<vmem>>, vector<1x16xf32>,
      %swap3A_2129 = vector.shape_cast %swap3A_2128 : vector<1x16xf32> to vector<16xf32>
      %swap3A_2130 = vector.shape_cast %mul3A_2125 : vector<16xf32> to vector<1x16xf32>
      tpu.vector_store %arg7[%swap3A_2126, %swap3A_2127], %swap3A_2130 {strides = array<i32>} : memref<128x128xf32, #tpu.memory_space<vmem>>, vector<1x16xf32>,
      %mul3A_2131 = arith.constant 0.141421363 : f32
      %mul3A_2132 = vector.broadcast %mul3A_2131 : f32 to vector<16xf32>
      %mul3A_2133 = arith.mulf %scan3A_2107#2, %mul3A_2132 : vector<16xf32>
      %swap3A_2134 = arith.index_cast %add3A_2114 : i32 to index
      %swap3A_2135 = arith.constant 32 : index
      %swap3A_2136 = tpu.vector_load %arg7[%swap3A_2134, %swap3A_2135] {strides = array<i32>} : memref<128x128xf32, #tpu.memory_space<vmem>>, vector<1x16xf32>,
      %swap3A_2137 = vector.shape_cast %swap3A_2136 : vector<1x16xf32> to vector<16xf32>
      %swap3A_2138 = vector.shape_cast %mul3A_2133 : vector<16xf32> to vector<1x16xf32>
      tpu.vector_store %arg7[%swap3A_2134, %swap3A_2135], %swap3A_2138 {strides = array<i32>} : memref<128x128xf32, #tpu.memory_space<vmem>>, vector<1x16xf32>,
      %mul3A_2139 = arith.constant 0.141421363 : f32
      %mul3A_2140 = vector.broadcast %mul3A_2139 : f32 to vector<16xf32>
      %mul3A_2141 = arith.mulf %scan3A_2107#3, %mul3A_2140 : vector<16xf32>
      %swap3A_2142 = arith.index_cast %add3A_2114 : i32 to index
      %swap3A_2143 = arith.constant 48 : index
      %swap3A_2144 = tpu.vector_load %arg7[%swap3A_2142, %swap3A_2143] {strides = array<i32>} : memref<128x128xf32, #tpu.memory_space<vmem>>, vector<1x16xf32>,
      %swap3A_2145 = vector.shape_cast %swap3A_2144 : vector<1x16xf32> to vector<16xf32>
      %swap3A_2146 = vector.shape_cast %mul3A_2141 : vector<16xf32> to vector<1x16xf32>
      tpu.vector_store %arg7[%swap3A_2142, %swap3A_2143], %swap3A_2146 {strides = array<i32>} : memref<128x128xf32, #tpu.memory_space<vmem>>, vector<1x16xf32>,
      %mul3A_2147 = arith.constant 0.141421363 : f32
      %mul3A_2148 = vector.broadcast %mul3A_2147 : f32 to vector<16xf32>
      %mul3A_2149 = arith.mulf %scan3A_2107#4, %mul3A_2148 : vector<16xf32>
      %swap3A_2150 = arith.index_cast %add3A_2114 : i32 to index
      %swap3A_2151 = arith.constant 64 : index
      %swap3A_2152 = tpu.vector_load %arg7[%swap3A_2150, %swap3A_2151] {strides = array<i32>} : memref<128x128xf32, #tpu.memory_space<vmem>>, vector<1x16xf32>,
      %swap3A_2153 = vector.shape_cast %swap3A_2152 : vector<1x16xf32> to vector<16xf32>
      %swap3A_2154 = vector.shape_cast %mul3A_2149 : vector<16xf32> to vector<1x16xf32>
      tpu.vector_store %arg7[%swap3A_2150, %swap3A_2151], %swap3A_2154 {strides = array<i32>} : memref<128x128xf32, #tpu.memory_space<vmem>>, vector<1x16xf32>,
      %mul3A_2155 = arith.constant 0.141421363 : f32
      %mul3A_2156 = vector.broadcast %mul3A_2155 : f32 to vector<16xf32>
      %mul3A_2157 = arith.mulf %scan3A_2107#5, %mul3A_2156 : vector<16xf32>
      %swap3A_2158 = arith.index_cast %add3A_2114 : i32 to index
      %swap3A_2159 = arith.constant 80 : index
      %swap3A_2160 = tpu.vector_load %arg7[%swap3A_2158, %swap3A_2159] {strides = array<i32>} : memref<128x128xf32, #tpu.memory_space<vmem>>, vector<1x16xf32>,
      %swap3A_2161 = vector.shape_cast %swap3A_2160 : vector<1x16xf32> to vector<16xf32>
      %swap3A_2162 = vector.shape_cast %mul3A_2157 : vector<16xf32> to vector<1x16xf32>
      tpu.vector_store %arg7[%swap3A_2158, %swap3A_2159], %swap3A_2162 {strides = array<i32>} : memref<128x128xf32, #tpu.memory_space<vmem>>, vector<1x16xf32>,
      %mul3A_2163 = arith.constant 0.141421363 : f32
      %mul3A_2164 = vector.broadcast %mul3A_2163 : f32 to vector<16xf32>
      %mul3A_2165 = arith.mulf %scan3A_2107#6, %mul3A_2164 : vector<16xf32>
      %swap3A_2166 = arith.index_cast %add3A_2114 : i32 to index
      %swap3A_2167 = arith.constant 96 : index
      %swap3A_2168 = tpu.vector_load %arg7[%swap3A_2166, %swap3A_2167] {strides = array<i32>} : memref<128x128xf32, #tpu.memory_space<vmem>>, vector<1x16xf32>,
      %swap3A_2169 = vector.shape_cast %swap3A_2168 : vector<1x16xf32> to vector<16xf32>
      %swap3A_2170 = vector.shape_cast %mul3A_2165 : vector<16xf32> to vector<1x16xf32>
      tpu.vector_store %arg7[%swap3A_2166, %swap3A_2167], %swap3A_2170 {strides = array<i32>} : memref<128x128xf32, #tpu.memory_space<vmem>>, vector<1x16xf32>,
      %mul3A_2171 = arith.constant 0.141421363 : f32
      %mul3A_2172 = vector.broadcast %mul3A_2171 : f32 to vector<16xf32>
      %mul3A_2173 = arith.mulf %scan3A_2107#7, %mul3A_2172 : vector<16xf32>
      %swap3A_2174 = arith.index_cast %add3A_2114 : i32 to index
      %swap3A_2175 = arith.constant 112 : index
      %swap3A_2176 = tpu.vector_load %arg7[%swap3A_2174, %swap3A_2175] {strides = array<i32>} : memref<128x128xf32, #tpu.memory_space<vmem>>, vector<1x16xf32>,
      %swap3A_2177 = vector.shape_cast %swap3A_2176 : vector<1x16xf32> to vector<16xf32>
      %swap3A_2178 = vector.shape_cast %mul3A_2173 : vector<16xf32> to vector<1x16xf32>
      tpu.vector_store %arg7[%swap3A_2174, %swap3A_2175], %swap3A_2178 {strides = array<i32>} : memref<128x128xf32, #tpu.memory_space<vmem>>, vector<1x16xf32>,
      %mul3A_2179 = arith.constant 4 : i32
      %mul3A_2180 = arith.muli %add3A_1923, %mul3A_2179 : i32
      %add3A_2181 = arith.constant 0 : i32
      %add3A_2182 = arith.addi %mul3A_2180, %add3A_2181 : i32
      %add3A_2183 = arith.constant 1 : i32
      %add3A_2184 = arith.addi %add3A_2182, %add3A_2183 : i32
      %mul3A_2185 = arith.constant 0.141421363 : f32
      %mul3A_2186 = vector.broadcast %mul3A_2185 : f32 to vector<16xf32>
      %mul3A_2187 = arith.mulf %scan3A_2107#8, %mul3A_2186 : vector<16xf32>
      %swap3A_2188 = arith.index_cast %add3A_2184 : i32 to index
      %swap3A_2189 = arith.constant 0 : index
      %swap3A_2190 = tpu.vector_load %arg7[%swap3A_2188, %swap3A_2189] {strides = array<i32>} : memref<128x128xf32, #tpu.memory_space<vmem>>, vector<1x16xf32>,
      %swap3A_2191 = vector.shape_cast %swap3A_2190 : vector<1x16xf32> to vector<16xf32>
      %swap3A_2192 = vector.shape_cast %mul3A_2187 : vector<16xf32> to vector<1x16xf32>
      tpu.vector_store %arg7[%swap3A_2188, %swap3A_2189], %swap3A_2192 {strides = array<i32>} : memref<128x128xf32, #tpu.memory_space<vmem>>, vector<1x16xf32>,
      %mul3A_2193 = arith.constant 0.141421363 : f32
      %mul3A_2194 = vector.broadcast %mul3A_2193 : f32 to vector<16xf32>
      %mul3A_2195 = arith.mulf %scan3A_2107#9, %mul3A_2194 : vector<16xf32>
      %swap3A_2196 = arith.index_cast %add3A_2184 : i32 to index
      %swap3A_2197 = arith.constant 16 : index
      %swap3A_2198 = tpu.vector_load %arg7[%swap3A_2196, %swap3A_2197] {strides = array<i32>} : memref<128x128xf32, #tpu.memory_space<vmem>>, vector<1x16xf32>,
      %swap3A_2199 = vector.shape_cast %swap3A_2198 : vector<1x16xf32> to vector<16xf32>
      %swap3A_2200 = vector.shape_cast %mul3A_2195 : vector<16xf32> to vector<1x16xf32>
      tpu.vector_store %arg7[%swap3A_2196, %swap3A_2197], %swap3A_2200 {strides = array<i32>} : memref<128x128xf32, #tpu.memory_space<vmem>>, vector<1x16xf32>,
      %mul3A_2201 = arith.constant 0.141421363 : f32
      %mul3A_2202 = vector.broadcast %mul3A_2201 : f32 to vector<16xf32>
      %mul3A_2203 = arith.mulf %scan3A_2107#10, %mul3A_2202 : vector<16xf32>
      %swap3A_2204 = arith.index_cast %add3A_2184 : i32 to index
      %swap3A_2205 = arith.constant 32 : index
      %swap3A_2206 = tpu.vector_load %arg7[%swap3A_2204, %swap3A_2205] {strides = array<i32>} : memref<128x128xf32, #tpu.memory_space<vmem>>, vector<1x16xf32>,
      %swap3A_2207 = vector.shape_cast %swap3A_2206 : vector<1x16xf32> to vector<16xf32>
      %swap3A_2208 = vector.shape_cast %mul3A_2203 : vector<16xf32> to vector<1x16xf32>
      tpu.vector_store %arg7[%swap3A_2204, %swap3A_2205], %swap3A_2208 {strides = array<i32>} : memref<128x128xf32, #tpu.memory_space<vmem>>, vector<1x16xf32>,
      %mul3A_2209 = arith.constant 0.141421363 : f32
      %mul3A_2210 = vector.broadcast %mul3A_2209 : f32 to vector<16xf32>
      %mul3A_2211 = arith.mulf %scan3A_2107#11, %mul3A_2210 : vector<16xf32>
      %swap3A_2212 = arith.index_cast %add3A_2184 : i32 to index
      %swap3A_2213 = arith.constant 48 : index
      %swap3A_2214 = tpu.vector_load %arg7[%swap3A_2212, %swap3A_2213] {strides = array<i32>} : memref<128x128xf32, #tpu.memory_space<vmem>>, vector<1x16xf32>,
      %swap3A_2215 = vector.shape_cast %swap3A_2214 : vector<1x16xf32> to vector<16xf32>
      %swap3A_2216 = vector.shape_cast %mul3A_2211 : vector<16xf32> to vector<1x16xf32>
      tpu.vector_store %arg7[%swap3A_2212, %swap3A_2213], %swap3A_2216 {strides = array<i32>} : memref<128x128xf32, #tpu.memory_space<vmem>>, vector<1x16xf32>,
      %mul3A_2217 = arith.constant 0.141421363 : f32
      %mul3A_2218 = vector.broadcast %mul3A_2217 : f32 to vector<16xf32>
      %mul3A_2219 = arith.mulf %scan3A_2107#12, %mul3A_2218 : vector<16xf32>
      %swap3A_2220 = arith.index_cast %add3A_2184 : i32 to index
      %swap3A_2221 = arith.constant 64 : index
      %swap3A_2222 = tpu.vector_load %arg7[%swap3A_2220, %swap3A_2221] {strides = array<i32>} : memref<128x128xf32, #tpu.memory_space<vmem>>, vector<1x16xf32>,
      %swap3A_2223 = vector.shape_cast %swap3A_2222 : vector<1x16xf32> to vector<16xf32>
      %swap3A_2224 = vector.shape_cast %mul3A_2219 : vector<16xf32> to vector<1x16xf32>
      tpu.vector_store %arg7[%swap3A_2220, %swap3A_2221], %swap3A_2224 {strides = array<i32>} : memref<128x128xf32, #tpu.memory_space<vmem>>, vector<1x16xf32>,
      %mul3A_2225 = arith.constant 0.141421363 : f32
      %mul3A_2226 = vector.broadcast %mul3A_2225 : f32 to vector<16xf32>
      %mul3A_2227 = arith.mulf %scan3A_2107#13, %mul3A_2226 : vector<16xf32>
      %swap3A_2228 = arith.index_cast %add3A_2184 : i32 to index
      %swap3A_2229 = arith.constant 80 : index
      %swap3A_2230 = tpu.vector_load %arg7[%swap3A_2228, %swap3A_2229] {strides = array<i32>} : memref<128x128xf32, #tpu.memory_space<vmem>>, vector<1x16xf32>,
      %swap3A_2231 = vector.shape_cast %swap3A_2230 : vector<1x16xf32> to vector<16xf32>
      %swap3A_2232 = vector.shape_cast %mul3A_2227 : vector<16xf32> to vector<1x16xf32>
      tpu.vector_store %arg7[%swap3A_2228, %swap3A_2229], %swap3A_2232 {strides = array<i32>} : memref<128x128xf32, #tpu.memory_space<vmem>>, vector<1x16xf32>,
      %mul3A_2233 = arith.constant 0.141421363 : f32
      %mul3A_2234 = vector.broadcast %mul3A_2233 : f32 to vector<16xf32>
      %mul3A_2235 = arith.mulf %scan3A_2107#14, %mul3A_2234 : vector<16xf32>
      %swap3A_2236 = arith.index_cast %add3A_2184 : i32 to index
      %swap3A_2237 = arith.constant 96 : index
      %swap3A_2238 = tpu.vector_load %arg7[%swap3A_2236, %swap3A_2237] {strides = array<i32>} : memref<128x128xf32, #tpu.memory_space<vmem>>, vector<1x16xf32>,
      %swap3A_2239 = vector.shape_cast %swap3A_2238 : vector<1x16xf32> to vector<16xf32>
      %swap3A_2240 = vector.shape_cast %mul3A_2235 : vector<16xf32> to vector<1x16xf32>
      tpu.vector_store %arg7[%swap3A_2236, %swap3A_2237], %swap3A_2240 {strides = array<i32>} : memref<128x128xf32, #tpu.memory_space<vmem>>, vector<1x16xf32>,
      %mul3A_2241 = arith.constant 0.141421363 : f32
      %mul3A_2242 = vector.broadcast %mul3A_2241 : f32 to vector<16xf32>
      %mul3A_2243 = arith.mulf %scan3A_2107#15, %mul3A_2242 : vector<16xf32>
      %swap3A_2244 = arith.index_cast %add3A_2184 : i32 to index
      %swap3A_2245 = arith.constant 112 : index
      %swap3A_2246 = tpu.vector_load %arg7[%swap3A_2244, %swap3A_2245] {strides = array<i32>} : memref<128x128xf32, #tpu.memory_space<vmem>>, vector<1x16xf32>,
      %swap3A_2247 = vector.shape_cast %swap3A_2246 : vector<1x16xf32> to vector<16xf32>
      %swap3A_2248 = vector.shape_cast %mul3A_2243 : vector<16xf32> to vector<1x16xf32>
      tpu.vector_store %arg7[%swap3A_2244, %swap3A_2245], %swap3A_2248 {strides = array<i32>} : memref<128x128xf32, #tpu.memory_space<vmem>>, vector<1x16xf32>,
      %get3A_2249 = arith.constant 3 : i32
      %get3A_2250 = arith.constant 100 : i32
      %get3A_2251 = arith.index_cast %get3A_2249 : i32 to index
      %get3A_2252 = arith.index_cast %get3A_2250 : i32 to index
      %get3A_2253 = arith.constant 0 : index
      %get3A_2254 = tpu.vector_load %arg6[%get3A_2251, %get3A_2252, %get3A_2253] {strides = array<i32>} : memref<4x200x128xf32, #tpu.memory_space<vmem>>, vector<1x1x16xf32>,
      %get3A_2255 = vector.shape_cast %get3A_2254 : vector<1x1x16xf32> to vector<16xf32>
      %get3A_2256 = arith.constant 3 : i32
      %get3A_2257 = arith.constant 100 : i32
      %get3A_2258 = arith.index_cast %get3A_2256 : i32 to index
      %get3A_2259 = arith.index_cast %get3A_2257 : i32 to index
      %get3A_2260 = arith.constant 16 : index
      %get3A_2261 = tpu.vector_load %arg6[%get3A_2258, %get3A_2259, %get3A_2260] {strides = array<i32>} : memref<4x200x128xf32, #tpu.memory_space<vmem>>, vector<1x1x16xf32>,
      %get3A_2262 = vector.shape_cast %get3A_2261 : vector<1x1x16xf32> to vector<16xf32>
      %get3A_2263 = arith.constant 3 : i32
      %get3A_2264 = arith.constant 100 : i32
      %get3A_2265 = arith.index_cast %get3A_2263 : i32 to index
      %get3A_2266 = arith.index_cast %get3A_2264 : i32 to index
      %get3A_2267 = arith.constant 32 : index
      %get3A_2268 = tpu.vector_load %arg6[%get3A_2265, %get3A_2266, %get3A_2267] {strides = array<i32>} : memref<4x200x128xf32, #tpu.memory_space<vmem>>, vector<1x1x16xf32>,
      %get3A_2269 = vector.shape_cast %get3A_2268 : vector<1x1x16xf32> to vector<16xf32>
      %get3A_2270 = arith.constant 3 : i32
      %get3A_2271 = arith.constant 100 : i32
      %get3A_2272 = arith.index_cast %get3A_2270 : i32 to index
      %get3A_2273 = arith.index_cast %get3A_2271 : i32 to index
      %get3A_2274 = arith.constant 48 : index
      %get3A_2275 = tpu.vector_load %arg6[%get3A_2272, %get3A_2273, %get3A_2274] {strides = array<i32>} : memref<4x200x128xf32, #tpu.memory_space<vmem>>, vector<1x1x16xf32>,
      %get3A_2276 = vector.shape_cast %get3A_2275 : vector<1x1x16xf32> to vector<16xf32>
      %get3A_2277 = arith.constant 3 : i32
      %get3A_2278 = arith.constant 100 : i32
      %get3A_2279 = arith.index_cast %get3A_2277 : i32 to index
      %get3A_2280 = arith.index_cast %get3A_2278 : i32 to index
      %get3A_2281 = arith.constant 64 : index
      %get3A_2282 = tpu.vector_load %arg6[%get3A_2279, %get3A_2280, %get3A_2281] {strides = array<i32>} : memref<4x200x128xf32, #tpu.memory_space<vmem>>, vector<1x1x16xf32>,
      %get3A_2283 = vector.shape_cast %get3A_2282 : vector<1x1x16xf32> to vector<16xf32>
      %get3A_2284 = arith.constant 3 : i32
      %get3A_2285 = arith.constant 100 : i32
      %get3A_2286 = arith.index_cast %get3A_2284 : i32 to index
      %get3A_2287 = arith.index_cast %get3A_2285 : i32 to index
      %get3A_2288 = arith.constant 80 : index
      %get3A_2289 = tpu.vector_load %arg6[%get3A_2286, %get3A_2287, %get3A_2288] {strides = array<i32>} : memref<4x200x128xf32, #tpu.memory_space<vmem>>, vector<1x1x16xf32>,
      %get3A_2290 = vector.shape_cast %get3A_2289 : vector<1x1x16xf32> to vector<16xf32>
      %get3A_2291 = arith.constant 3 : i32
      %get3A_2292 = arith.constant 100 : i32
      %get3A_2293 = arith.index_cast %get3A_2291 : i32 to index
      %get3A_2294 = arith.index_cast %get3A_2292 : i32 to index
      %get3A_2295 = arith.constant 96 : index
      %get3A_2296 = tpu.vector_load %arg6[%get3A_2293, %get3A_2294, %get3A_2295] {strides = array<i32>} : memref<4x200x128xf32, #tpu.memory_space<vmem>>, vector<1x1x16xf32>,
      %get3A_2297 = vector.shape_cast %get3A_2296 : vector<1x1x16xf32> to vector<16xf32>
      %get3A_2298 = arith.constant 3 : i32
      %get3A_2299 = arith.constant 100 : i32
      %get3A_2300 = arith.index_cast %get3A_2298 : i32 to index
      %get3A_2301 = arith.index_cast %get3A_2299 : i32 to index
      %get3A_2302 = arith.constant 112 : index
      %get3A_2303 = tpu.vector_load %arg6[%get3A_2300, %get3A_2301, %get3A_2302] {strides = array<i32>} : memref<4x200x128xf32, #tpu.memory_space<vmem>>, vector<1x1x16xf32>,
      %get3A_2304 = vector.shape_cast %get3A_2303 : vector<1x1x16xf32> to vector<16xf32>
      %get3A_2305 = arith.constant 3 : i32
      %get3A_2306 = arith.constant 150 : i32
      %get3A_2307 = arith.index_cast %get3A_2305 : i32 to index
      %get3A_2308 = arith.index_cast %get3A_2306 : i32 to index
      %get3A_2309 = arith.constant 0 : index
      %get3A_2310 = tpu.vector_load %arg6[%get3A_2307, %get3A_2308, %get3A_2309] {strides = array<i32>} : memref<4x200x128xf32, #tpu.memory_space<vmem>>, vector<1x1x16xf32>,
      %get3A_2311 = vector.shape_cast %get3A_2310 : vector<1x1x16xf32> to vector<16xf32>
      %get3A_2312 = arith.constant 3 : i32
      %get3A_2313 = arith.constant 150 : i32
      %get3A_2314 = arith.index_cast %get3A_2312 : i32 to index
      %get3A_2315 = arith.index_cast %get3A_2313 : i32 to index
      %get3A_2316 = arith.constant 16 : index
      %get3A_2317 = tpu.vector_load %arg6[%get3A_2314, %get3A_2315, %get3A_2316] {strides = array<i32>} : memref<4x200x128xf32, #tpu.memory_space<vmem>>, vector<1x1x16xf32>,
      %get3A_2318 = vector.shape_cast %get3A_2317 : vector<1x1x16xf32> to vector<16xf32>
      %get3A_2319 = arith.constant 3 : i32
      %get3A_2320 = arith.constant 150 : i32
      %get3A_2321 = arith.index_cast %get3A_2319 : i32 to index
      %get3A_2322 = arith.index_cast %get3A_2320 : i32 to index
      %get3A_2323 = arith.constant 32 : index
      %get3A_2324 = tpu.vector_load %arg6[%get3A_2321, %get3A_2322, %get3A_2323] {strides = array<i32>} : memref<4x200x128xf32, #tpu.memory_space<vmem>>, vector<1x1x16xf32>,
      %get3A_2325 = vector.shape_cast %get3A_2324 : vector<1x1x16xf32> to vector<16xf32>
      %get3A_2326 = arith.constant 3 : i32
      %get3A_2327 = arith.constant 150 : i32
      %get3A_2328 = arith.index_cast %get3A_2326 : i32 to index
      %get3A_2329 = arith.index_cast %get3A_2327 : i32 to index
      %get3A_2330 = arith.constant 48 : index
      %get3A_2331 = tpu.vector_load %arg6[%get3A_2328, %get3A_2329, %get3A_2330] {strides = array<i32>} : memref<4x200x128xf32, #tpu.memory_space<vmem>>, vector<1x1x16xf32>,
      %get3A_2332 = vector.shape_cast %get3A_2331 : vector<1x1x16xf32> to vector<16xf32>
      %get3A_2333 = arith.constant 3 : i32
      %get3A_2334 = arith.constant 150 : i32
      %get3A_2335 = arith.index_cast %get3A_2333 : i32 to index
      %get3A_2336 = arith.index_cast %get3A_2334 : i32 to index
      %get3A_2337 = arith.constant 64 : index
      %get3A_2338 = tpu.vector_load %arg6[%get3A_2335, %get3A_2336, %get3A_2337] {strides = array<i32>} : memref<4x200x128xf32, #tpu.memory_space<vmem>>, vector<1x1x16xf32>,
      %get3A_2339 = vector.shape_cast %get3A_2338 : vector<1x1x16xf32> to vector<16xf32>
      %get3A_2340 = arith.constant 3 : i32
      %get3A_2341 = arith.constant 150 : i32
      %get3A_2342 = arith.index_cast %get3A_2340 : i32 to index
      %get3A_2343 = arith.index_cast %get3A_2341 : i32 to index
      %get3A_2344 = arith.constant 80 : index
      %get3A_2345 = tpu.vector_load %arg6[%get3A_2342, %get3A_2343, %get3A_2344] {strides = array<i32>} : memref<4x200x128xf32, #tpu.memory_space<vmem>>, vector<1x1x16xf32>,
      %get3A_2346 = vector.shape_cast %get3A_2345 : vector<1x1x16xf32> to vector<16xf32>
      %get3A_2347 = arith.constant 3 : i32
      %get3A_2348 = arith.constant 150 : i32
      %get3A_2349 = arith.index_cast %get3A_2347 : i32 to index
      %get3A_2350 = arith.index_cast %get3A_2348 : i32 to index
      %get3A_2351 = arith.constant 96 : index
      %get3A_2352 = tpu.vector_load %arg6[%get3A_2349, %get3A_2350, %get3A_2351] {strides = array<i32>} : memref<4x200x128xf32, #tpu.memory_space<vmem>>, vector<1x1x16xf32>,
      %get3A_2353 = vector.shape_cast %get3A_2352 : vector<1x1x16xf32> to vector<16xf32>
      %get3A_2354 = arith.constant 3 : i32
      %get3A_2355 = arith.constant 150 : i32
      %get3A_2356 = arith.index_cast %get3A_2354 : i32 to index
      %get3A_2357 = arith.index_cast %get3A_2355 : i32 to index
      %get3A_2358 = arith.constant 112 : index
      %get3A_2359 = tpu.vector_load %arg6[%get3A_2356, %get3A_2357, %get3A_2358] {strides = array<i32>} : memref<4x200x128xf32, #tpu.memory_space<vmem>>, vector<1x1x16xf32>,
      %get3A_2360 = vector.shape_cast %get3A_2359 : vector<1x1x16xf32> to vector<16xf32>
      %scan3A_2361 = arith.constant 1 : i32
      %scan3A_2362 = arith.constant 49 : i32
      %scan3A_2363 = arith.addi %scan3A_2361, %scan3A_2362 : i32
      %scan3A_2364 = arith.constant 1 : i32
      %scan3A_2365:16 = scf.for %scan3A_2507 = %scan3A_2361 to %scan3A_2363 step %scan3A_2364 iter_args(%scan3A_2508 = %get3A_2255, %scan3A_2509 = %get3A_2262, %scan3A_2510 = %get3A_2269, %scan3A_2511 = %get3A_2276, %scan3A_2512 = %get3A_2283, %scan3A_2513 = %get3A_2290, %scan3A_2514 = %get3A_2297, %scan3A_2515 = %get3A_2304, %scan3A_2516 = %get3A_2311, %scan3A_2517 = %get3A_2318, %scan3A_2518 = %get3A_2325, %scan3A_2519 = %get3A_2332, %scan3A_2520 = %get3A_2339, %scan3A_2521 = %get3A_2346, %scan3A_2522 = %get3A_2353, %scan3A_2523 = %get3A_2360) -> (vector<16xf32>, vector<16xf32>, vector<16xf32>, vector<16xf32>, vector<16xf32>, vector<16xf32>, vector<16xf32>, vector<16xf32>, vector<16xf32>, vector<16xf32>, vector<16xf32>, vector<16xf32>, vector<16xf32>, vector<16xf32>, vector<16xf32>, vector<16xf32>)  : i32 {
        %add3A_2524 = arith.constant 100 : i32
        %add3A_2525 = arith.addi %add3A_2524, %scan3A_2507 : i32
        %get3A_2526 = arith.constant 3 : i32
        %get3A_2527 = arith.index_cast %get3A_2526 : i32 to index
        %get3A_2528 = arith.index_cast %add3A_2525 : i32 to index
        %get3A_2529 = arith.constant 0 : index
        %get3A_2530 = tpu.vector_load %arg6[%get3A_2527, %get3A_2528, %get3A_2529] {strides = array<i32>} : memref<4x200x128xf32, #tpu.memory_space<vmem>>, vector<1x1x16xf32>,
        %get3A_2531 = vector.shape_cast %get3A_2530 : vector<1x1x16xf32> to vector<16xf32>
        %add3A_2532 = arith.addf %scan3A_2508, %get3A_2531 : vector<16xf32>
        %add3A_2533 = arith.constant 100 : i32
        %add3A_2534 = arith.addi %add3A_2533, %scan3A_2507 : i32
        %get3A_2535 = arith.constant 3 : i32
        %get3A_2536 = arith.index_cast %get3A_2535 : i32 to index
        %get3A_2537 = arith.index_cast %add3A_2534 : i32 to index
        %get3A_2538 = arith.constant 16 : index
        %get3A_2539 = tpu.vector_load %arg6[%get3A_2536, %get3A_2537, %get3A_2538] {strides = array<i32>} : memref<4x200x128xf32, #tpu.memory_space<vmem>>, vector<1x1x16xf32>,
        %get3A_2540 = vector.shape_cast %get3A_2539 : vector<1x1x16xf32> to vector<16xf32>
        %add3A_2541 = arith.addf %scan3A_2509, %get3A_2540 : vector<16xf32>
        %add3A_2542 = arith.constant 100 : i32
        %add3A_2543 = arith.addi %add3A_2542, %scan3A_2507 : i32
        %get3A_2544 = arith.constant 3 : i32
        %get3A_2545 = arith.index_cast %get3A_2544 : i32 to index
        %get3A_2546 = arith.index_cast %add3A_2543 : i32 to index
        %get3A_2547 = arith.constant 32 : index
        %get3A_2548 = tpu.vector_load %arg6[%get3A_2545, %get3A_2546, %get3A_2547] {strides = array<i32>} : memref<4x200x128xf32, #tpu.memory_space<vmem>>, vector<1x1x16xf32>,
        %get3A_2549 = vector.shape_cast %get3A_2548 : vector<1x1x16xf32> to vector<16xf32>
        %add3A_2550 = arith.addf %scan3A_2510, %get3A_2549 : vector<16xf32>
        %add3A_2551 = arith.constant 100 : i32
        %add3A_2552 = arith.addi %add3A_2551, %scan3A_2507 : i32
        %get3A_2553 = arith.constant 3 : i32
        %get3A_2554 = arith.index_cast %get3A_2553 : i32 to index
        %get3A_2555 = arith.index_cast %add3A_2552 : i32 to index
        %get3A_2556 = arith.constant 48 : index
        %get3A_2557 = tpu.vector_load %arg6[%get3A_2554, %get3A_2555, %get3A_2556] {strides = array<i32>} : memref<4x200x128xf32, #tpu.memory_space<vmem>>, vector<1x1x16xf32>,
        %get3A_2558 = vector.shape_cast %get3A_2557 : vector<1x1x16xf32> to vector<16xf32>
        %add3A_2559 = arith.addf %scan3A_2511, %get3A_2558 : vector<16xf32>
        %add3A_2560 = arith.constant 100 : i32
        %add3A_2561 = arith.addi %add3A_2560, %scan3A_2507 : i32
        %get3A_2562 = arith.constant 3 : i32
        %get3A_2563 = arith.index_cast %get3A_2562 : i32 to index
        %get3A_2564 = arith.index_cast %add3A_2561 : i32 to index
        %get3A_2565 = arith.constant 64 : index
        %get3A_2566 = tpu.vector_load %arg6[%get3A_2563, %get3A_2564, %get3A_2565] {strides = array<i32>} : memref<4x200x128xf32, #tpu.memory_space<vmem>>, vector<1x1x16xf32>,
        %get3A_2567 = vector.shape_cast %get3A_2566 : vector<1x1x16xf32> to vector<16xf32>
        %add3A_2568 = arith.addf %scan3A_2512, %get3A_2567 : vector<16xf32>
        %add3A_2569 = arith.constant 100 : i32
        %add3A_2570 = arith.addi %add3A_2569, %scan3A_2507 : i32
        %get3A_2571 = arith.constant 3 : i32
        %get3A_2572 = arith.index_cast %get3A_2571 : i32 to index
        %get3A_2573 = arith.index_cast %add3A_2570 : i32 to index
        %get3A_2574 = arith.constant 80 : index
        %get3A_2575 = tpu.vector_load %arg6[%get3A_2572, %get3A_2573, %get3A_2574] {strides = array<i32>} : memref<4x200x128xf32, #tpu.memory_space<vmem>>, vector<1x1x16xf32>,
        %get3A_2576 = vector.shape_cast %get3A_2575 : vector<1x1x16xf32> to vector<16xf32>
        %add3A_2577 = arith.addf %scan3A_2513, %get3A_2576 : vector<16xf32>
        %add3A_2578 = arith.constant 100 : i32
        %add3A_2579 = arith.addi %add3A_2578, %scan3A_2507 : i32
        %get3A_2580 = arith.constant 3 : i32
        %get3A_2581 = arith.index_cast %get3A_2580 : i32 to index
        %get3A_2582 = arith.index_cast %add3A_2579 : i32 to index
        %get3A_2583 = arith.constant 96 : index
        %get3A_2584 = tpu.vector_load %arg6[%get3A_2581, %get3A_2582, %get3A_2583] {strides = array<i32>} : memref<4x200x128xf32, #tpu.memory_space<vmem>>, vector<1x1x16xf32>,
        %get3A_2585 = vector.shape_cast %get3A_2584 : vector<1x1x16xf32> to vector<16xf32>
        %add3A_2586 = arith.addf %scan3A_2514, %get3A_2585 : vector<16xf32>
        %add3A_2587 = arith.constant 100 : i32
        %add3A_2588 = arith.addi %add3A_2587, %scan3A_2507 : i32
        %get3A_2589 = arith.constant 3 : i32
        %get3A_2590 = arith.index_cast %get3A_2589 : i32 to index
        %get3A_2591 = arith.index_cast %add3A_2588 : i32 to index
        %get3A_2592 = arith.constant 112 : index
        %get3A_2593 = tpu.vector_load %arg6[%get3A_2590, %get3A_2591, %get3A_2592] {strides = array<i32>} : memref<4x200x128xf32, #tpu.memory_space<vmem>>, vector<1x1x16xf32>,
        %get3A_2594 = vector.shape_cast %get3A_2593 : vector<1x1x16xf32> to vector<16xf32>
        %add3A_2595 = arith.addf %scan3A_2515, %get3A_2594 : vector<16xf32>
        %add3A_2596 = arith.constant 150 : i32
        %add3A_2597 = arith.addi %add3A_2596, %scan3A_2507 : i32
        %get3A_2598 = arith.constant 3 : i32
        %get3A_2599 = arith.index_cast %get3A_2598 : i32 to index
        %get3A_2600 = arith.index_cast %add3A_2597 : i32 to index
        %get3A_2601 = arith.constant 0 : index
        %get3A_2602 = tpu.vector_load %arg6[%get3A_2599, %get3A_2600, %get3A_2601] {strides = array<i32>} : memref<4x200x128xf32, #tpu.memory_space<vmem>>, vector<1x1x16xf32>,
        %get3A_2603 = vector.shape_cast %get3A_2602 : vector<1x1x16xf32> to vector<16xf32>
        %add3A_2604 = arith.addf %scan3A_2516, %get3A_2603 : vector<16xf32>
        %add3A_2605 = arith.constant 150 : i32
        %add3A_2606 = arith.addi %add3A_2605, %scan3A_2507 : i32
        %get3A_2607 = arith.constant 3 : i32
        %get3A_2608 = arith.index_cast %get3A_2607 : i32 to index
        %get3A_2609 = arith.index_cast %add3A_2606 : i32 to index
        %get3A_2610 = arith.constant 16 : index
        %get3A_2611 = tpu.vector_load %arg6[%get3A_2608, %get3A_2609, %get3A_2610] {strides = array<i32>} : memref<4x200x128xf32, #tpu.memory_space<vmem>>, vector<1x1x16xf32>,
        %get3A_2612 = vector.shape_cast %get3A_2611 : vector<1x1x16xf32> to vector<16xf32>
        %add3A_2613 = arith.addf %scan3A_2517, %get3A_2612 : vector<16xf32>
        %add3A_2614 = arith.constant 150 : i32
        %add3A_2615 = arith.addi %add3A_2614, %scan3A_2507 : i32
        %get3A_2616 = arith.constant 3 : i32
        %get3A_2617 = arith.index_cast %get3A_2616 : i32 to index
        %get3A_2618 = arith.index_cast %add3A_2615 : i32 to index
        %get3A_2619 = arith.constant 32 : index
        %get3A_2620 = tpu.vector_load %arg6[%get3A_2617, %get3A_2618, %get3A_2619] {strides = array<i32>} : memref<4x200x128xf32, #tpu.memory_space<vmem>>, vector<1x1x16xf32>,
        %get3A_2621 = vector.shape_cast %get3A_2620 : vector<1x1x16xf32> to vector<16xf32>
        %add3A_2622 = arith.addf %scan3A_2518, %get3A_2621 : vector<16xf32>
        %add3A_2623 = arith.constant 150 : i32
        %add3A_2624 = arith.addi %add3A_2623, %scan3A_2507 : i32
        %get3A_2625 = arith.constant 3 : i32
        %get3A_2626 = arith.index_cast %get3A_2625 : i32 to index
        %get3A_2627 = arith.index_cast %add3A_2624 : i32 to index
        %get3A_2628 = arith.constant 48 : index
        %get3A_2629 = tpu.vector_load %arg6[%get3A_2626, %get3A_2627, %get3A_2628] {strides = array<i32>} : memref<4x200x128xf32, #tpu.memory_space<vmem>>, vector<1x1x16xf32>,
        %get3A_2630 = vector.shape_cast %get3A_2629 : vector<1x1x16xf32> to vector<16xf32>
        %add3A_2631 = arith.addf %scan3A_2519, %get3A_2630 : vector<16xf32>
        %add3A_2632 = arith.constant 150 : i32
        %add3A_2633 = arith.addi %add3A_2632, %scan3A_2507 : i32
        %get3A_2634 = arith.constant 3 : i32
        %get3A_2635 = arith.index_cast %get3A_2634 : i32 to index
        %get3A_2636 = arith.index_cast %add3A_2633 : i32 to index
        %get3A_2637 = arith.constant 64 : index
        %get3A_2638 = tpu.vector_load %arg6[%get3A_2635, %get3A_2636, %get3A_2637] {strides = array<i32>} : memref<4x200x128xf32, #tpu.memory_space<vmem>>, vector<1x1x16xf32>,
        %get3A_2639 = vector.shape_cast %get3A_2638 : vector<1x1x16xf32> to vector<16xf32>
        %add3A_2640 = arith.addf %scan3A_2520, %get3A_2639 : vector<16xf32>
        %add3A_2641 = arith.constant 150 : i32
        %add3A_2642 = arith.addi %add3A_2641, %scan3A_2507 : i32
        %get3A_2643 = arith.constant 3 : i32
        %get3A_2644 = arith.index_cast %get3A_2643 : i32 to index
        %get3A_2645 = arith.index_cast %add3A_2642 : i32 to index
        %get3A_2646 = arith.constant 80 : index
        %get3A_2647 = tpu.vector_load %arg6[%get3A_2644, %get3A_2645, %get3A_2646] {strides = array<i32>} : memref<4x200x128xf32, #tpu.memory_space<vmem>>, vector<1x1x16xf32>,
        %get3A_2648 = vector.shape_cast %get3A_2647 : vector<1x1x16xf32> to vector<16xf32>
        %add3A_2649 = arith.addf %scan3A_2521, %get3A_2648 : vector<16xf32>
        %add3A_2650 = arith.constant 150 : i32
        %add3A_2651 = arith.addi %add3A_2650, %scan3A_2507 : i32
        %get3A_2652 = arith.constant 3 : i32
        %get3A_2653 = arith.index_cast %get3A_2652 : i32 to index
        %get3A_2654 = arith.index_cast %add3A_2651 : i32 to index
        %get3A_2655 = arith.constant 96 : index
        %get3A_2656 = tpu.vector_load %arg6[%get3A_2653, %get3A_2654, %get3A_2655] {strides = array<i32>} : memref<4x200x128xf32, #tpu.memory_space<vmem>>, vector<1x1x16xf32>,
        %get3A_2657 = vector.shape_cast %get3A_2656 : vector<1x1x16xf32> to vector<16xf32>
        %add3A_2658 = arith.addf %scan3A_2522, %get3A_2657 : vector<16xf32>
        %add3A_2659 = arith.constant 150 : i32
        %add3A_2660 = arith.addi %add3A_2659, %scan3A_2507 : i32
        %get3A_2661 = arith.constant 3 : i32
        %get3A_2662 = arith.index_cast %get3A_2661 : i32 to index
        %get3A_2663 = arith.index_cast %add3A_2660 : i32 to index
        %get3A_2664 = arith.constant 112 : index
        %get3A_2665 = tpu.vector_load %arg6[%get3A_2662, %get3A_2663, %get3A_2664] {strides = array<i32>} : memref<4x200x128xf32, #tpu.memory_space<vmem>>, vector<1x1x16xf32>,
        %get3A_2666 = vector.shape_cast %get3A_2665 : vector<1x1x16xf32> to vector<16xf32>
        %add3A_2667 = arith.addf %scan3A_2523, %get3A_2666 : vector<16xf32>
        scf.yield %add3A_2532, %add3A_2541, %add3A_2550, %add3A_2559, %add3A_2568, %add3A_2577, %add3A_2586, %add3A_2595, %add3A_2604, %add3A_2613, %add3A_2622, %add3A_2631, %add3A_2640, %add3A_2649, %add3A_2658, %add3A_2667 : vector<16xf32>, vector<16xf32>, vector<16xf32>, vector<16xf32>, vector<16xf32>, vector<16xf32>, vector<16xf32>, vector<16xf32>, vector<16xf32>, vector<16xf32>, vector<16xf32>, vector<16xf32>, vector<16xf32>, vector<16xf32>, vector<16xf32>, vector<16xf32>
      }
      %scan3A_2366 = arith.constant 49 : i32
      %mul3A_2367 = arith.constant 4 : i32
      %mul3A_2368 = arith.muli %add3A_1923, %mul3A_2367 : i32
      %add3A_2369 = arith.constant 2 : i32
      %add3A_2370 = arith.addi %mul3A_2368, %add3A_2369 : i32
      %add3A_2371 = arith.constant 0 : i32
      %add3A_2372 = arith.addi %add3A_2370, %add3A_2371 : i32
      %mul3A_2373 = arith.constant 0.141421363 : f32
      %mul3A_2374 = vector.broadcast %mul3A_2373 : f32 to vector<16xf32>
      %mul3A_2375 = arith.mulf %scan3A_2365#0, %mul3A_2374 : vector<16xf32>
      %swap3A_2376 = arith.index_cast %add3A_2372 : i32 to index
      %swap3A_2377 = arith.constant 0 : index
      %swap3A_2378 = tpu.vector_load %arg7[%swap3A_2376, %swap3A_2377] {strides = array<i32>} : memref<128x128xf32, #tpu.memory_space<vmem>>, vector<1x16xf32>,
      %swap3A_2379 = vector.shape_cast %swap3A_2378 : vector<1x16xf32> to vector<16xf32>
      %swap3A_2380 = vector.shape_cast %mul3A_2375 : vector<16xf32> to vector<1x16xf32>
      tpu.vector_store %arg7[%swap3A_2376, %swap3A_2377], %swap3A_2380 {strides = array<i32>} : memref<128x128xf32, #tpu.memory_space<vmem>>, vector<1x16xf32>,
      %mul3A_2381 = arith.constant 0.141421363 : f32
      %mul3A_2382 = vector.broadcast %mul3A_2381 : f32 to vector<16xf32>
      %mul3A_2383 = arith.mulf %scan3A_2365#1, %mul3A_2382 : vector<16xf32>
      %swap3A_2384 = arith.index_cast %add3A_2372 : i32 to index
      %swap3A_2385 = arith.constant 16 : index
      %swap3A_2386 = tpu.vector_load %arg7[%swap3A_2384, %swap3A_2385] {strides = array<i32>} : memref<128x128xf32, #tpu.memory_space<vmem>>, vector<1x16xf32>,
      %swap3A_2387 = vector.shape_cast %swap3A_2386 : vector<1x16xf32> to vector<16xf32>
      %swap3A_2388 = vector.shape_cast %mul3A_2383 : vector<16xf32> to vector<1x16xf32>
      tpu.vector_store %arg7[%swap3A_2384, %swap3A_2385], %swap3A_2388 {strides = array<i32>} : memref<128x128xf32, #tpu.memory_space<vmem>>, vector<1x16xf32>,
      %mul3A_2389 = arith.constant 0.141421363 : f32
      %mul3A_2390 = vector.broadcast %mul3A_2389 : f32 to vector<16xf32>
      %mul3A_2391 = arith.mulf %scan3A_2365#2, %mul3A_2390 : vector<16xf32>
      %swap3A_2392 = arith.index_cast %add3A_2372 : i32 to index
      %swap3A_2393 = arith.constant 32 : index
      %swap3A_2394 = tpu.vector_load %arg7[%swap3A_2392, %swap3A_2393] {strides = array<i32>} : memref<128x128xf32, #tpu.memory_space<vmem>>, vector<1x16xf32>,
      %swap3A_2395 = vector.shape_cast %swap3A_2394 : vector<1x16xf32> to vector<16xf32>
      %swap3A_2396 = vector.shape_cast %mul3A_2391 : vector<16xf32> to vector<1x16xf32>
      tpu.vector_store %arg7[%swap3A_2392, %swap3A_2393], %swap3A_2396 {strides = array<i32>} : memref<128x128xf32, #tpu.memory_space<vmem>>, vector<1x16xf32>,
      %mul3A_2397 = arith.constant 0.141421363 : f32
      %mul3A_2398 = vector.broadcast %mul3A_2397 : f32 to vector<16xf32>
      %mul3A_2399 = arith.mulf %scan3A_2365#3, %mul3A_2398 : vector<16xf32>
      %swap3A_2400 = arith.index_cast %add3A_2372 : i32 to index
      %swap3A_2401 = arith.constant 48 : index
      %swap3A_2402 = tpu.vector_load %arg7[%swap3A_2400, %swap3A_2401] {strides = array<i32>} : memref<128x128xf32, #tpu.memory_space<vmem>>, vector<1x16xf32>,
      %swap3A_2403 = vector.shape_cast %swap3A_2402 : vector<1x16xf32> to vector<16xf32>
      %swap3A_2404 = vector.shape_cast %mul3A_2399 : vector<16xf32> to vector<1x16xf32>
      tpu.vector_store %arg7[%swap3A_2400, %swap3A_2401], %swap3A_2404 {strides = array<i32>} : memref<128x128xf32, #tpu.memory_space<vmem>>, vector<1x16xf32>,
      %mul3A_2405 = arith.constant 0.141421363 : f32
      %mul3A_2406 = vector.broadcast %mul3A_2405 : f32 to vector<16xf32>
      %mul3A_2407 = arith.mulf %scan3A_2365#4, %mul3A_2406 : vector<16xf32>
      %swap3A_2408 = arith.index_cast %add3A_2372 : i32 to index
      %swap3A_2409 = arith.constant 64 : index
      %swap3A_2410 = tpu.vector_load %arg7[%swap3A_2408, %swap3A_2409] {strides = array<i32>} : memref<128x128xf32, #tpu.memory_space<vmem>>, vector<1x16xf32>,
      %swap3A_2411 = vector.shape_cast %swap3A_2410 : vector<1x16xf32> to vector<16xf32>
      %swap3A_2412 = vector.shape_cast %mul3A_2407 : vector<16xf32> to vector<1x16xf32>
      tpu.vector_store %arg7[%swap3A_2408, %swap3A_2409], %swap3A_2412 {strides = array<i32>} : memref<128x128xf32, #tpu.memory_space<vmem>>, vector<1x16xf32>,
      %mul3A_2413 = arith.constant 0.141421363 : f32
      %mul3A_2414 = vector.broadcast %mul3A_2413 : f32 to vector<16xf32>
      %mul3A_2415 = arith.mulf %scan3A_2365#5, %mul3A_2414 : vector<16xf32>
      %swap3A_2416 = arith.index_cast %add3A_2372 : i32 to index
      %swap3A_2417 = arith.constant 80 : index
      %swap3A_2418 = tpu.vector_load %arg7[%swap3A_2416, %swap3A_2417] {strides = array<i32>} : memref<128x128xf32, #tpu.memory_space<vmem>>, vector<1x16xf32>,
      %swap3A_2419 = vector.shape_cast %swap3A_2418 : vector<1x16xf32> to vector<16xf32>
      %swap3A_2420 = vector.shape_cast %mul3A_2415 : vector<16xf32> to vector<1x16xf32>
      tpu.vector_store %arg7[%swap3A_2416, %swap3A_2417], %swap3A_2420 {strides = array<i32>} : memref<128x128xf32, #tpu.memory_space<vmem>>, vector<1x16xf32>,
      %mul3A_2421 = arith.constant 0.141421363 : f32
      %mul3A_2422 = vector.broadcast %mul3A_2421 : f32 to vector<16xf32>
      %mul3A_2423 = arith.mulf %scan3A_2365#6, %mul3A_2422 : vector<16xf32>
      %swap3A_2424 = arith.index_cast %add3A_2372 : i32 to index
      %swap3A_2425 = arith.constant 96 : index
      %swap3A_2426 = tpu.vector_load %arg7[%swap3A_2424, %swap3A_2425] {strides = array<i32>} : memref<128x128xf32, #tpu.memory_space<vmem>>, vector<1x16xf32>,
      %swap3A_2427 = vector.shape_cast %swap3A_2426 : vector<1x16xf32> to vector<16xf32>
      %swap3A_2428 = vector.shape_cast %mul3A_2423 : vector<16xf32> to vector<1x16xf32>
      tpu.vector_store %arg7[%swap3A_2424, %swap3A_2425], %swap3A_2428 {strides = array<i32>} : memref<128x128xf32, #tpu.memory_space<vmem>>, vector<1x16xf32>,
      %mul3A_2429 = arith.constant 0.141421363 : f32
      %mul3A_2430 = vector.broadcast %mul3A_2429 : f32 to vector<16xf32>
      %mul3A_2431 = arith.mulf %scan3A_2365#7, %mul3A_2430 : vector<16xf32>
      %swap3A_2432 = arith.index_cast %add3A_2372 : i32 to index
      %swap3A_2433 = arith.constant 112 : index
      %swap3A_2434 = tpu.vector_load %arg7[%swap3A_2432, %swap3A_2433] {strides = array<i32>} : memref<128x128xf32, #tpu.memory_space<vmem>>, vector<1x16xf32>,
      %swap3A_2435 = vector.shape_cast %swap3A_2434 : vector<1x16xf32> to vector<16xf32>
      %swap3A_2436 = vector.shape_cast %mul3A_2431 : vector<16xf32> to vector<1x16xf32>
      tpu.vector_store %arg7[%swap3A_2432, %swap3A_2433], %swap3A_2436 {strides = array<i32>} : memref<128x128xf32, #tpu.memory_space<vmem>>, vector<1x16xf32>,
      %mul3A_2437 = arith.constant 4 : i32
      %mul3A_2438 = arith.muli %add3A_1923, %mul3A_2437 : i32
      %add3A_2439 = arith.constant 2 : i32
      %add3A_2440 = arith.addi %mul3A_2438, %add3A_2439 : i32
      %add3A_2441 = arith.constant 1 : i32
      %add3A_2442 = arith.addi %add3A_2440, %add3A_2441 : i32
      %mul3A_2443 = arith.constant 0.141421363 : f32
      %mul3A_2444 = vector.broadcast %mul3A_2443 : f32 to vector<16xf32>
      %mul3A_2445 = arith.mulf %scan3A_2365#8, %mul3A_2444 : vector<16xf32>
      %swap3A_2446 = arith.index_cast %add3A_2442 : i32 to index
      %swap3A_2447 = arith.constant 0 : index
      %swap3A_2448 = tpu.vector_load %arg7[%swap3A_2446, %swap3A_2447] {strides = array<i32>} : memref<128x128xf32, #tpu.memory_space<vmem>>, vector<1x16xf32>,
      %swap3A_2449 = vector.shape_cast %swap3A_2448 : vector<1x16xf32> to vector<16xf32>
      %swap3A_2450 = vector.shape_cast %mul3A_2445 : vector<16xf32> to vector<1x16xf32>
      tpu.vector_store %arg7[%swap3A_2446, %swap3A_2447], %swap3A_2450 {strides = array<i32>} : memref<128x128xf32, #tpu.memory_space<vmem>>, vector<1x16xf32>,
      %mul3A_2451 = arith.constant 0.141421363 : f32
      %mul3A_2452 = vector.broadcast %mul3A_2451 : f32 to vector<16xf32>
      %mul3A_2453 = arith.mulf %scan3A_2365#9, %mul3A_2452 : vector<16xf32>
      %swap3A_2454 = arith.index_cast %add3A_2442 : i32 to index
      %swap3A_2455 = arith.constant 16 : index
      %swap3A_2456 = tpu.vector_load %arg7[%swap3A_2454, %swap3A_2455] {strides = array<i32>} : memref<128x128xf32, #tpu.memory_space<vmem>>, vector<1x16xf32>,
      %swap3A_2457 = vector.shape_cast %swap3A_2456 : vector<1x16xf32> to vector<16xf32>
      %swap3A_2458 = vector.shape_cast %mul3A_2453 : vector<16xf32> to vector<1x16xf32>
      tpu.vector_store %arg7[%swap3A_2454, %swap3A_2455], %swap3A_2458 {strides = array<i32>} : memref<128x128xf32, #tpu.memory_space<vmem>>, vector<1x16xf32>,
      %mul3A_2459 = arith.constant 0.141421363 : f32
      %mul3A_2460 = vector.broadcast %mul3A_2459 : f32 to vector<16xf32>
      %mul3A_2461 = arith.mulf %scan3A_2365#10, %mul3A_2460 : vector<16xf32>
      %swap3A_2462 = arith.index_cast %add3A_2442 : i32 to index
      %swap3A_2463 = arith.constant 32 : index
      %swap3A_2464 = tpu.vector_load %arg7[%swap3A_2462, %swap3A_2463] {strides = array<i32>} : memref<128x128xf32, #tpu.memory_space<vmem>>, vector<1x16xf32>,
      %swap3A_2465 = vector.shape_cast %swap3A_2464 : vector<1x16xf32> to vector<16xf32>
      %swap3A_2466 = vector.shape_cast %mul3A_2461 : vector<16xf32> to vector<1x16xf32>
      tpu.vector_store %arg7[%swap3A_2462, %swap3A_2463], %swap3A_2466 {strides = array<i32>} : memref<128x128xf32, #tpu.memory_space<vmem>>, vector<1x16xf32>,
      %mul3A_2467 = arith.constant 0.141421363 : f32
      %mul3A_2468 = vector.broadcast %mul3A_2467 : f32 to vector<16xf32>
      %mul3A_2469 = arith.mulf %scan3A_2365#11, %mul3A_2468 : vector<16xf32>
      %swap3A_2470 = arith.index_cast %add3A_2442 : i32 to index
      %swap3A_2471 = arith.constant 48 : index
      %swap3A_2472 = tpu.vector_load %arg7[%swap3A_2470, %swap3A_2471] {strides = array<i32>} : memref<128x128xf32, #tpu.memory_space<vmem>>, vector<1x16xf32>,
      %swap3A_2473 = vector.shape_cast %swap3A_2472 : vector<1x16xf32> to vector<16xf32>
      %swap3A_2474 = vector.shape_cast %mul3A_2469 : vector<16xf32> to vector<1x16xf32>
      tpu.vector_store %arg7[%swap3A_2470, %swap3A_2471], %swap3A_2474 {strides = array<i32>} : memref<128x128xf32, #tpu.memory_space<vmem>>, vector<1x16xf32>,
      %mul3A_2475 = arith.constant 0.141421363 : f32
      %mul3A_2476 = vector.broadcast %mul3A_2475 : f32 to vector<16xf32>
      %mul3A_2477 = arith.mulf %scan3A_2365#12, %mul3A_2476 : vector<16xf32>
      %swap3A_2478 = arith.index_cast %add3A_2442 : i32 to index
      %swap3A_2479 = arith.constant 64 : index
      %swap3A_2480 = tpu.vector_load %arg7[%swap3A_2478, %swap3A_2479] {strides = array<i32>} : memref<128x128xf32, #tpu.memory_space<vmem>>, vector<1x16xf32>,
      %swap3A_2481 = vector.shape_cast %swap3A_2480 : vector<1x16xf32> to vector<16xf32>
      %swap3A_2482 = vector.shape_cast %mul3A_2477 : vector<16xf32> to vector<1x16xf32>
      tpu.vector_store %arg7[%swap3A_2478, %swap3A_2479], %swap3A_2482 {strides = array<i32>} : memref<128x128xf32, #tpu.memory_space<vmem>>, vector<1x16xf32>,
      %mul3A_2483 = arith.constant 0.141421363 : f32
      %mul3A_2484 = vector.broadcast %mul3A_2483 : f32 to vector<16xf32>
      %mul3A_2485 = arith.mulf %scan3A_2365#13, %mul3A_2484 : vector<16xf32>
      %swap3A_2486 = arith.index_cast %add3A_2442 : i32 to index
      %swap3A_2487 = arith.constant 80 : index
      %swap3A_2488 = tpu.vector_load %arg7[%swap3A_2486, %swap3A_2487] {strides = array<i32>} : memref<128x128xf32, #tpu.memory_space<vmem>>, vector<1x16xf32>,
      %swap3A_2489 = vector.shape_cast %swap3A_2488 : vector<1x16xf32> to vector<16xf32>
      %swap3A_2490 = vector.shape_cast %mul3A_2485 : vector<16xf32> to vector<1x16xf32>
      tpu.vector_store %arg7[%swap3A_2486, %swap3A_2487], %swap3A_2490 {strides = array<i32>} : memref<128x128xf32, #tpu.memory_space<vmem>>, vector<1x16xf32>,
      %mul3A_2491 = arith.constant 0.141421363 : f32
      %mul3A_2492 = vector.broadcast %mul3A_2491 : f32 to vector<16xf32>
      %mul3A_2493 = arith.mulf %scan3A_2365#14, %mul3A_2492 : vector<16xf32>
      %swap3A_2494 = arith.index_cast %add3A_2442 : i32 to index
      %swap3A_2495 = arith.constant 96 : index
      %swap3A_2496 = tpu.vector_load %arg7[%swap3A_2494, %swap3A_2495] {strides = array<i32>} : memref<128x128xf32, #tpu.memory_space<vmem>>, vector<1x16xf32>,
      %swap3A_2497 = vector.shape_cast %swap3A_2496 : vector<1x16xf32> to vector<16xf32>
      %swap3A_2498 = vector.shape_cast %mul3A_2493 : vector<16xf32> to vector<1x16xf32>
      tpu.vector_store %arg7[%swap3A_2494, %swap3A_2495], %swap3A_2498 {strides = array<i32>} : memref<128x128xf32, #tpu.memory_space<vmem>>, vector<1x16xf32>,
      %mul3A_2499 = arith.constant 0.141421363 : f32
      %mul3A_2500 = vector.broadcast %mul3A_2499 : f32 to vector<16xf32>
      %mul3A_2501 = arith.mulf %scan3A_2365#15, %mul3A_2500 : vector<16xf32>
      %swap3A_2502 = arith.index_cast %add3A_2442 : i32 to index
      %swap3A_2503 = arith.constant 112 : index
      %swap3A_2504 = tpu.vector_load %arg7[%swap3A_2502, %swap3A_2503] {strides = array<i32>} : memref<128x128xf32, #tpu.memory_space<vmem>>, vector<1x16xf32>,
      %swap3A_2505 = vector.shape_cast %swap3A_2504 : vector<1x16xf32> to vector<16xf32>
      %swap3A_2506 = vector.shape_cast %mul3A_2501 : vector<16xf32> to vector<1x16xf32>
      tpu.vector_store %arg7[%swap3A_2502, %swap3A_2503], %swap3A_2506 {strides = array<i32>} : memref<128x128xf32, #tpu.memory_space<vmem>>, vector<1x16xf32>,
    }
    %scan3A_162 = arith.constant 8 : i32
    %mul3A_163 = arith.constant 128 : i32
    %mul3A_164 = arith.muli %add3A, %mul3A_163 : i32
    "tpu.region"() ({
      %run_scoped3A = tpu.sem_alloc : memref<!tpu.dma_semaphore, #tpu.memory_space<semaphore_mem>>
      %dma_start3A_165 = arith.constant 0 : i32
      %dma_start3A_166 = tpu.memref_slice %arg4[%mul3A_164, %dma_start3A_165] : memref<4096x128xf32, #tpu.memory_space<hbm>> -> memref<128x128xf32, #tpu.memory_space<hbm>>
      %dma_start3A_167 = arith.constant 0 : i32
      %dma_start3A_168 = tpu.memref_slice %arg4[%mul3A_164, %dma_start3A_167] : memref<4096x128xf32, #tpu.memory_space<hbm>> -> memref<128x128xf32, #tpu.memory_space<hbm>>
      tpu.enqueue_dma source(%arg7 : memref<128x128xf32, #tpu.memory_space<vmem>>) target(%dma_start3A_168 : memref<128x128xf32, #tpu.memory_space<hbm>>) target_semaphore(%run_scoped3A : memref<!tpu.dma_semaphore, #tpu.memory_space<semaphore_mem>>)
      %dma_wait3A = arith.constant 0 : i32
      %dma_wait3A_169 = tpu.memref_slice %arg4[%mul3A_164, %dma_wait3A] : memref<4096x128xf32, #tpu.memory_space<hbm>> -> memref<128x128xf32, #tpu.memory_space<hbm>>
      %dma_wait3A_170 = arith.constant 0 : i32
      %dma_wait3A_171 = tpu.memref_slice %arg4[%mul3A_164, %dma_wait3A_170] : memref<4096x128xf32, #tpu.memory_space<hbm>> -> memref<128x128xf32, #tpu.memory_space<hbm>>
      tpu.wait_dma2 semaphore(%run_scoped3A : memref<!tpu.dma_semaphore, #tpu.memory_space<semaphore_mem>>) src(%arg7 : memref<128x128xf32, #tpu.memory_space<vmem>>) dst(%dma_wait3A_171 : memref<128x128xf32, #tpu.memory_space<hbm>>)
      tpu.yield
    }) : () -> ()
    return
  }
}

</mosaic_0001>

<sc_bundles>
// kernel: kernel.3.cloned.1.call-start
scs
__scs_entry_jumppad:
0x0: {  	(pc) =	sbr.rel $0x88, $3  }
0x1: {  	(tag) =	ssettag $0x0;
	lr =	simm.s32 $0x1  }
0x2: {  	[smem:$0x3F9F] =	sst lr;
	_ =	strace $0xD0000000  }
0x3: {  	_ = 	snop  }
0x4: {  	_ = 	snop  }
0x5: {  	_ = 	snop  }
0x6: {  	_ = 	snop  }
0x7: {  	_ = 	snop  }
__scs_overlays_trampoline_lowered:
0x8: {  	[smem:$0x3FAE] =	sst s0  }
0x9: {  	[smem:$0x3FAF] =	sst s1  }
0xa: {  	[smem:$0x3FB0] =	sst s2  }
0xb: {  	[smem:$0x3FB1] =	sst s3  }
0xc: {  	[smem:$0x3FB2] =	sst s4  }
0xd: {  	[smem:$0x3FB3] =	sst s5  }
0xe: {  	[smem:$0x3FB4] =	sst s6  }
0xf: {  	[smem:$0x3FB5] =	sst s7  }
0x10: {  	[smem:$0x3FB6] =	sst s8  }
0x11: {  	[smem:$0x3FB7] =	sst s9;
	s0 =	simm.s32 @!p0 $0x0  }
0x12: {  	s1 =	sld [smem:$0x3F9D];
	s0 =	simm.s32 @p0 $0x1  }
0x13: {  	[smem:$0x3FB8] =	sst s0;
	s0 =	simm.s32 @!p1 $0x0  }
0x14: {  	s2 =	sld [smem:$0x3F9C];
	s0 =	simm.s32 @p1 $0x1  }
0x15: {  	[smem:$0x3FB9] =	sst s0;
	s0 =	simm.s32 @!p2 $0x0  }
0x16: {  	s3 =	sld [smem:$0x3FDB];
	s0 =	simm.s32 @p2 $0x1  }
0x17: {  	s4 =	simm.s32 $0x1BF5;
	[smem:$0x3FBB] =	sst s0  }
0x18: {  	s0 =	sld [smem:$0x3F9E];
	_ =	swait.ge [sflag:s4], $0x0  }
0x19: {  	s7 =	sld [smem:$0x3F9F]  }
0x1a: {  	s8 =	sadd.s32 $0xFFFFE003, lr  }
0x1b: {  	s9 =	sadd.s32 $0xFFFFFEF7, lr;
	s5 =	simm.s32 $0xFFFFFFFF;
	p2 =	slt.u32 s8, $0xFFFFF086  }
0x1c: {  	p1 =	slt.u32 s9, $0xF7A;
	s5 =	simm.s32 @!p2 $0x0  }
0x1d: {  	s5 =	simm.s32 @p1 $0x1;
	p0 =	seq.s32 s7, s2  }
0x1e: {  	s7 =	smul.u32 @!p0 $0xF7A, s2;
	p2 =	seq.s32 @!p0 s5, $0x0  }
0x1f: {  	s9 =	smul.u32 $0xF7A, s1;
	s8 =	simm.s32 @!p0 $0x1BF5;
	p2 =	por !p2, p0  }
0x20: {  	[sflag:s8] =	ssyncset.s32 @!p0 $0xFFFFF086;
	s6 =	sadd.s32 @!p0 s3, s7;
	s7 =	simm.s32 @!p0 $0x108  }
0x21: {  	s3 =	sadd.s32 s3, s9;
	s6 =	sadd.s32 @!p0 $0x88, s6;
	s7 =	simm.s32 @p2 $0x1082  }
0x22: {  	[simem:s7], [sflag:s8] =	dma.local @!p0 [hbm:s6], $0xF7A  }
0x23: {  	s9 =	sor.u32 $0xD0000000, s2;
	s6 =	simm.s32 $0x108;
	_ =	swait.ge @!p0 [sflag:s8], $0x0  }
0x24: {  	s3 =	sadd.s32 $0x88, s3;
	s6 =	simm.s32 @!p1 $0x1082;
	[sflag:s4] =	ssyncset.s32 $0xFFFFF086  }
0x25: {  	[simem:s6], [sflag:s4] =	dma.local [hbm:s3], $0xF7A  }
0x26: {  	[smem:$0x3F9F] =	sst s1;
	(tag) =	ssettag s2;
	_ =	strace s9  }
0x27: {  	s1 =	sld [smem:$0x3FAF]  }
0x28: {  	s2 =	sld [smem:$0x3FB0]  }
0x29: {  	s4 =	sld [smem:$0x3FB2]  }
0x2a: {  	p0 =	seq.s32 s5, $0x0;
	s5 =	sld [smem:$0x3FB3]  }
0x2b: {  	s6 =	sld [smem:$0x3FB4]  }
0x2c: {  	s7 =	sld [smem:$0x3FB5]  }
0x2d: {  	s3 =	simm.s32 $0x108;
	s8 =	sld [smem:$0x3FB6]  }
0x2e: {  	s3 =	simm.s32 @!p0 $0x1082;
	s9 =	sld [smem:$0x3FB7]  }
0x2f: {  	lr =	sadd.s32 s0, s3;
	s0 =	sld [smem:$0x3FAE]  }
0x30: {  	s3 =	sld [smem:$0x3FB1]  }
0x31: {  	[smem:$0x3FBA] =	sst s10  }
0x32: {  	s10 =	sld [smem:$0x3FB8];
	_ =	sdelay $0x3  }
0x33: {  	p0 =	seq.s32 s10, $0x1;
	s10 =	sld [smem:$0x3FBA];
	_ =	sdelay $0x3  }
0x34: {  	[smem:$0x3FBA] =	sst s10  }
0x35: {  	s10 =	sld [smem:$0x3FB9];
	_ =	sdelay $0x3  }
0x36: {  	p1 =	seq.s32 s10, $0x1;
	s10 =	sld [smem:$0x3FBA];
	_ =	sdelay $0x3  }
0x37: {  	[smem:$0x3FBA] =	sst s10  }
0x38: {  	s10 =	sld [smem:$0x3FBB]  }
0x39: {  	_ = 	snop;
	(pc) =	sbr.ind lr, $3  }
0x3a: {  	_ = 	snop  }
0x3b: {  	_ = 	snop  }
0x3c: {  	p2 =	seq.s32 s10, $0x1;
	s10 =	sld [smem:$0x3FBA]  }
0x3d: {  	_ =	shalt  }
0x3e: {  	_ =	shalt  }
0x3f: {  	_ =	shalt  }
0x40: {  	_ =	shalt  }
0x41: {  	_ =	shalt  }
0x42: {  	_ =	shalt  }
0x43: {  	_ =	shalt  }
0x44: {  	_ =	shalt  }
0x45: {  	_ =	shalt  }
0x46: {  	_ =	shalt  }
0x47: {  	_ =	shalt  }
0x48: {  	_ =	shalt  }
0x49: {  	_ =	shalt  }
0x4a: {  	_ =	shalt  }
0x4b: {  	_ =	shalt  }
0x4c: {  	_ =	shalt  }
0x4d: {  	_ =	shalt  }
0x4e: {  	_ =	shalt  }
0x4f: {  	_ =	shalt  }
0x50: {  	_ =	shalt  }
0x51: {  	_ =	shalt  }
0x52: {  	_ =	shalt  }
0x53: {  	_ =	shalt  }
0x54: {  	_ =	shalt  }
0x55: {  	_ =	shalt  }
0x56: {  	_ =	shalt  }
0x57: {  	_ =	shalt  }
0x58: {  	_ =	shalt  }
0x59: {  	_ =	shalt  }
0x5a: {  	_ =	shalt  }
0x5b: {  	_ =	shalt  }
0x5c: {  	_ =	shalt  }
0x5d: {  	_ =	shalt  }
0x5e: {  	_ =	shalt  }
0x5f: {  	_ =	shalt  }
0x60: {  	_ =	shalt  }
0x61: {  	_ =	shalt  }
0x62: {  	_ =	shalt  }
0x63: {  	_ =	shalt  }
0x64: {  	_ =	shalt  }
0x65: {  	_ =	shalt  }
0x66: {  	_ =	shalt  }
0x67: {  	_ =	shalt  }
0x68: {  	_ =	shalt  }
0x69: {  	_ =	shalt  }
0x6a: {  	_ =	shalt  }
0x6b: {  	_ =	shalt  }
0x6c: {  	_ =	shalt  }
0x6d: {  	_ =	shalt  }
0x6e: {  	_ =	shalt  }
0x6f: {  	_ =	shalt  }
0x70: {  	_ =	shalt  }
0x71: {  	_ =	shalt  }
0x72: {  	_ =	shalt  }
0x73: {  	_ =	shalt  }
0x74: {  	_ =	shalt  }
0x75: {  	_ =	shalt  }
0x76: {  	_ =	shalt  }
0x77: {  	_ =	shalt  }
0x78: {  	_ =	shalt  }
0x79: {  	_ =	shalt  }
0x7a: {  	_ =	shalt  }
0x7b: {  	_ =	shalt  }
0x7c: {  	_ =	shalt  }
0x7d: {  	_ =	shalt  }
0x7e: {  	_ =	shalt  }
0x7f: {  	_ =	shalt  }
0x80: {  	_ =	shalt  }
0x81: {  	_ =	shalt  }
0x82: {  	_ =	shalt  }
0x83: {  	_ =	shalt  }
0x84: {  	_ =	shalt  }
0x85: {  	_ =	shalt  }
0x86: {  	_ =	shalt  }
0x87: {  	_ =	shalt  }
.Lfunc_end0:
.L_simem_size_0:
called_computation_lowered:
.L_overlay_start_0:
0x88: {  	s2 =	sld [smem:$0x3FD9]  }
0x89: {  	s3 =	sld [smem:$0x3FFE];
	_ =	sdelay $0x1  }
0x8a: {  	s1 =	srdreg.scid  }
0x8b: {  	s0 =	sand.u32 $0x1, s1  }
0x8c: {  	s17 =	sshll.u32 s0, $0xA;
	s2 =	sadd.s32 s3, s2  }
0x8d: {  	s2 =	sadd.s32 s2, s17  }
0x8e: {  	[smem:$0x3FC6] =	sst s2  }
0x8f: {  	_ = 	snop  }
0x90: {  	s2 =	sld [smem:$0x3FC8]  }
0x91: {  	s18 =	sld [smem:$0x3FD0];
	(tm) =	ssettm $0x1  }
0x92: {  	s4 =	sld [smem:$0x3FFB];
	_ =	sdelay $0x3  }
0x93: {  	_ =	strace s4  }
0x94: {  	s4 =	sld [smem:$0x3FFC];
	_ =	sdelay $0x3  }
0x95: {  	_ =	strace s4  }
0x96: {  	s4 =	sld [smem:$0x3FFD];
	_ =	sdelay $0x3  }
0x97: {  	_ =	strace s4  }
0x98: {  	_ =	strace $0x8FFFFFFF  }
0x99: {  	s19 =	sld [smem:$0x3FDB];
	_ =	sdelay $0x1  }
0x9a: {  	s5 =	simm.s32 $_scs_section_size  }
0x9b: {  	s6 =	simm.s32 $_size__tile_overlayer_lowered;
	s7 =	simm.s32 $_tile_overlayer_lowered  }
0x9c: {  	s22 =	simm.s32 $0x1BFF;
	s21 =	sshll.u32 s7, $0x1;
	s4 =	sadd.s32 s5, s19  }
0x9d: {  	s8 =	simm.s32 $0x0;
	s20 =	sshll.u32 s6, $0x1;
	s6 =	sadd.s32 s21, s4  }
0x9e: {  	[timem:s8], [sflag:s22] =	dma.local [hbm:s6], s20  }
0x9f: {  	_ =	swait.ge [sflag:s22], s20  }
0xa0: {  	s5 =	ssub.s32 $0x0, s20;
	[sflag:s22] =	ssyncset.done $0x0  }
0xa1: {  	[sflag:s22] =	ssyncadd.s32 s5;
	_ =	sdelay $0x1  }
0xa2: {  	s23 =	simm.s32 $0x1B8B  }
0xa3: {  	_ =	swait.ge [sflag:s23], $0x1  }
0xa4: {  	[sflag:s23] =	ssyncset.done $0x0  }
0xa5: {  	s25 =	simm.s32 $0x1B8E;
	s24 =	sld [smem:$0x3FFE];
	[sflag:s23] =	ssyncadd.s32 $0xFFFFFFFF  }
0xa6: {  	s26 =	simm.s32 $execute0_lowered;
	[smem:$0x3FD2] =	sst s25  }
0xa7: {  	s6 =	sshll.u32 s26, $0x1;
	_ =	strace $0x80000046;
	[dreg:$0x1] =	wrdreg $0xFFFFFFFF  }
0xa8: {  	s28 =	simm.s32 $_size_execute0_lowered;
	s4 =	sadd.s32 s4, s6;
	[dreg:$0x0] =	wrdreg $0x0  }
0xa9: {  	s6 =	sshll.u32 s28, $0x1;
	[dreg:$0x2] =	wrdreg s4  }
0xaa: {  	[dreg:$0x3] =	wrdreg s6  }
0xab: {  	[dreg:$0x4] =	wrdreg $0xC0  }
0xac: {  	_ =	task [dreg:s8], $0x5FFFF  }
0xad: {  	[dreg:$0x1] =	wrdreg $0xFFFFFFFF  }
0xae: {  	[dreg:$0x0] =	wrdreg $0x60  }
0xaf: {  	[dreg:$0x2] =	wrdreg s2  }
0xb0: {  	[dreg:$0x3] =	wrdreg s24  }
0xb1: {  	[dreg:$0x4] =	wrdreg s18  }
0xb2: {  	[dreg:$0x5] =	wrdreg $0x9  }
0xb3: {  	_ =	task.clear_ibuf [dreg:s8], $0x6FFFF;
	_ =	strace $0x90000046  }
0xb4: {  	s29 =	simm.s32 $0x9;
	_ =	strace $0x80000048  }
0xb5: {  	_ =	swait.ge [sflag:s29], $0x1  }
0xb6: {  	[sflag:s29] =	ssyncadd.s32 $0xFFFFFFFF  }
0xb7: {  	_ =	strace $0x90000048  }
0xb8: {  	_ =	sfence  }
0xb9: {  	s30 =	sld [smem:$0x0];
	_ =	sdelay $0x2  }
0xba: {  	s31 =	sshll.u32 s1, $0xD;
	s1 =	sshrl.u32 s1, $0x2  }
0xbb: {  	s3 =	sand.u32 $0x4000, s31;
	s1 =	sadd.s32 s1, s30  }
0xbc: {  	s0 =	sor.u32 s3, s0;
	s1 =	sshll.u32 s1, $0x11  }
0xbd: {  	s0 =	sor.u32 s1, s0  }
0xbe: {  	s0 =	sadd.s32 $0x8F2B, s0  }
0xbf: {  	[sflag:s0] =	ssyncadd.remote.s32 $0x1  }
0xc0: {  	_ =	sfence.sel $0xFFFF  }
0xc1: {  	[dreg:$0x0] =	wrdreg $0xFFFFFFFF;
	(pc) =	sbr.abs _section_cstart, $3  }
0xc2: {  	[dreg:$0x1] =	wrdreg $0xFFFFFFFF  }
0xc3: {  	_ =	task.clear_ibuf [dreg:s8], $0x2FFFF;
	_ =	strace $0x9FFFFFFF  }
0xc4: {  	(tm) =	ssettm $0x7FFFFFFF  }
0xc5: {  	_ =	shalt  }
tec
execute0_lowered:
.L_overlay_start_1:
0x0: {  	(tag) =	ssettag $0x1  }
0x1: {  	s1 =	rddreg [dreg:$0x0]  }
0x2: {  	s0 =	rddreg [dreg:$0x1];
	s2 =	srdreg.scid  }
0x3: {  	s3 =	stileid.u32;
	s5 =	rddreg [dreg:$0x2];
	s8 =	simm.s32 $0x38  }
0x4: {  	s10 =	simm.s32 $0x30;
	s28 =	simm.s32 $0xFD00;
	s29 =	simm.s32 $0x1F8  }
0x5: {  	s30 =	simm.s32 $0x11500;
	s31 =	simm.s32 $0x228;
	s9 =	simm.s32 $0x14500  }
0x6: {  	s11 =	simm.s32 $0x16100;
	s12 =	simm.s32 $0x17900;
	s13 =	simm.s32 $0x19100  }
0x7: {  	s14 =	simm.s32 $0x2;
	s15 =	simm.s32 $0x3;
	s16 =	simm.s32 $0x4  }
0x8: {  	s17 =	simm.s32 $0x1A900;
	s2 =	sand.u32 $0x1, s2;
	s4 =	sshll.u32 s3, $0x1  }
0x9: {  	s18 =	simm.s32 $0x0;
	s3 =	simm.s32 $0x0;
	s4 =	sor.u32 s2, s4  }
0xa: {  	[smem:$0x7FF] =	sst s3;
	s2 =	ssub.s32 $0x2, s2;
	s6 =	smul.u32 $0x320, s4  }
0xb: {  	_ =	strace $0x80000047;
	s26 =	sshrl.u32 s2, $0x1;
	s7 =	sshll.u32 s4, $0xB  }
0xc: {  	s2 =	ssub.s32 s2, s26;
	s5 =	sadd.s32 s5, s7;
	s7 =	simm.s32 $0x5  }
0xd: {  	s26 =	simm.s32 $0x1C8;
	s0 =	sadd.s32 s6, s0;
	s6 =	smax.u32 s2, $0x1  }
0xe: {  	s2 =	simm.s32 $0x12D00;
	s4 =	sadd.s32 $0x400, s0;
	s0 =	simm.s32 $0x1  }
.LBB2_1:
0xf: {  	[tilespmem:s3], [sflag:$0x5] =	stream.linear.gather [hbm4b:s4+s3], $0x1900, $0x38;
	[tilespmem:$0x1E900] =	vst v63  }
0x10: {  	_ =	swait.ge [sflag:s7], $0x1900  }
0x11: {  	[sflag:s7] =	ssyncset.done $0x0  }
0x12: {  	s19 =	simm.s32 $0x1900;
	[sflag:s7] =	ssyncadd.s32 $0xFFFFE700  }
0x13: {  	[tilespmem:s19], [sflag:$0x1] =	stream.indirect.gather [hbm4b:s1+s8], $0x80, s3, s8, $0xb8;
	[tilespmem:$0x1E900] =	vst v63  }
0x14: {  	s24 =	simm.s32 $0x3500  }
0x15: {  	[tilespmem:s24], [sflag:$0x1] =	stream.indirect.gather [hbm4b:s1+s10], $0x80, s8, s10, $0xb8;
	[tilespmem:$0x1E900] =	vst v63  }
0x16: {  	s25 =	simm.s32 $0x68;
	s20 =	simm.s32 $0x4D00  }
0x17: {  	[tilespmem:s20], [sflag:$0x1] =	stream.indirect.gather [hbm4b:s1+s10], $0x80, s25, s10, $0xb8;
	[tilespmem:$0x1E900] =	vst v63  }
0x18: {  	s21 =	simm.s32 $0x6500;
	s20 =	simm.s32 $0x98  }
0x19: {  	[tilespmem:s21], [sflag:$0x1] =	stream.indirect.gather [hbm4b:s1+s10], $0x80, s20, s10, $0xb8;
	[tilespmem:$0x1E900] =	vst v63  }
0x1a: {  	s22 =	simm.s32 $0xC8;
	s23 =	simm.s32 $0x7D00  }
0x1b: {  	[tilespmem:s23], [sflag:$0x2] =	stream.indirect.gather [hbm4b:s1+s8], $0x80, s22, s8, $0xb8;
	[tilespmem:$0x1E900] =	vst v63  }
0x1c: {  	s24 =	simm.s32 $0x100;
	s25 =	simm.s32 $0x9900  }
0x1d: {  	[tilespmem:s25], [sflag:$0x2] =	stream.indirect.gather [hbm4b:s1+s10], $0x80, s24, s10, $0xb8;
	[tilespmem:$0x1E900] =	vst v63  }
0x1e: {  	s20 =	simm.s32 $0x130;
	s21 =	simm.s32 $0xB100  }
0x1f: {  	[tilespmem:s21], [sflag:$0x2] =	stream.indirect.gather [hbm4b:s1+s10], $0x80, s20, s10, $0xb8;
	[tilespmem:$0x1E900] =	vst v63  }
0x20: {  	s22 =	simm.s32 $0x160;
	s23 =	simm.s32 $0xC900  }
0x21: {  	[tilespmem:s23], [sflag:$0x2] =	stream.indirect.gather [hbm4b:s1+s10], $0x80, s22, s10, $0xb8;
	[tilespmem:$0x1E900] =	vst v63  }
0x22: {  	s24 =	simm.s32 $0x190;
	s25 =	simm.s32 $0xE100  }
0x23: {  	[tilespmem:s25], [sflag:$0x3] =	stream.indirect.gather [hbm4b:s1+s8], $0x80, s24, s8, $0xb8;
	[tilespmem:$0x1E900] =	vst v63  }
0x24: {  	_ = 	snop  }
0x25: {  	[tilespmem:s28], [sflag:$0x3] =	stream.indirect.gather [hbm4b:s1+s10], $0x80, s26, s10, $0xb8;
	[tilespmem:$0x1E900] =	vst v63  }
0x26: {  	_ = 	snop  }
0x27: {  	[tilespmem:s30], [sflag:$0x3] =	stream.indirect.gather [hbm4b:s1+s10], $0x80, s29, s10, $0xb8;
	[tilespmem:$0x1E900] =	vst v63  }
0x28: {  	s19 =	simm.s32 $0x0  }
0x29: {  	[tilespmem:s2], [sflag:$0x3] =	stream.indirect.gather [hbm4b:s1+s10], $0x80, s31, s10, $0xb8;
	[tilespmem:$0x1E900] =	vst v63  }
.LBB2_2:
0x2a: {  	_ =	swait.ge [sflag:s0], $0x1C00  }
0x2b: {  	[sflag:s0] =	ssyncset.done $0x0  }
0x2c: {  	[sflag:s0] =	ssyncadd.s32 $0xFFFFE400  }
0x2d: {  	_ =	swait.ge [sflag:s0], $0x1800  }
0x2e: {  	[sflag:s0] =	ssyncset.done $0x0  }
0x2f: {  	[sflag:s0] =	ssyncadd.s32 $0xFFFFE800  }
0x30: {  	_ =	swait.ge [sflag:s0], $0x1800  }
0x31: {  	[sflag:s0] =	ssyncset.done $0x0  }
0x32: {  	s20 =	sshllo.u32 s19, $0x2;
	[sflag:s0] =	ssyncadd.s32 $0xFFFFE800  }
0x33: {  	s21 =	smul.u32 $0x320, s20;
	_ =	swait.ge [sflag:s0], $0x1800  }
0x34: {  	[sflag:s0] =	ssyncset.done $0x0  }
0x35: {  	s21 =	sshra.s32 s21, $0x2;
	[sflag:s0] =	ssyncadd.s32 $0xFFFFE800  }
0x36: {  	[tilespmem:s9], [sflag:$0x4] =	stream.indirect.gather [hbm4b:s1+s8], $0x80, s21, s8, $0xb8;
	[tilespmem:$0x1E900] =	vst v63  }
0x37: {  	s22 =	sadd.s32 $0x38, s21  }
0x38: {  	[tilespmem:s11], [sflag:$0x4] =	stream.indirect.gather [hbm4b:s1+s10], $0x80, s22, s10, $0xb8;
	[tilespmem:$0x1E900] =	vst v63  }
0x39: {  	s25 =	sadd.s32 $0x68, s21  }
0x3a: {  	[tilespmem:s12], [sflag:$0x4] =	stream.indirect.gather [hbm4b:s1+s10], $0x80, s25, s10, $0xb8;
	[tilespmem:$0x1E900] =	vst v63  }
0x3b: {  	s21 =	sadd.s32 $0x98, s21  }
0x3c: {  	[tilespmem:s13], [sflag:$0x4] =	stream.indirect.gather [hbm4b:s1+s10], $0x80, s21, s10, $0xb8;
	[tilespmem:$0x1E900] =	vst v63  }
0x3d: {  	v6 =	vld [tilespmem:$0x1900]  }
0x3e: {  	v7 =	vld [tilespmem:$0x1910]  }
0x3f: {  	v8 =	vld [tilespmem:$0x1920]  }
0x40: {  	v9 =	vld [tilespmem:$0x1930]  }
0x41: {  	v10 =	vld [tilespmem:$0x1940]  }
0x42: {  	v16 =	vld [tilespmem:$0x1950]  }
0x43: {  	v18 =	vld [tilespmem:$0x1960]  }
0x44: {  	v21 =	vld [tilespmem:$0x1970]  }
0x45: {  	v22 =	vld [tilespmem:$0x3200]  }
0x46: {  	v23 =	vld [tilespmem:$0x3210]  }
0x47: {  	v5 =	vld [tilespmem:$0x3220]  }
0x48: {  	v4 =	vld [tilespmem:$0x3230]  }
0x49: {  	v3 =	vld [tilespmem:$0x3240]  }
0x4a: {  	v1 =	vld [tilespmem:$0x3250]  }
0x4b: {  	v0 =	vld [tilespmem:$0x3260]  }
0x4c: {  	s23 =	simm.s32 $0x0;
	v2 =	vld [tilespmem:$0x3270]  }
0x4d: {  	v11 =	vld [tilespmem:s23+$0x32F0]  }
0x4e: {  	v12 =	vld [tilespmem:s23+$0x1980]  }
0x4f: {  	v13 =	vld [tilespmem:s23+$0x1990]  }
0x50: {  	v14 =	vld [tilespmem:s23+$0x19A0]  }
0x51: {  	v17 =	vld [tilespmem:s23+$0x19B0]  }
0x52: {  	v24 =	vld [tilespmem:s23+$0x19C0]  }
0x53: {  	v25 =	vld [tilespmem:s23+$0x19D0]  }
0x54: {  	v26 =	vld [tilespmem:s23+$0x19E0]  }
0x55: {  	v27 =	vld [tilespmem:s23+$0x19F0]  }
0x56: {  	v28 =	vld [tilespmem:s23+$0x3280]  }
0x57: {  	v29 =	vld [tilespmem:s23+$0x3290];
	v2 =	vadd.f32 v11, v2  }
0x58: {  	v20 =	vld [tilespmem:s23+$0x32A0];
	v15 =	vadd.f32 v12, v6;
	v13 =	vadd.f32 v13, v7  }
0x59: {  	v19 =	vld [tilespmem:s23+$0x32B0];
	v14 =	vadd.f32 v14, v8;
	v12 =	vadd.f32 v17, v9  }
0x5a: {  	v11 =	vadd.f32 v24, v10;
	v10 =	vadd.f32 v25, v16;
	v17 =	vld [tilespmem:s23+$0x32C0]  }
0x5b: {  	v9 =	vadd.f32 v26, v18;
	v8 =	vadd.f32 v27, v21;
	v16 =	vld [tilespmem:s23+$0x32D0]  }
0x5c: {  	s22 =	simm.s32 $0x400;
	s21 =	simm.s32 $0x80;
	v7 =	vadd.f32 v28, v22;
	v6 =	vadd.f32 v29, v23;
	v18 =	vld [tilespmem:s23+$0x32E0]  }
.LBB2_3:
0x5d: {  	p0 =	sne.s32 s22, $0x6000;
	v21 =	vld [tilespmem:s21+$0x32F0];
	v5 =	vadd.f32 v20, v5  }
0x5e: {  	v20 =	vld [tilespmem:s21+$0x1980];
	v4 =	vadd.f32 v19, v4  }
0x5f: {  	v19 =	vld [tilespmem:s21+$0x1990];
	v3 =	vadd.f32 v17, v3  }
0x60: {  	v17 =	vld [tilespmem:s21+$0x19A0];
	v1 =	vadd.f32 v16, v1  }
0x61: {  	v16 =	vld [tilespmem:s21+$0x19B0];
	v0 =	vadd.f32 v18, v0  }
0x62: {  	v18 =	vld [tilespmem:s21+$0x19C0];
	v2 =	vadd.f32 v21, v2  }
0x63: {  	v15 =	vadd.f32 v20, v15;
	v20 =	vld [tilespmem:s21+$0x19D0]  }
0x64: {  	v13 =	vadd.f32 v19, v13;
	v19 =	vld [tilespmem:s21+$0x19E0]  }
0x65: {  	v14 =	vadd.f32 v17, v14;
	v17 =	vld [tilespmem:s21+$0x19F0]  }
0x66: {  	v12 =	vadd.f32 v16, v12;
	v16 =	vld [tilespmem:s21+$0x3280]  }
0x67: {  	v11 =	vadd.f32 v18, v11;
	v18 =	vld [tilespmem:s21+$0x3290]  }
.Ltmp0:
0x68: {  	v10 =	vadd.f32 v20, v10;
	v20 =	vld [tilespmem:s21+$0x32A0];
	(pc) =	sbr.rel @p0 .LBB2_3-.Ltmp0, $4  }
0x69: {  	v9 =	vadd.f32 v19, v9;
	v19 =	vld [tilespmem:s21+$0x32B0]  }
0x6a: {  	v8 =	vadd.f32 v17, v8;
	v17 =	vld [tilespmem:s21+$0x32C0]  }
0x6b: {  	v7 =	vadd.f32 v16, v7;
	v16 =	vld [tilespmem:s21+$0x32D0]  }
0x6c: {  	v6 =	vadd.f32 v18, v6;
	v18 =	vld [tilespmem:s21+$0x32E0];
	s21 =	sshra.s32 s22, $0x2;
	s22 =	sadd.s32 $0x200, s22  }
0x6d: {  	v21 =	vld [tilespmem:s21+$0x32F0]  }
0x6e: {  	v22 =	vld [tilespmem:s21+$0x1980]  }
0x6f: {  	v23 =	vld [tilespmem:s21+$0x1990]  }
0x70: {  	v24 =	vld [tilespmem:s21+$0x19A0]  }
0x71: {  	v25 =	vld [tilespmem:s21+$0x19B0]  }
0x72: {  	v26 =	vld [tilespmem:s21+$0x19C0]  }
0x73: {  	v27 =	vld [tilespmem:s21+$0x19D0]  }
0x74: {  	v28 =	vld [tilespmem:s21+$0x19E0]  }
0x75: {  	v29 =	vld [tilespmem:s21+$0x19F0]  }
0x76: {  	v30 =	vld [tilespmem:s21+$0x3280]  }
0x77: {  	v31 =	vld [tilespmem:s21+$0x3290]  }
0x78: {  	v32 =	vld [tilespmem:s21+$0x32A0]  }
0x79: {  	v56 =	vld [tilespmem:s21+$0x32D0];
	v15 =	vadd.f32 v22, v15  }
0x7a: {  	v57 =	vld [tilespmem:s21+$0x32E0];
	v13 =	vadd.f32 v23, v13  }
0x7b: {  	s22 =	sshll.u32 s19, $0xD;
	v22 =	vld [tilespmem:s21+$0x32B0];
	v14 =	vadd.f32 v24, v14;
	v15 =	vmul.f32 $1.414213630e-01, v15  }
0x7c: {  	v23 =	vld [tilespmem:s21+$0x32C0];
	v12 =	vadd.f32 v25, v12;
	s21 =	sshra.s32 s22, $0x2;
	v13 =	vmul.f32 $1.414213630e-01, v13  }
0x7d: {  	v11 =	vadd.f32 v26, v11;
	v14 =	vmul.f32 $1.414213630e-01, v14;
	[tilespmem:s21+$0x1A900] =	vst v15  }
0x7e: {  	v10 =	vadd.f32 v27, v10;
	v12 =	vmul.f32 $1.414213630e-01, v12;
	[tilespmem:s21+$0x1A910] =	vst v13  }
0x7f: {  	v9 =	vadd.f32 v28, v9;
	v11 =	vmul.f32 $1.414213630e-01, v11;
	[tilespmem:s21+$0x1A920] =	vst v14  }
0x80: {  	v8 =	vadd.f32 v29, v8;
	v10 =	vmul.f32 $1.414213630e-01, v10;
	[tilespmem:s21+$0x1A930] =	vst v12  }
0x81: {  	v5 =	vadd.f32 v20, v5;
	v7 =	vadd.f32 v30, v7;
	v9 =	vmul.f32 $1.414213630e-01, v9;
	[tilespmem:s21+$0x1A940] =	vst v11  }
0x82: {  	v1 =	vadd.f32 v16, v1;
	v6 =	vadd.f32 v31, v6;
	v8 =	vmul.f32 $1.414213630e-01, v8;
	[tilespmem:s21+$0x1A950] =	vst v10  }
0x83: {  	v0 =	vadd.f32 v18, v0;
	v5 =	vadd.f32 v32, v5;
	v7 =	vmul.f32 $1.414213630e-01, v7;
	[tilespmem:s21+$0x1A960] =	vst v9  }
0x84: {  	v1 =	vadd.f32 v56, v1;
	v6 =	vmul.f32 $1.414213630e-01, v6;
	[tilespmem:s21+$0x1A970] =	vst v8  }
0x85: {  	v4 =	vadd.f32 v19, v4;
	v0 =	vadd.f32 v57, v0;
	v5 =	vmul.f32 $1.414213630e-01, v5;
	[tilespmem:s21+$0x1A980] =	vst v7  }
0x86: {  	v3 =	vadd.f32 v17, v3;
	v2 =	vadd.f32 v21, v2;
	v1 =	vmul.f32 $1.414213630e-01, v1;
	[tilespmem:s21+$0x1A990] =	vst v6  }
0x87: {  	v0 =	vmul.f32 $1.414213630e-01, v0;
	[tilespmem:s21+$0x1A9A0] =	vst v5;
	v4 =	vadd.f32 v22, v4  }
0x88: {  	[tilespmem:s21+$0x1A9D0] =	vst v1;
	v1 =	vmul.f32 $1.414213630e-01, v2;
	v3 =	vadd.f32 v23, v3  }
0x89: {  	[tilespmem:s21+$0x1A9E0] =	vst v0;
	v4 =	vmul.f32 $1.414213630e-01, v4  }
0x8a: {  	[tilespmem:s21+$0x1A9F0] =	vst v1;
	v3 =	vmul.f32 $1.414213630e-01, v3  }
0x8b: {  	[tilespmem:s21+$0x1A9B0] =	vst v4  }
0x8c: {  	[tilespmem:s21+$0x1A9C0] =	vst v3  }
0x8d: {  	v6 =	vld [tilespmem:$0x4B00]  }
0x8e: {  	v7 =	vld [tilespmem:$0x4B10]  }
0x8f: {  	v8 =	vld [tilespmem:$0x4B20]  }
0x90: {  	v9 =	vld [tilespmem:$0x4B30]  }
0x91: {  	v10 =	vld [tilespmem:$0x4B40]  }
0x92: {  	v16 =	vld [tilespmem:$0x4B50]  }
0x93: {  	v18 =	vld [tilespmem:$0x4B60]  }
0x94: {  	v21 =	vld [tilespmem:$0x4B70]  }
0x95: {  	v22 =	vld [tilespmem:$0x6400]  }
0x96: {  	v23 =	vld [tilespmem:$0x6410]  }
0x97: {  	v5 =	vld [tilespmem:$0x6420]  }
0x98: {  	v4 =	vld [tilespmem:$0x6430]  }
0x99: {  	v3 =	vld [tilespmem:$0x6440]  }
0x9a: {  	v1 =	vld [tilespmem:$0x6450]  }
0x9b: {  	v0 =	vld [tilespmem:$0x6460]  }
0x9c: {  	s24 =	simm.s32 $0x0;
	v2 =	vld [tilespmem:$0x6470]  }
0x9d: {  	v11 =	vld [tilespmem:s24+$0x64F0]  }
0x9e: {  	v12 =	vld [tilespmem:s24+$0x4B80]  }
0x9f: {  	v13 =	vld [tilespmem:s24+$0x4B90]  }
0xa0: {  	v14 =	vld [tilespmem:s24+$0x4BA0]  }
0xa1: {  	v17 =	vld [tilespmem:s24+$0x4BB0]  }
0xa2: {  	v58 =	vld [tilespmem:s24+$0x4BC0]  }
0xa3: {  	v59 =	vld [tilespmem:s24+$0x4BD0]  }
0xa4: {  	v60 =	vld [tilespmem:s24+$0x4BE0]  }
0xa5: {  	v61 =	vld [tilespmem:s24+$0x4BF0]  }
0xa6: {  	v62 =	vld [tilespmem:s24+$0x6480]  }
0xa7: {  	v63 =	vld [tilespmem:s24+$0x6490];
	v2 =	vadd.f32 v11, v2  }
0xa8: {  	v20 =	vld [tilespmem:s24+$0x64A0];
	v15 =	vadd.f32 v12, v6;
	v13 =	vadd.f32 v13, v7  }
0xa9: {  	v19 =	vld [tilespmem:s24+$0x64B0];
	v14 =	vadd.f32 v14, v8;
	v12 =	vadd.f32 v17, v9  }
0xaa: {  	v11 =	vadd.f32 v58, v10;
	v10 =	vadd.f32 v59, v16;
	v17 =	vld [tilespmem:s24+$0x64C0]  }
0xab: {  	v9 =	vadd.f32 v60, v18;
	v8 =	vadd.f32 v61, v21;
	v16 =	vld [tilespmem:s24+$0x64D0]  }
0xac: {  	s23 =	simm.s32 $0x400;
	s22 =	simm.s32 $0x80;
	v7 =	vadd.f32 v62, v22;
	v6 =	vadd.f32 v63, v23;
	v18 =	vld [tilespmem:s24+$0x64E0]  }
.LBB2_5:
0xad: {  	p0 =	sne.s32 s23, $0x6000;
	v21 =	vld [tilespmem:s22+$0x64F0];
	v5 =	vadd.f32 v20, v5  }
0xae: {  	v20 =	vld [tilespmem:s22+$0x4B80];
	v4 =	vadd.f32 v19, v4  }
0xaf: {  	v19 =	vld [tilespmem:s22+$0x4B90];
	v3 =	vadd.f32 v17, v3  }
0xb0: {  	v17 =	vld [tilespmem:s22+$0x4BA0];
	v1 =	vadd.f32 v16, v1  }
0xb1: {  	v16 =	vld [tilespmem:s22+$0x4BB0];
	v0 =	vadd.f32 v18, v0  }
0xb2: {  	v18 =	vld [tilespmem:s22+$0x4BC0];
	v2 =	vadd.f32 v21, v2  }
0xb3: {  	v15 =	vadd.f32 v20, v15;
	v20 =	vld [tilespmem:s22+$0x4BD0]  }
0xb4: {  	v13 =	vadd.f32 v19, v13;
	v19 =	vld [tilespmem:s22+$0x4BE0]  }
0xb5: {  	v14 =	vadd.f32 v17, v14;
	v17 =	vld [tilespmem:s22+$0x4BF0]  }
0xb6: {  	v12 =	vadd.f32 v16, v12;
	v16 =	vld [tilespmem:s22+$0x6480]  }
0xb7: {  	v11 =	vadd.f32 v18, v11;
	v18 =	vld [tilespmem:s22+$0x6490]  }
.Ltmp1:
0xb8: {  	v10 =	vadd.f32 v20, v10;
	v20 =	vld [tilespmem:s22+$0x64A0];
	(pc) =	sbr.rel @p0 .LBB2_5-.Ltmp1, $4  }
0xb9: {  	v9 =	vadd.f32 v19, v9;
	v19 =	vld [tilespmem:s22+$0x64B0]  }
0xba: {  	v8 =	vadd.f32 v17, v8;
	v17 =	vld [tilespmem:s22+$0x64C0]  }
0xbb: {  	v7 =	vadd.f32 v16, v7;
	v16 =	vld [tilespmem:s22+$0x64D0]  }
0xbc: {  	v6 =	vadd.f32 v18, v6;
	v18 =	vld [tilespmem:s22+$0x64E0];
	s22 =	sshra.s32 s23, $0x2;
	s23 =	sadd.s32 $0x200, s23  }
0xbd: {  	v21 =	vld [tilespmem:s22+$0x64F0]  }
0xbe: {  	v22 =	vld [tilespmem:s22+$0x4B80]  }
0xbf: {  	v23 =	vld [tilespmem:s22+$0x4B90]  }
0xc0: {  	v24 =	vld [tilespmem:s22+$0x4BA0]  }
0xc1: {  	v25 =	vld [tilespmem:s22+$0x4BB0]  }
0xc2: {  	v26 =	vld [tilespmem:s22+$0x4BC0]  }
0xc3: {  	v27 =	vld [tilespmem:s22+$0x4BD0]  }
0xc4: {  	v28 =	vld [tilespmem:s22+$0x4BE0]  }
0xc5: {  	v29 =	vld [tilespmem:s22+$0x4BF0]  }
0xc6: {  	v30 =	vld [tilespmem:s22+$0x6480]  }
0xc7: {  	v31 =	vld [tilespmem:s22+$0x6490]  }
0xc8: {  	v32 =	vld [tilespmem:s22+$0x64A0];
	v15 =	vadd.f32 v22, v15  }
0xc9: {  	v56 =	vld [tilespmem:s22+$0x64D0];
	v13 =	vadd.f32 v23, v13  }
0xca: {  	v57 =	vld [tilespmem:s22+$0x64E0];
	v14 =	vadd.f32 v24, v14;
	v15 =	vmul.f32 $1.414213630e-01, v15  }
0xcb: {  	v22 =	vld [tilespmem:s22+$0x64B0];
	v12 =	vadd.f32 v25, v12;
	v13 =	vmul.f32 $1.414213630e-01, v13  }
0xcc: {  	v23 =	vld [tilespmem:s22+$0x64C0];
	v11 =	vadd.f32 v26, v11;
	v14 =	vmul.f32 $1.414213630e-01, v14;
	[tilespmem:s21+$0x1AA00] =	vst v15  }
0xcd: {  	v10 =	vadd.f32 v27, v10;
	v12 =	vmul.f32 $1.414213630e-01, v12;
	[tilespmem:s21+$0x1AA10] =	vst v13  }
0xce: {  	v9 =	vadd.f32 v28, v9;
	v11 =	vmul.f32 $1.414213630e-01, v11;
	[tilespmem:s21+$0x1AA20] =	vst v14  }
0xcf: {  	v8 =	vadd.f32 v29, v8;
	v10 =	vmul.f32 $1.414213630e-01, v10;
	[tilespmem:s21+$0x1AA30] =	vst v12  }
0xd0: {  	v5 =	vadd.f32 v20, v5;
	v7 =	vadd.f32 v30, v7;
	v9 =	vmul.f32 $1.414213630e-01, v9;
	[tilespmem:s21+$0x1AA40] =	vst v11  }
0xd1: {  	v1 =	vadd.f32 v16, v1;
	v6 =	vadd.f32 v31, v6;
	v8 =	vmul.f32 $1.414213630e-01, v8;
	[tilespmem:s21+$0x1AA50] =	vst v10  }
0xd2: {  	v0 =	vadd.f32 v18, v0;
	v5 =	vadd.f32 v32, v5;
	v7 =	vmul.f32 $1.414213630e-01, v7;
	[tilespmem:s21+$0x1AA60] =	vst v9  }
0xd3: {  	v1 =	vadd.f32 v56, v1;
	v6 =	vmul.f32 $1.414213630e-01, v6;
	[tilespmem:s21+$0x1AA70] =	vst v8  }
0xd4: {  	v4 =	vadd.f32 v19, v4;
	v0 =	vadd.f32 v57, v0;
	v5 =	vmul.f32 $1.414213630e-01, v5;
	[tilespmem:s21+$0x1AA80] =	vst v7  }
0xd5: {  	v3 =	vadd.f32 v17, v3;
	v2 =	vadd.f32 v21, v2;
	v1 =	vmul.f32 $1.414213630e-01, v1;
	[tilespmem:s21+$0x1AA90] =	vst v6  }
0xd6: {  	v0 =	vmul.f32 $1.414213630e-01, v0;
	[tilespmem:s21+$0x1AAA0] =	vst v5;
	v4 =	vadd.f32 v22, v4  }
0xd7: {  	[tilespmem:s21+$0x1AAD0] =	vst v1;
	v1 =	vmul.f32 $1.414213630e-01, v2;
	v3 =	vadd.f32 v23, v3  }
0xd8: {  	[tilespmem:s21+$0x1AAE0] =	vst v0;
	v4 =	vmul.f32 $1.414213630e-01, v4  }
0xd9: {  	[tilespmem:s21+$0x1AAF0] =	vst v1;
	v3 =	vmul.f32 $1.414213630e-01, v3  }
0xda: {  	[tilespmem:s21+$0x1AAB0] =	vst v4  }
0xdb: {  	[tilespmem:s21+$0x1AAC0] =	vst v3  }
0xdc: {  	_ =	swait.ge [sflag:s14], $0x1C00  }
0xdd: {  	[sflag:s14] =	ssyncset.done $0x0  }
0xde: {  	[sflag:s14] =	ssyncadd.s32 $0xFFFFE400  }
0xdf: {  	_ =	swait.ge [sflag:s14], $0x1800  }
0xe0: {  	[sflag:s14] =	ssyncset.done $0x0  }
0xe1: {  	[sflag:s14] =	ssyncadd.s32 $0xFFFFE800  }
0xe2: {  	_ =	swait.ge [sflag:s14], $0x1800  }
0xe3: {  	p0 =	seq.s32 s19, $0x7;
	[sflag:s14] =	ssyncset.done $0x0  }
0xe4: {  	s22 =	smul.u32 @!p0 $0xC80, s19;
	[sflag:s14] =	ssyncadd.s32 $0xFFFFE800  }
0xe5: {  	_ =	swait.ge [sflag:s14], $0x1800  }
0xe6: {  	s24 =	simm.s32 @!p0 $0x38;
	s22 =	sshra.s32 @!p0 s22, $0x2;
	[sflag:s14] =	ssyncset.done $0x0  }
0xe7: {  	s25 =	simm.s32 @!p0 $0x1900;
	s23 =	sadd.s32 @!p0 $0x320, s22;
	[sflag:s14] =	ssyncadd.s32 $0xFFFFE800  }
0xe8: {  	[tilespmem:s25], [sflag:$0x1] =	stream.indirect.gather @!p0 [hbm4b:s1+s24], $0x80, s23, s24, $0xb8;
	[tilespmem:$0x1E900] =	vst v63  }
0xe9: {  	s23 =	sadd.s32 @!p0 $0x358, s22;
	s24 =	simm.s32 @!p0 $0x30;
	s25 =	simm.s32 @!p0 $0x3500  }
0xea: {  	[tilespmem:s25], [sflag:$0x1] =	stream.indirect.gather @!p0 [hbm4b:s1+s24], $0x80, s23, s24, $0xb8;
	[tilespmem:$0x1E900] =	vst v63  }
0xeb: {  	s23 =	sadd.s32 @!p0 $0x388, s22;
	s25 =	simm.s32 @!p0 $0x4D00  }
0xec: {  	[tilespmem:s25], [sflag:$0x1] =	stream.indirect.gather @!p0 [hbm4b:s1+s24], $0x80, s23, s24, $0xb8;
	[tilespmem:$0x1E900] =	vst v63  }
0xed: {  	s23 =	sadd.s32 @!p0 $0x3B8, s22;
	s25 =	simm.s32 @!p0 $0x6500  }
0xee: {  	[tilespmem:s25], [sflag:$0x1] =	stream.indirect.gather @!p0 [hbm4b:s1+s24], $0x80, s23, s24, $0xb8;
	[tilespmem:$0x1E900] =	vst v63  }
0xef: {  	v6 =	vld [tilespmem:$0x7D00]  }
0xf0: {  	v7 =	vld [tilespmem:$0x7D10]  }
0xf1: {  	v8 =	vld [tilespmem:$0x7D20]  }
0xf2: {  	v9 =	vld [tilespmem:$0x7D30]  }
0xf3: {  	v10 =	vld [tilespmem:$0x7D40]  }
0xf4: {  	v16 =	vld [tilespmem:$0x7D50]  }
0xf5: {  	v18 =	vld [tilespmem:$0x7D60]  }
0xf6: {  	v21 =	vld [tilespmem:$0x7D70]  }
0xf7: {  	v22 =	vld [tilespmem:$0x9600]  }
0xf8: {  	v23 =	vld [tilespmem:$0x9610]  }
0xf9: {  	v5 =	vld [tilespmem:$0x9620]  }
0xfa: {  	v4 =	vld [tilespmem:$0x9630]  }
0xfb: {  	v3 =	vld [tilespmem:$0x9640]  }
0xfc: {  	v1 =	vld [tilespmem:$0x9650]  }
0xfd: {  	v0 =	vld [tilespmem:$0x9660]  }
0xfe: {  	s25 =	simm.s32 $0x0;
	v2 =	vld [tilespmem:$0x9670]  }
0xff: {  	v11 =	vld [tilespmem:s25+$0x96F0]  }
0x100: {  	v12 =	vld [tilespmem:s25+$0x7D80]  }
0x101: {  	v13 =	vld [tilespmem:s25+$0x7D90]  }
0x102: {  	v14 =	vld [tilespmem:s25+$0x7DA0]  }
0x103: {  	v17 =	vld [tilespmem:s25+$0x7DB0]  }
0x104: {  	v58 =	vld [tilespmem:s25+$0x7DC0]  }
0x105: {  	v59 =	vld [tilespmem:s25+$0x7DD0]  }
0x106: {  	v60 =	vld [tilespmem:s25+$0x7DE0]  }
0x107: {  	v61 =	vld [tilespmem:s25+$0x7DF0]  }
0x108: {  	v62 =	vld [tilespmem:s25+$0x9680]  }
0x109: {  	v63 =	vld [tilespmem:s25+$0x9690];
	v2 =	vadd.f32 v11, v2  }
0x10a: {  	v20 =	vld [tilespmem:s25+$0x96A0];
	v15 =	vadd.f32 v12, v6;
	v13 =	vadd.f32 v13, v7  }
0x10b: {  	v19 =	vld [tilespmem:s25+$0x96B0];
	v14 =	vadd.f32 v14, v8;
	v12 =	vadd.f32 v17, v9  }
0x10c: {  	v11 =	vadd.f32 v58, v10;
	v10 =	vadd.f32 v59, v16;
	v17 =	vld [tilespmem:s25+$0x96C0]  }
0x10d: {  	v9 =	vadd.f32 v60, v18;
	v8 =	vadd.f32 v61, v21;
	v16 =	vld [tilespmem:s25+$0x96D0]  }
0x10e: {  	s23 =	simm.s32 $0x80;
	s24 =	simm.s32 $0x400;
	v7 =	vadd.f32 v62, v22;
	v6 =	vadd.f32 v63, v23;
	v18 =	vld [tilespmem:s25+$0x96E0]  }
.LBB2_7:
0x10f: {  	p1 =	sne.s32 s24, $0x6000;
	v21 =	vld [tilespmem:s23+$0x96F0];
	v5 =	vadd.f32 v20, v5  }
0x110: {  	v20 =	vld [tilespmem:s23+$0x7D80];
	v4 =	vadd.f32 v19, v4  }
0x111: {  	v19 =	vld [tilespmem:s23+$0x7D90];
	v3 =	vadd.f32 v17, v3  }
0x112: {  	v17 =	vld [tilespmem:s23+$0x7DA0];
	v1 =	vadd.f32 v16, v1  }
0x113: {  	v16 =	vld [tilespmem:s23+$0x7DB0];
	v0 =	vadd.f32 v18, v0  }
0x114: {  	v18 =	vld [tilespmem:s23+$0x7DC0];
	v2 =	vadd.f32 v21, v2  }
0x115: {  	v15 =	vadd.f32 v20, v15;
	v20 =	vld [tilespmem:s23+$0x7DD0]  }
0x116: {  	v13 =	vadd.f32 v19, v13;
	v19 =	vld [tilespmem:s23+$0x7DE0]  }
0x117: {  	v14 =	vadd.f32 v17, v14;
	v17 =	vld [tilespmem:s23+$0x7DF0]  }
0x118: {  	v12 =	vadd.f32 v16, v12;
	v16 =	vld [tilespmem:s23+$0x9680]  }
0x119: {  	v11 =	vadd.f32 v18, v11;
	v18 =	vld [tilespmem:s23+$0x9690]  }
.Ltmp2:
0x11a: {  	v10 =	vadd.f32 v20, v10;
	v20 =	vld [tilespmem:s23+$0x96A0];
	(pc) =	sbr.rel @p1 .LBB2_7-.Ltmp2, $4  }
0x11b: {  	v9 =	vadd.f32 v19, v9;
	v19 =	vld [tilespmem:s23+$0x96B0]  }
0x11c: {  	v8 =	vadd.f32 v17, v8;
	v17 =	vld [tilespmem:s23+$0x96C0]  }
0x11d: {  	v7 =	vadd.f32 v16, v7;
	v16 =	vld [tilespmem:s23+$0x96D0]  }
0x11e: {  	v6 =	vadd.f32 v18, v6;
	v18 =	vld [tilespmem:s23+$0x96E0];
	s23 =	sshra.s32 s24, $0x2;
	s24 =	sadd.s32 $0x200, s24  }
0x11f: {  	v21 =	vld [tilespmem:s23+$0x96F0]  }
0x120: {  	v22 =	vld [tilespmem:s23+$0x7D80]  }
0x121: {  	v23 =	vld [tilespmem:s23+$0x7D90]  }
0x122: {  	v24 =	vld [tilespmem:s23+$0x7DA0]  }
0x123: {  	v25 =	vld [tilespmem:s23+$0x7DB0]  }
0x124: {  	v26 =	vld [tilespmem:s23+$0x7DC0]  }
0x125: {  	v27 =	vld [tilespmem:s23+$0x7DD0]  }
0x126: {  	v28 =	vld [tilespmem:s23+$0x7DE0]  }
0x127: {  	v29 =	vld [tilespmem:s23+$0x7DF0]  }
0x128: {  	v30 =	vld [tilespmem:s23+$0x9680]  }
0x129: {  	v31 =	vld [tilespmem:s23+$0x9690]  }
0x12a: {  	v32 =	vld [tilespmem:s23+$0x96A0];
	v15 =	vadd.f32 v22, v15  }
0x12b: {  	v56 =	vld [tilespmem:s23+$0x96D0];
	v13 =	vadd.f32 v23, v13  }
0x12c: {  	v57 =	vld [tilespmem:s23+$0x96E0];
	v14 =	vadd.f32 v24, v14;
	v15 =	vmul.f32 $1.414213630e-01, v15  }
0x12d: {  	v22 =	vld [tilespmem:s23+$0x96B0];
	v12 =	vadd.f32 v25, v12;
	v13 =	vmul.f32 $1.414213630e-01, v13  }
0x12e: {  	v23 =	vld [tilespmem:s23+$0x96C0];
	v11 =	vadd.f32 v26, v11;
	v14 =	vmul.f32 $1.414213630e-01, v14;
	[tilespmem:s21+$0x1AB00] =	vst v15  }
0x12f: {  	v10 =	vadd.f32 v27, v10;
	v12 =	vmul.f32 $1.414213630e-01, v12;
	[tilespmem:s21+$0x1AB10] =	vst v13  }
0x130: {  	v9 =	vadd.f32 v28, v9;
	v11 =	vmul.f32 $1.414213630e-01, v11;
	[tilespmem:s21+$0x1AB20] =	vst v14  }
0x131: {  	v8 =	vadd.f32 v29, v8;
	v10 =	vmul.f32 $1.414213630e-01, v10;
	[tilespmem:s21+$0x1AB30] =	vst v12  }
0x132: {  	v5 =	vadd.f32 v20, v5;
	v7 =	vadd.f32 v30, v7;
	v9 =	vmul.f32 $1.414213630e-01, v9;
	[tilespmem:s21+$0x1AB40] =	vst v11  }
0x133: {  	v1 =	vadd.f32 v16, v1;
	v6 =	vadd.f32 v31, v6;
	v8 =	vmul.f32 $1.414213630e-01, v8;
	[tilespmem:s21+$0x1AB50] =	vst v10  }
0x134: {  	v0 =	vadd.f32 v18, v0;
	v5 =	vadd.f32 v32, v5;
	v7 =	vmul.f32 $1.414213630e-01, v7;
	[tilespmem:s21+$0x1AB60] =	vst v9  }
0x135: {  	v1 =	vadd.f32 v56, v1;
	v6 =	vmul.f32 $1.414213630e-01, v6;
	[tilespmem:s21+$0x1AB70] =	vst v8  }
0x136: {  	v4 =	vadd.f32 v19, v4;
	v0 =	vadd.f32 v57, v0;
	v5 =	vmul.f32 $1.414213630e-01, v5;
	[tilespmem:s21+$0x1AB80] =	vst v7  }
0x137: {  	v3 =	vadd.f32 v17, v3;
	v2 =	vadd.f32 v21, v2;
	v1 =	vmul.f32 $1.414213630e-01, v1;
	[tilespmem:s21+$0x1AB90] =	vst v6  }
0x138: {  	v0 =	vmul.f32 $1.414213630e-01, v0;
	[tilespmem:s21+$0x1ABA0] =	vst v5;
	v4 =	vadd.f32 v22, v4  }
0x139: {  	[tilespmem:s21+$0x1ABD0] =	vst v1;
	v1 =	vmul.f32 $1.414213630e-01, v2;
	v3 =	vadd.f32 v23, v3  }
0x13a: {  	[tilespmem:s21+$0x1ABE0] =	vst v0;
	v4 =	vmul.f32 $1.414213630e-01, v4  }
0x13b: {  	[tilespmem:s21+$0x1ABF0] =	vst v1;
	v3 =	vmul.f32 $1.414213630e-01, v3  }
0x13c: {  	[tilespmem:s21+$0x1ABB0] =	vst v4  }
0x13d: {  	[tilespmem:s21+$0x1ABC0] =	vst v3  }
0x13e: {  	v6 =	vld [tilespmem:$0xAF00]  }
0x13f: {  	v7 =	vld [tilespmem:$0xAF10]  }
0x140: {  	v8 =	vld [tilespmem:$0xAF20]  }
0x141: {  	v9 =	vld [tilespmem:$0xAF30]  }
0x142: {  	v10 =	vld [tilespmem:$0xAF40]  }
0x143: {  	v16 =	vld [tilespmem:$0xAF50]  }
0x144: {  	v18 =	vld [tilespmem:$0xAF60]  }
0x145: {  	v21 =	vld [tilespmem:$0xAF70]  }
0x146: {  	v22 =	vld [tilespmem:$0xC800]  }
0x147: {  	v23 =	vld [tilespmem:$0xC810]  }
0x148: {  	v5 =	vld [tilespmem:$0xC820]  }
0x149: {  	v4 =	vld [tilespmem:$0xC830]  }
0x14a: {  	v3 =	vld [tilespmem:$0xC840]  }
0x14b: {  	v1 =	vld [tilespmem:$0xC850]  }
0x14c: {  	v0 =	vld [tilespmem:$0xC860]  }
0x14d: {  	s25 =	simm.s32 $0x0;
	v2 =	vld [tilespmem:$0xC870]  }
0x14e: {  	v11 =	vld [tilespmem:s25+$0xC8F0]  }
0x14f: {  	v12 =	vld [tilespmem:s25+$0xAF80]  }
0x150: {  	v13 =	vld [tilespmem:s25+$0xAF90]  }
0x151: {  	v14 =	vld [tilespmem:s25+$0xAFA0]  }
0x152: {  	v17 =	vld [tilespmem:s25+$0xAFB0]  }
0x153: {  	v58 =	vld [tilespmem:s25+$0xAFC0]  }
0x154: {  	v59 =	vld [tilespmem:s25+$0xAFD0]  }
0x155: {  	v60 =	vld [tilespmem:s25+$0xAFE0]  }
0x156: {  	v61 =	vld [tilespmem:s25+$0xAFF0]  }
0x157: {  	v62 =	vld [tilespmem:s25+$0xC880]  }
0x158: {  	v63 =	vld [tilespmem:s25+$0xC890];
	v2 =	vadd.f32 v11, v2  }
0x159: {  	v20 =	vld [tilespmem:s25+$0xC8A0];
	v15 =	vadd.f32 v12, v6;
	v13 =	vadd.f32 v13, v7  }
0x15a: {  	v19 =	vld [tilespmem:s25+$0xC8B0];
	v14 =	vadd.f32 v14, v8;
	v12 =	vadd.f32 v17, v9  }
0x15b: {  	v11 =	vadd.f32 v58, v10;
	v10 =	vadd.f32 v59, v16;
	v17 =	vld [tilespmem:s25+$0xC8C0]  }
0x15c: {  	v9 =	vadd.f32 v60, v18;
	v8 =	vadd.f32 v61, v21;
	v16 =	vld [tilespmem:s25+$0xC8D0]  }
0x15d: {  	s24 =	simm.s32 $0x400;
	s23 =	simm.s32 $0x80;
	v7 =	vadd.f32 v62, v22;
	v6 =	vadd.f32 v63, v23;
	v18 =	vld [tilespmem:s25+$0xC8E0]  }
.LBB2_9:
0x15e: {  	p1 =	sne.s32 s24, $0x6000;
	v21 =	vld [tilespmem:s23+$0xC8F0];
	v5 =	vadd.f32 v20, v5  }
0x15f: {  	v20 =	vld [tilespmem:s23+$0xAF80];
	v4 =	vadd.f32 v19, v4  }
0x160: {  	v19 =	vld [tilespmem:s23+$0xAF90];
	v3 =	vadd.f32 v17, v3  }
0x161: {  	v17 =	vld [tilespmem:s23+$0xAFA0];
	v1 =	vadd.f32 v16, v1  }
0x162: {  	v16 =	vld [tilespmem:s23+$0xAFB0];
	v0 =	vadd.f32 v18, v0  }
0x163: {  	v18 =	vld [tilespmem:s23+$0xAFC0];
	v2 =	vadd.f32 v21, v2  }
0x164: {  	v15 =	vadd.f32 v20, v15;
	v20 =	vld [tilespmem:s23+$0xAFD0]  }
0x165: {  	v13 =	vadd.f32 v19, v13;
	v19 =	vld [tilespmem:s23+$0xAFE0]  }
0x166: {  	v14 =	vadd.f32 v17, v14;
	v17 =	vld [tilespmem:s23+$0xAFF0]  }
0x167: {  	v12 =	vadd.f32 v16, v12;
	v16 =	vld [tilespmem:s23+$0xC880]  }
0x168: {  	v11 =	vadd.f32 v18, v11;
	v18 =	vld [tilespmem:s23+$0xC890]  }
.Ltmp3:
0x169: {  	v10 =	vadd.f32 v20, v10;
	v20 =	vld [tilespmem:s23+$0xC8A0];
	(pc) =	sbr.rel @p1 .LBB2_9-.Ltmp3, $4  }
0x16a: {  	v9 =	vadd.f32 v19, v9;
	v19 =	vld [tilespmem:s23+$0xC8B0]  }
0x16b: {  	v8 =	vadd.f32 v17, v8;
	v17 =	vld [tilespmem:s23+$0xC8C0]  }
0x16c: {  	v7 =	vadd.f32 v16, v7;
	v16 =	vld [tilespmem:s23+$0xC8D0]  }
0x16d: {  	v6 =	vadd.f32 v18, v6;
	v18 =	vld [tilespmem:s23+$0xC8E0];
	s23 =	sshra.s32 s24, $0x2;
	s24 =	sadd.s32 $0x200, s24  }
0x16e: {  	v21 =	vld [tilespmem:s23+$0xC8F0]  }
0x16f: {  	v22 =	vld [tilespmem:s23+$0xAF80]  }
0x170: {  	v23 =	vld [tilespmem:s23+$0xAF90]  }
0x171: {  	v24 =	vld [tilespmem:s23+$0xAFA0]  }
0x172: {  	v25 =	vld [tilespmem:s23+$0xAFB0]  }
0x173: {  	v26 =	vld [tilespmem:s23+$0xAFC0]  }
0x174: {  	v27 =	vld [tilespmem:s23+$0xAFD0]  }
0x175: {  	v28 =	vld [tilespmem:s23+$0xAFE0]  }
0x176: {  	v29 =	vld [tilespmem:s23+$0xAFF0]  }
0x177: {  	v30 =	vld [tilespmem:s23+$0xC880]  }
0x178: {  	v31 =	vld [tilespmem:s23+$0xC890]  }
0x179: {  	v32 =	vld [tilespmem:s23+$0xC8A0];
	v15 =	vadd.f32 v22, v15  }
0x17a: {  	v56 =	vld [tilespmem:s23+$0xC8D0];
	v13 =	vadd.f32 v23, v13  }
0x17b: {  	v57 =	vld [tilespmem:s23+$0xC8E0];
	v14 =	vadd.f32 v24, v14;
	v15 =	vmul.f32 $1.414213630e-01, v15  }
0x17c: {  	v22 =	vld [tilespmem:s23+$0xC8B0];
	v12 =	vadd.f32 v25, v12;
	v13 =	vmul.f32 $1.414213630e-01, v13  }
0x17d: {  	v23 =	vld [tilespmem:s23+$0xC8C0];
	v11 =	vadd.f32 v26, v11;
	v14 =	vmul.f32 $1.414213630e-01, v14;
	[tilespmem:s21+$0x1AC00] =	vst v15  }
0x17e: {  	v10 =	vadd.f32 v27, v10;
	v12 =	vmul.f32 $1.414213630e-01, v12;
	[tilespmem:s21+$0x1AC10] =	vst v13  }
0x17f: {  	v9 =	vadd.f32 v28, v9;
	v11 =	vmul.f32 $1.414213630e-01, v11;
	[tilespmem:s21+$0x1AC20] =	vst v14  }
0x180: {  	v8 =	vadd.f32 v29, v8;
	v10 =	vmul.f32 $1.414213630e-01, v10;
	[tilespmem:s21+$0x1AC30] =	vst v12  }
0x181: {  	v5 =	vadd.f32 v20, v5;
	v7 =	vadd.f32 v30, v7;
	v9 =	vmul.f32 $1.414213630e-01, v9;
	[tilespmem:s21+$0x1AC40] =	vst v11  }
0x182: {  	v1 =	vadd.f32 v16, v1;
	v6 =	vadd.f32 v31, v6;
	v8 =	vmul.f32 $1.414213630e-01, v8;
	[tilespmem:s21+$0x1AC50] =	vst v10  }
0x183: {  	v0 =	vadd.f32 v18, v0;
	v5 =	vadd.f32 v32, v5;
	v7 =	vmul.f32 $1.414213630e-01, v7;
	[tilespmem:s21+$0x1AC60] =	vst v9  }
0x184: {  	v1 =	vadd.f32 v56, v1;
	v6 =	vmul.f32 $1.414213630e-01, v6;
	[tilespmem:s21+$0x1AC70] =	vst v8  }
0x185: {  	v4 =	vadd.f32 v19, v4;
	v0 =	vadd.f32 v57, v0;
	v5 =	vmul.f32 $1.414213630e-01, v5;
	[tilespmem:s21+$0x1AC80] =	vst v7  }
0x186: {  	v3 =	vadd.f32 v17, v3;
	v2 =	vadd.f32 v21, v2;
	v1 =	vmul.f32 $1.414213630e-01, v1;
	[tilespmem:s21+$0x1AC90] =	vst v6  }
0x187: {  	v0 =	vmul.f32 $1.414213630e-01, v0;
	[tilespmem:s21+$0x1ACA0] =	vst v5;
	v4 =	vadd.f32 v22, v4  }
0x188: {  	[tilespmem:s21+$0x1ACD0] =	vst v1;
	v1 =	vmul.f32 $1.414213630e-01, v2;
	v3 =	vadd.f32 v23, v3  }
0x189: {  	[tilespmem:s21+$0x1ACE0] =	vst v0;
	v4 =	vmul.f32 $1.414213630e-01, v4  }
0x18a: {  	[tilespmem:s21+$0x1ACF0] =	vst v1;
	v3 =	vmul.f32 $1.414213630e-01, v3  }
0x18b: {  	[tilespmem:s21+$0x1ACB0] =	vst v4  }
0x18c: {  	[tilespmem:s21+$0x1ACC0] =	vst v3  }
0x18d: {  	_ =	swait.ge [sflag:s15], $0x1C00  }
0x18e: {  	[sflag:s15] =	ssyncset.done $0x0  }
0x18f: {  	[sflag:s15] =	ssyncadd.s32 $0xFFFFE400  }
0x190: {  	_ =	swait.ge [sflag:s15], $0x1800  }
0x191: {  	[sflag:s15] =	ssyncset.done $0x0  }
0x192: {  	[sflag:s15] =	ssyncadd.s32 $0xFFFFE800  }
0x193: {  	_ =	swait.ge [sflag:s15], $0x1800  }
0x194: {  	[sflag:s15] =	ssyncset.done $0x0  }
0x195: {  	[sflag:s15] =	ssyncadd.s32 $0xFFFFE800  }
0x196: {  	_ =	swait.ge [sflag:s15], $0x1800  }
0x197: {  	s24 =	simm.s32 @!p0 $0x38;
	[sflag:s15] =	ssyncset.done $0x0  }
0x198: {  	s25 =	simm.s32 @!p0 $0x7D00;
	s23 =	sadd.s32 @!p0 $0x3E8, s22;
	[sflag:s15] =	ssyncadd.s32 $0xFFFFE800  }
0x199: {  	[tilespmem:s25], [sflag:$0x2] =	stream.indirect.gather @!p0 [hbm4b:s1+s24], $0x80, s23, s24, $0xb8;
	[tilespmem:$0x1E900] =	vst v63  }
0x19a: {  	s23 =	sadd.s32 @!p0 $0x420, s22;
	s24 =	simm.s32 @!p0 $0x30;
	s25 =	simm.s32 @!p0 $0x9900  }
0x19b: {  	[tilespmem:s25], [sflag:$0x2] =	stream.indirect.gather @!p0 [hbm4b:s1+s24], $0x80, s23, s24, $0xb8;
	[tilespmem:$0x1E900] =	vst v63  }
0x19c: {  	s23 =	sadd.s32 @!p0 $0x450, s22;
	s25 =	simm.s32 @!p0 $0xB100  }
0x19d: {  	[tilespmem:s25], [sflag:$0x2] =	stream.indirect.gather @!p0 [hbm4b:s1+s24], $0x80, s23, s24, $0xb8;
	[tilespmem:$0x1E900] =	vst v63  }
0x19e: {  	s23 =	sadd.s32 @!p0 $0x480, s22;
	s25 =	simm.s32 @!p0 $0xC900  }
0x19f: {  	[tilespmem:s25], [sflag:$0x2] =	stream.indirect.gather @!p0 [hbm4b:s1+s24], $0x80, s23, s24, $0xb8;
	[tilespmem:$0x1E900] =	vst v63  }
0x1a0: {  	v6 =	vld [tilespmem:$0xE100]  }
0x1a1: {  	v7 =	vld [tilespmem:$0xE110]  }
0x1a2: {  	v8 =	vld [tilespmem:$0xE120]  }
0x1a3: {  	v9 =	vld [tilespmem:$0xE130]  }
0x1a4: {  	v10 =	vld [tilespmem:$0xE140]  }
0x1a5: {  	v16 =	vld [tilespmem:$0xE150]  }
0x1a6: {  	v18 =	vld [tilespmem:$0xE160]  }
0x1a7: {  	v21 =	vld [tilespmem:$0xE170]  }
0x1a8: {  	v22 =	vld [tilespmem:$0xFA00]  }
0x1a9: {  	v23 =	vld [tilespmem:$0xFA10]  }
0x1aa: {  	v5 =	vld [tilespmem:$0xFA20]  }
0x1ab: {  	v4 =	vld [tilespmem:$0xFA30]  }
0x1ac: {  	v3 =	vld [tilespmem:$0xFA40]  }
0x1ad: {  	v1 =	vld [tilespmem:$0xFA50]  }
0x1ae: {  	v0 =	vld [tilespmem:$0xFA60]  }
0x1af: {  	s25 =	simm.s32 $0x0;
	v2 =	vld [tilespmem:$0xFA70]  }
0x1b0: {  	v11 =	vld [tilespmem:s25+$0xFAF0]  }
0x1b1: {  	v12 =	vld [tilespmem:s25+$0xE180]  }
0x1b2: {  	v13 =	vld [tilespmem:s25+$0xE190]  }
0x1b3: {  	v14 =	vld [tilespmem:s25+$0xE1A0]  }
0x1b4: {  	v17 =	vld [tilespmem:s25+$0xE1B0]  }
0x1b5: {  	v58 =	vld [tilespmem:s25+$0xE1C0]  }
0x1b6: {  	v59 =	vld [tilespmem:s25+$0xE1D0]  }
0x1b7: {  	v60 =	vld [tilespmem:s25+$0xE1E0]  }
0x1b8: {  	v61 =	vld [tilespmem:s25+$0xE1F0]  }
0x1b9: {  	v62 =	vld [tilespmem:s25+$0xFA80]  }
0x1ba: {  	v63 =	vld [tilespmem:s25+$0xFA90];
	v2 =	vadd.f32 v11, v2  }
0x1bb: {  	v20 =	vld [tilespmem:s25+$0xFAA0];
	v15 =	vadd.f32 v12, v6;
	v13 =	vadd.f32 v13, v7  }
0x1bc: {  	v19 =	vld [tilespmem:s25+$0xFAB0];
	v14 =	vadd.f32 v14, v8;
	v12 =	vadd.f32 v17, v9  }
0x1bd: {  	v11 =	vadd.f32 v58, v10;
	v10 =	vadd.f32 v59, v16;
	v17 =	vld [tilespmem:s25+$0xFAC0]  }
0x1be: {  	v9 =	vadd.f32 v60, v18;
	v8 =	vadd.f32 v61, v21;
	v16 =	vld [tilespmem:s25+$0xFAD0]  }
0x1bf: {  	s23 =	simm.s32 $0x80;
	s24 =	simm.s32 $0x400;
	v7 =	vadd.f32 v62, v22;
	v6 =	vadd.f32 v63, v23;
	v18 =	vld [tilespmem:s25+$0xFAE0]  }
.LBB2_11:
0x1c0: {  	p1 =	sne.s32 s24, $0x6000;
	v21 =	vld [tilespmem:s23+$0xFAF0];
	v5 =	vadd.f32 v20, v5  }
0x1c1: {  	v20 =	vld [tilespmem:s23+$0xE180];
	v4 =	vadd.f32 v19, v4  }
0x1c2: {  	v19 =	vld [tilespmem:s23+$0xE190];
	v3 =	vadd.f32 v17, v3  }
0x1c3: {  	v17 =	vld [tilespmem:s23+$0xE1A0];
	v1 =	vadd.f32 v16, v1  }
0x1c4: {  	v16 =	vld [tilespmem:s23+$0xE1B0];
	v0 =	vadd.f32 v18, v0  }
0x1c5: {  	v18 =	vld [tilespmem:s23+$0xE1C0];
	v2 =	vadd.f32 v21, v2  }
0x1c6: {  	v15 =	vadd.f32 v20, v15;
	v20 =	vld [tilespmem:s23+$0xE1D0]  }
0x1c7: {  	v13 =	vadd.f32 v19, v13;
	v19 =	vld [tilespmem:s23+$0xE1E0]  }
0x1c8: {  	v14 =	vadd.f32 v17, v14;
	v17 =	vld [tilespmem:s23+$0xE1F0]  }
0x1c9: {  	v12 =	vadd.f32 v16, v12;
	v16 =	vld [tilespmem:s23+$0xFA80]  }
0x1ca: {  	v11 =	vadd.f32 v18, v11;
	v18 =	vld [tilespmem:s23+$0xFA90]  }
.Ltmp4:
0x1cb: {  	v10 =	vadd.f32 v20, v10;
	v20 =	vld [tilespmem:s23+$0xFAA0];
	(pc) =	sbr.rel @p1 .LBB2_11-.Ltmp4, $4  }
0x1cc: {  	v9 =	vadd.f32 v19, v9;
	v19 =	vld [tilespmem:s23+$0xFAB0]  }
0x1cd: {  	v8 =	vadd.f32 v17, v8;
	v17 =	vld [tilespmem:s23+$0xFAC0]  }
0x1ce: {  	v7 =	vadd.f32 v16, v7;
	v16 =	vld [tilespmem:s23+$0xFAD0]  }
0x1cf: {  	v6 =	vadd.f32 v18, v6;
	v18 =	vld [tilespmem:s23+$0xFAE0];
	s23 =	sshra.s32 s24, $0x2;
	s24 =	sadd.s32 $0x200, s24  }
0x1d0: {  	v21 =	vld [tilespmem:s23+$0xFAF0]  }
0x1d1: {  	v22 =	vld [tilespmem:s23+$0xE180]  }
0x1d2: {  	v23 =	vld [tilespmem:s23+$0xE190]  }
0x1d3: {  	v24 =	vld [tilespmem:s23+$0xE1A0]  }
0x1d4: {  	v25 =	vld [tilespmem:s23+$0xE1B0]  }
0x1d5: {  	v26 =	vld [tilespmem:s23+$0xE1C0]  }
0x1d6: {  	v27 =	vld [tilespmem:s23+$0xE1D0]  }
0x1d7: {  	v28 =	vld [tilespmem:s23+$0xE1E0]  }
0x1d8: {  	v29 =	vld [tilespmem:s23+$0xE1F0]  }
0x1d9: {  	v30 =	vld [tilespmem:s23+$0xFA80]  }
0x1da: {  	v31 =	vld [tilespmem:s23+$0xFA90]  }
0x1db: {  	v32 =	vld [tilespmem:s23+$0xFAA0];
	v15 =	vadd.f32 v22, v15  }
0x1dc: {  	v56 =	vld [tilespmem:s23+$0xFAD0];
	v13 =	vadd.f32 v23, v13  }
0x1dd: {  	v57 =	vld [tilespmem:s23+$0xFAE0];
	v14 =	vadd.f32 v24, v14;
	v15 =	vmul.f32 $1.414213630e-01, v15  }
0x1de: {  	v22 =	vld [tilespmem:s23+$0xFAB0];
	v12 =	vadd.f32 v25, v12;
	v13 =	vmul.f32 $1.414213630e-01, v13  }
0x1df: {  	v23 =	vld [tilespmem:s23+$0xFAC0];
	v11 =	vadd.f32 v26, v11;
	v14 =	vmul.f32 $1.414213630e-01, v14;
	[tilespmem:s21+$0x1AD00] =	vst v15  }
0x1e0: {  	v10 =	vadd.f32 v27, v10;
	v12 =	vmul.f32 $1.414213630e-01, v12;
	[tilespmem:s21+$0x1AD10] =	vst v13  }
0x1e1: {  	v9 =	vadd.f32 v28, v9;
	v11 =	vmul.f32 $1.414213630e-01, v11;
	[tilespmem:s21+$0x1AD20] =	vst v14  }
0x1e2: {  	v8 =	vadd.f32 v29, v8;
	v10 =	vmul.f32 $1.414213630e-01, v10;
	[tilespmem:s21+$0x1AD30] =	vst v12  }
0x1e3: {  	v5 =	vadd.f32 v20, v5;
	v7 =	vadd.f32 v30, v7;
	v9 =	vmul.f32 $1.414213630e-01, v9;
	[tilespmem:s21+$0x1AD40] =	vst v11  }
0x1e4: {  	v1 =	vadd.f32 v16, v1;
	v6 =	vadd.f32 v31, v6;
	v8 =	vmul.f32 $1.414213630e-01, v8;
	[tilespmem:s21+$0x1AD50] =	vst v10  }
0x1e5: {  	v0 =	vadd.f32 v18, v0;
	v5 =	vadd.f32 v32, v5;
	v7 =	vmul.f32 $1.414213630e-01, v7;
	[tilespmem:s21+$0x1AD60] =	vst v9  }
0x1e6: {  	v1 =	vadd.f32 v56, v1;
	v6 =	vmul.f32 $1.414213630e-01, v6;
	[tilespmem:s21+$0x1AD70] =	vst v8  }
0x1e7: {  	v4 =	vadd.f32 v19, v4;
	v0 =	vadd.f32 v57, v0;
	v5 =	vmul.f32 $1.414213630e-01, v5;
	[tilespmem:s21+$0x1AD80] =	vst v7  }
0x1e8: {  	v3 =	vadd.f32 v17, v3;
	v2 =	vadd.f32 v21, v2;
	v1 =	vmul.f32 $1.414213630e-01, v1;
	[tilespmem:s21+$0x1AD90] =	vst v6  }
0x1e9: {  	v0 =	vmul.f32 $1.414213630e-01, v0;
	[tilespmem:s21+$0x1ADA0] =	vst v5;
	v4 =	vadd.f32 v22, v4  }
0x1ea: {  	[tilespmem:s21+$0x1ADD0] =	vst v1;
	v1 =	vmul.f32 $1.414213630e-01, v2;
	v3 =	vadd.f32 v23, v3  }
0x1eb: {  	[tilespmem:s21+$0x1ADE0] =	vst v0;
	v4 =	vmul.f32 $1.414213630e-01, v4  }
0x1ec: {  	[tilespmem:s21+$0x1ADF0] =	vst v1;
	v3 =	vmul.f32 $1.414213630e-01, v3  }
0x1ed: {  	[tilespmem:s21+$0x1ADB0] =	vst v4  }
0x1ee: {  	[tilespmem:s21+$0x1ADC0] =	vst v3  }
0x1ef: {  	v6 =	vld [tilespmem:$0x11300]  }
0x1f0: {  	v7 =	vld [tilespmem:$0x11310]  }
0x1f1: {  	v8 =	vld [tilespmem:$0x11320]  }
0x1f2: {  	v9 =	vld [tilespmem:$0x11330]  }
0x1f3: {  	v10 =	vld [tilespmem:$0x11340]  }
0x1f4: {  	v16 =	vld [tilespmem:$0x11350]  }
0x1f5: {  	v18 =	vld [tilespmem:$0x11360]  }
0x1f6: {  	v21 =	vld [tilespmem:$0x11370]  }
0x1f7: {  	v22 =	vld [tilespmem:$0x12C00]  }
0x1f8: {  	v23 =	vld [tilespmem:$0x12C10]  }
0x1f9: {  	v5 =	vld [tilespmem:$0x12C20]  }
0x1fa: {  	v4 =	vld [tilespmem:$0x12C30]  }
0x1fb: {  	v3 =	vld [tilespmem:$0x12C40]  }
0x1fc: {  	v1 =	vld [tilespmem:$0x12C50]  }
0x1fd: {  	v0 =	vld [tilespmem:$0x12C60]  }
0x1fe: {  	s25 =	simm.s32 $0x0;
	v2 =	vld [tilespmem:$0x12C70]  }
0x1ff: {  	v11 =	vld [tilespmem:s25+$0x12CF0]  }
0x200: {  	v12 =	vld [tilespmem:s25+$0x11380]  }
0x201: {  	v13 =	vld [tilespmem:s25+$0x11390]  }
0x202: {  	v14 =	vld [tilespmem:s25+$0x113A0]  }
0x203: {  	v17 =	vld [tilespmem:s25+$0x113B0]  }
0x204: {  	v58 =	vld [tilespmem:s25+$0x113C0]  }
0x205: {  	v59 =	vld [tilespmem:s25+$0x113D0]  }
0x206: {  	v60 =	vld [tilespmem:s25+$0x113E0]  }
0x207: {  	v61 =	vld [tilespmem:s25+$0x113F0]  }
0x208: {  	v62 =	vld [tilespmem:s25+$0x12C80]  }
0x209: {  	v63 =	vld [tilespmem:s25+$0x12C90];
	v2 =	vadd.f32 v11, v2  }
0x20a: {  	v20 =	vld [tilespmem:s25+$0x12CA0];
	v15 =	vadd.f32 v12, v6;
	v13 =	vadd.f32 v13, v7  }
0x20b: {  	v19 =	vld [tilespmem:s25+$0x12CB0];
	v14 =	vadd.f32 v14, v8;
	v12 =	vadd.f32 v17, v9  }
0x20c: {  	v11 =	vadd.f32 v58, v10;
	v10 =	vadd.f32 v59, v16;
	v17 =	vld [tilespmem:s25+$0x12CC0]  }
0x20d: {  	v9 =	vadd.f32 v60, v18;
	v8 =	vadd.f32 v61, v21;
	v16 =	vld [tilespmem:s25+$0x12CD0]  }
0x20e: {  	s24 =	simm.s32 $0x400;
	s23 =	simm.s32 $0x80;
	v7 =	vadd.f32 v62, v22;
	v6 =	vadd.f32 v63, v23;
	v18 =	vld [tilespmem:s25+$0x12CE0]  }
.LBB2_13:
0x20f: {  	p1 =	sne.s32 s24, $0x6000;
	v21 =	vld [tilespmem:s23+$0x12CF0];
	v5 =	vadd.f32 v20, v5  }
0x210: {  	v20 =	vld [tilespmem:s23+$0x11380];
	v4 =	vadd.f32 v19, v4  }
0x211: {  	v19 =	vld [tilespmem:s23+$0x11390];
	v3 =	vadd.f32 v17, v3  }
0x212: {  	v17 =	vld [tilespmem:s23+$0x113A0];
	v1 =	vadd.f32 v16, v1  }
0x213: {  	v16 =	vld [tilespmem:s23+$0x113B0];
	v0 =	vadd.f32 v18, v0  }
0x214: {  	v18 =	vld [tilespmem:s23+$0x113C0];
	v2 =	vadd.f32 v21, v2  }
0x215: {  	v15 =	vadd.f32 v20, v15;
	v20 =	vld [tilespmem:s23+$0x113D0]  }
0x216: {  	v13 =	vadd.f32 v19, v13;
	v19 =	vld [tilespmem:s23+$0x113E0]  }
0x217: {  	v14 =	vadd.f32 v17, v14;
	v17 =	vld [tilespmem:s23+$0x113F0]  }
0x218: {  	v12 =	vadd.f32 v16, v12;
	v16 =	vld [tilespmem:s23+$0x12C80]  }
0x219: {  	v11 =	vadd.f32 v18, v11;
	v18 =	vld [tilespmem:s23+$0x12C90]  }
.Ltmp5:
0x21a: {  	v10 =	vadd.f32 v20, v10;
	v20 =	vld [tilespmem:s23+$0x12CA0];
	(pc) =	sbr.rel @p1 .LBB2_13-.Ltmp5, $4  }
0x21b: {  	v9 =	vadd.f32 v19, v9;
	v19 =	vld [tilespmem:s23+$0x12CB0]  }
0x21c: {  	v8 =	vadd.f32 v17, v8;
	v17 =	vld [tilespmem:s23+$0x12CC0]  }
0x21d: {  	v7 =	vadd.f32 v16, v7;
	v16 =	vld [tilespmem:s23+$0x12CD0]  }
0x21e: {  	v6 =	vadd.f32 v18, v6;
	v18 =	vld [tilespmem:s23+$0x12CE0];
	s23 =	sshra.s32 s24, $0x2;
	s24 =	sadd.s32 $0x200, s24  }
0x21f: {  	v21 =	vld [tilespmem:s23+$0x12CF0]  }
0x220: {  	v22 =	vld [tilespmem:s23+$0x11380]  }
0x221: {  	v23 =	vld [tilespmem:s23+$0x11390]  }
0x222: {  	v24 =	vld [tilespmem:s23+$0x113A0]  }
0x223: {  	v25 =	vld [tilespmem:s23+$0x113B0]  }
0x224: {  	v26 =	vld [tilespmem:s23+$0x113C0]  }
0x225: {  	v27 =	vld [tilespmem:s23+$0x113D0]  }
0x226: {  	v28 =	vld [tilespmem:s23+$0x113E0]  }
0x227: {  	v29 =	vld [tilespmem:s23+$0x113F0]  }
0x228: {  	v30 =	vld [tilespmem:s23+$0x12C80]  }
0x229: {  	v31 =	vld [tilespmem:s23+$0x12C90]  }
0x22a: {  	v32 =	vld [tilespmem:s23+$0x12CA0];
	v15 =	vadd.f32 v22, v15  }
0x22b: {  	v56 =	vld [tilespmem:s23+$0x12CD0];
	v13 =	vadd.f32 v23, v13  }
0x22c: {  	v57 =	vld [tilespmem:s23+$0x12CE0];
	v14 =	vadd.f32 v24, v14;
	v15 =	vmul.f32 $1.414213630e-01, v15  }
0x22d: {  	v22 =	vld [tilespmem:s23+$0x12CB0];
	v12 =	vadd.f32 v25, v12;
	v13 =	vmul.f32 $1.414213630e-01, v13  }
0x22e: {  	v23 =	vld [tilespmem:s23+$0x12CC0];
	v11 =	vadd.f32 v26, v11;
	v14 =	vmul.f32 $1.414213630e-01, v14;
	[tilespmem:s21+$0x1AE00] =	vst v15  }
0x22f: {  	v10 =	vadd.f32 v27, v10;
	v12 =	vmul.f32 $1.414213630e-01, v12;
	[tilespmem:s21+$0x1AE10] =	vst v13  }
0x230: {  	v9 =	vadd.f32 v28, v9;
	v11 =	vmul.f32 $1.414213630e-01, v11;
	[tilespmem:s21+$0x1AE20] =	vst v14  }
0x231: {  	v8 =	vadd.f32 v29, v8;
	v10 =	vmul.f32 $1.414213630e-01, v10;
	[tilespmem:s21+$0x1AE30] =	vst v12  }
0x232: {  	v5 =	vadd.f32 v20, v5;
	v7 =	vadd.f32 v30, v7;
	v9 =	vmul.f32 $1.414213630e-01, v9;
	[tilespmem:s21+$0x1AE40] =	vst v11  }
0x233: {  	v1 =	vadd.f32 v16, v1;
	v6 =	vadd.f32 v31, v6;
	v8 =	vmul.f32 $1.414213630e-01, v8;
	[tilespmem:s21+$0x1AE50] =	vst v10  }
0x234: {  	v0 =	vadd.f32 v18, v0;
	v5 =	vadd.f32 v32, v5;
	v7 =	vmul.f32 $1.414213630e-01, v7;
	[tilespmem:s21+$0x1AE60] =	vst v9  }
0x235: {  	v1 =	vadd.f32 v56, v1;
	v6 =	vmul.f32 $1.414213630e-01, v6;
	[tilespmem:s21+$0x1AE70] =	vst v8  }
0x236: {  	v4 =	vadd.f32 v19, v4;
	v0 =	vadd.f32 v57, v0;
	v5 =	vmul.f32 $1.414213630e-01, v5;
	[tilespmem:s21+$0x1AE80] =	vst v7  }
0x237: {  	v3 =	vadd.f32 v17, v3;
	v2 =	vadd.f32 v21, v2;
	v1 =	vmul.f32 $1.414213630e-01, v1;
	[tilespmem:s21+$0x1AE90] =	vst v6  }
0x238: {  	v0 =	vmul.f32 $1.414213630e-01, v0;
	[tilespmem:s21+$0x1AEA0] =	vst v5;
	v4 =	vadd.f32 v22, v4  }
0x239: {  	[tilespmem:s21+$0x1AED0] =	vst v1;
	v1 =	vmul.f32 $1.414213630e-01, v2;
	v3 =	vadd.f32 v23, v3  }
0x23a: {  	[tilespmem:s21+$0x1AEE0] =	vst v0;
	v4 =	vmul.f32 $1.414213630e-01, v4  }
0x23b: {  	[tilespmem:s21+$0x1AEF0] =	vst v1;
	v3 =	vmul.f32 $1.414213630e-01, v3  }
0x23c: {  	[tilespmem:s21+$0x1AEB0] =	vst v4  }
0x23d: {  	[tilespmem:s21+$0x1AEC0] =	vst v3  }
0x23e: {  	_ =	swait.ge [sflag:s16], $0x1C00  }
0x23f: {  	[sflag:s16] =	ssyncset.done $0x0  }
0x240: {  	[sflag:s16] =	ssyncadd.s32 $0xFFFFE400  }
0x241: {  	_ =	swait.ge [sflag:s16], $0x1800  }
0x242: {  	[sflag:s16] =	ssyncset.done $0x0  }
0x243: {  	[sflag:s16] =	ssyncadd.s32 $0xFFFFE800  }
0x244: {  	_ =	swait.ge [sflag:s16], $0x1800  }
0x245: {  	[sflag:s16] =	ssyncset.done $0x0  }
0x246: {  	[sflag:s16] =	ssyncadd.s32 $0xFFFFE800  }
0x247: {  	_ =	swait.ge [sflag:s16], $0x1800  }
0x248: {  	s24 =	simm.s32 @!p0 $0xE100;
	[sflag:s16] =	ssyncset.done $0x0  }
0x249: {  	s23 =	simm.s32 @!p0 $0x38;
	s21 =	sadd.s32 @!p0 $0x4B0, s22;
	[sflag:s16] =	ssyncadd.s32 $0xFFFFE800  }
0x24a: {  	[tilespmem:s24], [sflag:$0x3] =	stream.indirect.gather @!p0 [hbm4b:s1+s23], $0x80, s21, s23, $0xb8;
	[tilespmem:$0x1E900] =	vst v63  }
0x24b: {  	s21 =	sadd.s32 @!p0 $0x4E8, s22;
	s23 =	simm.s32 @!p0 $0x30;
	s24 =	simm.s32 @!p0 $0xFD00  }
0x24c: {  	[tilespmem:s24], [sflag:$0x3] =	stream.indirect.gather @!p0 [hbm4b:s1+s23], $0x80, s21, s23, $0xb8;
	[tilespmem:$0x1E900] =	vst v63  }
0x24d: {  	s21 =	sadd.s32 @!p0 $0x518, s22;
	s24 =	simm.s32 @!p0 $0x11500  }
0x24e: {  	[tilespmem:s24], [sflag:$0x3] =	stream.indirect.gather @!p0 [hbm4b:s1+s23], $0x80, s21, s23, $0xb8;
	[tilespmem:$0x1E900] =	vst v63  }
0x24f: {  	s21 =	sadd.s32 @!p0 $0x548, s22;
	s22 =	simm.s32 @!p0 $0x12D00  }
0x250: {  	[tilespmem:s22], [sflag:$0x3] =	stream.indirect.gather @!p0 [hbm4b:s1+s23], $0x80, s21, s23, $0xb8;
	[tilespmem:$0x1E900] =	vst v63  }
0x251: {  	v6 =	vld [tilespmem:$0x14500]  }
0x252: {  	v7 =	vld [tilespmem:$0x14510]  }
0x253: {  	v8 =	vld [tilespmem:$0x14520]  }
0x254: {  	v9 =	vld [tilespmem:$0x14530]  }
0x255: {  	v10 =	vld [tilespmem:$0x14540]  }
0x256: {  	v16 =	vld [tilespmem:$0x14550]  }
0x257: {  	v18 =	vld [tilespmem:$0x14560]  }
0x258: {  	v21 =	vld [tilespmem:$0x14570]  }
0x259: {  	v22 =	vld [tilespmem:$0x15E00]  }
0x25a: {  	v23 =	vld [tilespmem:$0x15E10]  }
0x25b: {  	v5 =	vld [tilespmem:$0x15E20]  }
0x25c: {  	v4 =	vld [tilespmem:$0x15E30]  }
0x25d: {  	v3 =	vld [tilespmem:$0x15E40]  }
0x25e: {  	v1 =	vld [tilespmem:$0x15E50]  }
0x25f: {  	v0 =	vld [tilespmem:$0x15E60]  }
0x260: {  	s25 =	simm.s32 $0x0;
	v2 =	vld [tilespmem:$0x15E70]  }
0x261: {  	v11 =	vld [tilespmem:s25+$0x15EF0]  }
0x262: {  	v12 =	vld [tilespmem:s25+$0x14580]  }
0x263: {  	v13 =	vld [tilespmem:s25+$0x14590]  }
0x264: {  	v14 =	vld [tilespmem:s25+$0x145A0]  }
0x265: {  	v17 =	vld [tilespmem:s25+$0x145B0]  }
0x266: {  	v58 =	vld [tilespmem:s25+$0x145C0]  }
0x267: {  	v59 =	vld [tilespmem:s25+$0x145D0]  }
0x268: {  	v60 =	vld [tilespmem:s25+$0x145E0]  }
0x269: {  	v61 =	vld [tilespmem:s25+$0x145F0]  }
0x26a: {  	v62 =	vld [tilespmem:s25+$0x15E80]  }
0x26b: {  	v63 =	vld [tilespmem:s25+$0x15E90];
	v2 =	vadd.f32 v11, v2  }
0x26c: {  	v20 =	vld [tilespmem:s25+$0x15EA0];
	v15 =	vadd.f32 v12, v6;
	v13 =	vadd.f32 v13, v7  }
0x26d: {  	v19 =	vld [tilespmem:s25+$0x15EB0];
	v14 =	vadd.f32 v14, v8;
	v12 =	vadd.f32 v17, v9  }
0x26e: {  	v11 =	vadd.f32 v58, v10;
	v10 =	vadd.f32 v59, v16;
	v17 =	vld [tilespmem:s25+$0x15EC0]  }
0x26f: {  	v9 =	vadd.f32 v60, v18;
	v8 =	vadd.f32 v61, v21;
	v16 =	vld [tilespmem:s25+$0x15ED0]  }
0x270: {  	s21 =	simm.s32 $0x80;
	s22 =	simm.s32 $0x400;
	v7 =	vadd.f32 v62, v22;
	v6 =	vadd.f32 v63, v23;
	v18 =	vld [tilespmem:s25+$0x15EE0]  }
.LBB2_15:
0x271: {  	p0 =	sne.s32 s22, $0x6000;
	v21 =	vld [tilespmem:s21+$0x15EF0];
	v5 =	vadd.f32 v20, v5  }
0x272: {  	v20 =	vld [tilespmem:s21+$0x14580];
	v4 =	vadd.f32 v19, v4  }
0x273: {  	v19 =	vld [tilespmem:s21+$0x14590];
	v3 =	vadd.f32 v17, v3  }
0x274: {  	v17 =	vld [tilespmem:s21+$0x145A0];
	v1 =	vadd.f32 v16, v1  }
0x275: {  	v16 =	vld [tilespmem:s21+$0x145B0];
	v0 =	vadd.f32 v18, v0  }
0x276: {  	v18 =	vld [tilespmem:s21+$0x145C0];
	v2 =	vadd.f32 v21, v2  }
0x277: {  	v15 =	vadd.f32 v20, v15;
	v20 =	vld [tilespmem:s21+$0x145D0]  }
0x278: {  	v13 =	vadd.f32 v19, v13;
	v19 =	vld [tilespmem:s21+$0x145E0]  }
0x279: {  	v14 =	vadd.f32 v17, v14;
	v17 =	vld [tilespmem:s21+$0x145F0]  }
0x27a: {  	v12 =	vadd.f32 v16, v12;
	v16 =	vld [tilespmem:s21+$0x15E80]  }
0x27b: {  	v11 =	vadd.f32 v18, v11;
	v18 =	vld [tilespmem:s21+$0x15E90]  }
.Ltmp6:
0x27c: {  	v10 =	vadd.f32 v20, v10;
	v20 =	vld [tilespmem:s21+$0x15EA0];
	(pc) =	sbr.rel @p0 .LBB2_15-.Ltmp6, $4  }
0x27d: {  	v9 =	vadd.f32 v19, v9;
	v19 =	vld [tilespmem:s21+$0x15EB0]  }
0x27e: {  	v8 =	vadd.f32 v17, v8;
	v17 =	vld [tilespmem:s21+$0x15EC0]  }
0x27f: {  	v7 =	vadd.f32 v16, v7;
	v16 =	vld [tilespmem:s21+$0x15ED0]  }
0x280: {  	v6 =	vadd.f32 v18, v6;
	v18 =	vld [tilespmem:s21+$0x15EE0];
	s21 =	sshra.s32 s22, $0x2;
	s22 =	sadd.s32 $0x200, s22  }
0x281: {  	v21 =	vld [tilespmem:s21+$0x15EF0]  }
0x282: {  	v22 =	vld [tilespmem:s21+$0x14580]  }
0x283: {  	v23 =	vld [tilespmem:s21+$0x14590]  }
0x284: {  	v24 =	vld [tilespmem:s21+$0x145A0]  }
0x285: {  	v25 =	vld [tilespmem:s21+$0x145B0]  }
0x286: {  	v26 =	vld [tilespmem:s21+$0x145C0]  }
0x287: {  	v27 =	vld [tilespmem:s21+$0x145D0]  }
0x288: {  	v28 =	vld [tilespmem:s21+$0x145E0]  }
0x289: {  	v29 =	vld [tilespmem:s21+$0x145F0]  }
0x28a: {  	v30 =	vld [tilespmem:s21+$0x15E80]  }
0x28b: {  	v31 =	vld [tilespmem:s21+$0x15E90]  }
0x28c: {  	v32 =	vld [tilespmem:s21+$0x15EA0];
	v15 =	vadd.f32 v22, v15  }
0x28d: {  	v56 =	vld [tilespmem:s21+$0x15ED0];
	v13 =	vadd.f32 v23, v13  }
0x28e: {  	s20 =	sshll.u32 s20, $0x9;
	v57 =	vld [tilespmem:s21+$0x15EE0];
	v14 =	vadd.f32 v24, v14;
	v15 =	vmul.f32 $1.414213630e-01, v15  }
0x28f: {  	s20 =	sand.u32 $0x3FFFFE00, s20;
	v22 =	vld [tilespmem:s21+$0x15EB0];
	v12 =	vadd.f32 v25, v12;
	v13 =	vmul.f32 $1.414213630e-01, v13  }
0x290: {  	v23 =	vld [tilespmem:s21+$0x15EC0];
	v11 =	vadd.f32 v26, v11;
	v14 =	vmul.f32 $1.414213630e-01, v14;
	[tilespmem:s20+$0x1A900] =	vst v15  }
0x291: {  	v10 =	vadd.f32 v27, v10;
	v12 =	vmul.f32 $1.414213630e-01, v12;
	[tilespmem:s20+$0x1A910] =	vst v13  }
0x292: {  	v9 =	vadd.f32 v28, v9;
	v11 =	vmul.f32 $1.414213630e-01, v11;
	[tilespmem:s20+$0x1A920] =	vst v14  }
0x293: {  	v8 =	vadd.f32 v29, v8;
	v10 =	vmul.f32 $1.414213630e-01, v10;
	[tilespmem:s20+$0x1A930] =	vst v12  }
0x294: {  	v5 =	vadd.f32 v20, v5;
	v7 =	vadd.f32 v30, v7;
	v9 =	vmul.f32 $1.414213630e-01, v9;
	[tilespmem:s20+$0x1A940] =	vst v11  }
0x295: {  	v1 =	vadd.f32 v16, v1;
	v6 =	vadd.f32 v31, v6;
	v8 =	vmul.f32 $1.414213630e-01, v8;
	[tilespmem:s20+$0x1A950] =	vst v10  }
0x296: {  	v0 =	vadd.f32 v18, v0;
	v5 =	vadd.f32 v32, v5;
	v7 =	vmul.f32 $1.414213630e-01, v7;
	[tilespmem:s20+$0x1A960] =	vst v9  }
0x297: {  	v1 =	vadd.f32 v56, v1;
	v6 =	vmul.f32 $1.414213630e-01, v6;
	[tilespmem:s20+$0x1A970] =	vst v8  }
0x298: {  	v4 =	vadd.f32 v19, v4;
	v0 =	vadd.f32 v57, v0;
	v5 =	vmul.f32 $1.414213630e-01, v5;
	[tilespmem:s20+$0x1A980] =	vst v7  }
0x299: {  	v3 =	vadd.f32 v17, v3;
	v2 =	vadd.f32 v21, v2;
	v1 =	vmul.f32 $1.414213630e-01, v1;
	[tilespmem:s20+$0x1A990] =	vst v6  }
0x29a: {  	v0 =	vmul.f32 $1.414213630e-01, v0;
	[tilespmem:s20+$0x1A9A0] =	vst v5;
	v4 =	vadd.f32 v22, v4  }
0x29b: {  	[tilespmem:s20+$0x1A9D0] =	vst v1;
	v1 =	vmul.f32 $1.414213630e-01, v2;
	v3 =	vadd.f32 v23, v3  }
0x29c: {  	[tilespmem:s20+$0x1A9E0] =	vst v0;
	v4 =	vmul.f32 $1.414213630e-01, v4  }
0x29d: {  	[tilespmem:s20+$0x1A9F0] =	vst v1;
	v3 =	vmul.f32 $1.414213630e-01, v3  }
0x29e: {  	[tilespmem:s20+$0x1A9B0] =	vst v4  }
0x29f: {  	[tilespmem:s20+$0x1A9C0] =	vst v3  }
0x2a0: {  	v6 =	vld [tilespmem:$0x17700]  }
0x2a1: {  	v7 =	vld [tilespmem:$0x17710]  }
0x2a2: {  	v8 =	vld [tilespmem:$0x17720]  }
0x2a3: {  	v9 =	vld [tilespmem:$0x17730]  }
0x2a4: {  	v10 =	vld [tilespmem:$0x17740]  }
0x2a5: {  	v16 =	vld [tilespmem:$0x17750]  }
0x2a6: {  	v18 =	vld [tilespmem:$0x17760]  }
0x2a7: {  	v21 =	vld [tilespmem:$0x17770]  }
0x2a8: {  	v22 =	vld [tilespmem:$0x19000]  }
0x2a9: {  	v23 =	vld [tilespmem:$0x19010]  }
0x2aa: {  	v5 =	vld [tilespmem:$0x19020]  }
0x2ab: {  	v4 =	vld [tilespmem:$0x19030]  }
0x2ac: {  	v3 =	vld [tilespmem:$0x19040]  }
0x2ad: {  	v1 =	vld [tilespmem:$0x19050]  }
0x2ae: {  	v0 =	vld [tilespmem:$0x19060]  }
0x2af: {  	s23 =	simm.s32 $0x0;
	v2 =	vld [tilespmem:$0x19070]  }
0x2b0: {  	v11 =	vld [tilespmem:s23+$0x190F0]  }
0x2b1: {  	v12 =	vld [tilespmem:s23+$0x17780]  }
0x2b2: {  	v13 =	vld [tilespmem:s23+$0x17790]  }
0x2b3: {  	v14 =	vld [tilespmem:s23+$0x177A0]  }
0x2b4: {  	v17 =	vld [tilespmem:s23+$0x177B0]  }
0x2b5: {  	v58 =	vld [tilespmem:s23+$0x177C0]  }
0x2b6: {  	v59 =	vld [tilespmem:s23+$0x177D0]  }
0x2b7: {  	v60 =	vld [tilespmem:s23+$0x177E0]  }
0x2b8: {  	v61 =	vld [tilespmem:s23+$0x177F0]  }
0x2b9: {  	v62 =	vld [tilespmem:s23+$0x19080]  }
0x2ba: {  	v63 =	vld [tilespmem:s23+$0x19090];
	v2 =	vadd.f32 v11, v2  }
0x2bb: {  	v20 =	vld [tilespmem:s23+$0x190A0];
	v15 =	vadd.f32 v12, v6;
	v13 =	vadd.f32 v13, v7  }
0x2bc: {  	v19 =	vld [tilespmem:s23+$0x190B0];
	v14 =	vadd.f32 v14, v8;
	v12 =	vadd.f32 v17, v9  }
0x2bd: {  	v11 =	vadd.f32 v58, v10;
	v10 =	vadd.f32 v59, v16;
	v17 =	vld [tilespmem:s23+$0x190C0]  }
0x2be: {  	v9 =	vadd.f32 v60, v18;
	v8 =	vadd.f32 v61, v21;
	v16 =	vld [tilespmem:s23+$0x190D0]  }
0x2bf: {  	s22 =	simm.s32 $0x400;
	s21 =	simm.s32 $0x80;
	v7 =	vadd.f32 v62, v22;
	v6 =	vadd.f32 v63, v23;
	v18 =	vld [tilespmem:s23+$0x190E0]  }
.LBB2_17:
0x2c0: {  	p0 =	sne.s32 s22, $0x6000;
	v21 =	vld [tilespmem:s21+$0x190F0];
	v5 =	vadd.f32 v20, v5  }
0x2c1: {  	v20 =	vld [tilespmem:s21+$0x17780];
	v4 =	vadd.f32 v19, v4  }
0x2c2: {  	v19 =	vld [tilespmem:s21+$0x17790];
	v3 =	vadd.f32 v17, v3  }
0x2c3: {  	v17 =	vld [tilespmem:s21+$0x177A0];
	v1 =	vadd.f32 v16, v1  }
0x2c4: {  	v16 =	vld [tilespmem:s21+$0x177B0];
	v0 =	vadd.f32 v18, v0  }
0x2c5: {  	v18 =	vld [tilespmem:s21+$0x177C0];
	v2 =	vadd.f32 v21, v2  }
0x2c6: {  	v15 =	vadd.f32 v20, v15;
	v20 =	vld [tilespmem:s21+$0x177D0]  }
0x2c7: {  	v13 =	vadd.f32 v19, v13;
	v19 =	vld [tilespmem:s21+$0x177E0]  }
0x2c8: {  	v14 =	vadd.f32 v17, v14;
	v17 =	vld [tilespmem:s21+$0x177F0]  }
0x2c9: {  	v12 =	vadd.f32 v16, v12;
	v16 =	vld [tilespmem:s21+$0x19080]  }
0x2ca: {  	v11 =	vadd.f32 v18, v11;
	v18 =	vld [tilespmem:s21+$0x19090]  }
.Ltmp7:
0x2cb: {  	v10 =	vadd.f32 v20, v10;
	v20 =	vld [tilespmem:s21+$0x190A0];
	(pc) =	sbr.rel @p0 .LBB2_17-.Ltmp7, $4  }
0x2cc: {  	v9 =	vadd.f32 v19, v9;
	v19 =	vld [tilespmem:s21+$0x190B0]  }
0x2cd: {  	v8 =	vadd.f32 v17, v8;
	v17 =	vld [tilespmem:s21+$0x190C0]  }
0x2ce: {  	v7 =	vadd.f32 v16, v7;
	v16 =	vld [tilespmem:s21+$0x190D0]  }
0x2cf: {  	v6 =	vadd.f32 v18, v6;
	v18 =	vld [tilespmem:s21+$0x190E0];
	s21 =	sshra.s32 s22, $0x2;
	s22 =	sadd.s32 $0x200, s22  }
0x2d0: {  	v21 =	vld [tilespmem:s21+$0x190F0]  }
0x2d1: {  	v22 =	vld [tilespmem:s21+$0x17780]  }
0x2d2: {  	v23 =	vld [tilespmem:s21+$0x17790]  }
0x2d3: {  	v24 =	vld [tilespmem:s21+$0x177A0]  }
0x2d4: {  	v25 =	vld [tilespmem:s21+$0x177B0]  }
0x2d5: {  	v26 =	vld [tilespmem:s21+$0x177C0]  }
0x2d6: {  	v27 =	vld [tilespmem:s21+$0x177D0]  }
0x2d7: {  	v28 =	vld [tilespmem:s21+$0x177E0]  }
0x2d8: {  	v29 =	vld [tilespmem:s21+$0x177F0]  }
0x2d9: {  	v30 =	vld [tilespmem:s21+$0x19080]  }
0x2da: {  	v31 =	vld [tilespmem:s21+$0x19090]  }
0x2db: {  	v32 =	vld [tilespmem:s21+$0x190A0];
	v15 =	vadd.f32 v22, v15  }
0x2dc: {  	v59 =	vld [tilespmem:s21+$0x190B0];
	v13 =	vadd.f32 v23, v13  }
0x2dd: {  	v60 =	vld [tilespmem:s21+$0x190C0];
	v14 =	vadd.f32 v24, v14;
	v15 =	vmul.f32 $1.414213630e-01, v15  }
0x2de: {  	v61 =	vld [tilespmem:s21+$0x190D0];
	v12 =	vadd.f32 v25, v12;
	v13 =	vmul.f32 $1.414213630e-01, v13  }
0x2df: {  	v62 =	vld [tilespmem:s21+$0x190E0];
	v11 =	vadd.f32 v26, v11;
	v14 =	vmul.f32 $1.414213630e-01, v14;
	[tilespmem:s20+$0x1AA00] =	vst v15  }
0x2e0: {  	v10 =	vadd.f32 v27, v10;
	v12 =	vmul.f32 $1.414213630e-01, v12;
	[tilespmem:s20+$0x1AA10] =	vst v13  }
0x2e1: {  	v9 =	vadd.f32 v28, v9;
	v11 =	vmul.f32 $1.414213630e-01, v11;
	[tilespmem:s20+$0x1AA20] =	vst v14  }
0x2e2: {  	v8 =	vadd.f32 v29, v8;
	v10 =	vmul.f32 $1.414213630e-01, v10;
	[tilespmem:s20+$0x1AA30] =	vst v12  }
0x2e3: {  	v5 =	vadd.f32 v20, v5;
	v7 =	vadd.f32 v30, v7;
	v9 =	vmul.f32 $1.414213630e-01, v9;
	[tilespmem:s20+$0x1AA40] =	vst v11  }
0x2e4: {  	v4 =	vadd.f32 v19, v4;
	v6 =	vadd.f32 v31, v6;
	v8 =	vmul.f32 $1.414213630e-01, v8;
	[tilespmem:s20+$0x1AA50] =	vst v10  }
0x2e5: {  	v3 =	vadd.f32 v17, v3;
	v5 =	vadd.f32 v32, v5;
	v7 =	vmul.f32 $1.414213630e-01, v7;
	[tilespmem:s20+$0x1AA60] =	vst v9  }
0x2e6: {  	v1 =	vadd.f32 v16, v1;
	v4 =	vadd.f32 v59, v4;
	v6 =	vmul.f32 $1.414213630e-01, v6;
	[tilespmem:s20+$0x1AA70] =	vst v8  }
0x2e7: {  	v3 =	vadd.f32 v60, v3;
	v5 =	vmul.f32 $1.414213630e-01, v5;
	[tilespmem:s20+$0x1AA80] =	vst v7  }
0x2e8: {  	s19 =	sadd.s32 $0x1, s19;
	v0 =	vadd.f32 v18, v0;
	v1 =	vadd.f32 v61, v1;
	v4 =	vmul.f32 $1.414213630e-01, v4;
	[tilespmem:s20+$0x1AA90] =	vst v6  }
0x2e9: {  	p0 =	sne.s32 s19, $0x8;
	v2 =	vadd.f32 v21, v2;
	v3 =	vmul.f32 $1.414213630e-01, v3;
	[tilespmem:s20+$0x1AAA0] =	vst v5  }
.Ltmp8:
0x2ea: {  	v0 =	vadd.f32 v62, v0;
	v1 =	vmul.f32 $1.414213630e-01, v1;
	[tilespmem:s20+$0x1AAB0] =	vst v4;
	(pc) =	sbr.rel @p0 .LBB2_2-.Ltmp8, $4  }
0x2eb: {  	v63 =	vmul.f32 $1.414213630e-01, v2;
	[tilespmem:s20+$0x1AAC0] =	vst v3  }
0x2ec: {  	v0 =	vmul.f32 $1.414213630e-01, v0;
	[tilespmem:s20+$0x1AAD0] =	vst v1  }
0x2ed: {  	[tilespmem:s20+$0x1AAF0] =	vst v63  }
0x2ee: {  	[tilespmem:s20+$0x1AAE0] =	vst v0  }
0x2ef: {  	s18 =	sadd.s32 $0x1, s18  }
0x2f0: {  	p0 =	sne.s32 s18, s6  }
.Ltmp9:
0x2f1: {  	_ = 	snop;
	(pc) =	sbr.rel @p0 .LBB2_1-.Ltmp9, $4  }
0x2f2: {  	[hbm4b:s5+s3] =	stream.linear.scatter [tilespmem:s17], [sflag:$0x5], $0x4000, $0x38;
	[tilespmem:$0x1E900] =	vst v63  }
0x2f3: {  	_ =	swait.ge [sflag:s7], $0x4000  }
0x2f4: {  	[sflag:s7] =	ssyncset.done $0x0  }
0x2f5: {  	[sflag:s7] =	ssyncadd.s32 $0xFFFFC000  }
0x2f6: {  	_ =	sfence.sel $0x180000  }
0x2f7: {  	[bflag:$0x0] =	sbarrier.arrive $0xFFFF  }
0x2f8: {  	_ =	strace $0x90000047  }
0x2f9: {  	s0 =	stileid.u32;
	[bflag:$0x2] =	sbarrier.arrive $0xFFFF  }
0x2fa: {  	p0 =	sne.s32 s0, $0x0;
	s0 =	rddreg [dreg:$0x3]  }
0x2fb: {  	s0 =	sadd.s32 @!p0 $0x100000, s0  }
0x2fc: {  	[sflag:s0] =	ssyncadd.tile.s32 @!p0 $0x1;
	_ =	shalt  }
.Lfunc_end2:
_tile_overlayer_lowered:
.L_overlay_start_2:
0x2fd: {  	(tag) =	ssettag $0x2  }
0x2fe: {  	s0 =	rddreg [dreg:$0x0];
	s2 =	stileid.u32  }
0x2ff: {  	s1 =	rddreg [dreg:$0x1];
	p0 =	sne.s32 s2, $0x0  }
0x300: {  	s3 =	rddreg [dreg:$0x2];
	[bflag:$0x3] =	sbarrier.arrive $0xFFFF;
	s2 =	simm.s32 @!p0 $0x1C05  }
0x301: {  	[timem:s3], [sflag:s2] =	dma.local @!p0 [hbm:s0], s1  }
0x302: {  	s0 =	simm.s32 @!p0 $0x5  }
0x303: {  	_ =	swait.ge @!p0 [sflag:s0], s1  }
0x304: {  	s1 =	ssub.s32 @!p0 $0x0, s1;
	[sflag:s0] =	ssyncset.done @!p0 $0x0  }
0x305: {  	[sflag:s0] =	ssyncadd.s32 @!p0 s1  }
0x306: {  	[bflag:$0x3] =	sbarrier.arrive $0xFFFF  }
0x307: {  	_ =	shalt  }

</sc_bundles>
